<compile_context>
chip_gen: v7x
topology: tpu7x:2x2x1
jax: 0.10.2.dev20260603
libtpu: 0.0.44.dev20260713+nightly
codegen_flags: <defaults>
</compile_context>

<pallas_src>
import functools

import jax
import jax.numpy as jnp
from jax.experimental import pallas as pl
from jax.experimental.pallas import tpu as pltpu
from jax.experimental.pallas import tpu_sc as plsc

D = 768
S = 8
H = 12
E = 16
TOPK = 2
TOPK_READ = 4
TOPK_WRITE = 4
HD = D // H
SCALE = 1.0 / (HD ** 0.5)
EPS = 1e-5
NEG = -1e30

F32 = jnp.float32
BF16 = jnp.bfloat16

TT = 512
TQ = 512


def _mm(a, b):
    return jnp.dot(a, b, preferred_element_type=F32)


def _mml(a, b):
    return jnp.dot(a.astype(BF16), b.astype(BF16), preferred_element_type=F32)


def _mmtl(a, b):
    return jax.lax.dot_general(
        a.astype(BF16), b.astype(BF16), (((1,), (1,)), ((), ())),
        preferred_element_type=F32)


def _outer(a, b):
    return jax.lax.dot_general(
        a, b, (((0,), (0,)), ((), ())), preferred_element_type=F32)


def _ln(x, g, b):
    m = jnp.mean(x, axis=-1, keepdims=True)
    v = jnp.mean((x - m) ** 2, axis=-1, keepdims=True)
    return (x - m) * jax.lax.rsqrt(v + EPS) * g + b


def _gelu(x):
    return 0.5 * x * (1.0 + jax.lax.erf(x * (2.0 ** -0.5)))


def _topk_dense(scores, k):
    n = scores.shape[-1]
    iota = jax.lax.broadcasted_iota(jnp.int32, (1, n), 1).astype(F32)
    sel = scores
    ohs = []
    for _ in range(k):
        m = jnp.max(sel, axis=-1, keepdims=True)
        cand = jnp.where(sel >= m, iota, F32(n))
        imin = jnp.min(cand, axis=-1, keepdims=True)
        oh = (iota == imin).astype(F32)
        ohs.append(oh)
        sel = jnp.where(oh > 0, F32(NEG), sel)
    mask = ohs[0]
    for oh in ohs[1:]:
        mask = mask + oh
    wf = jax.nn.softmax(scores, axis=-1)
    wm = wf * mask
    wm = wm / (jnp.sum(wm, axis=-1, keepdims=True) + 1e-9)
    return ohs, wm, mask, iota


def _se_proj_body(x_ref, pe_ref, sew_ref, seb_ref, g_ref, b_ref,
                  wk_ref, wv_ref, bk_ref, bv_ref, k1_ref, v1_ref):
    xb = x_ref[0]
    lsx = _mmtl(xb, sew_ref[...]) + seb_ref[...] + pe_ref[...]
    ln = _ln(lsx, g_ref[...], b_ref[...])
    k1_ref[0] = _mmtl(ln, wk_ref[0]) + bk_ref[...]
    v1_ref[0] = _mmtl(ln, wv_ref[0]) + bv_ref[...]


def _oe_proj_body(x_ref, pe_ref, oew_ref, oeb_ref, qg_ref, qb_ref,
                  kg_ref, kb_ref, wqkv_ref, bq_ref, bk_ref, bv_ref,
                  h0_ref, q2_ref, k2_ref, v2_ref):
    xb = x_ref[0]
    h0 = _mmtl(xb, oew_ref[...]) + oeb_ref[...] + pe_ref[...]
    h0_ref[0] = h0.astype(BF16)
    lq = _ln(h0, qg_ref[...], qb_ref[...])
    q2_ref[0] = ((_mmtl(lq, wqkv_ref[0]) + bq_ref[...]) * SCALE).astype(BF16)
    lk = _ln(h0, kg_ref[...], kb_ref[...])
    k2_ref[0] = (_mmtl(lk, wqkv_ref[1]) + bk_ref[...]).astype(BF16)
    v2_ref[0] = (_mmtl(lk, wqkv_ref[2]) + bv_ref[...]).astype(BF16)


def _read_attn_body(st_ref, k1_ref, v1_ref, rw_ref, qg_ref, qb_ref,
                    kvg_ref, kvb_ref, wqkv_ref, bq_ref, bk_ref, bv_ref,
                    ow_ref, ob_ref, lr1_ref):
    latent = st_ref[0]
    scores = jnp.sum(latent.astype(BF16).astype(F32)
                     * rw_ref[...].astype(BF16).astype(F32),
                     axis=-1, keepdims=True)
    scores = scores.reshape(1, S)
    ohs, wm, _, _ = _topk_dense(scores, TOPK_READ)
    rows = jnp.concatenate(ohs, axis=0)
    rw = jnp.concatenate(
        [jnp.sum(wm * oh, axis=-1, keepdims=True) for oh in ohs], axis=0)
    lr0 = _mm(rows * rw, latent)

    q = _ln(lr0, qg_ref[...], qb_ref[...])
    qp = (_mmtl(q, wqkv_ref[0]) + bq_ref[...]) * SCALE
    kv0 = _ln(lr0, kvg_ref[...], kvb_ref[...])
    k0 = _mmtl(kv0, wqkv_ref[1]) + bk_ref[...]
    v0 = _mmtl(kv0, wqkv_ref[2]) + bv_ref[...]
    k1 = k1_ref[0]
    v1 = v1_ref[0]

    heads = []
    for h in range(H):
        sl = slice(h * HD, (h + 1) * HD)
        qh = qp[:, sl]
        s0 = _mmtl(qh, k0[:, sl])
        s1 = _mmtl(qh, k1[:, sl])
        m = jnp.maximum(jnp.max(s0, axis=-1, keepdims=True),
                        jnp.max(s1, axis=-1, keepdims=True))
        p0 = jnp.exp(s0 - m)
        p1 = jnp.exp(s1 - m)
        l = (jnp.sum(p0, axis=-1, keepdims=True)
             + jnp.sum(p1, axis=-1, keepdims=True))
        heads.append((_mml(p0, v0[:, sl]) + _mml(p1, v1[:, sl])) / l)
    att = jnp.concatenate(heads, axis=1)
    lr1_ref[0] = lr0 + _mmtl(att, ow_ref[...]) + ob_ref[...]


def _gate_body(lr1_ref, st_ref, fg_ref, fb_ref, w1_ref, b1_ref,
               w2_ref, b2_ref, mg_ref, mb_ref, gw_ref, sg_ref, sb_ref,
               ww_ref, lr2_ref, eidx_ref, ew_ref, ohe_ref, wmw_ref, wmask_ref):
    lr1 = lr1_ref[0]
    t = _ln(lr1, fg_ref[...], fb_ref[...])
    t = _gelu(_mmtl(t, w1_ref[...]) + b1_ref[...])
    lr2 = lr1 + _mmtl(t, w2_ref[...]) + b2_ref[...]
    lr2_ref[0] = lr2

    pooled = _ln(jnp.mean(lr2, axis=0, keepdims=True), mg_ref[...], mb_ref[...])
    logits = _mmtl(pooled, gw_ref[...])
    ohs, wm, _, iota = _topk_dense(logits, TOPK)
    eidx = jnp.concatenate(
        [jnp.sum(iota * oh, axis=-1, keepdims=True) for oh in ohs], axis=1)
    ew = jnp.concatenate(
        [jnp.sum(wm * oh, axis=-1, keepdims=True) for oh in ohs], axis=1)
    eidx_ref[0] = eidx.astype(jnp.int32)
    ew_ref[0] = ew
    ohe_ref[0] = jnp.concatenate(ohs, axis=0)

    latent = st_ref[0]
    wsc = jnp.sum(_ln(latent, sg_ref[...], sb_ref[...]).astype(BF16).astype(F32)
                  * ww_ref[...].astype(BF16).astype(F32),
                  axis=-1, keepdims=True).reshape(1, S)
    _, wmw, wmask, _ = _topk_dense(wsc, TOPK_WRITE)
    wmw_ref[0] = wmw
    wmask_ref[0] = wmask


GWIN = 128


def _gather_experts(exp_w, eidx_flat):
    n = eidx_flat.shape[0]
    rpe = D * D // 128
    rows = (eidx_flat[:, None] * rpe
            + jnp.arange(rpe, dtype=jnp.int32)[None, :]).reshape(1, n * rpe)
    w2d = exp_w.reshape(E * rpe, 128)
    mesh = plsc.VectorSubcoreMesh(core_axis_name="c", subcore_axis_name="s")

    @functools.partial(
        pl.kernel,
        out_type=jax.ShapeDtypeStruct((n * rpe, 128), F32),
        mesh=mesh,
    )
    def gather_kernel(w_hbm, i_hbm, o_hbm):
        def body(i_vmem, o_vmem):
            pltpu.sync_copy(w_hbm.at[i_vmem.at[0]], o_vmem)

        pltpu.emit_pipeline(
            body,
            grid=(n * rpe // GWIN,),
            in_specs=[pl.BlockSpec((1, GWIN), lambda i: (0, i))],
            out_specs=[pl.BlockSpec((GWIN, 128), lambda i: (i, 0))],
            core_axis_name=("c", "s"),
            dimension_semantics=(pltpu.PARALLEL,),
        )(i_hbm, o_hbm)

    return gather_kernel(w2d, rows).reshape(n, D, D)


def _moe_state_body(lr2_ref, wsel_ref, expb_ref, ohe_ref, ew_ref, st_ref,
                    wmw_ref, wmask_ref, lg_ref, lb_ref, okg_ref, okb_ref,
                    wk_ref, wv_ref, bk_ref, bv_ref,
                    stn_ref, ks_ref, vs_ref):
    lr = lr2_ref[0]
    acc = jnp.zeros_like(lr)
    bsel = _mm(ohe_ref[0], expb_ref[...])
    for k in range(TOPK):
        w = wsel_ref[k]
        yk = jax.nn.relu(_mml(lr, w) + bsel[k:k + 1, :])
        acc = acc + ew_ref[0, :, k:k + 1] * yk
    lr3 = lr + acc

    meanv = jnp.mean(lr3, axis=0, keepdims=True)
    latent = st_ref[0]
    st_upd = latent + _outer(wmw_ref[0], meanv)
    st_norm = _ln(st_upd, lg_ref[...], lb_ref[...])
    blend = 0.5 * latent + 0.5 * st_norm
    maskm = _outer(wmask_ref[0], jnp.ones((1, D), F32))
    st_new = jnp.where(maskm > 0.5, blend, latent)
    stn_ref[0] = st_new

    kvn = _ln(st_new, okg_ref[...], okb_ref[...])
    ks_ref[0] = (_mmtl(kvn, wk_ref[0]) + bk_ref[...]).astype(BF16)
    vs_ref[0] = (_mmtl(kvn, wv_ref[0]) + bv_ref[...]).astype(BF16)


def _out_attn_body(q_ref, k2_ref, v2_ref, ks_ref, vs_ref, ao_ref):
    q = q_ref[0]
    k2 = k2_ref[0]
    v2 = v2_ref[0]
    ks = ks_ref[0]
    vs = vs_ref[0]
    for h in range(H):
        sl = slice(h * HD, (h + 1) * HD)
        qh = q[:, sl]
        s0 = _mmtl(qh, ks[:, sl])
        s1 = _mmtl(qh, k2[:, sl])
        m = jnp.maximum(jnp.max(s0, axis=-1, keepdims=True),
                        jnp.max(s1, axis=-1, keepdims=True))
        p0 = jnp.exp(s0 - m)
        p1 = jnp.exp(s1 - m).astype(BF16)
        l = (jnp.sum(p0, axis=-1, keepdims=True)
             + jnp.sum(p1.astype(F32), axis=-1, keepdims=True))
        ao_ref[0, :, sl] = ((_mml(p0, vs[:, sl]) + _mml(p1, v2[:, sl]))
                            / l).astype(BF16)


def _final_body(ao_ref, h0_ref, ow_ref, ob_ref, fg_ref, fb_ref,
                w1_ref, b1_ref, w2_ref, b2_ref, opw_ref, opb_ref, y_ref):
    h1 = h0_ref[0].astype(F32) + _mmtl(ao_ref[0], ow_ref[...]) + ob_ref[...]
    t = _ln(h1, fg_ref[...], fb_ref[...])
    t = _gelu(_mmtl(t, w1_ref[...]) + b1_ref[...])
    h2 = h1 + _mmtl(t, w2_ref[...]) + b2_ref[...]
    y_ref[0] = _mmtl(h2, opw_ref[...]) + opb_ref[...]


def _full(shape=(D, D)):
    return pl.BlockSpec(shape, lambda *_: tuple(0 for _ in shape))


def kernel(x, state_flat, params):
    p = params
    B, T, _ = x.shape
    state = state_flat.reshape(B, S, D)

    pos = jnp.arange(T, dtype=F32)[:, None]
    f = float(S) ** (jnp.arange(D // 2).astype(F32) / (D // 2))
    pe = jnp.concatenate([jnp.sin(pos / f), jnp.cos(pos / f)], axis=-1)

    r2 = lambda v: v.reshape(1, D)
    smha_w3 = p['smha_w'].reshape(3, D, D)
    omha_w3 = p['omha_w'].reshape(3, D, D)
    bq1, bk1, bv1 = (p['smha_b'][:D][None], p['smha_b'][D:2 * D][None],
                     p['smha_b'][2 * D:][None])
    bq2, bk2, bv2 = (p['omha_b'][:D][None], p['omha_b'][D:2 * D][None],
                     p['omha_b'][2 * D:][None])

    vec = _full((1, D))
    w3 = lambda k, n=1: pl.BlockSpec((n, D, D), lambda *_: (k, 0, 0))
    tile = lambda: pl.BlockSpec((1, TT, D), lambda b, t: (b, t, 0))
    fseq = lambda n: pl.BlockSpec((1, n, D), lambda b: (b, 0, 0))

    k1, v1 = pl.pallas_call(
        _se_proj_body,
        grid=(B, T // TT),
        in_specs=[tile(), pl.BlockSpec((TT, D), lambda b, t: (t, 0)),
                  _full(), vec, vec, vec, w3(1), w3(2), vec, vec],
        out_specs=[tile(), tile()],
        out_shape=[jax.ShapeDtypeStruct((B, T, D), F32)] * 2,
    )(x, pe, p['se_W'], r2(p['se_b']), r2(p['sln_kv_g']), r2(p['sln_kv_b']),
      smha_w3, smha_w3, bk1, bv1)

    h0, q2, k2, v2 = pl.pallas_call(
        _oe_proj_body,
        grid=(B, T // TT),
        in_specs=[tile(), pl.BlockSpec((TT, D), lambda b, t: (t, 0)),
                  _full(), vec, vec, vec, vec, vec,
                  w3(0, 3), vec, vec, vec],
        out_specs=[tile(), tile(), tile(), tile()],
        out_shape=[jax.ShapeDtypeStruct((B, T, D), BF16)] * 4,
    )(x, pe, p['oe_W'], r2(p['oe_b']), r2(p['oln_q_g']), r2(p['oln_q_b']),
      r2(p['oln_kv_g']), r2(p['oln_kv_b']), omha_w3, bq2, bk2, bv2)

    lr1 = pl.pallas_call(
        _read_attn_body,
        grid=(B,),
        in_specs=[fseq(S), fseq(T), fseq(T), vec, vec, vec, vec, vec,
                  w3(0, 3), vec, vec, vec, _full(), vec],
        out_specs=[fseq(TOPK_READ)],
        out_shape=[jax.ShapeDtypeStruct((B, TOPK_READ, D), F32)],
    )(state, k1, v1, p['read_w'].reshape(1, D),
      r2(p['sln_q_g']), r2(p['sln_q_b']),
      r2(p['sln_kv_g']), r2(p['sln_kv_b']),
      smha_w3, bq1, bk1, bv1, p['smha_ow'], r2(p['smha_ob']))[0]

    sm = lambda n: pl.BlockSpec((1, 1, n), lambda b: (b, 0, 0))
    lr2, eidx, ew, ohe, wmw, wmask = pl.pallas_call(
        _gate_body,
        grid=(B,),
        in_specs=[fseq(TOPK_READ), fseq(S), vec, vec, _full(), vec,
                  _full(), vec, vec, vec, _full((E, D)), vec, vec, vec],
        out_specs=[fseq(TOPK_READ), sm(TOPK), sm(TOPK),
                   pl.BlockSpec((1, TOPK, E), lambda b: (b, 0, 0)),
                   sm(S), sm(S)],
        out_shape=[jax.ShapeDtypeStruct((B, TOPK_READ, D), F32),
                   jax.ShapeDtypeStruct((B, 1, TOPK), jnp.int32),
                   jax.ShapeDtypeStruct((B, 1, TOPK), F32),
                   jax.ShapeDtypeStruct((B, TOPK, E), F32),
                   jax.ShapeDtypeStruct((B, 1, S), F32),
                   jax.ShapeDtypeStruct((B, 1, S), F32)],
    )(lr1, state, r2(p['sln_ffn_g']), r2(p['sln_ffn_b']),
      p['sffn_w1'], r2(p['sffn_b1']), p['sffn_w2'], r2(p['sffn_b2']),
      r2(p['sln_moe_g']), r2(p['sln_moe_b']), p['gate_W'],
      r2(p['sln_slot_g']), r2(p['sln_slot_b']), p['write_w'].reshape(1, D))

    wsel = _gather_experts(p['exp_W'], eidx.reshape(-1))

    st_new, ks, vs = pl.pallas_call(
        _moe_state_body,
        grid=(B,),
        in_specs=[fseq(TOPK_READ),
                  pl.BlockSpec((TOPK, D, D), lambda b: (b, 0, 0)),
                  _full((E, D)),
                  pl.BlockSpec((1, TOPK, E), lambda b: (b, 0, 0)),
                  sm(TOPK), fseq(S), sm(S), sm(S),
                  vec, vec, vec, vec, w3(1), w3(2), vec, vec],
        out_specs=[fseq(S), fseq(S), fseq(S)],
        out_shape=[jax.ShapeDtypeStruct((B, S, D), F32),
                   jax.ShapeDtypeStruct((B, S, D), BF16),
                   jax.ShapeDtypeStruct((B, S, D), BF16)],
    )(lr2, wsel, p['exp_b'], ohe, ew, state, wmw, wmask,
      r2(p['ln_state_g']), r2(p['ln_state_b']),
      r2(p['oln_kv_g']), r2(p['oln_kv_b']), omha_w3, omha_w3, bk2, bv2)

    ao = pl.pallas_call(
        _out_attn_body,
        grid=(B, T // TQ),
        in_specs=[pl.BlockSpec((1, TQ, D), lambda b, t: (b, t, 0)),
                  pl.BlockSpec((1, T, D), lambda b, t: (b, 0, 0)),
                  pl.BlockSpec((1, T, D), lambda b, t: (b, 0, 0)),
                  pl.BlockSpec((1, S, D), lambda b, t: (b, 0, 0)),
                  pl.BlockSpec((1, S, D), lambda b, t: (b, 0, 0))],
        out_specs=[pl.BlockSpec((1, TQ, D), lambda b, t: (b, t, 0))],
        out_shape=[jax.ShapeDtypeStruct((B, T, D), BF16)],
    )(q2, k2, v2, ks, vs)[0]

    y = pl.pallas_call(
        _final_body,
        grid=(B, T // TT),
        in_specs=[tile(), tile(), _full(), vec, vec, vec,
                  _full(), vec, _full(), vec, _full(), vec],
        out_specs=[tile()],
        out_shape=[jax.ShapeDtypeStruct((B, T, D), F32)],
    )(ao, h0, p['omha_ow'], r2(p['omha_ob']),
      r2(p['oln_ffn_g']), r2(p['oln_ffn_b']),
      p['offn_w1'], r2(p['offn_b1']), p['offn_w2'], r2(p['offn_b2']),
      p['op_W'], r2(p['op_b']))

    return y[0], st_new.reshape(B, S * D)

# --- scband reference (transcript-rebuilt; emitter-appended) ---
"""Pipeline reference for scband-recurrent-mo-e-90864328114995 (READ-ONLY COPY).

The authoritative reference and input builder live on the scoring server;
editing this copy changes nothing except your own understanding.
"""

import jax, jax.numpy as jnp
import numpy as np

D = 768; S = 8; H = 12; E = 16; TOPK = 2; TOPK_READ = 4; TOPK_WRITE = 4
B = 2; T = 2048

def layer_norm(x, g, b, eps=1e-5):
    m = x.mean(-1, keepdims=True)
    v = ((x - m) ** 2).mean(-1, keepdims=True)
    return (x - m) / jnp.sqrt(v + eps) * g + b

def mha(q, kv, w_in, b_in, w_out, b_out, h):
    d = q.shape[-1]; hd = d // h
    bq, lq, _ = q.shape; lk = kv.shape[1]
    qp = q @ w_in[:d].T + b_in[:d]
    kp = kv @ w_in[d:2*d].T + b_in[d:2*d]
    vp = kv @ w_in[2*d:].T + b_in[2*d:]
    qh = qp.reshape(bq, lq, h, hd).transpose(0, 2, 1, 3)
    kh = kp.reshape(bq, lk, h, hd).transpose(0, 2, 1, 3)
    vh = vp.reshape(bq, lk, h, hd).transpose(0, 2, 1, 3)
    a = jax.nn.softmax((qh @ kh.transpose(0, 1, 3, 2)) / np.sqrt(hd), axis=-1)
    o = (a @ vh).transpose(0, 2, 1, 3).reshape(bq, lq, d)
    return o @ w_out.T + b_out

def fourier_pos_enc(pos, d, base):
    f = base ** (jnp.arange(d // 2).astype(jnp.float32) / (d // 2))
    return jnp.concatenate([jnp.sin(pos / f), jnp.cos(pos / f)], axis=-1)

def topk_mask_weights(scores, k):
    _, idx = jax.lax.top_k(scores, k)
    wf = jax.nn.softmax(scores, axis=-1)
    mask = jnp.zeros_like(scores).at[jnp.arange(scores.shape[0])[:, None], idx].set(1.0)
    wm = wf * mask
    wm = wm / (wm.sum(-1, keepdims=True) + 1e-9)
    w = jnp.take_along_axis(wm, idx, axis=1)
    return w, idx, mask

def mlp(x, w1, b1, w2, b2):
    return jax.nn.gelu(x @ w1.T + b1, approximate=False) @ w2.T + b2

def setup_inputs(seed: int = 0):
    key = jax.random.key(seed)
    ks = iter(jax.random.split(key, 48))
    def nrm(shape, s=0.02):
        return jax.random.normal(next(ks), shape, dtype=jnp.float32) * s
    params = {
        'se_W': nrm((D, D)), 'se_b': jnp.zeros(D),
        'smha_w': nrm((3 * D, D)), 'smha_b': jnp.zeros(3 * D),
        'smha_ow': nrm((D, D)), 'smha_ob': jnp.zeros(D),
        'sln_q_g': jnp.ones(D), 'sln_q_b': jnp.zeros(D),
        'sln_kv_g': jnp.ones(D), 'sln_kv_b': jnp.zeros(D),
        'sffn_w1': nrm((D, D)), 'sffn_b1': jnp.zeros(D),
        'sffn_w2': nrm((D, D)), 'sffn_b2': jnp.zeros(D),
        'sln_ffn_g': jnp.ones(D), 'sln_ffn_b': jnp.zeros(D),
        'gate_W': nrm((E, D)),
        'exp_W': nrm((E, D, D)), 'exp_b': jnp.zeros((E, D)),
        'sln_moe_g': jnp.ones(D), 'sln_moe_b': jnp.zeros(D),
        'read_w': nrm((1, D)),
        'sln_slot_g': jnp.ones(D), 'sln_slot_b': jnp.zeros(D),
        'write_w': nrm((1, D)),
        'oe_W': nrm((D, D)), 'oe_b': jnp.zeros(D),
        'omha_w': nrm((3 * D, D)), 'omha_b': jnp.zeros(3 * D),
        'omha_ow': nrm((D, D)), 'omha_ob': jnp.zeros(D),
        'oln_q_g': jnp.ones(D), 'oln_q_b': jnp.zeros(D),
        'oln_kv_g': jnp.ones(D), 'oln_kv_b': jnp.zeros(D),
        'offn_w1': nrm((D, D)), 'offn_b1': jnp.zeros(D),
        'offn_w2': nrm((D, D)), 'offn_b2': jnp.zeros(D),
        'oln_ffn_g': jnp.ones(D), 'oln_ffn_b': jnp.zeros(D),
        'op_W': nrm((D, D)), 'op_b': jnp.zeros(D),
        'ln_state_g': jnp.ones(D), 'ln_state_b': jnp.zeros(D),
    }
    x = jax.random.normal(next(ks), (B, T, D), dtype=jnp.float32)
    state_flat = jax.random.normal(next(ks), (B, S * D), dtype=jnp.float32) * 0.02
    return {'x': x, 'state_flat': state_flat, 'params': params}

def _forward(x, state_flat, p):
    b = state_flat.shape[0]; t = x.shape[1]
    state_old = state_flat.reshape(b, S, D)
    latent = state_old
    pos = jnp.arange(t, dtype=jnp.float32)[:, None]
    pe = fourier_pos_enc(pos, D, base=float(S))
    read_scores = (latent @ p['read_w'].T)[..., 0]
    rw, ridx, _ = topk_mask_weights(read_scores, TOPK_READ)
    lr = jnp.take_along_axis(latent, jnp.broadcast_to(ridx[:, :, None], (b, TOPK_READ, D)), axis=1)
    lr = lr * rw[:, :, None]
    lsx = x @ p['se_W'].T + p['se_b'] + pe
    q = layer_norm(lr, p['sln_q_g'], p['sln_q_b'])
    kv = layer_norm(jnp.concatenate([lr, lsx], axis=1), p['sln_kv_g'], p['sln_kv_b'])
    lr = lr + mha(q, kv, p['smha_w'], p['smha_b'], p['smha_ow'], p['smha_ob'], H)
    lr = lr + mlp(layer_norm(lr, p['sln_ffn_g'], p['sln_ffn_b']), p['sffn_w1'], p['sffn_b1'], p['sffn_w2'], p['sffn_b2'])
    pooled = layer_norm(lr.mean(axis=1), p['sln_moe_g'], p['sln_moe_b'])
    logits = pooled @ p['gate_W'].T
    ew, eidx, _ = topk_mask_weights(logits, TOPK)
    flat = eidx.reshape(-1)
    Wsel = p['exp_W'][flat].reshape(b, TOPK, D, D)
    bsel = p['exp_b'][flat].reshape(b, TOPK, D)
    yk = jax.nn.relu(jnp.einsum('bti,bkio->btko', lr, Wsel) + bsel[:, None])
    mixed = (yk * ew[:, None, :, None]).sum(axis=2)
    lr = lr + mixed
    write_scores = (layer_norm(latent, p['sln_slot_g'], p['sln_slot_b']) @ p['write_w'].T)[..., 0]
    ww, widx, wmask = topk_mask_weights(write_scores, TOPK_WRITE)
    upd = jnp.broadcast_to(lr.mean(axis=1)[:, None, :], (b, TOPK_WRITE, D)) * ww[:, :, None]
    state_updated = state_old.at[jnp.arange(b)[:, None], widx].add(upd)
    alpha = 0.5
    state_norm = layer_norm(state_updated.reshape(b * S, D), p['ln_state_g'], p['ln_state_b']).reshape(b, S, D)
    state_blend = (1 - alpha) * state_old + alpha * state_norm
    state_new = jnp.where(wmask[:, :, None] > 0.5, state_blend, state_old)
    h = x @ p['oe_W'].T + p['oe_b'] + pe
    qo = layer_norm(h, p['oln_q_g'], p['oln_q_b'])
    kvo = layer_norm(jnp.concatenate([state_new, h], axis=1), p['oln_kv_g'], p['oln_kv_b'])
    h = h + mha(qo, kvo, p['omha_w'], p['omha_b'], p['omha_ow'], p['omha_ob'], H)
    h = h + mlp(layer_norm(h, p['oln_ffn_g'], p['oln_ffn_b']), p['offn_w1'], p['offn_b1'], p['offn_w2'], p['offn_b2'])
    y = h @ p['op_W'].T + p['op_b']
    return y, state_new.reshape(b, S * D)

def reference(x, state_flat, params):
    return _forward(x, state_flat, params)

if __name__ == "__main__":
    import jax
    _d = setup_inputs()
    print(jax.jit(kernel)(*tuple(_d.values())))

</pallas_src>

<mosaic_0001>
#map = affine_map<(d0, d1) -> (0, 0)>
module attributes {stable_mosaic.version = 14 : i64} {
  func.func @gather_kernel(%arg0: i32, %arg1: i32, %arg2: memref<73728x128xf32, #tpu.memory_space<hbm>>, %arg3: memref<1x18432xi32, #tpu.memory_space<hbm>>, %arg4: memref<18432x128xf32, #tpu.memory_space<hbm>>) attributes {dimension_semantics = [#tpu.dimension_semantics<core_parallel>, #tpu.dimension_semantics<subcore_parallel>], iteration_bounds = array<i64: 2, 16>, scalar_prefetch = 0 : i64, scratch_operands = 0 : i64, tpu.core_type = #tpu.core_type<sc_vector_subcore>, window_params = [{transform_indices = #map}, {transform_indices = #map}, {transform_indices = #map}]} {
    %mul3A = arith.constant 1 : i32
    %mul3A_0 = arith.muli %arg1, %mul3A : i32
    %add3A = arith.constant 0 : i32
    %add3A_1 = arith.addi %add3A, %mul3A_0 : i32
    %mul3A_2 = arith.constant 16 : i32
    %mul3A_3 = arith.muli %arg0, %mul3A_2 : i32
    %add3A_4 = arith.addi %add3A_1, %mul3A_3 : i32
    %lt3A = arith.constant 16 : i32
    %lt3A_5 = arith.cmpi slt, %add3A_4, %lt3A : i32
    %jit3A = arith.constant 5 : i32
    %jit3A_6 = arith.constant 4 : i32
    %select_n3A = arith.select %lt3A_5, %jit3A, %jit3A_6 : i32
    %lt3A_7 = arith.constant 16 : i32
    %lt3A_8 = arith.cmpi slt, %add3A_4, %lt3A_7 : i32
    %mul3A_9 = arith.muli %add3A_4, %select_n3A : i32
    %mul3A_10 = arith.constant 4 : i32
    %mul3A_11 = arith.muli %add3A_4, %mul3A_10 : i32
    %add3A_12 = arith.constant 16 : i32
    %add3A_13 = arith.addi %mul3A_11, %add3A_12 : i32
    %select_n3A_14 = arith.select %lt3A_8, %mul3A_9, %add3A_13 : i32
    %mul3A_15 = arith.constant 1 : i32
    %mul3A_16 = arith.muli %mul3A_15, %select_n3A : i32
    "tpu.region"() ({
      %run_scoped3A = memref.alloca() : memref<2x1x128xi32, #tpu.memory_space<vmem>>
      %run_scoped3A_17 = tpu.sem_alloc : memref<2x!tpu.dma_semaphore, #tpu.memory_space<semaphore_mem>>
      %run_scoped3A_18 = memref.alloca() : memref<2x128x128xf32, #tpu.memory_space<vmem>>
      %run_scoped3A_19 = tpu.sem_alloc : memref<2x!tpu.dma_semaphore, #tpu.memory_space<semaphore_mem>>
      %gt3A = arith.constant 0 : i32
      %gt3A_20 = arith.cmpi sgt, %mul3A_16, %gt3A : i32
      %convert_element_type3A = arith.extui %gt3A_20 : i1 to i32
      %cond3A = arith.constant 0 : i32
      %cond3A_21 = arith.cmpi ne, %convert_element_type3A, %cond3A : i32
      scf.if %cond3A_21 {
        %mul3A_22 = arith.constant 1 : i32
        %mul3A_23 = arith.muli %mul3A_22, %select_n3A : i32
        %sub3A = arith.constant 1 : i32
        %sub3A_24 = arith.subi %mul3A_23, %sub3A : i32
        %eq3A = arith.constant 0 : i32
        %eq3A_25 = arith.cmpi eq, %sub3A_24, %eq3A : i32
        %add3A_26 = arith.constant 0 : i32
        %add3A_27 = arith.addi %add3A_26, %select_n3A_14 : i32
        %select_n3A_28 = arith.constant true
        %select_n3A_29 = arith.constant 0 : i32
        %select_n3A_30 = arith.constant -1 : i32
        %select_n3A_31 = arith.select %select_n3A_28, %select_n3A_30, %select_n3A_29 : i32
        %eq3A_32 = arith.constant -1 : i32
        %eq3A_33 = arith.cmpi eq, %select_n3A_31, %eq3A_32 : i32
        %sub3A_34 = arith.constant 1 : i32
        %sub3A_35 = arith.subi %select_n3A, %sub3A_34 : i32
        %select_n3A_36 = arith.select %eq3A_33, %sub3A_35, %select_n3A_31 : i32
        %add3A_37 = arith.addi %select_n3A_36, %select_n3A_14 : i32
        %select_n3A_38 = arith.constant true
        %select_n3A_39 = arith.constant 0 : i32
        %select_n3A_40 = arith.constant 1 : i32
        %select_n3A_41 = arith.select %select_n3A_38, %select_n3A_40, %select_n3A_39 : i32
        %eq3A_42 = arith.cmpi eq, %select_n3A_41, %select_n3A : i32
        %select_n3A_43 = arith.constant 0 : i32
        %select_n3A_44 = arith.select %eq3A_42, %select_n3A_43, %select_n3A_41 : i32
        %add3A_45 = arith.addi %select_n3A_44, %select_n3A_14 : i32
        %add3A_46 = arith.constant 1 : i32
        %add3A_47 = arith.addi %select_n3A_44, %add3A_46 : i32
        %select_n3A_48 = arith.constant true
        %select_n3A_49 = arith.select %select_n3A_48, %add3A_47, %select_n3A_44 : i32
        %eq3A_50 = arith.cmpi eq, %select_n3A_49, %select_n3A : i32
        %select_n3A_51 = arith.constant 0 : i32
        %select_n3A_52 = arith.select %eq3A_50, %select_n3A_51, %select_n3A_49 : i32
        %add3A_53 = arith.addi %select_n3A_52, %select_n3A_14 : i32
        "tpu.trace_start"() <{level = 10 : i32, message = "ep_initialize_0"}> : () -> ()
        %rem3A = arith.constant 0 : i32
        %rem3A_54 = arith.constant 2 : i32
        %rem3A_55 = arith.remui %rem3A, %rem3A_54 : i32
        %mul3A_56 = arith.constant 128 : i32
        %mul3A_57 = arith.muli %mul3A_56, %add3A_27 : i32
        %dma_start3A = arith.constant 0 : i32
        %dma_start3A_58 = arith.constant 0 : i32
        %dma_start3A_59 = tpu.memref_slice %run_scoped3A[%rem3A_55, %dma_start3A, %dma_start3A_58] : memref<2x1x128xi32, #tpu.memory_space<vmem>> -> memref<1x1x128xi32, #tpu.memory_space<vmem>>
        %dma_start3A_60 = tpu.memref_squeeze %dma_start3A_59 : memref<1x1x128xi32, #tpu.memory_space<vmem>> -> memref<1x128xi32, #tpu.memory_space<vmem>>
        %dma_start3A_61 = arith.constant 0 : i32
        %dma_start3A_62 = tpu.memref_slice %arg3[%dma_start3A_61, %mul3A_57] : memref<1x18432xi32, #tpu.memory_space<hbm>> -> memref<1x128xi32, #tpu.memory_space<hbm>>
        %dma_start3A_63 = tpu.memref_slice %run_scoped3A_17[%rem3A_55] : memref<2x!tpu.dma_semaphore, #tpu.memory_space<semaphore_mem>> -> memref<1x!tpu.dma_semaphore, #tpu.memory_space<semaphore_mem>>
        %dma_start3A_64 = tpu.memref_squeeze %dma_start3A_63 : memref<1x!tpu.dma_semaphore, #tpu.memory_space<semaphore_mem>> -> memref<!tpu.dma_semaphore, #tpu.memory_space<semaphore_mem>>
        %dma_start3A_65 = arith.constant 0 : i32
        %dma_start3A_66 = arith.constant 0 : i32
        %dma_start3A_67 = tpu.memref_slice %run_scoped3A[%rem3A_55, %dma_start3A_65, %dma_start3A_66] : memref<2x1x128xi32, #tpu.memory_space<vmem>> -> memref<1x1x128xi32, #tpu.memory_space<vmem>>
        %dma_start3A_68 = tpu.memref_squeeze %dma_start3A_67 : memref<1x1x128xi32, #tpu.memory_space<vmem>> -> memref<1x128xi32, #tpu.memory_space<vmem>>
        %dma_start3A_69 = arith.constant 0 : i32
        %dma_start3A_70 = tpu.memref_slice %arg3[%dma_start3A_69, %mul3A_57] : memref<1x18432xi32, #tpu.memory_space<hbm>> -> memref<1x128xi32, #tpu.memory_space<hbm>>
        tpu.enqueue_dma source(%dma_start3A_70 : memref<1x128xi32, #tpu.memory_space<hbm>>) target(%dma_start3A_68 : memref<1x128xi32, #tpu.memory_space<vmem>>) target_semaphore(%dma_start3A_64 : memref<!tpu.dma_semaphore, #tpu.memory_space<semaphore_mem>>)
        %add3A_71 = arith.constant 0 : i32
        %add3A_72 = arith.constant 1 : i32
        %add3A_73 = arith.addi %add3A_71, %add3A_72 : i32
        %select_n3A_74 = arith.constant true
        %select_n3A_75 = arith.constant 0 : i32
        %select_n3A_76 = arith.select %select_n3A_74, %add3A_73, %select_n3A_75 : i32
        %while3A = arith.constant 0 : i32
        %while3A_77 = arith.constant 0 : i32
        %while3A_78 = arith.constant 0 : i32
        %while3A_79 = arith.constant 0 : i32
        %while3A_80 = arith.constant 0 : i32
        "tpu.trace_stop"() : () -> ()
        %while3A_81 = arith.subi %mul3A_16, %while3A : i32
        %while3A_82 = arith.addi %while3A, %while3A_81 : i32
        %while3A_83 = arith.constant 1 : i32
        %while3A_84 = arith.divsi %while3A_81, %while3A_83 : i32
        %while3A_85 = arith.muli %while3A_84, %while3A_83 : i32
        %while3A_86 = arith.addi %while3A, %while3A_85 : i32
        %while3A_87 = arith.constant 1 : i32
        %while3A_88:5 = scf.for %while3A_142 = %while3A to %while3A_86 step %while3A_87 iter_args(%while3A_143 = %select_n3A_76, %while3A_144 = %while3A_77, %while3A_145 = %while3A_78, %while3A_146 = %while3A_79, %while3A_147 = %while3A_80) -> (i32, i32, i32, i32, i32)  : i32 {
          %mul3A_148 = arith.constant 1 : i32
          %mul3A_149 = arith.muli %mul3A_148, %select_n3A : i32
          %eq3A_150 = arith.constant 0 : i32
          %eq3A_151 = arith.cmpi eq, %while3A_142, %eq3A_150 : i32
          %sub3A_152 = arith.constant 1 : i32
          %sub3A_153 = arith.subi %mul3A_149, %sub3A_152 : i32
          %eq3A_154 = arith.cmpi eq, %while3A_142, %sub3A_153 : i32
          %add3A_155 = arith.addi %while3A_147, %select_n3A_14 : i32
          %sub3A_156 = arith.constant 1 : i32
          %sub3A_157 = arith.subi %while3A_147, %sub3A_156 : i32
          %select_n3A_158 = arith.constant true
          %select_n3A_159 = arith.select %select_n3A_158, %sub3A_157, %while3A_147 : i32
          %eq3A_160 = arith.constant -1 : i32
          %eq3A_161 = arith.cmpi eq, %select_n3A_159, %eq3A_160 : i32
          %sub3A_162 = arith.constant 1 : i32
          %sub3A_163 = arith.subi %select_n3A, %sub3A_162 : i32
          %select_n3A_164 = arith.select %eq3A_161, %sub3A_163, %select_n3A_159 : i32
          %add3A_165 = arith.addi %select_n3A_164, %select_n3A_14 : i32
          %add3A_166 = arith.constant 1 : i32
          %add3A_167 = arith.addi %while3A_147, %add3A_166 : i32
          %select_n3A_168 = arith.constant true
          %select_n3A_169 = arith.select %select_n3A_168, %add3A_167, %while3A_147 : i32
          %eq3A_170 = arith.cmpi eq, %select_n3A_169, %select_n3A : i32
          %select_n3A_171 = arith.constant 0 : i32
          %select_n3A_172 = arith.select %eq3A_170, %select_n3A_171, %select_n3A_169 : i32
          %add3A_173 = arith.addi %select_n3A_172, %select_n3A_14 : i32
          %add3A_174 = arith.constant 1 : i32
          %add3A_175 = arith.addi %select_n3A_172, %add3A_174 : i32
          %select_n3A_176 = arith.constant true
          %select_n3A_177 = arith.select %select_n3A_176, %add3A_175, %select_n3A_172 : i32
          %eq3A_178 = arith.cmpi eq, %select_n3A_177, %select_n3A : i32
          %select_n3A_179 = arith.constant 0 : i32
          %select_n3A_180 = arith.select %eq3A_178, %select_n3A_179, %select_n3A_177 : i32
          %add3A_181 = arith.addi %select_n3A_180, %select_n3A_14 : i32
          %ne3A = arith.cmpi ne, %add3A_155, %add3A_173 : i32
          %or3A = arith.constant false
          %or3A_182 = arith.ori %or3A, %ne3A : i1
          %sub3A_183 = arith.constant 2 : i32
          %sub3A_184 = arith.subi %mul3A_149, %sub3A_183 : i32
          %add3A_185 = arith.constant 1 : i32
          %add3A_186 = arith.addi %sub3A_184, %add3A_185 : i32
          %ge3A = arith.cmpi sge, %while3A_142, %add3A_186 : i32
          %not3A = arith.constant true
          %not3A_187 = arith.xori %ge3A, %not3A : i1
          %and3A = arith.andi %or3A_182, %not3A_187 : i1
          %convert_element_type3A_188 = arith.extui %and3A : i1 to i32
          %cond3A_189 = arith.constant 0 : i32
          %cond3A_190 = arith.cmpi ne, %convert_element_type3A_188, %cond3A_189 : i32
          scf.if %cond3A_190 {
            "tpu.trace_start"() <{level = 10 : i32, message = "ep_copy_in"}> : () -> ()
            %rem3A_294 = arith.constant 2 : i32
            %rem3A_295 = arith.remui %while3A_143, %rem3A_294 : i32
            %mul3A_296 = arith.constant 128 : i32
            %mul3A_297 = arith.muli %mul3A_296, %add3A_173 : i32
            %dma_start3A_298 = arith.constant 0 : i32
            %dma_start3A_299 = arith.constant 0 : i32
            %dma_start3A_300 = tpu.memref_slice %run_scoped3A[%rem3A_295, %dma_start3A_298, %dma_start3A_299] : memref<2x1x128xi32, #tpu.memory_space<vmem>> -> memref<1x1x128xi32, #tpu.memory_space<vmem>>
            %dma_start3A_301 = tpu.memref_squeeze %dma_start3A_300 : memref<1x1x128xi32, #tpu.memory_space<vmem>> -> memref<1x128xi32, #tpu.memory_space<vmem>>
            %dma_start3A_302 = arith.constant 0 : i32
            %dma_start3A_303 = tpu.memref_slice %arg3[%dma_start3A_302, %mul3A_297] : memref<1x18432xi32, #tpu.memory_space<hbm>> -> memref<1x128xi32, #tpu.memory_space<hbm>>
            %dma_start3A_304 = tpu.memref_slice %run_scoped3A_17[%rem3A_295] : memref<2x!tpu.dma_semaphore, #tpu.memory_space<semaphore_mem>> -> memref<1x!tpu.dma_semaphore, #tpu.memory_space<semaphore_mem>>
            %dma_start3A_305 = tpu.memref_squeeze %dma_start3A_304 : memref<1x!tpu.dma_semaphore, #tpu.memory_space<semaphore_mem>> -> memref<!tpu.dma_semaphore, #tpu.memory_space<semaphore_mem>>
            %dma_start3A_306 = arith.constant 0 : i32
            %dma_start3A_307 = arith.constant 0 : i32
            %dma_start3A_308 = tpu.memref_slice %run_scoped3A[%rem3A_295, %dma_start3A_306, %dma_start3A_307] : memref<2x1x128xi32, #tpu.memory_space<vmem>> -> memref<1x1x128xi32, #tpu.memory_space<vmem>>
            %dma_start3A_309 = tpu.memref_squeeze %dma_start3A_308 : memref<1x1x128xi32, #tpu.memory_space<vmem>> -> memref<1x128xi32, #tpu.memory_space<vmem>>
            %dma_start3A_310 = arith.constant 0 : i32
            %dma_start3A_311 = tpu.memref_slice %arg3[%dma_start3A_310, %mul3A_297] : memref<1x18432xi32, #tpu.memory_space<hbm>> -> memref<1x128xi32, #tpu.memory_space<hbm>>
            tpu.enqueue_dma source(%dma_start3A_311 : memref<1x128xi32, #tpu.memory_space<hbm>>) target(%dma_start3A_309 : memref<1x128xi32, #tpu.memory_space<vmem>>) target_semaphore(%dma_start3A_305 : memref<!tpu.dma_semaphore, #tpu.memory_space<semaphore_mem>>)
            "tpu.trace_stop"() : () -> ()
          } else {
          }
          %and3A_191 = arith.constant true
          %and3A_192 = arith.andi %and3A, %and3A_191 : i1
          %add3A_193 = arith.constant 1 : i32
          %add3A_194 = arith.addi %while3A_143, %add3A_193 : i32
          %select_n3A_195 = arith.select %and3A_192, %add3A_194, %while3A_143 : i32
          %ne3A_196 = arith.cmpi ne, %add3A_155, %add3A_173 : i32
          %or3A_197 = arith.constant false
          %or3A_198 = arith.ori %or3A_197, %ne3A_196 : i1
          %or3A_199 = arith.constant false
          %or3A_200 = arith.ori %or3A_198, %or3A_199 : i1
          %sub3A_201 = arith.constant 2 : i32
          %sub3A_202 = arith.subi %mul3A_149, %sub3A_201 : i32
          %add3A_203 = arith.constant 1 : i32
          %add3A_204 = arith.addi %sub3A_202, %add3A_203 : i32
          %ge3A_205 = arith.cmpi sge, %while3A_142, %add3A_204 : i32
          %not3A_206 = arith.constant true
          %not3A_207 = arith.xori %ge3A_205, %not3A_206 : i1
          %and3A_208 = arith.andi %or3A_200, %not3A_207 : i1
          %ne3A_209 = arith.cmpi ne, %add3A_155, %add3A_165 : i32
          %or3A_210 = arith.constant false
          %or3A_211 = arith.ori %or3A_210, %ne3A_209 : i1
          %or3A_212 = arith.ori %or3A_211, %eq3A_151 : i1
          %convert_element_type3A_213 = arith.extui %or3A_212 : i1 to i32
          %cond3A_214 = arith.constant 0 : i32
          %cond3A_215 = arith.cmpi ne, %convert_element_type3A_213, %cond3A_214 : i32
          scf.if %cond3A_215 {
            "tpu.trace_start"() <{level = 10 : i32, message = "ep_wait_in"}> : () -> ()
            %mul3A_294 = arith.constant 128 : i32
            %mul3A_295 = arith.muli %mul3A_294, %add3A_155 : i32
            %rem3A_296 = arith.constant 2 : i32
            %rem3A_297 = arith.remui %while3A_144, %rem3A_296 : i32
            %dma_wait3A = arith.constant 0 : i32
            %dma_wait3A_298 = arith.constant 0 : i32
            %dma_wait3A_299 = tpu.memref_slice %run_scoped3A[%rem3A_297, %dma_wait3A, %dma_wait3A_298] : memref<2x1x128xi32, #tpu.memory_space<vmem>> -> memref<1x1x128xi32, #tpu.memory_space<vmem>>
            %dma_wait3A_300 = tpu.memref_squeeze %dma_wait3A_299 : memref<1x1x128xi32, #tpu.memory_space<vmem>> -> memref<1x128xi32, #tpu.memory_space<vmem>>
            %dma_wait3A_301 = arith.constant 0 : i32
            %dma_wait3A_302 = tpu.memref_slice %arg3[%dma_wait3A_301, %mul3A_295] : memref<1x18432xi32, #tpu.memory_space<hbm>> -> memref<1x128xi32, #tpu.memory_space<hbm>>
            %dma_wait3A_303 = tpu.memref_slice %run_scoped3A_17[%rem3A_297] : memref<2x!tpu.dma_semaphore, #tpu.memory_space<semaphore_mem>> -> memref<1x!tpu.dma_semaphore, #tpu.memory_space<semaphore_mem>>
            %dma_wait3A_304 = tpu.memref_squeeze %dma_wait3A_303 : memref<1x!tpu.dma_semaphore, #tpu.memory_space<semaphore_mem>> -> memref<!tpu.dma_semaphore, #tpu.memory_space<semaphore_mem>>
            %dma_wait3A_305 = arith.constant 0 : i32
            %dma_wait3A_306 = arith.constant 0 : i32
            %dma_wait3A_307 = tpu.memref_slice %run_scoped3A[%rem3A_297, %dma_wait3A_305, %dma_wait3A_306] : memref<2x1x128xi32, #tpu.memory_space<vmem>> -> memref<1x1x128xi32, #tpu.memory_space<vmem>>
            %dma_wait3A_308 = tpu.memref_squeeze %dma_wait3A_307 : memref<1x1x128xi32, #tpu.memory_space<vmem>> -> memref<1x128xi32, #tpu.memory_space<vmem>>
            %dma_wait3A_309 = arith.constant 0 : i32
            %dma_wait3A_310 = tpu.memref_slice %arg3[%dma_wait3A_309, %mul3A_295] : memref<1x18432xi32, #tpu.memory_space<hbm>> -> memref<1x128xi32, #tpu.memory_space<hbm>>
            tpu.wait_dma2 semaphore(%dma_wait3A_304 : memref<!tpu.dma_semaphore, #tpu.memory_space<semaphore_mem>>) src(%dma_wait3A_310 : memref<1x128xi32, #tpu.memory_space<hbm>>) dst(%dma_wait3A_308 : memref<1x128xi32, #tpu.memory_space<vmem>>)
            "tpu.trace_stop"() : () -> ()
          } else {
          }
          %ne3A_216 = arith.cmpi ne, %add3A_155, %add3A_165 : i32
          %or3A_217 = arith.constant false
          %or3A_218 = arith.ori %or3A_217, %ne3A_216 : i1
          %or3A_219 = arith.constant false
          %or3A_220 = arith.ori %or3A_218, %or3A_219 : i1
          %or3A_221 = arith.ori %or3A_220, %eq3A_151 : i1
          %convert_element_type3A_222 = arith.extui %or3A_221 : i1 to i32
          %cond3A_223 = arith.constant 0 : i32
          %cond3A_224 = arith.cmpi ne, %convert_element_type3A_222, %cond3A_223 : i32
          scf.if %cond3A_224 {
          } else {
          }
          %rem3A_225 = arith.constant 2 : i32
          %rem3A_226 = arith.remui %while3A_144, %rem3A_225 : i32
          %rem3A_227 = arith.constant 2 : i32
          %rem3A_228 = arith.remui %while3A_145, %rem3A_227 : i32
          %run_scoped3A_229 = arith.constant 0 : i32
          "tpu.trace_start"() <{level = 10 : i32, message = "ep_run_kernel"}> : () -> ()
          "tpu.region"() ({
            %run_scoped3A_294 = tpu.sem_alloc : memref<!tpu.dma_semaphore, #tpu.memory_space<semaphore_mem>>
            %dma_start3A_295 = arith.constant 0 : i32
            %dma_start3A_296 = arith.constant 0 : i32
            %dma_start3A_297 = tpu.memref_slice %run_scoped3A_18[%rem3A_228, %dma_start3A_295, %dma_start3A_296] : memref<2x128x128xf32, #tpu.memory_space<vmem>> -> memref<1x128x128xf32, #tpu.memory_space<vmem>>
            %dma_start3A_298 = tpu.memref_squeeze %dma_start3A_297 : memref<1x128x128xf32, #tpu.memory_space<vmem>> -> memref<128x128xf32, #tpu.memory_space<vmem>>
            %dma_start3A_299 = arith.constant 0 : i32
            %dma_start3A_300 = arith.constant 0 : i32
            %dma_start3A_301 = tpu.memref_slice %run_scoped3A[%rem3A_226, %dma_start3A_299, %dma_start3A_300] : memref<2x1x128xi32, #tpu.memory_space<vmem>> -> memref<1x1x128xi32, #tpu.memory_space<vmem>>
            %dma_start3A_302 = tpu.memref_squeeze %dma_start3A_301 : memref<1x1x128xi32, #tpu.memory_space<vmem>> -> memref<1x128xi32, #tpu.memory_space<vmem>>
            %dma_start3A_303 = arith.constant 0 : i32
            %dma_start3A_304 = tpu.memref_slice %dma_start3A_302[%run_scoped3A_229, %dma_start3A_303] : memref<1x128xi32, #tpu.memory_space<vmem>> -> memref<1x128xi32, #tpu.memory_space<vmem>>
            %dma_start3A_305 = tpu.memref_squeeze %dma_start3A_304 : memref<1x128xi32, #tpu.memory_space<vmem>> -> memref<128xi32, #tpu.memory_space<vmem>>
            %dma_start3A_306 = arith.constant 0 : i32
            %dma_start3A_307 = arith.constant 0 : i32
            %dma_start3A_308 = tpu.memref_slice %arg2[%dma_start3A_306, %dma_start3A_307] : memref<73728x128xf32, #tpu.memory_space<hbm>> -> memref<73728x128xf32, #tpu.memory_space<hbm>>
            tpu.enqueue_indirect_dma source(%dma_start3A_308 : memref<73728x128xf32, #tpu.memory_space<hbm>>) target(%dma_start3A_298 : memref<128x128xf32, #tpu.memory_space<vmem>>) offsets(%dma_start3A_305 : memref<128xi32, #tpu.memory_space<vmem>>) semaphore(%run_scoped3A_294 : memref<!tpu.dma_semaphore, #tpu.memory_space<semaphore_mem>>)
            %dma_wait3A = arith.constant 0 : i32
            %dma_wait3A_309 = arith.constant 0 : i32
            %dma_wait3A_310 = tpu.memref_slice %run_scoped3A_18[%rem3A_228, %dma_wait3A, %dma_wait3A_309] : memref<2x128x128xf32, #tpu.memory_space<vmem>> -> memref<1x128x128xf32, #tpu.memory_space<vmem>>
            %dma_wait3A_311 = tpu.memref_squeeze %dma_wait3A_310 : memref<1x128x128xf32, #tpu.memory_space<vmem>> -> memref<128x128xf32, #tpu.memory_space<vmem>>
            %dma_wait3A_312 = arith.constant 0 : i32
            %dma_wait3A_313 = arith.constant 0 : i32
            %dma_wait3A_314 = tpu.memref_slice %run_scoped3A[%rem3A_226, %dma_wait3A_312, %dma_wait3A_313] : memref<2x1x128xi32, #tpu.memory_space<vmem>> -> memref<1x1x128xi32, #tpu.memory_space<vmem>>
            %dma_wait3A_315 = tpu.memref_squeeze %dma_wait3A_314 : memref<1x1x128xi32, #tpu.memory_space<vmem>> -> memref<1x128xi32, #tpu.memory_space<vmem>>
            %dma_wait3A_316 = arith.constant 0 : i32
            %dma_wait3A_317 = tpu.memref_slice %dma_wait3A_315[%run_scoped3A_229, %dma_wait3A_316] : memref<1x128xi32, #tpu.memory_space<vmem>> -> memref<1x128xi32, #tpu.memory_space<vmem>>
            %dma_wait3A_318 = tpu.memref_squeeze %dma_wait3A_317 : memref<1x128xi32, #tpu.memory_space<vmem>> -> memref<128xi32, #tpu.memory_space<vmem>>
            %dma_wait3A_319 = arith.constant 0 : i32
            %dma_wait3A_320 = arith.constant 0 : i32
            %dma_wait3A_321 = tpu.memref_slice %arg2[%dma_wait3A_319, %dma_wait3A_320] : memref<73728x128xf32, #tpu.memory_space<hbm>> -> memref<73728x128xf32, #tpu.memory_space<hbm>>
            tpu.wait_indirect_dma semaphore(%run_scoped3A_294 : memref<!tpu.dma_semaphore, #tpu.memory_space<semaphore_mem>>) src(%dma_wait3A_321 : memref<73728x128xf32, #tpu.memory_space<hbm>>) dst(%dma_wait3A_311 : memref<128x128xf32, #tpu.memory_space<vmem>>)
            tpu.yield
          }) : () -> ()
          "tpu.trace_stop"() : () -> ()
          %ne3A_230 = arith.cmpi ne, %add3A_155, %add3A_173 : i32
          %or3A_231 = arith.constant false
          %or3A_232 = arith.ori %or3A_231, %ne3A_230 : i1
          %or3A_233 = arith.ori %or3A_232, %eq3A_154 : i1
          %convert_element_type3A_234 = arith.extui %or3A_233 : i1 to i32
          %cond3A_235 = arith.constant 0 : i32
          %cond3A_236 = arith.cmpi ne, %convert_element_type3A_234, %cond3A_235 : i32
          scf.if %cond3A_236 {
          } else {
          }
          %and3A_237 = arith.constant false
          %and3A_238 = arith.andi %or3A_233, %and3A_237 : i1
          %ne3A_239 = arith.cmpi ne, %add3A_155, %add3A_173 : i32
          %or3A_240 = arith.constant false
          %or3A_241 = arith.ori %or3A_240, %ne3A_239 : i1
          %or3A_242 = arith.constant false
          %or3A_243 = arith.ori %or3A_241, %or3A_242 : i1
          %or3A_244 = arith.ori %or3A_243, %eq3A_154 : i1
          %convert_element_type3A_245 = arith.extui %or3A_244 : i1 to i32
          %cond3A_246 = arith.constant 0 : i32
          %cond3A_247 = arith.cmpi ne, %convert_element_type3A_245, %cond3A_246 : i32
          scf.if %cond3A_247 {
            "tpu.trace_start"() <{level = 10 : i32, message = "ep_copy_out"}> : () -> ()
            %rem3A_294 = arith.constant 2 : i32
            %rem3A_295 = arith.remui %while3A_145, %rem3A_294 : i32
            %mul3A_296 = arith.constant 128 : i32
            %mul3A_297 = arith.muli %mul3A_296, %add3A_155 : i32
            %dma_start3A_298 = arith.constant 0 : i32
            %dma_start3A_299 = arith.constant 0 : i32
            %dma_start3A_300 = tpu.memref_slice %run_scoped3A_18[%rem3A_295, %dma_start3A_298, %dma_start3A_299] : memref<2x128x128xf32, #tpu.memory_space<vmem>> -> memref<1x128x128xf32, #tpu.memory_space<vmem>>
            %dma_start3A_301 = tpu.memref_squeeze %dma_start3A_300 : memref<1x128x128xf32, #tpu.memory_space<vmem>> -> memref<128x128xf32, #tpu.memory_space<vmem>>
            %dma_start3A_302 = arith.constant 0 : i32
            %dma_start3A_303 = tpu.memref_slice %arg4[%mul3A_297, %dma_start3A_302] : memref<18432x128xf32, #tpu.memory_space<hbm>> -> memref<128x128xf32, #tpu.memory_space<hbm>>
            %dma_start3A_304 = tpu.memref_slice %run_scoped3A_19[%rem3A_295] : memref<2x!tpu.dma_semaphore, #tpu.memory_space<semaphore_mem>> -> memref<1x!tpu.dma_semaphore, #tpu.memory_space<semaphore_mem>>
            %dma_start3A_305 = tpu.memref_squeeze %dma_start3A_304 : memref<1x!tpu.dma_semaphore, #tpu.memory_space<semaphore_mem>> -> memref<!tpu.dma_semaphore, #tpu.memory_space<semaphore_mem>>
            %dma_start3A_306 = arith.constant 0 : i32
            %dma_start3A_307 = tpu.memref_slice %arg4[%mul3A_297, %dma_start3A_306] : memref<18432x128xf32, #tpu.memory_space<hbm>> -> memref<128x128xf32, #tpu.memory_space<hbm>>
            %dma_start3A_308 = arith.constant 0 : i32
            %dma_start3A_309 = arith.constant 0 : i32
            %dma_start3A_310 = tpu.memref_slice %run_scoped3A_18[%rem3A_295, %dma_start3A_308, %dma_start3A_309] : memref<2x128x128xf32, #tpu.memory_space<vmem>> -> memref<1x128x128xf32, #tpu.memory_space<vmem>>
            %dma_start3A_311 = tpu.memref_squeeze %dma_start3A_310 : memref<1x128x128xf32, #tpu.memory_space<vmem>> -> memref<128x128xf32, #tpu.memory_space<vmem>>
            tpu.enqueue_dma source(%dma_start3A_311 : memref<128x128xf32, #tpu.memory_space<vmem>>) target(%dma_start3A_307 : memref<128x128xf32, #tpu.memory_space<hbm>>) target_semaphore(%dma_start3A_305 : memref<!tpu.dma_semaphore, #tpu.memory_space<semaphore_mem>>)
            "tpu.trace_stop"() : () -> ()
          } else {
          }
          %and3A_248 = arith.constant true
          %and3A_249 = arith.andi %or3A_244, %and3A_248 : i1
          %add3A_250 = arith.constant 1 : i32
          %add3A_251 = arith.addi %while3A_145, %add3A_250 : i32
          %select_n3A_252 = arith.select %and3A_249, %add3A_251, %while3A_145 : i32
          %ne3A_253 = arith.cmpi ne, %add3A_155, %add3A_165 : i32
          %or3A_254 = arith.constant false
          %or3A_255 = arith.ori %or3A_254, %ne3A_253 : i1
          %not3A_256 = arith.constant true
          %not3A_257 = arith.xori %eq3A_151, %not3A_256 : i1
          %and3A_258 = arith.andi %or3A_255, %not3A_257 : i1
          %convert_element_type3A_259 = arith.extui %and3A_258 : i1 to i32
          %cond3A_260 = arith.constant 0 : i32
          %cond3A_261 = arith.cmpi ne, %convert_element_type3A_259, %cond3A_260 : i32
          scf.if %cond3A_261 {
          } else {
          }
          %and3A_262 = arith.constant false
          %and3A_263 = arith.andi %and3A_258, %and3A_262 : i1
          %ne3A_264 = arith.cmpi ne, %add3A_155, %add3A_165 : i32
          %or3A_265 = arith.constant false
          %or3A_266 = arith.ori %or3A_265, %ne3A_264 : i1
          %or3A_267 = arith.constant false
          %or3A_268 = arith.ori %or3A_266, %or3A_267 : i1
          %not3A_269 = arith.constant true
          %not3A_270 = arith.xori %eq3A_151, %not3A_269 : i1
          %and3A_271 = arith.andi %or3A_268, %not3A_270 : i1
          %convert_element_type3A_272 = arith.extui %and3A_271 : i1 to i32
          %cond3A_273 = arith.constant 0 : i32
          %cond3A_274 = arith.cmpi ne, %convert_element_type3A_272, %cond3A_273 : i32
          scf.if %cond3A_274 {
            "tpu.trace_start"() <{level = 10 : i32, message = "ep_wait_out"}> : () -> ()
            %rem3A_294 = arith.constant 2 : i32
            %rem3A_295 = arith.remui %while3A_146, %rem3A_294 : i32
            %mul3A_296 = arith.constant 128 : i32
            %mul3A_297 = arith.muli %mul3A_296, %add3A_165 : i32
            %dma_wait3A = arith.constant 0 : i32
            %dma_wait3A_298 = arith.constant 0 : i32
            %dma_wait3A_299 = tpu.memref_slice %run_scoped3A_18[%rem3A_295, %dma_wait3A, %dma_wait3A_298] : memref<2x128x128xf32, #tpu.memory_space<vmem>> -> memref<1x128x128xf32, #tpu.memory_space<vmem>>
            %dma_wait3A_300 = tpu.memref_squeeze %dma_wait3A_299 : memref<1x128x128xf32, #tpu.memory_space<vmem>> -> memref<128x128xf32, #tpu.memory_space<vmem>>
            %dma_wait3A_301 = arith.constant 0 : i32
            %dma_wait3A_302 = tpu.memref_slice %arg4[%mul3A_297, %dma_wait3A_301] : memref<18432x128xf32, #tpu.memory_space<hbm>> -> memref<128x128xf32, #tpu.memory_space<hbm>>
            %dma_wait3A_303 = tpu.memref_slice %run_scoped3A_19[%rem3A_295] : memref<2x!tpu.dma_semaphore, #tpu.memory_space<semaphore_mem>> -> memref<1x!tpu.dma_semaphore, #tpu.memory_space<semaphore_mem>>
            %dma_wait3A_304 = tpu.memref_squeeze %dma_wait3A_303 : memref<1x!tpu.dma_semaphore, #tpu.memory_space<semaphore_mem>> -> memref<!tpu.dma_semaphore, #tpu.memory_space<semaphore_mem>>
            %dma_wait3A_305 = arith.constant 0 : i32
            %dma_wait3A_306 = tpu.memref_slice %arg4[%mul3A_297, %dma_wait3A_305] : memref<18432x128xf32, #tpu.memory_space<hbm>> -> memref<128x128xf32, #tpu.memory_space<hbm>>
            %dma_wait3A_307 = arith.constant 0 : i32
            %dma_wait3A_308 = arith.constant 0 : i32
            %dma_wait3A_309 = tpu.memref_slice %run_scoped3A_18[%rem3A_295, %dma_wait3A_307, %dma_wait3A_308] : memref<2x128x128xf32, #tpu.memory_space<vmem>> -> memref<1x128x128xf32, #tpu.memory_space<vmem>>
            %dma_wait3A_310 = tpu.memref_squeeze %dma_wait3A_309 : memref<1x128x128xf32, #tpu.memory_space<vmem>> -> memref<128x128xf32, #tpu.memory_space<vmem>>
            tpu.wait_dma2 semaphore(%dma_wait3A_304 : memref<!tpu.dma_semaphore, #tpu.memory_space<semaphore_mem>>) src(%dma_wait3A_310 : memref<128x128xf32, #tpu.memory_space<vmem>>) dst(%dma_wait3A_306 : memref<128x128xf32, #tpu.memory_space<hbm>>)
            "tpu.trace_stop"() : () -> ()
          } else {
          }
          %and3A_275 = arith.constant true
          %and3A_276 = arith.andi %and3A_271, %and3A_275 : i1
          %add3A_277 = arith.constant 1 : i32
          %add3A_278 = arith.addi %while3A_146, %add3A_277 : i32
          %select_n3A_279 = arith.select %and3A_276, %add3A_278, %while3A_146 : i32
          %ne3A_280 = arith.cmpi ne, %add3A_155, %add3A_173 : i32
          %or3A_281 = arith.constant false
          %or3A_282 = arith.ori %or3A_281, %ne3A_280 : i1
          %or3A_283 = arith.ori %or3A_282, %eq3A_154 : i1
          %add3A_284 = arith.constant 1 : i32
          %add3A_285 = arith.addi %while3A_144, %add3A_284 : i32
          %select_n3A_286 = arith.select %or3A_283, %add3A_285, %while3A_144 : i32
          %add3A_287 = arith.constant 1 : i32
          %add3A_288 = arith.addi %while3A_147, %add3A_287 : i32
          %select_n3A_289 = arith.constant true
          %select_n3A_290 = arith.select %select_n3A_289, %add3A_288, %while3A_147 : i32
          %eq3A_291 = arith.cmpi eq, %select_n3A_290, %select_n3A : i32
          %select_n3A_292 = arith.constant 0 : i32
          %select_n3A_293 = arith.select %eq3A_291, %select_n3A_292, %select_n3A_290 : i32
          scf.yield %select_n3A_195, %select_n3A_286, %select_n3A_252, %select_n3A_279, %select_n3A_293 : i32, i32, i32, i32, i32
        }
        %while3A_89 = arith.constant 1 : i32
        %while3A_90:5 = scf.for %while3A_142 = %while3A_86 to %while3A_82 step %while3A_89 iter_args(%while3A_143 = %while3A_88#0, %while3A_144 = %while3A_88#1, %while3A_145 = %while3A_88#2, %while3A_146 = %while3A_88#3, %while3A_147 = %while3A_88#4) -> (i32, i32, i32, i32, i32)  : i32 {
          %mul3A_148 = arith.constant 1 : i32
          %mul3A_149 = arith.muli %mul3A_148, %select_n3A : i32
          %eq3A_150 = arith.constant 0 : i32
          %eq3A_151 = arith.cmpi eq, %while3A_142, %eq3A_150 : i32
          %sub3A_152 = arith.constant 1 : i32
          %sub3A_153 = arith.subi %mul3A_149, %sub3A_152 : i32
          %eq3A_154 = arith.cmpi eq, %while3A_142, %sub3A_153 : i32
          %add3A_155 = arith.addi %while3A_147, %select_n3A_14 : i32
          %sub3A_156 = arith.constant 1 : i32
          %sub3A_157 = arith.subi %while3A_147, %sub3A_156 : i32
          %select_n3A_158 = arith.constant true
          %select_n3A_159 = arith.select %select_n3A_158, %sub3A_157, %while3A_147 : i32
          %eq3A_160 = arith.constant -1 : i32
          %eq3A_161 = arith.cmpi eq, %select_n3A_159, %eq3A_160 : i32
          %sub3A_162 = arith.constant 1 : i32
          %sub3A_163 = arith.subi %select_n3A, %sub3A_162 : i32
          %select_n3A_164 = arith.select %eq3A_161, %sub3A_163, %select_n3A_159 : i32
          %add3A_165 = arith.addi %select_n3A_164, %select_n3A_14 : i32
          %add3A_166 = arith.constant 1 : i32
          %add3A_167 = arith.addi %while3A_147, %add3A_166 : i32
          %select_n3A_168 = arith.constant true
          %select_n3A_169 = arith.select %select_n3A_168, %add3A_167, %while3A_147 : i32
          %eq3A_170 = arith.cmpi eq, %select_n3A_169, %select_n3A : i32
          %select_n3A_171 = arith.constant 0 : i32
          %select_n3A_172 = arith.select %eq3A_170, %select_n3A_171, %select_n3A_169 : i32
          %add3A_173 = arith.addi %select_n3A_172, %select_n3A_14 : i32
          %add3A_174 = arith.constant 1 : i32
          %add3A_175 = arith.addi %select_n3A_172, %add3A_174 : i32
          %select_n3A_176 = arith.constant true
          %select_n3A_177 = arith.select %select_n3A_176, %add3A_175, %select_n3A_172 : i32
          %eq3A_178 = arith.cmpi eq, %select_n3A_177, %select_n3A : i32
          %select_n3A_179 = arith.constant 0 : i32
          %select_n3A_180 = arith.select %eq3A_178, %select_n3A_179, %select_n3A_177 : i32
          %add3A_181 = arith.addi %select_n3A_180, %select_n3A_14 : i32
          %ne3A = arith.cmpi ne, %add3A_155, %add3A_173 : i32
          %or3A = arith.constant false
          %or3A_182 = arith.ori %or3A, %ne3A : i1
          %sub3A_183 = arith.constant 2 : i32
          %sub3A_184 = arith.subi %mul3A_149, %sub3A_183 : i32
          %add3A_185 = arith.constant 1 : i32
          %add3A_186 = arith.addi %sub3A_184, %add3A_185 : i32
          %ge3A = arith.cmpi sge, %while3A_142, %add3A_186 : i32
          %not3A = arith.constant true
          %not3A_187 = arith.xori %ge3A, %not3A : i1
          %and3A = arith.andi %or3A_182, %not3A_187 : i1
          %convert_element_type3A_188 = arith.extui %and3A : i1 to i32
          %cond3A_189 = arith.constant 0 : i32
          %cond3A_190 = arith.cmpi ne, %convert_element_type3A_188, %cond3A_189 : i32
          scf.if %cond3A_190 {
            "tpu.trace_start"() <{level = 10 : i32, message = "ep_copy_in"}> : () -> ()
            %rem3A_294 = arith.constant 2 : i32
            %rem3A_295 = arith.remui %while3A_143, %rem3A_294 : i32
            %mul3A_296 = arith.constant 128 : i32
            %mul3A_297 = arith.muli %mul3A_296, %add3A_173 : i32
            %dma_start3A_298 = arith.constant 0 : i32
            %dma_start3A_299 = arith.constant 0 : i32
            %dma_start3A_300 = tpu.memref_slice %run_scoped3A[%rem3A_295, %dma_start3A_298, %dma_start3A_299] : memref<2x1x128xi32, #tpu.memory_space<vmem>> -> memref<1x1x128xi32, #tpu.memory_space<vmem>>
            %dma_start3A_301 = tpu.memref_squeeze %dma_start3A_300 : memref<1x1x128xi32, #tpu.memory_space<vmem>> -> memref<1x128xi32, #tpu.memory_space<vmem>>
            %dma_start3A_302 = arith.constant 0 : i32
            %dma_start3A_303 = tpu.memref_slice %arg3[%dma_start3A_302, %mul3A_297] : memref<1x18432xi32, #tpu.memory_space<hbm>> -> memref<1x128xi32, #tpu.memory_space<hbm>>
            %dma_start3A_304 = tpu.memref_slice %run_scoped3A_17[%rem3A_295] : memref<2x!tpu.dma_semaphore, #tpu.memory_space<semaphore_mem>> -> memref<1x!tpu.dma_semaphore, #tpu.memory_space<semaphore_mem>>
            %dma_start3A_305 = tpu.memref_squeeze %dma_start3A_304 : memref<1x!tpu.dma_semaphore, #tpu.memory_space<semaphore_mem>> -> memref<!tpu.dma_semaphore, #tpu.memory_space<semaphore_mem>>
            %dma_start3A_306 = arith.constant 0 : i32
            %dma_start3A_307 = arith.constant 0 : i32
            %dma_start3A_308 = tpu.memref_slice %run_scoped3A[%rem3A_295, %dma_start3A_306, %dma_start3A_307] : memref<2x1x128xi32, #tpu.memory_space<vmem>> -> memref<1x1x128xi32, #tpu.memory_space<vmem>>
            %dma_start3A_309 = tpu.memref_squeeze %dma_start3A_308 : memref<1x1x128xi32, #tpu.memory_space<vmem>> -> memref<1x128xi32, #tpu.memory_space<vmem>>
            %dma_start3A_310 = arith.constant 0 : i32
            %dma_start3A_311 = tpu.memref_slice %arg3[%dma_start3A_310, %mul3A_297] : memref<1x18432xi32, #tpu.memory_space<hbm>> -> memref<1x128xi32, #tpu.memory_space<hbm>>
            tpu.enqueue_dma source(%dma_start3A_311 : memref<1x128xi32, #tpu.memory_space<hbm>>) target(%dma_start3A_309 : memref<1x128xi32, #tpu.memory_space<vmem>>) target_semaphore(%dma_start3A_305 : memref<!tpu.dma_semaphore, #tpu.memory_space<semaphore_mem>>)
            "tpu.trace_stop"() : () -> ()
          } else {
          }
          %and3A_191 = arith.constant true
          %and3A_192 = arith.andi %and3A, %and3A_191 : i1
          %add3A_193 = arith.constant 1 : i32
          %add3A_194 = arith.addi %while3A_143, %add3A_193 : i32
          %select_n3A_195 = arith.select %and3A_192, %add3A_194, %while3A_143 : i32
          %ne3A_196 = arith.cmpi ne, %add3A_155, %add3A_173 : i32
          %or3A_197 = arith.constant false
          %or3A_198 = arith.ori %or3A_197, %ne3A_196 : i1
          %or3A_199 = arith.constant false
          %or3A_200 = arith.ori %or3A_198, %or3A_199 : i1
          %sub3A_201 = arith.constant 2 : i32
          %sub3A_202 = arith.subi %mul3A_149, %sub3A_201 : i32
          %add3A_203 = arith.constant 1 : i32
          %add3A_204 = arith.addi %sub3A_202, %add3A_203 : i32
          %ge3A_205 = arith.cmpi sge, %while3A_142, %add3A_204 : i32
          %not3A_206 = arith.constant true
          %not3A_207 = arith.xori %ge3A_205, %not3A_206 : i1
          %and3A_208 = arith.andi %or3A_200, %not3A_207 : i1
          %ne3A_209 = arith.cmpi ne, %add3A_155, %add3A_165 : i32
          %or3A_210 = arith.constant false
          %or3A_211 = arith.ori %or3A_210, %ne3A_209 : i1
          %or3A_212 = arith.ori %or3A_211, %eq3A_151 : i1
          %convert_element_type3A_213 = arith.extui %or3A_212 : i1 to i32
          %cond3A_214 = arith.constant 0 : i32
          %cond3A_215 = arith.cmpi ne, %convert_element_type3A_213, %cond3A_214 : i32
          scf.if %cond3A_215 {
            "tpu.trace_start"() <{level = 10 : i32, message = "ep_wait_in"}> : () -> ()
            %mul3A_294 = arith.constant 128 : i32
            %mul3A_295 = arith.muli %mul3A_294, %add3A_155 : i32
            %rem3A_296 = arith.constant 2 : i32
            %rem3A_297 = arith.remui %while3A_144, %rem3A_296 : i32
            %dma_wait3A = arith.constant 0 : i32
            %dma_wait3A_298 = arith.constant 0 : i32
            %dma_wait3A_299 = tpu.memref_slice %run_scoped3A[%rem3A_297, %dma_wait3A, %dma_wait3A_298] : memref<2x1x128xi32, #tpu.memory_space<vmem>> -> memref<1x1x128xi32, #tpu.memory_space<vmem>>
            %dma_wait3A_300 = tpu.memref_squeeze %dma_wait3A_299 : memref<1x1x128xi32, #tpu.memory_space<vmem>> -> memref<1x128xi32, #tpu.memory_space<vmem>>
            %dma_wait3A_301 = arith.constant 0 : i32
            %dma_wait3A_302 = tpu.memref_slice %arg3[%dma_wait3A_301, %mul3A_295] : memref<1x18432xi32, #tpu.memory_space<hbm>> -> memref<1x128xi32, #tpu.memory_space<hbm>>
            %dma_wait3A_303 = tpu.memref_slice %run_scoped3A_17[%rem3A_297] : memref<2x!tpu.dma_semaphore, #tpu.memory_space<semaphore_mem>> -> memref<1x!tpu.dma_semaphore, #tpu.memory_space<semaphore_mem>>
            %dma_wait3A_304 = tpu.memref_squeeze %dma_wait3A_303 : memref<1x!tpu.dma_semaphore, #tpu.memory_space<semaphore_mem>> -> memref<!tpu.dma_semaphore, #tpu.memory_space<semaphore_mem>>
            %dma_wait3A_305 = arith.constant 0 : i32
            %dma_wait3A_306 = arith.constant 0 : i32
            %dma_wait3A_307 = tpu.memref_slice %run_scoped3A[%rem3A_297, %dma_wait3A_305, %dma_wait3A_306] : memref<2x1x128xi32, #tpu.memory_space<vmem>> -> memref<1x1x128xi32, #tpu.memory_space<vmem>>
            %dma_wait3A_308 = tpu.memref_squeeze %dma_wait3A_307 : memref<1x1x128xi32, #tpu.memory_space<vmem>> -> memref<1x128xi32, #tpu.memory_space<vmem>>
            %dma_wait3A_309 = arith.constant 0 : i32
            %dma_wait3A_310 = tpu.memref_slice %arg3[%dma_wait3A_309, %mul3A_295] : memref<1x18432xi32, #tpu.memory_space<hbm>> -> memref<1x128xi32, #tpu.memory_space<hbm>>
            tpu.wait_dma2 semaphore(%dma_wait3A_304 : memref<!tpu.dma_semaphore, #tpu.memory_space<semaphore_mem>>) src(%dma_wait3A_310 : memref<1x128xi32, #tpu.memory_space<hbm>>) dst(%dma_wait3A_308 : memref<1x128xi32, #tpu.memory_space<vmem>>)
            "tpu.trace_stop"() : () -> ()
          } else {
          }
          %ne3A_216 = arith.cmpi ne, %add3A_155, %add3A_165 : i32
          %or3A_217 = arith.constant false
          %or3A_218 = arith.ori %or3A_217, %ne3A_216 : i1
          %or3A_219 = arith.constant false
          %or3A_220 = arith.ori %or3A_218, %or3A_219 : i1
          %or3A_221 = arith.ori %or3A_220, %eq3A_151 : i1
          %convert_element_type3A_222 = arith.extui %or3A_221 : i1 to i32
          %cond3A_223 = arith.constant 0 : i32
          %cond3A_224 = arith.cmpi ne, %convert_element_type3A_222, %cond3A_223 : i32
          scf.if %cond3A_224 {
          } else {
          }
          %rem3A_225 = arith.constant 2 : i32
          %rem3A_226 = arith.remui %while3A_144, %rem3A_225 : i32
          %rem3A_227 = arith.constant 2 : i32
          %rem3A_228 = arith.remui %while3A_145, %rem3A_227 : i32
          %run_scoped3A_229 = arith.constant 0 : i32
          "tpu.trace_start"() <{level = 10 : i32, message = "ep_run_kernel"}> : () -> ()
          "tpu.region"() ({
            %run_scoped3A_294 = tpu.sem_alloc : memref<!tpu.dma_semaphore, #tpu.memory_space<semaphore_mem>>
            %dma_start3A_295 = arith.constant 0 : i32
            %dma_start3A_296 = arith.constant 0 : i32
            %dma_start3A_297 = tpu.memref_slice %run_scoped3A_18[%rem3A_228, %dma_start3A_295, %dma_start3A_296] : memref<2x128x128xf32, #tpu.memory_space<vmem>> -> memref<1x128x128xf32, #tpu.memory_space<vmem>>
            %dma_start3A_298 = tpu.memref_squeeze %dma_start3A_297 : memref<1x128x128xf32, #tpu.memory_space<vmem>> -> memref<128x128xf32, #tpu.memory_space<vmem>>
            %dma_start3A_299 = arith.constant 0 : i32
            %dma_start3A_300 = arith.constant 0 : i32
            %dma_start3A_301 = tpu.memref_slice %run_scoped3A[%rem3A_226, %dma_start3A_299, %dma_start3A_300] : memref<2x1x128xi32, #tpu.memory_space<vmem>> -> memref<1x1x128xi32, #tpu.memory_space<vmem>>
            %dma_start3A_302 = tpu.memref_squeeze %dma_start3A_301 : memref<1x1x128xi32, #tpu.memory_space<vmem>> -> memref<1x128xi32, #tpu.memory_space<vmem>>
            %dma_start3A_303 = arith.constant 0 : i32
            %dma_start3A_304 = tpu.memref_slice %dma_start3A_302[%run_scoped3A_229, %dma_start3A_303] : memref<1x128xi32, #tpu.memory_space<vmem>> -> memref<1x128xi32, #tpu.memory_space<vmem>>
            %dma_start3A_305 = tpu.memref_squeeze %dma_start3A_304 : memref<1x128xi32, #tpu.memory_space<vmem>> -> memref<128xi32, #tpu.memory_space<vmem>>
            %dma_start3A_306 = arith.constant 0 : i32
            %dma_start3A_307 = arith.constant 0 : i32
            %dma_start3A_308 = tpu.memref_slice %arg2[%dma_start3A_306, %dma_start3A_307] : memref<73728x128xf32, #tpu.memory_space<hbm>> -> memref<73728x128xf32, #tpu.memory_space<hbm>>
            tpu.enqueue_indirect_dma source(%dma_start3A_308 : memref<73728x128xf32, #tpu.memory_space<hbm>>) target(%dma_start3A_298 : memref<128x128xf32, #tpu.memory_space<vmem>>) offsets(%dma_start3A_305 : memref<128xi32, #tpu.memory_space<vmem>>) semaphore(%run_scoped3A_294 : memref<!tpu.dma_semaphore, #tpu.memory_space<semaphore_mem>>)
            %dma_wait3A = arith.constant 0 : i32
            %dma_wait3A_309 = arith.constant 0 : i32
            %dma_wait3A_310 = tpu.memref_slice %run_scoped3A_18[%rem3A_228, %dma_wait3A, %dma_wait3A_309] : memref<2x128x128xf32, #tpu.memory_space<vmem>> -> memref<1x128x128xf32, #tpu.memory_space<vmem>>
            %dma_wait3A_311 = tpu.memref_squeeze %dma_wait3A_310 : memref<1x128x128xf32, #tpu.memory_space<vmem>> -> memref<128x128xf32, #tpu.memory_space<vmem>>
            %dma_wait3A_312 = arith.constant 0 : i32
            %dma_wait3A_313 = arith.constant 0 : i32
            %dma_wait3A_314 = tpu.memref_slice %run_scoped3A[%rem3A_226, %dma_wait3A_312, %dma_wait3A_313] : memref<2x1x128xi32, #tpu.memory_space<vmem>> -> memref<1x1x128xi32, #tpu.memory_space<vmem>>
            %dma_wait3A_315 = tpu.memref_squeeze %dma_wait3A_314 : memref<1x1x128xi32, #tpu.memory_space<vmem>> -> memref<1x128xi32, #tpu.memory_space<vmem>>
            %dma_wait3A_316 = arith.constant 0 : i32
            %dma_wait3A_317 = tpu.memref_slice %dma_wait3A_315[%run_scoped3A_229, %dma_wait3A_316] : memref<1x128xi32, #tpu.memory_space<vmem>> -> memref<1x128xi32, #tpu.memory_space<vmem>>
            %dma_wait3A_318 = tpu.memref_squeeze %dma_wait3A_317 : memref<1x128xi32, #tpu.memory_space<vmem>> -> memref<128xi32, #tpu.memory_space<vmem>>
            %dma_wait3A_319 = arith.constant 0 : i32
            %dma_wait3A_320 = arith.constant 0 : i32
            %dma_wait3A_321 = tpu.memref_slice %arg2[%dma_wait3A_319, %dma_wait3A_320] : memref<73728x128xf32, #tpu.memory_space<hbm>> -> memref<73728x128xf32, #tpu.memory_space<hbm>>
            tpu.wait_indirect_dma semaphore(%run_scoped3A_294 : memref<!tpu.dma_semaphore, #tpu.memory_space<semaphore_mem>>) src(%dma_wait3A_321 : memref<73728x128xf32, #tpu.memory_space<hbm>>) dst(%dma_wait3A_311 : memref<128x128xf32, #tpu.memory_space<vmem>>)
            tpu.yield
          }) : () -> ()
          "tpu.trace_stop"() : () -> ()
          %ne3A_230 = arith.cmpi ne, %add3A_155, %add3A_173 : i32
          %or3A_231 = arith.constant false
          %or3A_232 = arith.ori %or3A_231, %ne3A_230 : i1
          %or3A_233 = arith.ori %or3A_232, %eq3A_154 : i1
          %convert_element_type3A_234 = arith.extui %or3A_233 : i1 to i32
          %cond3A_235 = arith.constant 0 : i32
          %cond3A_236 = arith.cmpi ne, %convert_element_type3A_234, %cond3A_235 : i32
          scf.if %cond3A_236 {
          } else {
          }
          %and3A_237 = arith.constant false
          %and3A_238 = arith.andi %or3A_233, %and3A_237 : i1
          %ne3A_239 = arith.cmpi ne, %add3A_155, %add3A_173 : i32
          %or3A_240 = arith.constant false
          %or3A_241 = arith.ori %or3A_240, %ne3A_239 : i1
          %or3A_242 = arith.constant false
          %or3A_243 = arith.ori %or3A_241, %or3A_242 : i1
          %or3A_244 = arith.ori %or3A_243, %eq3A_154 : i1
          %convert_element_type3A_245 = arith.extui %or3A_244 : i1 to i32
          %cond3A_246 = arith.constant 0 : i32
          %cond3A_247 = arith.cmpi ne, %convert_element_type3A_245, %cond3A_246 : i32
          scf.if %cond3A_247 {
            "tpu.trace_start"() <{level = 10 : i32, message = "ep_copy_out"}> : () -> ()
            %rem3A_294 = arith.constant 2 : i32
            %rem3A_295 = arith.remui %while3A_145, %rem3A_294 : i32
            %mul3A_296 = arith.constant 128 : i32
            %mul3A_297 = arith.muli %mul3A_296, %add3A_155 : i32
            %dma_start3A_298 = arith.constant 0 : i32
            %dma_start3A_299 = arith.constant 0 : i32
            %dma_start3A_300 = tpu.memref_slice %run_scoped3A_18[%rem3A_295, %dma_start3A_298, %dma_start3A_299] : memref<2x128x128xf32, #tpu.memory_space<vmem>> -> memref<1x128x128xf32, #tpu.memory_space<vmem>>
            %dma_start3A_301 = tpu.memref_squeeze %dma_start3A_300 : memref<1x128x128xf32, #tpu.memory_space<vmem>> -> memref<128x128xf32, #tpu.memory_space<vmem>>
            %dma_start3A_302 = arith.constant 0 : i32
            %dma_start3A_303 = tpu.memref_slice %arg4[%mul3A_297, %dma_start3A_302] : memref<18432x128xf32, #tpu.memory_space<hbm>> -> memref<128x128xf32, #tpu.memory_space<hbm>>
            %dma_start3A_304 = tpu.memref_slice %run_scoped3A_19[%rem3A_295] : memref<2x!tpu.dma_semaphore, #tpu.memory_space<semaphore_mem>> -> memref<1x!tpu.dma_semaphore, #tpu.memory_space<semaphore_mem>>
            %dma_start3A_305 = tpu.memref_squeeze %dma_start3A_304 : memref<1x!tpu.dma_semaphore, #tpu.memory_space<semaphore_mem>> -> memref<!tpu.dma_semaphore, #tpu.memory_space<semaphore_mem>>
            %dma_start3A_306 = arith.constant 0 : i32
            %dma_start3A_307 = tpu.memref_slice %arg4[%mul3A_297, %dma_start3A_306] : memref<18432x128xf32, #tpu.memory_space<hbm>> -> memref<128x128xf32, #tpu.memory_space<hbm>>
            %dma_start3A_308 = arith.constant 0 : i32
            %dma_start3A_309 = arith.constant 0 : i32
            %dma_start3A_310 = tpu.memref_slice %run_scoped3A_18[%rem3A_295, %dma_start3A_308, %dma_start3A_309] : memref<2x128x128xf32, #tpu.memory_space<vmem>> -> memref<1x128x128xf32, #tpu.memory_space<vmem>>
            %dma_start3A_311 = tpu.memref_squeeze %dma_start3A_310 : memref<1x128x128xf32, #tpu.memory_space<vmem>> -> memref<128x128xf32, #tpu.memory_space<vmem>>
            tpu.enqueue_dma source(%dma_start3A_311 : memref<128x128xf32, #tpu.memory_space<vmem>>) target(%dma_start3A_307 : memref<128x128xf32, #tpu.memory_space<hbm>>) target_semaphore(%dma_start3A_305 : memref<!tpu.dma_semaphore, #tpu.memory_space<semaphore_mem>>)
            "tpu.trace_stop"() : () -> ()
          } else {
          }
          %and3A_248 = arith.constant true
          %and3A_249 = arith.andi %or3A_244, %and3A_248 : i1
          %add3A_250 = arith.constant 1 : i32
          %add3A_251 = arith.addi %while3A_145, %add3A_250 : i32
          %select_n3A_252 = arith.select %and3A_249, %add3A_251, %while3A_145 : i32
          %ne3A_253 = arith.cmpi ne, %add3A_155, %add3A_165 : i32
          %or3A_254 = arith.constant false
          %or3A_255 = arith.ori %or3A_254, %ne3A_253 : i1
          %not3A_256 = arith.constant true
          %not3A_257 = arith.xori %eq3A_151, %not3A_256 : i1
          %and3A_258 = arith.andi %or3A_255, %not3A_257 : i1
          %convert_element_type3A_259 = arith.extui %and3A_258 : i1 to i32
          %cond3A_260 = arith.constant 0 : i32
          %cond3A_261 = arith.cmpi ne, %convert_element_type3A_259, %cond3A_260 : i32
          scf.if %cond3A_261 {
          } else {
          }
          %and3A_262 = arith.constant false
          %and3A_263 = arith.andi %and3A_258, %and3A_262 : i1
          %ne3A_264 = arith.cmpi ne, %add3A_155, %add3A_165 : i32
          %or3A_265 = arith.constant false
          %or3A_266 = arith.ori %or3A_265, %ne3A_264 : i1
          %or3A_267 = arith.constant false
          %or3A_268 = arith.ori %or3A_266, %or3A_267 : i1
          %not3A_269 = arith.constant true
          %not3A_270 = arith.xori %eq3A_151, %not3A_269 : i1
          %and3A_271 = arith.andi %or3A_268, %not3A_270 : i1
          %convert_element_type3A_272 = arith.extui %and3A_271 : i1 to i32
          %cond3A_273 = arith.constant 0 : i32
          %cond3A_274 = arith.cmpi ne, %convert_element_type3A_272, %cond3A_273 : i32
          scf.if %cond3A_274 {
            "tpu.trace_start"() <{level = 10 : i32, message = "ep_wait_out"}> : () -> ()
            %rem3A_294 = arith.constant 2 : i32
            %rem3A_295 = arith.remui %while3A_146, %rem3A_294 : i32
            %mul3A_296 = arith.constant 128 : i32
            %mul3A_297 = arith.muli %mul3A_296, %add3A_165 : i32
            %dma_wait3A = arith.constant 0 : i32
            %dma_wait3A_298 = arith.constant 0 : i32
            %dma_wait3A_299 = tpu.memref_slice %run_scoped3A_18[%rem3A_295, %dma_wait3A, %dma_wait3A_298] : memref<2x128x128xf32, #tpu.memory_space<vmem>> -> memref<1x128x128xf32, #tpu.memory_space<vmem>>
            %dma_wait3A_300 = tpu.memref_squeeze %dma_wait3A_299 : memref<1x128x128xf32, #tpu.memory_space<vmem>> -> memref<128x128xf32, #tpu.memory_space<vmem>>
            %dma_wait3A_301 = arith.constant 0 : i32
            %dma_wait3A_302 = tpu.memref_slice %arg4[%mul3A_297, %dma_wait3A_301] : memref<18432x128xf32, #tpu.memory_space<hbm>> -> memref<128x128xf32, #tpu.memory_space<hbm>>
            %dma_wait3A_303 = tpu.memref_slice %run_scoped3A_19[%rem3A_295] : memref<2x!tpu.dma_semaphore, #tpu.memory_space<semaphore_mem>> -> memref<1x!tpu.dma_semaphore, #tpu.memory_space<semaphore_mem>>
            %dma_wait3A_304 = tpu.memref_squeeze %dma_wait3A_303 : memref<1x!tpu.dma_semaphore, #tpu.memory_space<semaphore_mem>> -> memref<!tpu.dma_semaphore, #tpu.memory_space<semaphore_mem>>
            %dma_wait3A_305 = arith.constant 0 : i32
            %dma_wait3A_306 = tpu.memref_slice %arg4[%mul3A_297, %dma_wait3A_305] : memref<18432x128xf32, #tpu.memory_space<hbm>> -> memref<128x128xf32, #tpu.memory_space<hbm>>
            %dma_wait3A_307 = arith.constant 0 : i32
            %dma_wait3A_308 = arith.constant 0 : i32
            %dma_wait3A_309 = tpu.memref_slice %run_scoped3A_18[%rem3A_295, %dma_wait3A_307, %dma_wait3A_308] : memref<2x128x128xf32, #tpu.memory_space<vmem>> -> memref<1x128x128xf32, #tpu.memory_space<vmem>>
            %dma_wait3A_310 = tpu.memref_squeeze %dma_wait3A_309 : memref<1x128x128xf32, #tpu.memory_space<vmem>> -> memref<128x128xf32, #tpu.memory_space<vmem>>
            tpu.wait_dma2 semaphore(%dma_wait3A_304 : memref<!tpu.dma_semaphore, #tpu.memory_space<semaphore_mem>>) src(%dma_wait3A_310 : memref<128x128xf32, #tpu.memory_space<vmem>>) dst(%dma_wait3A_306 : memref<128x128xf32, #tpu.memory_space<hbm>>)
            "tpu.trace_stop"() : () -> ()
          } else {
          }
          %and3A_275 = arith.constant true
          %and3A_276 = arith.andi %and3A_271, %and3A_275 : i1
          %add3A_277 = arith.constant 1 : i32
          %add3A_278 = arith.addi %while3A_146, %add3A_277 : i32
          %select_n3A_279 = arith.select %and3A_276, %add3A_278, %while3A_146 : i32
          %ne3A_280 = arith.cmpi ne, %add3A_155, %add3A_173 : i32
          %or3A_281 = arith.constant false
          %or3A_282 = arith.ori %or3A_281, %ne3A_280 : i1
          %or3A_283 = arith.ori %or3A_282, %eq3A_154 : i1
          %add3A_284 = arith.constant 1 : i32
          %add3A_285 = arith.addi %while3A_144, %add3A_284 : i32
          %select_n3A_286 = arith.select %or3A_283, %add3A_285, %while3A_144 : i32
          %add3A_287 = arith.constant 1 : i32
          %add3A_288 = arith.addi %while3A_147, %add3A_287 : i32
          %select_n3A_289 = arith.constant true
          %select_n3A_290 = arith.select %select_n3A_289, %add3A_288, %while3A_147 : i32
          %eq3A_291 = arith.cmpi eq, %select_n3A_290, %select_n3A : i32
          %select_n3A_292 = arith.constant 0 : i32
          %select_n3A_293 = arith.select %eq3A_291, %select_n3A_292, %select_n3A_290 : i32
          scf.yield %select_n3A_195, %select_n3A_286, %select_n3A_252, %select_n3A_279, %select_n3A_293 : i32, i32, i32, i32, i32
        }
        %sub3A_91 = arith.constant 1 : i32
        %sub3A_92 = arith.subi %while3A_90#4, %sub3A_91 : i32
        %select_n3A_93 = arith.constant true
        %select_n3A_94 = arith.select %select_n3A_93, %sub3A_92, %while3A_90#4 : i32
        %eq3A_95 = arith.constant -1 : i32
        %eq3A_96 = arith.cmpi eq, %select_n3A_94, %eq3A_95 : i32
        %sub3A_97 = arith.constant 1 : i32
        %sub3A_98 = arith.subi %select_n3A, %sub3A_97 : i32
        %select_n3A_99 = arith.select %eq3A_96, %sub3A_98, %select_n3A_94 : i32
        %sub3A_100 = arith.constant 1 : i32
        %sub3A_101 = arith.subi %mul3A_16, %sub3A_100 : i32
        %mul3A_102 = arith.constant 1 : i32
        %mul3A_103 = arith.muli %mul3A_102, %select_n3A : i32
        %eq3A_104 = arith.constant 0 : i32
        %eq3A_105 = arith.cmpi eq, %sub3A_101, %eq3A_104 : i32
        %sub3A_106 = arith.constant 1 : i32
        %sub3A_107 = arith.subi %mul3A_103, %sub3A_106 : i32
        %eq3A_108 = arith.cmpi eq, %sub3A_101, %sub3A_107 : i32
        %add3A_109 = arith.addi %select_n3A_99, %select_n3A_14 : i32
        %sub3A_110 = arith.constant 1 : i32
        %sub3A_111 = arith.subi %select_n3A_99, %sub3A_110 : i32
        %select_n3A_112 = arith.constant true
        %select_n3A_113 = arith.select %select_n3A_112, %sub3A_111, %select_n3A_99 : i32
        %eq3A_114 = arith.constant -1 : i32
        %eq3A_115 = arith.cmpi eq, %select_n3A_113, %eq3A_114 : i32
        %sub3A_116 = arith.constant 1 : i32
        %sub3A_117 = arith.subi %select_n3A, %sub3A_116 : i32
        %select_n3A_118 = arith.select %eq3A_115, %sub3A_117, %select_n3A_113 : i32
        %add3A_119 = arith.addi %select_n3A_118, %select_n3A_14 : i32
        %add3A_120 = arith.constant 1 : i32
        %add3A_121 = arith.addi %select_n3A_99, %add3A_120 : i32
        %select_n3A_122 = arith.constant true
        %select_n3A_123 = arith.select %select_n3A_122, %add3A_121, %select_n3A_99 : i32
        %eq3A_124 = arith.cmpi eq, %select_n3A_123, %select_n3A : i32
        %select_n3A_125 = arith.constant 0 : i32
        %select_n3A_126 = arith.select %eq3A_124, %select_n3A_125, %select_n3A_123 : i32
        %add3A_127 = arith.addi %select_n3A_126, %select_n3A_14 : i32
        %add3A_128 = arith.constant 1 : i32
        %add3A_129 = arith.addi %select_n3A_126, %add3A_128 : i32
        %select_n3A_130 = arith.constant true
        %select_n3A_131 = arith.select %select_n3A_130, %add3A_129, %select_n3A_126 : i32
        %eq3A_132 = arith.cmpi eq, %select_n3A_131, %select_n3A : i32
        %select_n3A_133 = arith.constant 0 : i32
        %select_n3A_134 = arith.select %eq3A_132, %select_n3A_133, %select_n3A_131 : i32
        %add3A_135 = arith.addi %select_n3A_134, %select_n3A_14 : i32
        %convert_element_type3A_136 = arith.extui %eq3A_108 : i1 to i32
        %cond3A_137 = arith.constant 0 : i32
        %cond3A_138 = arith.cmpi ne, %convert_element_type3A_136, %cond3A_137 : i32
        scf.if %cond3A_138 {
        } else {
        }
        %convert_element_type3A_139 = arith.extui %eq3A_108 : i1 to i32
        %cond3A_140 = arith.constant 0 : i32
        %cond3A_141 = arith.cmpi ne, %convert_element_type3A_139, %cond3A_140 : i32
        scf.if %cond3A_141 {
          "tpu.trace_start"() <{level = 10 : i32, message = "ep_finalize"}> : () -> ()
          %rem3A_142 = arith.constant 2 : i32
          %rem3A_143 = arith.remui %while3A_90#3, %rem3A_142 : i32
          %mul3A_144 = arith.constant 128 : i32
          %mul3A_145 = arith.muli %mul3A_144, %add3A_109 : i32
          %dma_wait3A = arith.constant 0 : i32
          %dma_wait3A_146 = arith.constant 0 : i32
          %dma_wait3A_147 = tpu.memref_slice %run_scoped3A_18[%rem3A_143, %dma_wait3A, %dma_wait3A_146] : memref<2x128x128xf32, #tpu.memory_space<vmem>> -> memref<1x128x128xf32, #tpu.memory_space<vmem>>
          %dma_wait3A_148 = tpu.memref_squeeze %dma_wait3A_147 : memref<1x128x128xf32, #tpu.memory_space<vmem>> -> memref<128x128xf32, #tpu.memory_space<vmem>>
          %dma_wait3A_149 = arith.constant 0 : i32
          %dma_wait3A_150 = tpu.memref_slice %arg4[%mul3A_145, %dma_wait3A_149] : memref<18432x128xf32, #tpu.memory_space<hbm>> -> memref<128x128xf32, #tpu.memory_space<hbm>>
          %dma_wait3A_151 = tpu.memref_slice %run_scoped3A_19[%rem3A_143] : memref<2x!tpu.dma_semaphore, #tpu.memory_space<semaphore_mem>> -> memref<1x!tpu.dma_semaphore, #tpu.memory_space<semaphore_mem>>
          %dma_wait3A_152 = tpu.memref_squeeze %dma_wait3A_151 : memref<1x!tpu.dma_semaphore, #tpu.memory_space<semaphore_mem>> -> memref<!tpu.dma_semaphore, #tpu.memory_space<semaphore_mem>>
          %dma_wait3A_153 = arith.constant 0 : i32
          %dma_wait3A_154 = tpu.memref_slice %arg4[%mul3A_145, %dma_wait3A_153] : memref<18432x128xf32, #tpu.memory_space<hbm>> -> memref<128x128xf32, #tpu.memory_space<hbm>>
          %dma_wait3A_155 = arith.constant 0 : i32
          %dma_wait3A_156 = arith.constant 0 : i32
          %dma_wait3A_157 = tpu.memref_slice %run_scoped3A_18[%rem3A_143, %dma_wait3A_155, %dma_wait3A_156] : memref<2x128x128xf32, #tpu.memory_space<vmem>> -> memref<1x128x128xf32, #tpu.memory_space<vmem>>
          %dma_wait3A_158 = tpu.memref_squeeze %dma_wait3A_157 : memref<1x128x128xf32, #tpu.memory_space<vmem>> -> memref<128x128xf32, #tpu.memory_space<vmem>>
          tpu.wait_dma2 semaphore(%dma_wait3A_152 : memref<!tpu.dma_semaphore, #tpu.memory_space<semaphore_mem>>) src(%dma_wait3A_158 : memref<128x128xf32, #tpu.memory_space<vmem>>) dst(%dma_wait3A_154 : memref<128x128xf32, #tpu.memory_space<hbm>>)
          "tpu.trace_stop"() : () -> ()
        } else {
        }
      } else {
      }
      tpu.yield
    }) : () -> ()
    return
  }
}

module attributes {stable_mosaic.version = 14 : i64} {
  func.func @_read_attn_body(%arg0: i32, %arg1: memref<1x8x768xf32, #tpu.memory_space<vmem>>, %arg2: memref<1x2048x768xf32, #tpu.memory_space<vmem>>, %arg3: memref<1x2048x768xf32, #tpu.memory_space<vmem>>, %arg4: memref<1x768xf32, #tpu.memory_space<vmem>>, %arg5: memref<1x768xf32, #tpu.memory_space<vmem>>, %arg6: memref<1x768xf32, #tpu.memory_space<vmem>>, %arg7: memref<1x768xf32, #tpu.memory_space<vmem>>, %arg8: memref<1x768xf32, #tpu.memory_space<vmem>>, %arg9: memref<3x768x768xf32, #tpu.memory_space<vmem>>, %arg10: memref<1x768xf32, #tpu.memory_space<vmem>>, %arg11: memref<1x768xf32, #tpu.memory_space<vmem>>, %arg12: memref<1x768xf32, #tpu.memory_space<vmem>>, %arg13: memref<768x768xf32, #tpu.memory_space<vmem>>, %arg14: memref<1x768xf32, #tpu.memory_space<vmem>>, %arg15: memref<1x4x768xf32, #tpu.memory_space<vmem>>) attributes {dimension_semantics = [#tpu.dimension_semantics<arbitrary>], iteration_bounds = array<i64: 2>, scalar_prefetch = 0 : i64, scratch_operands = 0 : i64, tpu.core_type = #tpu.core_type<tc>, window_params = [{transform_indices = @transform_0, window_bounds = array<i64: 1, 8, 768>}, {transform_indices = @transform_1, window_bounds = array<i64: 1, 2048, 768>}, {transform_indices = @transform_2, window_bounds = array<i64: 1, 2048, 768>}, {pipeline_mode = #tpu.pipeline_mode<synchronous>, transform_indices = @transform_3, window_bounds = array<i64: 1, 768>}, {pipeline_mode = #tpu.pipeline_mode<synchronous>, transform_indices = @transform_4, window_bounds = array<i64: 1, 768>}, {pipeline_mode = #tpu.pipeline_mode<synchronous>, transform_indices = @transform_5, window_bounds = array<i64: 1, 768>}, {pipeline_mode = #tpu.pipeline_mode<synchronous>, transform_indices = @transform_6, window_bounds = array<i64: 1, 768>}, {pipeline_mode = #tpu.pipeline_mode<synchronous>, transform_indices = @transform_7, window_bounds = array<i64: 1, 768>}, {pipeline_mode = #tpu.pipeline_mode<synchronous>, transform_indices = @transform_8, window_bounds = array<i64: 3, 768, 768>}, {pipeline_mode = #tpu.pipeline_mode<synchronous>, transform_indices = @transform_9, window_bounds = array<i64: 1, 768>}, {pipeline_mode = #tpu.pipeline_mode<synchronous>, transform_indices = @transform_10, window_bounds = array<i64: 1, 768>}, {pipeline_mode = #tpu.pipeline_mode<synchronous>, transform_indices = @transform_11, window_bounds = array<i64: 1, 768>}, {pipeline_mode = #tpu.pipeline_mode<synchronous>, transform_indices = @transform_12, window_bounds = array<i64: 768, 768>}, {pipeline_mode = #tpu.pipeline_mode<synchronous>, transform_indices = @transform_13, window_bounds = array<i64: 1, 768>}, {transform_indices = @transform_14, window_bounds = array<i64: 1, 4, 768>}]} {
    %get3A = arith.constant 0 : index
    %get3A_0 = arith.constant 0 : index
    %get3A_1 = arith.constant 0 : index
    %get3A_2 = vector.load %arg1[%get3A, %get3A_0, %get3A_1] : memref<1x8x768xf32, #tpu.memory_space<vmem>>, vector<1x8x768xf32>
    %get3A_3 = vector.shape_cast %get3A_2 : vector<1x8x768xf32> to vector<8x768xf32>
    %convert_element_type3A = arith.truncf %get3A_3 : vector<8x768xf32> to vector<8x768xbf16>
    %convert_element_type3A_4 = arith.extf %convert_element_type3A : vector<8x768xbf16> to vector<8x768xf32>
    %get3A_5 = arith.constant 0 : index
    %get3A_6 = arith.constant 0 : index
    %get3A_7 = vector.load %arg4[%get3A_5, %get3A_6] : memref<1x768xf32, #tpu.memory_space<vmem>>, vector<1x768xf32>
    %convert_element_type3A_8 = arith.truncf %get3A_7 : vector<1x768xf32> to vector<1x768xbf16>
    %convert_element_type3A_9 = arith.extf %convert_element_type3A_8 : vector<1x768xbf16> to vector<1x768xf32>
    %mul3A = vector.broadcast %convert_element_type3A_9 : vector<1x768xf32> to vector<8x768xf32>
    %mul3A_10 = arith.mulf %convert_element_type3A_4, %mul3A : vector<8x768xf32>
    %reduce_sum3A = arith.constant dense<0.000000e+00> : vector<8xf32>
    %reduce_sum3A_11 = vector.multi_reduction <add>, %mul3A_10, %reduce_sum3A [1] : vector<8x768xf32> to vector<8xf32>
    %broadcast_in_dim3A = vector.shape_cast %reduce_sum3A_11 : vector<8xf32> to vector<8x1xf32>
    %reshape3A = vector.shape_cast %broadcast_in_dim3A : vector<8x1xf32> to vector<1x8xf32>
    %iota3A = tpu.iota {dimensions = array<i32: 1>} : vector<1x8xi32>
    %convert_element_type3A_12 = arith.sitofp %iota3A : vector<1x8xi32> to vector<1x8xf32>
    %reduce_max3A = arith.constant dense<0xFF800000> : vector<1xf32>
    %reduce_max3A_13 = vector.multi_reduction <maximumf>, %reshape3A, %reduce_max3A [1] : vector<1x8xf32> to vector<1xf32>
    %broadcast_in_dim3A_14 = vector.shape_cast %reduce_max3A_13 : vector<1xf32> to vector<1x1xf32>
    %ge3A = vector.broadcast %broadcast_in_dim3A_14 : vector<1x1xf32> to vector<1x8xf32>
    %ge3A_15 = arith.cmpf oge, %reshape3A, %ge3A : vector<1x8xf32>
    %jit3A = arith.constant 8.000000e+00 : f32
    %broadcast_in_dim3A_16 = vector.broadcast %jit3A : f32 to vector<1x8xf32>
    %select_n3A = arith.select %ge3A_15, %convert_element_type3A_12, %broadcast_in_dim3A_16 : vector<1x8xi1>, vector<1x8xf32>
    %reduce_min3A = arith.constant dense<0x7F800000> : vector<1xf32>
    %reduce_min3A_17 = vector.multi_reduction <minimumf>, %select_n3A, %reduce_min3A [1] : vector<1x8xf32> to vector<1xf32>
    %broadcast_in_dim3A_18 = vector.shape_cast %reduce_min3A_17 : vector<1xf32> to vector<1x1xf32>
    %eq3A = vector.broadcast %broadcast_in_dim3A_18 : vector<1x1xf32> to vector<1x8xf32>
    %eq3A_19 = arith.cmpf oeq, %convert_element_type3A_12, %eq3A : vector<1x8xf32>
    %convert_element_type3A_20 = arith.extui %eq3A_19 : vector<1x8xi1> to vector<1x8xi32>
    %convert_element_type3A_21 = arith.sitofp %convert_element_type3A_20 : vector<1x8xi32> to vector<1x8xf32>
    %gt3A = arith.constant 0.000000e+00 : f32
    %gt3A_22 = vector.broadcast %gt3A : f32 to vector<1x8xf32>
    %gt3A_23 = arith.cmpf ogt, %convert_element_type3A_21, %gt3A_22 : vector<1x8xf32>
    %jit3A_24 = arith.constant -1.000000e+30 : f32
    %broadcast_in_dim3A_25 = vector.broadcast %jit3A_24 : f32 to vector<1x8xf32>
    %select_n3A_26 = arith.select %gt3A_23, %broadcast_in_dim3A_25, %reshape3A : vector<1x8xi1>, vector<1x8xf32>
    %reduce_max3A_27 = arith.constant dense<0xFF800000> : vector<1xf32>
    %reduce_max3A_28 = vector.multi_reduction <maximumf>, %select_n3A_26, %reduce_max3A_27 [1] : vector<1x8xf32> to vector<1xf32>
    %broadcast_in_dim3A_29 = vector.shape_cast %reduce_max3A_28 : vector<1xf32> to vector<1x1xf32>
    %ge3A_30 = vector.broadcast %broadcast_in_dim3A_29 : vector<1x1xf32> to vector<1x8xf32>
    %ge3A_31 = arith.cmpf oge, %select_n3A_26, %ge3A_30 : vector<1x8xf32>
    %jit3A_32 = arith.constant 8.000000e+00 : f32
    %broadcast_in_dim3A_33 = vector.broadcast %jit3A_32 : f32 to vector<1x8xf32>
    %select_n3A_34 = arith.select %ge3A_31, %convert_element_type3A_12, %broadcast_in_dim3A_33 : vector<1x8xi1>, vector<1x8xf32>
    %reduce_min3A_35 = arith.constant dense<0x7F800000> : vector<1xf32>
    %reduce_min3A_36 = vector.multi_reduction <minimumf>, %select_n3A_34, %reduce_min3A_35 [1] : vector<1x8xf32> to vector<1xf32>
    %broadcast_in_dim3A_37 = vector.shape_cast %reduce_min3A_36 : vector<1xf32> to vector<1x1xf32>
    %eq3A_38 = vector.broadcast %broadcast_in_dim3A_37 : vector<1x1xf32> to vector<1x8xf32>
    %eq3A_39 = arith.cmpf oeq, %convert_element_type3A_12, %eq3A_38 : vector<1x8xf32>
    %convert_element_type3A_40 = arith.extui %eq3A_39 : vector<1x8xi1> to vector<1x8xi32>
    %convert_element_type3A_41 = arith.sitofp %convert_element_type3A_40 : vector<1x8xi32> to vector<1x8xf32>
    %gt3A_42 = arith.constant 0.000000e+00 : f32
    %gt3A_43 = vector.broadcast %gt3A_42 : f32 to vector<1x8xf32>
    %gt3A_44 = arith.cmpf ogt, %convert_element_type3A_41, %gt3A_43 : vector<1x8xf32>
    %jit3A_45 = arith.constant -1.000000e+30 : f32
    %broadcast_in_dim3A_46 = vector.broadcast %jit3A_45 : f32 to vector<1x8xf32>
    %select_n3A_47 = arith.select %gt3A_44, %broadcast_in_dim3A_46, %select_n3A_26 : vector<1x8xi1>, vector<1x8xf32>
    %reduce_max3A_48 = arith.constant dense<0xFF800000> : vector<1xf32>
    %reduce_max3A_49 = vector.multi_reduction <maximumf>, %select_n3A_47, %reduce_max3A_48 [1] : vector<1x8xf32> to vector<1xf32>
    %broadcast_in_dim3A_50 = vector.shape_cast %reduce_max3A_49 : vector<1xf32> to vector<1x1xf32>
    %ge3A_51 = vector.broadcast %broadcast_in_dim3A_50 : vector<1x1xf32> to vector<1x8xf32>
    %ge3A_52 = arith.cmpf oge, %select_n3A_47, %ge3A_51 : vector<1x8xf32>
    %jit3A_53 = arith.constant 8.000000e+00 : f32
    %broadcast_in_dim3A_54 = vector.broadcast %jit3A_53 : f32 to vector<1x8xf32>
    %select_n3A_55 = arith.select %ge3A_52, %convert_element_type3A_12, %broadcast_in_dim3A_54 : vector<1x8xi1>, vector<1x8xf32>
    %reduce_min3A_56 = arith.constant dense<0x7F800000> : vector<1xf32>
    %reduce_min3A_57 = vector.multi_reduction <minimumf>, %select_n3A_55, %reduce_min3A_56 [1] : vector<1x8xf32> to vector<1xf32>
    %broadcast_in_dim3A_58 = vector.shape_cast %reduce_min3A_57 : vector<1xf32> to vector<1x1xf32>
    %eq3A_59 = vector.broadcast %broadcast_in_dim3A_58 : vector<1x1xf32> to vector<1x8xf32>
    %eq3A_60 = arith.cmpf oeq, %convert_element_type3A_12, %eq3A_59 : vector<1x8xf32>
    %convert_element_type3A_61 = arith.extui %eq3A_60 : vector<1x8xi1> to vector<1x8xi32>
    %convert_element_type3A_62 = arith.sitofp %convert_element_type3A_61 : vector<1x8xi32> to vector<1x8xf32>
    %gt3A_63 = arith.constant 0.000000e+00 : f32
    %gt3A_64 = vector.broadcast %gt3A_63 : f32 to vector<1x8xf32>
    %gt3A_65 = arith.cmpf ogt, %convert_element_type3A_62, %gt3A_64 : vector<1x8xf32>
    %jit3A_66 = arith.constant -1.000000e+30 : f32
    %broadcast_in_dim3A_67 = vector.broadcast %jit3A_66 : f32 to vector<1x8xf32>
    %select_n3A_68 = arith.select %gt3A_65, %broadcast_in_dim3A_67, %select_n3A_47 : vector<1x8xi1>, vector<1x8xf32>
    %reduce_max3A_69 = arith.constant dense<0xFF800000> : vector<1xf32>
    %reduce_max3A_70 = vector.multi_reduction <maximumf>, %select_n3A_68, %reduce_max3A_69 [1] : vector<1x8xf32> to vector<1xf32>
    %broadcast_in_dim3A_71 = vector.shape_cast %reduce_max3A_70 : vector<1xf32> to vector<1x1xf32>
    %ge3A_72 = vector.broadcast %broadcast_in_dim3A_71 : vector<1x1xf32> to vector<1x8xf32>
    %ge3A_73 = arith.cmpf oge, %select_n3A_68, %ge3A_72 : vector<1x8xf32>
    %jit3A_74 = arith.constant 8.000000e+00 : f32
    %broadcast_in_dim3A_75 = vector.broadcast %jit3A_74 : f32 to vector<1x8xf32>
    %select_n3A_76 = arith.select %ge3A_73, %convert_element_type3A_12, %broadcast_in_dim3A_75 : vector<1x8xi1>, vector<1x8xf32>
    %reduce_min3A_77 = arith.constant dense<0x7F800000> : vector<1xf32>
    %reduce_min3A_78 = vector.multi_reduction <minimumf>, %select_n3A_76, %reduce_min3A_77 [1] : vector<1x8xf32> to vector<1xf32>
    %broadcast_in_dim3A_79 = vector.shape_cast %reduce_min3A_78 : vector<1xf32> to vector<1x1xf32>
    %eq3A_80 = vector.broadcast %broadcast_in_dim3A_79 : vector<1x1xf32> to vector<1x8xf32>
    %eq3A_81 = arith.cmpf oeq, %convert_element_type3A_12, %eq3A_80 : vector<1x8xf32>
    %convert_element_type3A_82 = arith.extui %eq3A_81 : vector<1x8xi1> to vector<1x8xi32>
    %convert_element_type3A_83 = arith.sitofp %convert_element_type3A_82 : vector<1x8xi32> to vector<1x8xf32>
    %add3A = arith.addf %convert_element_type3A_21, %convert_element_type3A_41 : vector<1x8xf32>
    %add3A_84 = arith.addf %add3A, %convert_element_type3A_62 : vector<1x8xf32>
    %add3A_85 = arith.addf %add3A_84, %convert_element_type3A_83 : vector<1x8xf32>
    %reduce_max3A_86 = arith.constant dense<0xFF800000> : vector<1xf32>
    %reduce_max3A_87 = vector.multi_reduction <maximumf>, %reshape3A, %reduce_max3A_86 [1] : vector<1x8xf32> to vector<1xf32>
    %max3A = arith.constant 0xFF800000 : f32
    %max3A_88 = vector.broadcast %max3A : f32 to vector<1xf32>
    %max3A_89 = arith.maximumf %max3A_88, %reduce_max3A_87 : vector<1xf32>
    %broadcast_in_dim3A_90 = vector.shape_cast %max3A_89 : vector<1xf32> to vector<1x1xf32>
    %sub3A = vector.broadcast %broadcast_in_dim3A_90 : vector<1x1xf32> to vector<1x8xf32>
    %sub3A_91 = arith.subf %reshape3A, %sub3A : vector<1x8xf32>
    %exp3A = math.exp %sub3A_91 : vector<1x8xf32>
    %reduce_sum3A_92 = arith.constant dense<0.000000e+00> : vector<1xf32>
    %reduce_sum3A_93 = vector.multi_reduction <add>, %exp3A, %reduce_sum3A_92 [1] : vector<1x8xf32> to vector<1xf32>
    %broadcast_in_dim3A_94 = vector.shape_cast %reduce_sum3A_93 : vector<1xf32> to vector<1x1xf32>
    %div3A = vector.broadcast %broadcast_in_dim3A_94 : vector<1x1xf32> to vector<1x8xf32>
    %div3A_95 = arith.divf %exp3A, %div3A : vector<1x8xf32>
    %mul3A_96 = arith.mulf %div3A_95, %add3A_85 : vector<1x8xf32>
    %reduce_sum3A_97 = arith.constant dense<0.000000e+00> : vector<1xf32>
    %reduce_sum3A_98 = vector.multi_reduction <add>, %mul3A_96, %reduce_sum3A_97 [1] : vector<1x8xf32> to vector<1xf32>
    %broadcast_in_dim3A_99 = vector.shape_cast %reduce_sum3A_98 : vector<1xf32> to vector<1x1xf32>
    %add3A_100 = arith.constant 9.99999971E-10 : f32
    %add3A_101 = vector.broadcast %add3A_100 : f32 to vector<1x1xf32>
    %add3A_102 = arith.addf %broadcast_in_dim3A_99, %add3A_101 : vector<1x1xf32>
    %div3A_103 = vector.broadcast %add3A_102 : vector<1x1xf32> to vector<1x8xf32>
    %div3A_104 = arith.divf %mul3A_96, %div3A_103 : vector<1x8xf32>
    %concatenate3A = tpu.concatenate %convert_element_type3A_21, %convert_element_type3A_41, %convert_element_type3A_62, %convert_element_type3A_83 in 0 : vector<1x8xf32>, vector<1x8xf32>, vector<1x8xf32>, vector<1x8xf32> -> vector<4x8xf32>
    %mul3A_105 = arith.mulf %div3A_104, %convert_element_type3A_21 : vector<1x8xf32>
    %reduce_sum3A_106 = arith.constant dense<0.000000e+00> : vector<1xf32>
    %reduce_sum3A_107 = vector.multi_reduction <add>, %mul3A_105, %reduce_sum3A_106 [1] : vector<1x8xf32> to vector<1xf32>
    %broadcast_in_dim3A_108 = vector.shape_cast %reduce_sum3A_107 : vector<1xf32> to vector<1x1xf32>
    %mul3A_109 = arith.mulf %div3A_104, %convert_element_type3A_41 : vector<1x8xf32>
    %reduce_sum3A_110 = arith.constant dense<0.000000e+00> : vector<1xf32>
    %reduce_sum3A_111 = vector.multi_reduction <add>, %mul3A_109, %reduce_sum3A_110 [1] : vector<1x8xf32> to vector<1xf32>
    %broadcast_in_dim3A_112 = vector.shape_cast %reduce_sum3A_111 : vector<1xf32> to vector<1x1xf32>
    %mul3A_113 = arith.mulf %div3A_104, %convert_element_type3A_62 : vector<1x8xf32>
    %reduce_sum3A_114 = arith.constant dense<0.000000e+00> : vector<1xf32>
    %reduce_sum3A_115 = vector.multi_reduction <add>, %mul3A_113, %reduce_sum3A_114 [1] : vector<1x8xf32> to vector<1xf32>
    %broadcast_in_dim3A_116 = vector.shape_cast %reduce_sum3A_115 : vector<1xf32> to vector<1x1xf32>
    %mul3A_117 = arith.mulf %div3A_104, %convert_element_type3A_83 : vector<1x8xf32>
    %reduce_sum3A_118 = arith.constant dense<0.000000e+00> : vector<1xf32>
    %reduce_sum3A_119 = vector.multi_reduction <add>, %mul3A_117, %reduce_sum3A_118 [1] : vector<1x8xf32> to vector<1xf32>
    %broadcast_in_dim3A_120 = vector.shape_cast %reduce_sum3A_119 : vector<1xf32> to vector<1x1xf32>
    %concatenate3A_121 = tpu.concatenate %broadcast_in_dim3A_108, %broadcast_in_dim3A_112, %broadcast_in_dim3A_116, %broadcast_in_dim3A_120 in 0 : vector<1x1xf32>, vector<1x1xf32>, vector<1x1xf32>, vector<1x1xf32> -> vector<4x1xf32>
    %mul3A_122 = vector.broadcast %concatenate3A_121 : vector<4x1xf32> to vector<4x8xf32>
    %mul3A_123 = arith.mulf %concatenate3A, %mul3A_122 : vector<4x8xf32>
    %dot_general3A = arith.constant dense<0.000000e+00> : vector<4x768xf32>
    %dot_general3A_124 = tpu.matmul %mul3A_123, %get3A_3, %dot_general3A {dimension_numbers = #tpu.dot_dimension_numbers<[1], [0], [0], [1], [0, 0, 1, 1], [], []>, transpose_lhs_hint = false} : vector<4x8xf32>, vector<8x768xf32>, vector<4x768xf32> -> vector<4x768xf32>
    %get3A_125 = arith.constant 0 : index
    %get3A_126 = arith.constant 0 : index
    %get3A_127 = vector.load %arg5[%get3A_125, %get3A_126] : memref<1x768xf32, #tpu.memory_space<vmem>>, vector<1x768xf32>
    %get3A_128 = arith.constant 0 : index
    %get3A_129 = arith.constant 0 : index
    %get3A_130 = vector.load %arg6[%get3A_128, %get3A_129] : memref<1x768xf32, #tpu.memory_space<vmem>>, vector<1x768xf32>
    %reduce_sum3A_131 = arith.constant dense<0.000000e+00> : vector<4xf32>
    %reduce_sum3A_132 = vector.multi_reduction <add>, %dot_general3A_124, %reduce_sum3A_131 [1] : vector<4x768xf32> to vector<4xf32>
    %broadcast_in_dim3A_133 = vector.shape_cast %reduce_sum3A_132 : vector<4xf32> to vector<4x1xf32>
    %div3A_134 = arith.constant 7.680000e+02 : f32
    %div3A_135 = vector.broadcast %div3A_134 : f32 to vector<4x1xf32>
    %div3A_136 = arith.divf %broadcast_in_dim3A_133, %div3A_135 : vector<4x1xf32>
    %sub3A_137 = vector.broadcast %div3A_136 : vector<4x1xf32> to vector<4x768xf32>
    %sub3A_138 = arith.subf %dot_general3A_124, %sub3A_137 : vector<4x768xf32>
    %integer_pow3A = arith.mulf %sub3A_138, %sub3A_138 : vector<4x768xf32>
    %reduce_sum3A_139 = arith.constant dense<0.000000e+00> : vector<4xf32>
    %reduce_sum3A_140 = vector.multi_reduction <add>, %integer_pow3A, %reduce_sum3A_139 [1] : vector<4x768xf32> to vector<4xf32>
    %broadcast_in_dim3A_141 = vector.shape_cast %reduce_sum3A_140 : vector<4xf32> to vector<4x1xf32>
    %div3A_142 = arith.constant 7.680000e+02 : f32
    %div3A_143 = vector.broadcast %div3A_142 : f32 to vector<4x1xf32>
    %div3A_144 = arith.divf %broadcast_in_dim3A_141, %div3A_143 : vector<4x1xf32>
    %sub3A_145 = vector.broadcast %div3A_136 : vector<4x1xf32> to vector<4x768xf32>
    %sub3A_146 = arith.subf %dot_general3A_124, %sub3A_145 : vector<4x768xf32>
    %add3A_147 = arith.constant 9.99999974E-6 : f32
    %add3A_148 = vector.broadcast %add3A_147 : f32 to vector<4x1xf32>
    %add3A_149 = arith.addf %div3A_144, %add3A_148 : vector<4x1xf32>
    %rsqrt3A = math.rsqrt %add3A_149 : vector<4x1xf32>
    %mul3A_150 = vector.broadcast %rsqrt3A : vector<4x1xf32> to vector<4x768xf32>
    %mul3A_151 = arith.mulf %sub3A_146, %mul3A_150 : vector<4x768xf32>
    %mul3A_152 = vector.broadcast %get3A_127 : vector<1x768xf32> to vector<4x768xf32>
    %mul3A_153 = arith.mulf %mul3A_151, %mul3A_152 : vector<4x768xf32>
    %add3A_154 = vector.broadcast %get3A_130 : vector<1x768xf32> to vector<4x768xf32>
    %add3A_155 = arith.addf %mul3A_153, %add3A_154 : vector<4x768xf32>
    %get3A_156 = arith.constant 0 : index
    %get3A_157 = arith.constant 0 : index
    %get3A_158 = arith.constant 0 : index
    %get3A_159 = vector.load %arg9[%get3A_156, %get3A_157, %get3A_158] : memref<3x768x768xf32, #tpu.memory_space<vmem>>, vector<1x768x768xf32>
    %get3A_160 = vector.shape_cast %get3A_159 : vector<1x768x768xf32> to vector<768x768xf32>
    %convert_element_type3A_161 = arith.truncf %add3A_155 : vector<4x768xf32> to vector<4x768xbf16>
    %convert_element_type3A_162 = arith.truncf %get3A_160 : vector<768x768xf32> to vector<768x768xbf16>
    %dot_general3A_163 = arith.constant dense<0.000000e+00> : vector<4x768xf32>
    %dot_general3A_164 = tpu.matmul %convert_element_type3A_161, %convert_element_type3A_162, %dot_general3A_163 {dimension_numbers = #tpu.dot_dimension_numbers<[1], [1], [0], [0], [0, 0, 1, 0], [], []>, transpose_lhs_hint = false} : vector<4x768xbf16>, vector<768x768xbf16>, vector<4x768xf32> -> vector<4x768xf32>
    %get3A_165 = arith.constant 0 : index
    %get3A_166 = arith.constant 0 : index
    %get3A_167 = vector.load %arg10[%get3A_165, %get3A_166] : memref<1x768xf32, #tpu.memory_space<vmem>>, vector<1x768xf32>
    %add3A_168 = vector.broadcast %get3A_167 : vector<1x768xf32> to vector<4x768xf32>
    %add3A_169 = arith.addf %dot_general3A_164, %add3A_168 : vector<4x768xf32>
    %mul3A_170 = arith.constant 1.250000e-01 : f32
    %mul3A_171 = vector.broadcast %mul3A_170 : f32 to vector<4x768xf32>
    %mul3A_172 = arith.mulf %add3A_169, %mul3A_171 : vector<4x768xf32>
    %get3A_173 = arith.constant 0 : index
    %get3A_174 = arith.constant 0 : index
    %get3A_175 = vector.load %arg7[%get3A_173, %get3A_174] : memref<1x768xf32, #tpu.memory_space<vmem>>, vector<1x768xf32>
    %get3A_176 = arith.constant 0 : index
    %get3A_177 = arith.constant 0 : index
    %get3A_178 = vector.load %arg8[%get3A_176, %get3A_177] : memref<1x768xf32, #tpu.memory_space<vmem>>, vector<1x768xf32>
    %reduce_sum3A_179 = arith.constant dense<0.000000e+00> : vector<4xf32>
    %reduce_sum3A_180 = vector.multi_reduction <add>, %dot_general3A_124, %reduce_sum3A_179 [1] : vector<4x768xf32> to vector<4xf32>
    %broadcast_in_dim3A_181 = vector.shape_cast %reduce_sum3A_180 : vector<4xf32> to vector<4x1xf32>
    %div3A_182 = arith.constant 7.680000e+02 : f32
    %div3A_183 = vector.broadcast %div3A_182 : f32 to vector<4x1xf32>
    %div3A_184 = arith.divf %broadcast_in_dim3A_181, %div3A_183 : vector<4x1xf32>
    %sub3A_185 = vector.broadcast %div3A_184 : vector<4x1xf32> to vector<4x768xf32>
    %sub3A_186 = arith.subf %dot_general3A_124, %sub3A_185 : vector<4x768xf32>
    %integer_pow3A_187 = arith.mulf %sub3A_186, %sub3A_186 : vector<4x768xf32>
    %reduce_sum3A_188 = arith.constant dense<0.000000e+00> : vector<4xf32>
    %reduce_sum3A_189 = vector.multi_reduction <add>, %integer_pow3A_187, %reduce_sum3A_188 [1] : vector<4x768xf32> to vector<4xf32>
    %broadcast_in_dim3A_190 = vector.shape_cast %reduce_sum3A_189 : vector<4xf32> to vector<4x1xf32>
    %div3A_191 = arith.constant 7.680000e+02 : f32
    %div3A_192 = vector.broadcast %div3A_191 : f32 to vector<4x1xf32>
    %div3A_193 = arith.divf %broadcast_in_dim3A_190, %div3A_192 : vector<4x1xf32>
    %sub3A_194 = vector.broadcast %div3A_184 : vector<4x1xf32> to vector<4x768xf32>
    %sub3A_195 = arith.subf %dot_general3A_124, %sub3A_194 : vector<4x768xf32>
    %add3A_196 = arith.constant 9.99999974E-6 : f32
    %add3A_197 = vector.broadcast %add3A_196 : f32 to vector<4x1xf32>
    %add3A_198 = arith.addf %div3A_193, %add3A_197 : vector<4x1xf32>
    %rsqrt3A_199 = math.rsqrt %add3A_198 : vector<4x1xf32>
    %mul3A_200 = vector.broadcast %rsqrt3A_199 : vector<4x1xf32> to vector<4x768xf32>
    %mul3A_201 = arith.mulf %sub3A_195, %mul3A_200 : vector<4x768xf32>
    %mul3A_202 = vector.broadcast %get3A_175 : vector<1x768xf32> to vector<4x768xf32>
    %mul3A_203 = arith.mulf %mul3A_201, %mul3A_202 : vector<4x768xf32>
    %add3A_204 = vector.broadcast %get3A_178 : vector<1x768xf32> to vector<4x768xf32>
    %add3A_205 = arith.addf %mul3A_203, %add3A_204 : vector<4x768xf32>
    %get3A_206 = arith.constant 1 : index
    %get3A_207 = arith.constant 0 : index
    %get3A_208 = arith.constant 0 : index
    %get3A_209 = vector.load %arg9[%get3A_206, %get3A_207, %get3A_208] : memref<3x768x768xf32, #tpu.memory_space<vmem>>, vector<1x768x768xf32>
    %get3A_210 = vector.shape_cast %get3A_209 : vector<1x768x768xf32> to vector<768x768xf32>
    %convert_element_type3A_211 = arith.truncf %add3A_205 : vector<4x768xf32> to vector<4x768xbf16>
    %convert_element_type3A_212 = arith.truncf %get3A_210 : vector<768x768xf32> to vector<768x768xbf16>
    %dot_general3A_213 = arith.constant dense<0.000000e+00> : vector<4x768xf32>
    %dot_general3A_214 = tpu.matmul %convert_element_type3A_211, %convert_element_type3A_212, %dot_general3A_213 {dimension_numbers = #tpu.dot_dimension_numbers<[1], [1], [0], [0], [0, 0, 1, 0], [], []>, transpose_lhs_hint = false} : vector<4x768xbf16>, vector<768x768xbf16>, vector<4x768xf32> -> vector<4x768xf32>
    %get3A_215 = arith.constant 0 : index
    %get3A_216 = arith.constant 0 : index
    %get3A_217 = vector.load %arg11[%get3A_215, %get3A_216] : memref<1x768xf32, #tpu.memory_space<vmem>>, vector<1x768xf32>
    %add3A_218 = vector.broadcast %get3A_217 : vector<1x768xf32> to vector<4x768xf32>
    %add3A_219 = arith.addf %dot_general3A_214, %add3A_218 : vector<4x768xf32>
    %get3A_220 = arith.constant 2 : index
    %get3A_221 = arith.constant 0 : index
    %get3A_222 = arith.constant 0 : index
    %get3A_223 = vector.load %arg9[%get3A_220, %get3A_221, %get3A_222] : memref<3x768x768xf32, #tpu.memory_space<vmem>>, vector<1x768x768xf32>
    %get3A_224 = vector.shape_cast %get3A_223 : vector<1x768x768xf32> to vector<768x768xf32>
    %convert_element_type3A_225 = arith.truncf %add3A_205 : vector<4x768xf32> to vector<4x768xbf16>
    %convert_element_type3A_226 = arith.truncf %get3A_224 : vector<768x768xf32> to vector<768x768xbf16>
    %dot_general3A_227 = arith.constant dense<0.000000e+00> : vector<4x768xf32>
    %dot_general3A_228 = tpu.matmul %convert_element_type3A_225, %convert_element_type3A_226, %dot_general3A_227 {dimension_numbers = #tpu.dot_dimension_numbers<[1], [1], [0], [0], [0, 0, 1, 0], [], []>, transpose_lhs_hint = false} : vector<4x768xbf16>, vector<768x768xbf16>, vector<4x768xf32> -> vector<4x768xf32>
    %get3A_229 = arith.constant 0 : index
    %get3A_230 = arith.constant 0 : index
    %get3A_231 = vector.load %arg12[%get3A_229, %get3A_230] : memref<1x768xf32, #tpu.memory_space<vmem>>, vector<1x768xf32>
    %add3A_232 = vector.broadcast %get3A_231 : vector<1x768xf32> to vector<4x768xf32>
    %add3A_233 = arith.addf %dot_general3A_228, %add3A_232 : vector<4x768xf32>
    %get3A_234 = arith.constant 0 : index
    %get3A_235 = arith.constant 0 : index
    %get3A_236 = arith.constant 0 : index
    %get3A_237 = vector.load %arg2[%get3A_234, %get3A_235, %get3A_236] : memref<1x2048x768xf32, #tpu.memory_space<vmem>>, vector<1x2048x768xf32>
    %get3A_238 = vector.shape_cast %get3A_237 : vector<1x2048x768xf32> to vector<2048x768xf32>
    %get3A_239 = arith.constant 0 : index
    %get3A_240 = arith.constant 0 : index
    %get3A_241 = arith.constant 0 : index
    %get3A_242 = vector.load %arg3[%get3A_239, %get3A_240, %get3A_241] : memref<1x2048x768xf32, #tpu.memory_space<vmem>>, vector<1x2048x768xf32>
    %get3A_243 = vector.shape_cast %get3A_242 : vector<1x2048x768xf32> to vector<2048x768xf32>
    %slice3A = vector.extract_strided_slice %mul3A_172 {offsets = [0, 0], sizes = [4, 64], strides = [1, 1]} : vector<4x768xf32> to vector<4x64xf32>
    %slice3A_244 = vector.extract_strided_slice %add3A_219 {offsets = [0, 0], sizes = [4, 64], strides = [1, 1]} : vector<4x768xf32> to vector<4x64xf32>
    %convert_element_type3A_245 = arith.truncf %slice3A : vector<4x64xf32> to vector<4x64xbf16>
    %convert_element_type3A_246 = arith.truncf %slice3A_244 : vector<4x64xf32> to vector<4x64xbf16>
    %dot_general3A_247 = arith.constant dense<0.000000e+00> : vector<4x4xf32>
    %dot_general3A_248 = tpu.matmul %convert_element_type3A_245, %convert_element_type3A_246, %dot_general3A_247 {dimension_numbers = #tpu.dot_dimension_numbers<[1], [1], [0], [0], [0, 0, 1, 0], [], []>, transpose_lhs_hint = false} : vector<4x64xbf16>, vector<4x64xbf16>, vector<4x4xf32> -> vector<4x4xf32>
    %slice3A_249 = vector.extract_strided_slice %get3A_238 {offsets = [0, 0], sizes = [2048, 64], strides = [1, 1]} : vector<2048x768xf32> to vector<2048x64xf32>
    %convert_element_type3A_250 = arith.truncf %slice3A : vector<4x64xf32> to vector<4x64xbf16>
    %convert_element_type3A_251 = arith.truncf %slice3A_249 : vector<2048x64xf32> to vector<2048x64xbf16>
    %dot_general3A_252 = arith.constant dense<0.000000e+00> : vector<4x2048xf32>
    %dot_general3A_253 = tpu.matmul %convert_element_type3A_250, %convert_element_type3A_251, %dot_general3A_252 {dimension_numbers = #tpu.dot_dimension_numbers<[1], [1], [0], [0], [0, 0, 1, 0], [], []>, transpose_lhs_hint = false} : vector<4x64xbf16>, vector<2048x64xbf16>, vector<4x2048xf32> -> vector<4x2048xf32>
    %reduce_max3A_254 = arith.constant dense<0xFF800000> : vector<4xf32>
    %reduce_max3A_255 = vector.multi_reduction <maximumf>, %dot_general3A_248, %reduce_max3A_254 [1] : vector<4x4xf32> to vector<4xf32>
    %broadcast_in_dim3A_256 = vector.shape_cast %reduce_max3A_255 : vector<4xf32> to vector<4x1xf32>
    %reduce_max3A_257 = arith.constant dense<0xFF800000> : vector<4xf32>
    %reduce_max3A_258 = vector.multi_reduction <maximumf>, %dot_general3A_253, %reduce_max3A_257 [1] : vector<4x2048xf32> to vector<4xf32>
    %broadcast_in_dim3A_259 = vector.shape_cast %reduce_max3A_258 : vector<4xf32> to vector<4x1xf32>
    %max3A_260 = arith.maximumf %broadcast_in_dim3A_256, %broadcast_in_dim3A_259 : vector<4x1xf32>
    %sub3A_261 = vector.broadcast %max3A_260 : vector<4x1xf32> to vector<4x4xf32>
    %sub3A_262 = arith.subf %dot_general3A_248, %sub3A_261 : vector<4x4xf32>
    %exp3A_263 = math.exp %sub3A_262 : vector<4x4xf32>
    %sub3A_264 = vector.broadcast %max3A_260 : vector<4x1xf32> to vector<4x2048xf32>
    %sub3A_265 = arith.subf %dot_general3A_253, %sub3A_264 : vector<4x2048xf32>
    %exp3A_266 = math.exp %sub3A_265 : vector<4x2048xf32>
    %reduce_sum3A_267 = arith.constant dense<0.000000e+00> : vector<4xf32>
    %reduce_sum3A_268 = vector.multi_reduction <add>, %exp3A_263, %reduce_sum3A_267 [1] : vector<4x4xf32> to vector<4xf32>
    %broadcast_in_dim3A_269 = vector.shape_cast %reduce_sum3A_268 : vector<4xf32> to vector<4x1xf32>
    %reduce_sum3A_270 = arith.constant dense<0.000000e+00> : vector<4xf32>
    %reduce_sum3A_271 = vector.multi_reduction <add>, %exp3A_266, %reduce_sum3A_270 [1] : vector<4x2048xf32> to vector<4xf32>
    %broadcast_in_dim3A_272 = vector.shape_cast %reduce_sum3A_271 : vector<4xf32> to vector<4x1xf32>
    %add3A_273 = arith.addf %broadcast_in_dim3A_269, %broadcast_in_dim3A_272 : vector<4x1xf32>
    %slice3A_274 = vector.extract_strided_slice %add3A_233 {offsets = [0, 0], sizes = [4, 64], strides = [1, 1]} : vector<4x768xf32> to vector<4x64xf32>
    %convert_element_type3A_275 = arith.truncf %exp3A_263 : vector<4x4xf32> to vector<4x4xbf16>
    %convert_element_type3A_276 = arith.truncf %slice3A_274 : vector<4x64xf32> to vector<4x64xbf16>
    %dot_general3A_277 = arith.constant dense<0.000000e+00> : vector<4x64xf32>
    %dot_general3A_278 = tpu.matmul %convert_element_type3A_275, %convert_element_type3A_276, %dot_general3A_277 {dimension_numbers = #tpu.dot_dimension_numbers<[1], [0], [0], [1], [0, 0, 1, 1], [], []>, transpose_lhs_hint = false} : vector<4x4xbf16>, vector<4x64xbf16>, vector<4x64xf32> -> vector<4x64xf32>
    %slice3A_279 = vector.extract_strided_slice %get3A_243 {offsets = [0, 0], sizes = [2048, 64], strides = [1, 1]} : vector<2048x768xf32> to vector<2048x64xf32>
    %convert_element_type3A_280 = arith.truncf %exp3A_266 : vector<4x2048xf32> to vector<4x2048xbf16>
    %convert_element_type3A_281 = arith.truncf %slice3A_279 : vector<2048x64xf32> to vector<2048x64xbf16>
    %dot_general3A_282 = arith.constant dense<0.000000e+00> : vector<4x64xf32>
    %dot_general3A_283 = tpu.matmul %convert_element_type3A_280, %convert_element_type3A_281, %dot_general3A_282 {dimension_numbers = #tpu.dot_dimension_numbers<[1], [0], [0], [1], [0, 0, 1, 1], [], []>, transpose_lhs_hint = false} : vector<4x2048xbf16>, vector<2048x64xbf16>, vector<4x64xf32> -> vector<4x64xf32>
    %add3A_284 = arith.addf %dot_general3A_278, %dot_general3A_283 : vector<4x64xf32>
    %div3A_285 = vector.broadcast %add3A_273 : vector<4x1xf32> to vector<4x64xf32>
    %div3A_286 = arith.divf %add3A_284, %div3A_285 : vector<4x64xf32>
    %slice3A_287 = vector.extract_strided_slice %mul3A_172 {offsets = [0, 64], sizes = [4, 64], strides = [1, 1]} : vector<4x768xf32> to vector<4x64xf32>
    %slice3A_288 = vector.extract_strided_slice %add3A_219 {offsets = [0, 64], sizes = [4, 64], strides = [1, 1]} : vector<4x768xf32> to vector<4x64xf32>
    %convert_element_type3A_289 = arith.truncf %slice3A_287 : vector<4x64xf32> to vector<4x64xbf16>
    %convert_element_type3A_290 = arith.truncf %slice3A_288 : vector<4x64xf32> to vector<4x64xbf16>
    %dot_general3A_291 = arith.constant dense<0.000000e+00> : vector<4x4xf32>
    %dot_general3A_292 = tpu.matmul %convert_element_type3A_289, %convert_element_type3A_290, %dot_general3A_291 {dimension_numbers = #tpu.dot_dimension_numbers<[1], [1], [0], [0], [0, 0, 1, 0], [], []>, transpose_lhs_hint = false} : vector<4x64xbf16>, vector<4x64xbf16>, vector<4x4xf32> -> vector<4x4xf32>
    %slice3A_293 = vector.extract_strided_slice %get3A_238 {offsets = [0, 64], sizes = [2048, 64], strides = [1, 1]} : vector<2048x768xf32> to vector<2048x64xf32>
    %convert_element_type3A_294 = arith.truncf %slice3A_287 : vector<4x64xf32> to vector<4x64xbf16>
    %convert_element_type3A_295 = arith.truncf %slice3A_293 : vector<2048x64xf32> to vector<2048x64xbf16>
    %dot_general3A_296 = arith.constant dense<0.000000e+00> : vector<4x2048xf32>
    %dot_general3A_297 = tpu.matmul %convert_element_type3A_294, %convert_element_type3A_295, %dot_general3A_296 {dimension_numbers = #tpu.dot_dimension_numbers<[1], [1], [0], [0], [0, 0, 1, 0], [], []>, transpose_lhs_hint = false} : vector<4x64xbf16>, vector<2048x64xbf16>, vector<4x2048xf32> -> vector<4x2048xf32>
    %reduce_max3A_298 = arith.constant dense<0xFF800000> : vector<4xf32>
    %reduce_max3A_299 = vector.multi_reduction <maximumf>, %dot_general3A_292, %reduce_max3A_298 [1] : vector<4x4xf32> to vector<4xf32>
    %broadcast_in_dim3A_300 = vector.shape_cast %reduce_max3A_299 : vector<4xf32> to vector<4x1xf32>
    %reduce_max3A_301 = arith.constant dense<0xFF800000> : vector<4xf32>
    %reduce_max3A_302 = vector.multi_reduction <maximumf>, %dot_general3A_297, %reduce_max3A_301 [1] : vector<4x2048xf32> to vector<4xf32>
    %broadcast_in_dim3A_303 = vector.shape_cast %reduce_max3A_302 : vector<4xf32> to vector<4x1xf32>
    %max3A_304 = arith.maximumf %broadcast_in_dim3A_300, %broadcast_in_dim3A_303 : vector<4x1xf32>
    %sub3A_305 = vector.broadcast %max3A_304 : vector<4x1xf32> to vector<4x4xf32>
    %sub3A_306 = arith.subf %dot_general3A_292, %sub3A_305 : vector<4x4xf32>
    %exp3A_307 = math.exp %sub3A_306 : vector<4x4xf32>
    %sub3A_308 = vector.broadcast %max3A_304 : vector<4x1xf32> to vector<4x2048xf32>
    %sub3A_309 = arith.subf %dot_general3A_297, %sub3A_308 : vector<4x2048xf32>
    %exp3A_310 = math.exp %sub3A_309 : vector<4x2048xf32>
    %reduce_sum3A_311 = arith.constant dense<0.000000e+00> : vector<4xf32>
    %reduce_sum3A_312 = vector.multi_reduction <add>, %exp3A_307, %reduce_sum3A_311 [1] : vector<4x4xf32> to vector<4xf32>
    %broadcast_in_dim3A_313 = vector.shape_cast %reduce_sum3A_312 : vector<4xf32> to vector<4x1xf32>
    %reduce_sum3A_314 = arith.constant dense<0.000000e+00> : vector<4xf32>
    %reduce_sum3A_315 = vector.multi_reduction <add>, %exp3A_310, %reduce_sum3A_314 [1] : vector<4x2048xf32> to vector<4xf32>
    %broadcast_in_dim3A_316 = vector.shape_cast %reduce_sum3A_315 : vector<4xf32> to vector<4x1xf32>
    %add3A_317 = arith.addf %broadcast_in_dim3A_313, %broadcast_in_dim3A_316 : vector<4x1xf32>
    %slice3A_318 = vector.extract_strided_slice %add3A_233 {offsets = [0, 64], sizes = [4, 64], strides = [1, 1]} : vector<4x768xf32> to vector<4x64xf32>
    %convert_element_type3A_319 = arith.truncf %exp3A_307 : vector<4x4xf32> to vector<4x4xbf16>
    %convert_element_type3A_320 = arith.truncf %slice3A_318 : vector<4x64xf32> to vector<4x64xbf16>
    %dot_general3A_321 = arith.constant dense<0.000000e+00> : vector<4x64xf32>
    %dot_general3A_322 = tpu.matmul %convert_element_type3A_319, %convert_element_type3A_320, %dot_general3A_321 {dimension_numbers = #tpu.dot_dimension_numbers<[1], [0], [0], [1], [0, 0, 1, 1], [], []>, transpose_lhs_hint = false} : vector<4x4xbf16>, vector<4x64xbf16>, vector<4x64xf32> -> vector<4x64xf32>
    %slice3A_323 = vector.extract_strided_slice %get3A_243 {offsets = [0, 64], sizes = [2048, 64], strides = [1, 1]} : vector<2048x768xf32> to vector<2048x64xf32>
    %convert_element_type3A_324 = arith.truncf %exp3A_310 : vector<4x2048xf32> to vector<4x2048xbf16>
    %convert_element_type3A_325 = arith.truncf %slice3A_323 : vector<2048x64xf32> to vector<2048x64xbf16>
    %dot_general3A_326 = arith.constant dense<0.000000e+00> : vector<4x64xf32>
    %dot_general3A_327 = tpu.matmul %convert_element_type3A_324, %convert_element_type3A_325, %dot_general3A_326 {dimension_numbers = #tpu.dot_dimension_numbers<[1], [0], [0], [1], [0, 0, 1, 1], [], []>, transpose_lhs_hint = false} : vector<4x2048xbf16>, vector<2048x64xbf16>, vector<4x64xf32> -> vector<4x64xf32>
    %add3A_328 = arith.addf %dot_general3A_322, %dot_general3A_327 : vector<4x64xf32>
    %div3A_329 = vector.broadcast %add3A_317 : vector<4x1xf32> to vector<4x64xf32>
    %div3A_330 = arith.divf %add3A_328, %div3A_329 : vector<4x64xf32>
    %slice3A_331 = vector.extract_strided_slice %mul3A_172 {offsets = [0, 128], sizes = [4, 64], strides = [1, 1]} : vector<4x768xf32> to vector<4x64xf32>
    %slice3A_332 = vector.extract_strided_slice %add3A_219 {offsets = [0, 128], sizes = [4, 64], strides = [1, 1]} : vector<4x768xf32> to vector<4x64xf32>
    %convert_element_type3A_333 = arith.truncf %slice3A_331 : vector<4x64xf32> to vector<4x64xbf16>
    %convert_element_type3A_334 = arith.truncf %slice3A_332 : vector<4x64xf32> to vector<4x64xbf16>
    %dot_general3A_335 = arith.constant dense<0.000000e+00> : vector<4x4xf32>
    %dot_general3A_336 = tpu.matmul %convert_element_type3A_333, %convert_element_type3A_334, %dot_general3A_335 {dimension_numbers = #tpu.dot_dimension_numbers<[1], [1], [0], [0], [0, 0, 1, 0], [], []>, transpose_lhs_hint = false} : vector<4x64xbf16>, vector<4x64xbf16>, vector<4x4xf32> -> vector<4x4xf32>
    %slice3A_337 = vector.extract_strided_slice %get3A_238 {offsets = [0, 128], sizes = [2048, 64], strides = [1, 1]} : vector<2048x768xf32> to vector<2048x64xf32>
    %convert_element_type3A_338 = arith.truncf %slice3A_331 : vector<4x64xf32> to vector<4x64xbf16>
    %convert_element_type3A_339 = arith.truncf %slice3A_337 : vector<2048x64xf32> to vector<2048x64xbf16>
    %dot_general3A_340 = arith.constant dense<0.000000e+00> : vector<4x2048xf32>
    %dot_general3A_341 = tpu.matmul %convert_element_type3A_338, %convert_element_type3A_339, %dot_general3A_340 {dimension_numbers = #tpu.dot_dimension_numbers<[1], [1], [0], [0], [0, 0, 1, 0], [], []>, transpose_lhs_hint = false} : vector<4x64xbf16>, vector<2048x64xbf16>, vector<4x2048xf32> -> vector<4x2048xf32>
    %reduce_max3A_342 = arith.constant dense<0xFF800000> : vector<4xf32>
    %reduce_max3A_343 = vector.multi_reduction <maximumf>, %dot_general3A_336, %reduce_max3A_342 [1] : vector<4x4xf32> to vector<4xf32>
    %broadcast_in_dim3A_344 = vector.shape_cast %reduce_max3A_343 : vector<4xf32> to vector<4x1xf32>
    %reduce_max3A_345 = arith.constant dense<0xFF800000> : vector<4xf32>
    %reduce_max3A_346 = vector.multi_reduction <maximumf>, %dot_general3A_341, %reduce_max3A_345 [1] : vector<4x2048xf32> to vector<4xf32>
    %broadcast_in_dim3A_347 = vector.shape_cast %reduce_max3A_346 : vector<4xf32> to vector<4x1xf32>
    %max3A_348 = arith.maximumf %broadcast_in_dim3A_344, %broadcast_in_dim3A_347 : vector<4x1xf32>
    %sub3A_349 = vector.broadcast %max3A_348 : vector<4x1xf32> to vector<4x4xf32>
    %sub3A_350 = arith.subf %dot_general3A_336, %sub3A_349 : vector<4x4xf32>
    %exp3A_351 = math.exp %sub3A_350 : vector<4x4xf32>
    %sub3A_352 = vector.broadcast %max3A_348 : vector<4x1xf32> to vector<4x2048xf32>
    %sub3A_353 = arith.subf %dot_general3A_341, %sub3A_352 : vector<4x2048xf32>
    %exp3A_354 = math.exp %sub3A_353 : vector<4x2048xf32>
    %reduce_sum3A_355 = arith.constant dense<0.000000e+00> : vector<4xf32>
    %reduce_sum3A_356 = vector.multi_reduction <add>, %exp3A_351, %reduce_sum3A_355 [1] : vector<4x4xf32> to vector<4xf32>
    %broadcast_in_dim3A_357 = vector.shape_cast %reduce_sum3A_356 : vector<4xf32> to vector<4x1xf32>
    %reduce_sum3A_358 = arith.constant dense<0.000000e+00> : vector<4xf32>
    %reduce_sum3A_359 = vector.multi_reduction <add>, %exp3A_354, %reduce_sum3A_358 [1] : vector<4x2048xf32> to vector<4xf32>
    %broadcast_in_dim3A_360 = vector.shape_cast %reduce_sum3A_359 : vector<4xf32> to vector<4x1xf32>
    %add3A_361 = arith.addf %broadcast_in_dim3A_357, %broadcast_in_dim3A_360 : vector<4x1xf32>
    %slice3A_362 = vector.extract_strided_slice %add3A_233 {offsets = [0, 128], sizes = [4, 64], strides = [1, 1]} : vector<4x768xf32> to vector<4x64xf32>
    %convert_element_type3A_363 = arith.truncf %exp3A_351 : vector<4x4xf32> to vector<4x4xbf16>
    %convert_element_type3A_364 = arith.truncf %slice3A_362 : vector<4x64xf32> to vector<4x64xbf16>
    %dot_general3A_365 = arith.constant dense<0.000000e+00> : vector<4x64xf32>
    %dot_general3A_366 = tpu.matmul %convert_element_type3A_363, %convert_element_type3A_364, %dot_general3A_365 {dimension_numbers = #tpu.dot_dimension_numbers<[1], [0], [0], [1], [0, 0, 1, 1], [], []>, transpose_lhs_hint = false} : vector<4x4xbf16>, vector<4x64xbf16>, vector<4x64xf32> -> vector<4x64xf32>
    %slice3A_367 = vector.extract_strided_slice %get3A_243 {offsets = [0, 128], sizes = [2048, 64], strides = [1, 1]} : vector<2048x768xf32> to vector<2048x64xf32>
    %convert_element_type3A_368 = arith.truncf %exp3A_354 : vector<4x2048xf32> to vector<4x2048xbf16>
    %convert_element_type3A_369 = arith.truncf %slice3A_367 : vector<2048x64xf32> to vector<2048x64xbf16>
    %dot_general3A_370 = arith.constant dense<0.000000e+00> : vector<4x64xf32>
    %dot_general3A_371 = tpu.matmul %convert_element_type3A_368, %convert_element_type3A_369, %dot_general3A_370 {dimension_numbers = #tpu.dot_dimension_numbers<[1], [0], [0], [1], [0, 0, 1, 1], [], []>, transpose_lhs_hint = false} : vector<4x2048xbf16>, vector<2048x64xbf16>, vector<4x64xf32> -> vector<4x64xf32>
    %add3A_372 = arith.addf %dot_general3A_366, %dot_general3A_371 : vector<4x64xf32>
    %div3A_373 = vector.broadcast %add3A_361 : vector<4x1xf32> to vector<4x64xf32>
    %div3A_374 = arith.divf %add3A_372, %div3A_373 : vector<4x64xf32>
    %slice3A_375 = vector.extract_strided_slice %mul3A_172 {offsets = [0, 192], sizes = [4, 64], strides = [1, 1]} : vector<4x768xf32> to vector<4x64xf32>
    %slice3A_376 = vector.extract_strided_slice %add3A_219 {offsets = [0, 192], sizes = [4, 64], strides = [1, 1]} : vector<4x768xf32> to vector<4x64xf32>
    %convert_element_type3A_377 = arith.truncf %slice3A_375 : vector<4x64xf32> to vector<4x64xbf16>
    %convert_element_type3A_378 = arith.truncf %slice3A_376 : vector<4x64xf32> to vector<4x64xbf16>
    %dot_general3A_379 = arith.constant dense<0.000000e+00> : vector<4x4xf32>
    %dot_general3A_380 = tpu.matmul %convert_element_type3A_377, %convert_element_type3A_378, %dot_general3A_379 {dimension_numbers = #tpu.dot_dimension_numbers<[1], [1], [0], [0], [0, 0, 1, 0], [], []>, transpose_lhs_hint = false} : vector<4x64xbf16>, vector<4x64xbf16>, vector<4x4xf32> -> vector<4x4xf32>
    %slice3A_381 = vector.extract_strided_slice %get3A_238 {offsets = [0, 192], sizes = [2048, 64], strides = [1, 1]} : vector<2048x768xf32> to vector<2048x64xf32>
    %convert_element_type3A_382 = arith.truncf %slice3A_375 : vector<4x64xf32> to vector<4x64xbf16>
    %convert_element_type3A_383 = arith.truncf %slice3A_381 : vector<2048x64xf32> to vector<2048x64xbf16>
    %dot_general3A_384 = arith.constant dense<0.000000e+00> : vector<4x2048xf32>
    %dot_general3A_385 = tpu.matmul %convert_element_type3A_382, %convert_element_type3A_383, %dot_general3A_384 {dimension_numbers = #tpu.dot_dimension_numbers<[1], [1], [0], [0], [0, 0, 1, 0], [], []>, transpose_lhs_hint = false} : vector<4x64xbf16>, vector<2048x64xbf16>, vector<4x2048xf32> -> vector<4x2048xf32>
    %reduce_max3A_386 = arith.constant dense<0xFF800000> : vector<4xf32>
    %reduce_max3A_387 = vector.multi_reduction <maximumf>, %dot_general3A_380, %reduce_max3A_386 [1] : vector<4x4xf32> to vector<4xf32>
    %broadcast_in_dim3A_388 = vector.shape_cast %reduce_max3A_387 : vector<4xf32> to vector<4x1xf32>
    %reduce_max3A_389 = arith.constant dense<0xFF800000> : vector<4xf32>
    %reduce_max3A_390 = vector.multi_reduction <maximumf>, %dot_general3A_385, %reduce_max3A_389 [1] : vector<4x2048xf32> to vector<4xf32>
    %broadcast_in_dim3A_391 = vector.shape_cast %reduce_max3A_390 : vector<4xf32> to vector<4x1xf32>
    %max3A_392 = arith.maximumf %broadcast_in_dim3A_388, %broadcast_in_dim3A_391 : vector<4x1xf32>
    %sub3A_393 = vector.broadcast %max3A_392 : vector<4x1xf32> to vector<4x4xf32>
    %sub3A_394 = arith.subf %dot_general3A_380, %sub3A_393 : vector<4x4xf32>
    %exp3A_395 = math.exp %sub3A_394 : vector<4x4xf32>
    %sub3A_396 = vector.broadcast %max3A_392 : vector<4x1xf32> to vector<4x2048xf32>
    %sub3A_397 = arith.subf %dot_general3A_385, %sub3A_396 : vector<4x2048xf32>
    %exp3A_398 = math.exp %sub3A_397 : vector<4x2048xf32>
    %reduce_sum3A_399 = arith.constant dense<0.000000e+00> : vector<4xf32>
    %reduce_sum3A_400 = vector.multi_reduction <add>, %exp3A_395, %reduce_sum3A_399 [1] : vector<4x4xf32> to vector<4xf32>
    %broadcast_in_dim3A_401 = vector.shape_cast %reduce_sum3A_400 : vector<4xf32> to vector<4x1xf32>
    %reduce_sum3A_402 = arith.constant dense<0.000000e+00> : vector<4xf32>
    %reduce_sum3A_403 = vector.multi_reduction <add>, %exp3A_398, %reduce_sum3A_402 [1] : vector<4x2048xf32> to vector<4xf32>
    %broadcast_in_dim3A_404 = vector.shape_cast %reduce_sum3A_403 : vector<4xf32> to vector<4x1xf32>
    %add3A_405 = arith.addf %broadcast_in_dim3A_401, %broadcast_in_dim3A_404 : vector<4x1xf32>
    %slice3A_406 = vector.extract_strided_slice %add3A_233 {offsets = [0, 192], sizes = [4, 64], strides = [1, 1]} : vector<4x768xf32> to vector<4x64xf32>
    %convert_element_type3A_407 = arith.truncf %exp3A_395 : vector<4x4xf32> to vector<4x4xbf16>
    %convert_element_type3A_408 = arith.truncf %slice3A_406 : vector<4x64xf32> to vector<4x64xbf16>
    %dot_general3A_409 = arith.constant dense<0.000000e+00> : vector<4x64xf32>
    %dot_general3A_410 = tpu.matmul %convert_element_type3A_407, %convert_element_type3A_408, %dot_general3A_409 {dimension_numbers = #tpu.dot_dimension_numbers<[1], [0], [0], [1], [0, 0, 1, 1], [], []>, transpose_lhs_hint = false} : vector<4x4xbf16>, vector<4x64xbf16>, vector<4x64xf32> -> vector<4x64xf32>
    %slice3A_411 = vector.extract_strided_slice %get3A_243 {offsets = [0, 192], sizes = [2048, 64], strides = [1, 1]} : vector<2048x768xf32> to vector<2048x64xf32>
    %convert_element_type3A_412 = arith.truncf %exp3A_398 : vector<4x2048xf32> to vector<4x2048xbf16>
    %convert_element_type3A_413 = arith.truncf %slice3A_411 : vector<2048x64xf32> to vector<2048x64xbf16>
    %dot_general3A_414 = arith.constant dense<0.000000e+00> : vector<4x64xf32>
    %dot_general3A_415 = tpu.matmul %convert_element_type3A_412, %convert_element_type3A_413, %dot_general3A_414 {dimension_numbers = #tpu.dot_dimension_numbers<[1], [0], [0], [1], [0, 0, 1, 1], [], []>, transpose_lhs_hint = false} : vector<4x2048xbf16>, vector<2048x64xbf16>, vector<4x64xf32> -> vector<4x64xf32>
    %add3A_416 = arith.addf %dot_general3A_410, %dot_general3A_415 : vector<4x64xf32>
    %div3A_417 = vector.broadcast %add3A_405 : vector<4x1xf32> to vector<4x64xf32>
    %div3A_418 = arith.divf %add3A_416, %div3A_417 : vector<4x64xf32>
    %slice3A_419 = vector.extract_strided_slice %mul3A_172 {offsets = [0, 256], sizes = [4, 64], strides = [1, 1]} : vector<4x768xf32> to vector<4x64xf32>
    %slice3A_420 = vector.extract_strided_slice %add3A_219 {offsets = [0, 256], sizes = [4, 64], strides = [1, 1]} : vector<4x768xf32> to vector<4x64xf32>
    %convert_element_type3A_421 = arith.truncf %slice3A_419 : vector<4x64xf32> to vector<4x64xbf16>
    %convert_element_type3A_422 = arith.truncf %slice3A_420 : vector<4x64xf32> to vector<4x64xbf16>
    %dot_general3A_423 = arith.constant dense<0.000000e+00> : vector<4x4xf32>
    %dot_general3A_424 = tpu.matmul %convert_element_type3A_421, %convert_element_type3A_422, %dot_general3A_423 {dimension_numbers = #tpu.dot_dimension_numbers<[1], [1], [0], [0], [0, 0, 1, 0], [], []>, transpose_lhs_hint = false} : vector<4x64xbf16>, vector<4x64xbf16>, vector<4x4xf32> -> vector<4x4xf32>
    %slice3A_425 = vector.extract_strided_slice %get3A_238 {offsets = [0, 256], sizes = [2048, 64], strides = [1, 1]} : vector<2048x768xf32> to vector<2048x64xf32>
    %convert_element_type3A_426 = arith.truncf %slice3A_419 : vector<4x64xf32> to vector<4x64xbf16>
    %convert_element_type3A_427 = arith.truncf %slice3A_425 : vector<2048x64xf32> to vector<2048x64xbf16>
    %dot_general3A_428 = arith.constant dense<0.000000e+00> : vector<4x2048xf32>
    %dot_general3A_429 = tpu.matmul %convert_element_type3A_426, %convert_element_type3A_427, %dot_general3A_428 {dimension_numbers = #tpu.dot_dimension_numbers<[1], [1], [0], [0], [0, 0, 1, 0], [], []>, transpose_lhs_hint = false} : vector<4x64xbf16>, vector<2048x64xbf16>, vector<4x2048xf32> -> vector<4x2048xf32>
    %reduce_max3A_430 = arith.constant dense<0xFF800000> : vector<4xf32>
    %reduce_max3A_431 = vector.multi_reduction <maximumf>, %dot_general3A_424, %reduce_max3A_430 [1] : vector<4x4xf32> to vector<4xf32>
    %broadcast_in_dim3A_432 = vector.shape_cast %reduce_max3A_431 : vector<4xf32> to vector<4x1xf32>
    %reduce_max3A_433 = arith.constant dense<0xFF800000> : vector<4xf32>
    %reduce_max3A_434 = vector.multi_reduction <maximumf>, %dot_general3A_429, %reduce_max3A_433 [1] : vector<4x2048xf32> to vector<4xf32>
    %broadcast_in_dim3A_435 = vector.shape_cast %reduce_max3A_434 : vector<4xf32> to vector<4x1xf32>
    %max3A_436 = arith.maximumf %broadcast_in_dim3A_432, %broadcast_in_dim3A_435 : vector<4x1xf32>
    %sub3A_437 = vector.broadcast %max3A_436 : vector<4x1xf32> to vector<4x4xf32>
    %sub3A_438 = arith.subf %dot_general3A_424, %sub3A_437 : vector<4x4xf32>
    %exp3A_439 = math.exp %sub3A_438 : vector<4x4xf32>
    %sub3A_440 = vector.broadcast %max3A_436 : vector<4x1xf32> to vector<4x2048xf32>
    %sub3A_441 = arith.subf %dot_general3A_429, %sub3A_440 : vector<4x2048xf32>
    %exp3A_442 = math.exp %sub3A_441 : vector<4x2048xf32>
    %reduce_sum3A_443 = arith.constant dense<0.000000e+00> : vector<4xf32>
    %reduce_sum3A_444 = vector.multi_reduction <add>, %exp3A_439, %reduce_sum3A_443 [1] : vector<4x4xf32> to vector<4xf32>
    %broadcast_in_dim3A_445 = vector.shape_cast %reduce_sum3A_444 : vector<4xf32> to vector<4x1xf32>
    %reduce_sum3A_446 = arith.constant dense<0.000000e+00> : vector<4xf32>
    %reduce_sum3A_447 = vector.multi_reduction <add>, %exp3A_442, %reduce_sum3A_446 [1] : vector<4x2048xf32> to vector<4xf32>
    %broadcast_in_dim3A_448 = vector.shape_cast %reduce_sum3A_447 : vector<4xf32> to vector<4x1xf32>
    %add3A_449 = arith.addf %broadcast_in_dim3A_445, %broadcast_in_dim3A_448 : vector<4x1xf32>
    %slice3A_450 = vector.extract_strided_slice %add3A_233 {offsets = [0, 256], sizes = [4, 64], strides = [1, 1]} : vector<4x768xf32> to vector<4x64xf32>
    %convert_element_type3A_451 = arith.truncf %exp3A_439 : vector<4x4xf32> to vector<4x4xbf16>
    %convert_element_type3A_452 = arith.truncf %slice3A_450 : vector<4x64xf32> to vector<4x64xbf16>
    %dot_general3A_453 = arith.constant dense<0.000000e+00> : vector<4x64xf32>
    %dot_general3A_454 = tpu.matmul %convert_element_type3A_451, %convert_element_type3A_452, %dot_general3A_453 {dimension_numbers = #tpu.dot_dimension_numbers<[1], [0], [0], [1], [0, 0, 1, 1], [], []>, transpose_lhs_hint = false} : vector<4x4xbf16>, vector<4x64xbf16>, vector<4x64xf32> -> vector<4x64xf32>
    %slice3A_455 = vector.extract_strided_slice %get3A_243 {offsets = [0, 256], sizes = [2048, 64], strides = [1, 1]} : vector<2048x768xf32> to vector<2048x64xf32>
    %convert_element_type3A_456 = arith.truncf %exp3A_442 : vector<4x2048xf32> to vector<4x2048xbf16>
    %convert_element_type3A_457 = arith.truncf %slice3A_455 : vector<2048x64xf32> to vector<2048x64xbf16>
    %dot_general3A_458 = arith.constant dense<0.000000e+00> : vector<4x64xf32>
    %dot_general3A_459 = tpu.matmul %convert_element_type3A_456, %convert_element_type3A_457, %dot_general3A_458 {dimension_numbers = #tpu.dot_dimension_numbers<[1], [0], [0], [1], [0, 0, 1, 1], [], []>, transpose_lhs_hint = false} : vector<4x2048xbf16>, vector<2048x64xbf16>, vector<4x64xf32> -> vector<4x64xf32>
    %add3A_460 = arith.addf %dot_general3A_454, %dot_general3A_459 : vector<4x64xf32>
    %div3A_461 = vector.broadcast %add3A_449 : vector<4x1xf32> to vector<4x64xf32>
    %div3A_462 = arith.divf %add3A_460, %div3A_461 : vector<4x64xf32>
    %slice3A_463 = vector.extract_strided_slice %mul3A_172 {offsets = [0, 320], sizes = [4, 64], strides = [1, 1]} : vector<4x768xf32> to vector<4x64xf32>
    %slice3A_464 = vector.extract_strided_slice %add3A_219 {offsets = [0, 320], sizes = [4, 64], strides = [1, 1]} : vector<4x768xf32> to vector<4x64xf32>
    %convert_element_type3A_465 = arith.truncf %slice3A_463 : vector<4x64xf32> to vector<4x64xbf16>
    %convert_element_type3A_466 = arith.truncf %slice3A_464 : vector<4x64xf32> to vector<4x64xbf16>
    %dot_general3A_467 = arith.constant dense<0.000000e+00> : vector<4x4xf32>
    %dot_general3A_468 = tpu.matmul %convert_element_type3A_465, %convert_element_type3A_466, %dot_general3A_467 {dimension_numbers = #tpu.dot_dimension_numbers<[1], [1], [0], [0], [0, 0, 1, 0], [], []>, transpose_lhs_hint = false} : vector<4x64xbf16>, vector<4x64xbf16>, vector<4x4xf32> -> vector<4x4xf32>
    %slice3A_469 = vector.extract_strided_slice %get3A_238 {offsets = [0, 320], sizes = [2048, 64], strides = [1, 1]} : vector<2048x768xf32> to vector<2048x64xf32>
    %convert_element_type3A_470 = arith.truncf %slice3A_463 : vector<4x64xf32> to vector<4x64xbf16>
    %convert_element_type3A_471 = arith.truncf %slice3A_469 : vector<2048x64xf32> to vector<2048x64xbf16>
    %dot_general3A_472 = arith.constant dense<0.000000e+00> : vector<4x2048xf32>
    %dot_general3A_473 = tpu.matmul %convert_element_type3A_470, %convert_element_type3A_471, %dot_general3A_472 {dimension_numbers = #tpu.dot_dimension_numbers<[1], [1], [0], [0], [0, 0, 1, 0], [], []>, transpose_lhs_hint = false} : vector<4x64xbf16>, vector<2048x64xbf16>, vector<4x2048xf32> -> vector<4x2048xf32>
    %reduce_max3A_474 = arith.constant dense<0xFF800000> : vector<4xf32>
    %reduce_max3A_475 = vector.multi_reduction <maximumf>, %dot_general3A_468, %reduce_max3A_474 [1] : vector<4x4xf32> to vector<4xf32>
    %broadcast_in_dim3A_476 = vector.shape_cast %reduce_max3A_475 : vector<4xf32> to vector<4x1xf32>
    %reduce_max3A_477 = arith.constant dense<0xFF800000> : vector<4xf32>
    %reduce_max3A_478 = vector.multi_reduction <maximumf>, %dot_general3A_473, %reduce_max3A_477 [1] : vector<4x2048xf32> to vector<4xf32>
    %broadcast_in_dim3A_479 = vector.shape_cast %reduce_max3A_478 : vector<4xf32> to vector<4x1xf32>
    %max3A_480 = arith.maximumf %broadcast_in_dim3A_476, %broadcast_in_dim3A_479 : vector<4x1xf32>
    %sub3A_481 = vector.broadcast %max3A_480 : vector<4x1xf32> to vector<4x4xf32>
    %sub3A_482 = arith.subf %dot_general3A_468, %sub3A_481 : vector<4x4xf32>
    %exp3A_483 = math.exp %sub3A_482 : vector<4x4xf32>
    %sub3A_484 = vector.broadcast %max3A_480 : vector<4x1xf32> to vector<4x2048xf32>
    %sub3A_485 = arith.subf %dot_general3A_473, %sub3A_484 : vector<4x2048xf32>
    %exp3A_486 = math.exp %sub3A_485 : vector<4x2048xf32>
    %reduce_sum3A_487 = arith.constant dense<0.000000e+00> : vector<4xf32>
    %reduce_sum3A_488 = vector.multi_reduction <add>, %exp3A_483, %reduce_sum3A_487 [1] : vector<4x4xf32> to vector<4xf32>
    %broadcast_in_dim3A_489 = vector.shape_cast %reduce_sum3A_488 : vector<4xf32> to vector<4x1xf32>
    %reduce_sum3A_490 = arith.constant dense<0.000000e+00> : vector<4xf32>
    %reduce_sum3A_491 = vector.multi_reduction <add>, %exp3A_486, %reduce_sum3A_490 [1] : vector<4x2048xf32> to vector<4xf32>
    %broadcast_in_dim3A_492 = vector.shape_cast %reduce_sum3A_491 : vector<4xf32> to vector<4x1xf32>
    %add3A_493 = arith.addf %broadcast_in_dim3A_489, %broadcast_in_dim3A_492 : vector<4x1xf32>
    %slice3A_494 = vector.extract_strided_slice %add3A_233 {offsets = [0, 320], sizes = [4, 64], strides = [1, 1]} : vector<4x768xf32> to vector<4x64xf32>
    %convert_element_type3A_495 = arith.truncf %exp3A_483 : vector<4x4xf32> to vector<4x4xbf16>
    %convert_element_type3A_496 = arith.truncf %slice3A_494 : vector<4x64xf32> to vector<4x64xbf16>
    %dot_general3A_497 = arith.constant dense<0.000000e+00> : vector<4x64xf32>
    %dot_general3A_498 = tpu.matmul %convert_element_type3A_495, %convert_element_type3A_496, %dot_general3A_497 {dimension_numbers = #tpu.dot_dimension_numbers<[1], [0], [0], [1], [0, 0, 1, 1], [], []>, transpose_lhs_hint = false} : vector<4x4xbf16>, vector<4x64xbf16>, vector<4x64xf32> -> vector<4x64xf32>
    %slice3A_499 = vector.extract_strided_slice %get3A_243 {offsets = [0, 320], sizes = [2048, 64], strides = [1, 1]} : vector<2048x768xf32> to vector<2048x64xf32>
    %convert_element_type3A_500 = arith.truncf %exp3A_486 : vector<4x2048xf32> to vector<4x2048xbf16>
    %convert_element_type3A_501 = arith.truncf %slice3A_499 : vector<2048x64xf32> to vector<2048x64xbf16>
    %dot_general3A_502 = arith.constant dense<0.000000e+00> : vector<4x64xf32>
    %dot_general3A_503 = tpu.matmul %convert_element_type3A_500, %convert_element_type3A_501, %dot_general3A_502 {dimension_numbers = #tpu.dot_dimension_numbers<[1], [0], [0], [1], [0, 0, 1, 1], [], []>, transpose_lhs_hint = false} : vector<4x2048xbf16>, vector<2048x64xbf16>, vector<4x64xf32> -> vector<4x64xf32>
    %add3A_504 = arith.addf %dot_general3A_498, %dot_general3A_503 : vector<4x64xf32>
    %div3A_505 = vector.broadcast %add3A_493 : vector<4x1xf32> to vector<4x64xf32>
    %div3A_506 = arith.divf %add3A_504, %div3A_505 : vector<4x64xf32>
    %slice3A_507 = vector.extract_strided_slice %mul3A_172 {offsets = [0, 384], sizes = [4, 64], strides = [1, 1]} : vector<4x768xf32> to vector<4x64xf32>
    %slice3A_508 = vector.extract_strided_slice %add3A_219 {offsets = [0, 384], sizes = [4, 64], strides = [1, 1]} : vector<4x768xf32> to vector<4x64xf32>
    %convert_element_type3A_509 = arith.truncf %slice3A_507 : vector<4x64xf32> to vector<4x64xbf16>
    %convert_element_type3A_510 = arith.truncf %slice3A_508 : vector<4x64xf32> to vector<4x64xbf16>
    %dot_general3A_511 = arith.constant dense<0.000000e+00> : vector<4x4xf32>
    %dot_general3A_512 = tpu.matmul %convert_element_type3A_509, %convert_element_type3A_510, %dot_general3A_511 {dimension_numbers = #tpu.dot_dimension_numbers<[1], [1], [0], [0], [0, 0, 1, 0], [], []>, transpose_lhs_hint = false} : vector<4x64xbf16>, vector<4x64xbf16>, vector<4x4xf32> -> vector<4x4xf32>
    %slice3A_513 = vector.extract_strided_slice %get3A_238 {offsets = [0, 384], sizes = [2048, 64], strides = [1, 1]} : vector<2048x768xf32> to vector<2048x64xf32>
    %convert_element_type3A_514 = arith.truncf %slice3A_507 : vector<4x64xf32> to vector<4x64xbf16>
    %convert_element_type3A_515 = arith.truncf %slice3A_513 : vector<2048x64xf32> to vector<2048x64xbf16>
    %dot_general3A_516 = arith.constant dense<0.000000e+00> : vector<4x2048xf32>
    %dot_general3A_517 = tpu.matmul %convert_element_type3A_514, %convert_element_type3A_515, %dot_general3A_516 {dimension_numbers = #tpu.dot_dimension_numbers<[1], [1], [0], [0], [0, 0, 1, 0], [], []>, transpose_lhs_hint = false} : vector<4x64xbf16>, vector<2048x64xbf16>, vector<4x2048xf32> -> vector<4x2048xf32>
    %reduce_max3A_518 = arith.constant dense<0xFF800000> : vector<4xf32>
    %reduce_max3A_519 = vector.multi_reduction <maximumf>, %dot_general3A_512, %reduce_max3A_518 [1] : vector<4x4xf32> to vector<4xf32>
    %broadcast_in_dim3A_520 = vector.shape_cast %reduce_max3A_519 : vector<4xf32> to vector<4x1xf32>
    %reduce_max3A_521 = arith.constant dense<0xFF800000> : vector<4xf32>
    %reduce_max3A_522 = vector.multi_reduction <maximumf>, %dot_general3A_517, %reduce_max3A_521 [1] : vector<4x2048xf32> to vector<4xf32>
    %broadcast_in_dim3A_523 = vector.shape_cast %reduce_max3A_522 : vector<4xf32> to vector<4x1xf32>
    %max3A_524 = arith.maximumf %broadcast_in_dim3A_520, %broadcast_in_dim3A_523 : vector<4x1xf32>
    %sub3A_525 = vector.broadcast %max3A_524 : vector<4x1xf32> to vector<4x4xf32>
    %sub3A_526 = arith.subf %dot_general3A_512, %sub3A_525 : vector<4x4xf32>
    %exp3A_527 = math.exp %sub3A_526 : vector<4x4xf32>
    %sub3A_528 = vector.broadcast %max3A_524 : vector<4x1xf32> to vector<4x2048xf32>
    %sub3A_529 = arith.subf %dot_general3A_517, %sub3A_528 : vector<4x2048xf32>
    %exp3A_530 = math.exp %sub3A_529 : vector<4x2048xf32>
    %reduce_sum3A_531 = arith.constant dense<0.000000e+00> : vector<4xf32>
    %reduce_sum3A_532 = vector.multi_reduction <add>, %exp3A_527, %reduce_sum3A_531 [1] : vector<4x4xf32> to vector<4xf32>
    %broadcast_in_dim3A_533 = vector.shape_cast %reduce_sum3A_532 : vector<4xf32> to vector<4x1xf32>
    %reduce_sum3A_534 = arith.constant dense<0.000000e+00> : vector<4xf32>
    %reduce_sum3A_535 = vector.multi_reduction <add>, %exp3A_530, %reduce_sum3A_534 [1] : vector<4x2048xf32> to vector<4xf32>
    %broadcast_in_dim3A_536 = vector.shape_cast %reduce_sum3A_535 : vector<4xf32> to vector<4x1xf32>
    %add3A_537 = arith.addf %broadcast_in_dim3A_533, %broadcast_in_dim3A_536 : vector<4x1xf32>
    %slice3A_538 = vector.extract_strided_slice %add3A_233 {offsets = [0, 384], sizes = [4, 64], strides = [1, 1]} : vector<4x768xf32> to vector<4x64xf32>
    %convert_element_type3A_539 = arith.truncf %exp3A_527 : vector<4x4xf32> to vector<4x4xbf16>
    %convert_element_type3A_540 = arith.truncf %slice3A_538 : vector<4x64xf32> to vector<4x64xbf16>
    %dot_general3A_541 = arith.constant dense<0.000000e+00> : vector<4x64xf32>
    %dot_general3A_542 = tpu.matmul %convert_element_type3A_539, %convert_element_type3A_540, %dot_general3A_541 {dimension_numbers = #tpu.dot_dimension_numbers<[1], [0], [0], [1], [0, 0, 1, 1], [], []>, transpose_lhs_hint = false} : vector<4x4xbf16>, vector<4x64xbf16>, vector<4x64xf32> -> vector<4x64xf32>
    %slice3A_543 = vector.extract_strided_slice %get3A_243 {offsets = [0, 384], sizes = [2048, 64], strides = [1, 1]} : vector<2048x768xf32> to vector<2048x64xf32>
    %convert_element_type3A_544 = arith.truncf %exp3A_530 : vector<4x2048xf32> to vector<4x2048xbf16>
    %convert_element_type3A_545 = arith.truncf %slice3A_543 : vector<2048x64xf32> to vector<2048x64xbf16>
    %dot_general3A_546 = arith.constant dense<0.000000e+00> : vector<4x64xf32>
    %dot_general3A_547 = tpu.matmul %convert_element_type3A_544, %convert_element_type3A_545, %dot_general3A_546 {dimension_numbers = #tpu.dot_dimension_numbers<[1], [0], [0], [1], [0, 0, 1, 1], [], []>, transpose_lhs_hint = false} : vector<4x2048xbf16>, vector<2048x64xbf16>, vector<4x64xf32> -> vector<4x64xf32>
    %add3A_548 = arith.addf %dot_general3A_542, %dot_general3A_547 : vector<4x64xf32>
    %div3A_549 = vector.broadcast %add3A_537 : vector<4x1xf32> to vector<4x64xf32>
    %div3A_550 = arith.divf %add3A_548, %div3A_549 : vector<4x64xf32>
    %slice3A_551 = vector.extract_strided_slice %mul3A_172 {offsets = [0, 448], sizes = [4, 64], strides = [1, 1]} : vector<4x768xf32> to vector<4x64xf32>
    %slice3A_552 = vector.extract_strided_slice %add3A_219 {offsets = [0, 448], sizes = [4, 64], strides = [1, 1]} : vector<4x768xf32> to vector<4x64xf32>
    %convert_element_type3A_553 = arith.truncf %slice3A_551 : vector<4x64xf32> to vector<4x64xbf16>
    %convert_element_type3A_554 = arith.truncf %slice3A_552 : vector<4x64xf32> to vector<4x64xbf16>
    %dot_general3A_555 = arith.constant dense<0.000000e+00> : vector<4x4xf32>
    %dot_general3A_556 = tpu.matmul %convert_element_type3A_553, %convert_element_type3A_554, %dot_general3A_555 {dimension_numbers = #tpu.dot_dimension_numbers<[1], [1], [0], [0], [0, 0, 1, 0], [], []>, transpose_lhs_hint = false} : vector<4x64xbf16>, vector<4x64xbf16>, vector<4x4xf32> -> vector<4x4xf32>
    %slice3A_557 = vector.extract_strided_slice %get3A_238 {offsets = [0, 448], sizes = [2048, 64], strides = [1, 1]} : vector<2048x768xf32> to vector<2048x64xf32>
    %convert_element_type3A_558 = arith.truncf %slice3A_551 : vector<4x64xf32> to vector<4x64xbf16>
    %convert_element_type3A_559 = arith.truncf %slice3A_557 : vector<2048x64xf32> to vector<2048x64xbf16>
    %dot_general3A_560 = arith.constant dense<0.000000e+00> : vector<4x2048xf32>
    %dot_general3A_561 = tpu.matmul %convert_element_type3A_558, %convert_element_type3A_559, %dot_general3A_560 {dimension_numbers = #tpu.dot_dimension_numbers<[1], [1], [0], [0], [0, 0, 1, 0], [], []>, transpose_lhs_hint = false} : vector<4x64xbf16>, vector<2048x64xbf16>, vector<4x2048xf32> -> vector<4x2048xf32>
    %reduce_max3A_562 = arith.constant dense<0xFF800000> : vector<4xf32>
    %reduce_max3A_563 = vector.multi_reduction <maximumf>, %dot_general3A_556, %reduce_max3A_562 [1] : vector<4x4xf32> to vector<4xf32>
    %broadcast_in_dim3A_564 = vector.shape_cast %reduce_max3A_563 : vector<4xf32> to vector<4x1xf32>
    %reduce_max3A_565 = arith.constant dense<0xFF800000> : vector<4xf32>
    %reduce_max3A_566 = vector.multi_reduction <maximumf>, %dot_general3A_561, %reduce_max3A_565 [1] : vector<4x2048xf32> to vector<4xf32>
    %broadcast_in_dim3A_567 = vector.shape_cast %reduce_max3A_566 : vector<4xf32> to vector<4x1xf32>
    %max3A_568 = arith.maximumf %broadcast_in_dim3A_564, %broadcast_in_dim3A_567 : vector<4x1xf32>
    %sub3A_569 = vector.broadcast %max3A_568 : vector<4x1xf32> to vector<4x4xf32>
    %sub3A_570 = arith.subf %dot_general3A_556, %sub3A_569 : vector<4x4xf32>
    %exp3A_571 = math.exp %sub3A_570 : vector<4x4xf32>
    %sub3A_572 = vector.broadcast %max3A_568 : vector<4x1xf32> to vector<4x2048xf32>
    %sub3A_573 = arith.subf %dot_general3A_561, %sub3A_572 : vector<4x2048xf32>
    %exp3A_574 = math.exp %sub3A_573 : vector<4x2048xf32>
    %reduce_sum3A_575 = arith.constant dense<0.000000e+00> : vector<4xf32>
    %reduce_sum3A_576 = vector.multi_reduction <add>, %exp3A_571, %reduce_sum3A_575 [1] : vector<4x4xf32> to vector<4xf32>
    %broadcast_in_dim3A_577 = vector.shape_cast %reduce_sum3A_576 : vector<4xf32> to vector<4x1xf32>
    %reduce_sum3A_578 = arith.constant dense<0.000000e+00> : vector<4xf32>
    %reduce_sum3A_579 = vector.multi_reduction <add>, %exp3A_574, %reduce_sum3A_578 [1] : vector<4x2048xf32> to vector<4xf32>
    %broadcast_in_dim3A_580 = vector.shape_cast %reduce_sum3A_579 : vector<4xf32> to vector<4x1xf32>
    %add3A_581 = arith.addf %broadcast_in_dim3A_577, %broadcast_in_dim3A_580 : vector<4x1xf32>
    %slice3A_582 = vector.extract_strided_slice %add3A_233 {offsets = [0, 448], sizes = [4, 64], strides = [1, 1]} : vector<4x768xf32> to vector<4x64xf32>
    %convert_element_type3A_583 = arith.truncf %exp3A_571 : vector<4x4xf32> to vector<4x4xbf16>
    %convert_element_type3A_584 = arith.truncf %slice3A_582 : vector<4x64xf32> to vector<4x64xbf16>
    %dot_general3A_585 = arith.constant dense<0.000000e+00> : vector<4x64xf32>
    %dot_general3A_586 = tpu.matmul %convert_element_type3A_583, %convert_element_type3A_584, %dot_general3A_585 {dimension_numbers = #tpu.dot_dimension_numbers<[1], [0], [0], [1], [0, 0, 1, 1], [], []>, transpose_lhs_hint = false} : vector<4x4xbf16>, vector<4x64xbf16>, vector<4x64xf32> -> vector<4x64xf32>
    %slice3A_587 = vector.extract_strided_slice %get3A_243 {offsets = [0, 448], sizes = [2048, 64], strides = [1, 1]} : vector<2048x768xf32> to vector<2048x64xf32>
    %convert_element_type3A_588 = arith.truncf %exp3A_574 : vector<4x2048xf32> to vector<4x2048xbf16>
    %convert_element_type3A_589 = arith.truncf %slice3A_587 : vector<2048x64xf32> to vector<2048x64xbf16>
    %dot_general3A_590 = arith.constant dense<0.000000e+00> : vector<4x64xf32>
    %dot_general3A_591 = tpu.matmul %convert_element_type3A_588, %convert_element_type3A_589, %dot_general3A_590 {dimension_numbers = #tpu.dot_dimension_numbers<[1], [0], [0], [1], [0, 0, 1, 1], [], []>, transpose_lhs_hint = false} : vector<4x2048xbf16>, vector<2048x64xbf16>, vector<4x64xf32> -> vector<4x64xf32>
    %add3A_592 = arith.addf %dot_general3A_586, %dot_general3A_591 : vector<4x64xf32>
    %div3A_593 = vector.broadcast %add3A_581 : vector<4x1xf32> to vector<4x64xf32>
    %div3A_594 = arith.divf %add3A_592, %div3A_593 : vector<4x64xf32>
    %slice3A_595 = vector.extract_strided_slice %mul3A_172 {offsets = [0, 512], sizes = [4, 64], strides = [1, 1]} : vector<4x768xf32> to vector<4x64xf32>
    %slice3A_596 = vector.extract_strided_slice %add3A_219 {offsets = [0, 512], sizes = [4, 64], strides = [1, 1]} : vector<4x768xf32> to vector<4x64xf32>
    %convert_element_type3A_597 = arith.truncf %slice3A_595 : vector<4x64xf32> to vector<4x64xbf16>
    %convert_element_type3A_598 = arith.truncf %slice3A_596 : vector<4x64xf32> to vector<4x64xbf16>
    %dot_general3A_599 = arith.constant dense<0.000000e+00> : vector<4x4xf32>
    %dot_general3A_600 = tpu.matmul %convert_element_type3A_597, %convert_element_type3A_598, %dot_general3A_599 {dimension_numbers = #tpu.dot_dimension_numbers<[1], [1], [0], [0], [0, 0, 1, 0], [], []>, transpose_lhs_hint = false} : vector<4x64xbf16>, vector<4x64xbf16>, vector<4x4xf32> -> vector<4x4xf32>
    %slice3A_601 = vector.extract_strided_slice %get3A_238 {offsets = [0, 512], sizes = [2048, 64], strides = [1, 1]} : vector<2048x768xf32> to vector<2048x64xf32>
    %convert_element_type3A_602 = arith.truncf %slice3A_595 : vector<4x64xf32> to vector<4x64xbf16>
    %convert_element_type3A_603 = arith.truncf %slice3A_601 : vector<2048x64xf32> to vector<2048x64xbf16>
    %dot_general3A_604 = arith.constant dense<0.000000e+00> : vector<4x2048xf32>
    %dot_general3A_605 = tpu.matmul %convert_element_type3A_602, %convert_element_type3A_603, %dot_general3A_604 {dimension_numbers = #tpu.dot_dimension_numbers<[1], [1], [0], [0], [0, 0, 1, 0], [], []>, transpose_lhs_hint = false} : vector<4x64xbf16>, vector<2048x64xbf16>, vector<4x2048xf32> -> vector<4x2048xf32>
    %reduce_max3A_606 = arith.constant dense<0xFF800000> : vector<4xf32>
    %reduce_max3A_607 = vector.multi_reduction <maximumf>, %dot_general3A_600, %reduce_max3A_606 [1] : vector<4x4xf32> to vector<4xf32>
    %broadcast_in_dim3A_608 = vector.shape_cast %reduce_max3A_607 : vector<4xf32> to vector<4x1xf32>
    %reduce_max3A_609 = arith.constant dense<0xFF800000> : vector<4xf32>
    %reduce_max3A_610 = vector.multi_reduction <maximumf>, %dot_general3A_605, %reduce_max3A_609 [1] : vector<4x2048xf32> to vector<4xf32>
    %broadcast_in_dim3A_611 = vector.shape_cast %reduce_max3A_610 : vector<4xf32> to vector<4x1xf32>
    %max3A_612 = arith.maximumf %broadcast_in_dim3A_608, %broadcast_in_dim3A_611 : vector<4x1xf32>
    %sub3A_613 = vector.broadcast %max3A_612 : vector<4x1xf32> to vector<4x4xf32>
    %sub3A_614 = arith.subf %dot_general3A_600, %sub3A_613 : vector<4x4xf32>
    %exp3A_615 = math.exp %sub3A_614 : vector<4x4xf32>
    %sub3A_616 = vector.broadcast %max3A_612 : vector<4x1xf32> to vector<4x2048xf32>
    %sub3A_617 = arith.subf %dot_general3A_605, %sub3A_616 : vector<4x2048xf32>
    %exp3A_618 = math.exp %sub3A_617 : vector<4x2048xf32>
    %reduce_sum3A_619 = arith.constant dense<0.000000e+00> : vector<4xf32>
    %reduce_sum3A_620 = vector.multi_reduction <add>, %exp3A_615, %reduce_sum3A_619 [1] : vector<4x4xf32> to vector<4xf32>
    %broadcast_in_dim3A_621 = vector.shape_cast %reduce_sum3A_620 : vector<4xf32> to vector<4x1xf32>
    %reduce_sum3A_622 = arith.constant dense<0.000000e+00> : vector<4xf32>
    %reduce_sum3A_623 = vector.multi_reduction <add>, %exp3A_618, %reduce_sum3A_622 [1] : vector<4x2048xf32> to vector<4xf32>
    %broadcast_in_dim3A_624 = vector.shape_cast %reduce_sum3A_623 : vector<4xf32> to vector<4x1xf32>
    %add3A_625 = arith.addf %broadcast_in_dim3A_621, %broadcast_in_dim3A_624 : vector<4x1xf32>
    %slice3A_626 = vector.extract_strided_slice %add3A_233 {offsets = [0, 512], sizes = [4, 64], strides = [1, 1]} : vector<4x768xf32> to vector<4x64xf32>
    %convert_element_type3A_627 = arith.truncf %exp3A_615 : vector<4x4xf32> to vector<4x4xbf16>
    %convert_element_type3A_628 = arith.truncf %slice3A_626 : vector<4x64xf32> to vector<4x64xbf16>
    %dot_general3A_629 = arith.constant dense<0.000000e+00> : vector<4x64xf32>
    %dot_general3A_630 = tpu.matmul %convert_element_type3A_627, %convert_element_type3A_628, %dot_general3A_629 {dimension_numbers = #tpu.dot_dimension_numbers<[1], [0], [0], [1], [0, 0, 1, 1], [], []>, transpose_lhs_hint = false} : vector<4x4xbf16>, vector<4x64xbf16>, vector<4x64xf32> -> vector<4x64xf32>
    %slice3A_631 = vector.extract_strided_slice %get3A_243 {offsets = [0, 512], sizes = [2048, 64], strides = [1, 1]} : vector<2048x768xf32> to vector<2048x64xf32>
    %convert_element_type3A_632 = arith.truncf %exp3A_618 : vector<4x2048xf32> to vector<4x2048xbf16>
    %convert_element_type3A_633 = arith.truncf %slice3A_631 : vector<2048x64xf32> to vector<2048x64xbf16>
    %dot_general3A_634 = arith.constant dense<0.000000e+00> : vector<4x64xf32>
    %dot_general3A_635 = tpu.matmul %convert_element_type3A_632, %convert_element_type3A_633, %dot_general3A_634 {dimension_numbers = #tpu.dot_dimension_numbers<[1], [0], [0], [1], [0, 0, 1, 1], [], []>, transpose_lhs_hint = false} : vector<4x2048xbf16>, vector<2048x64xbf16>, vector<4x64xf32> -> vector<4x64xf32>
    %add3A_636 = arith.addf %dot_general3A_630, %dot_general3A_635 : vector<4x64xf32>
    %div3A_637 = vector.broadcast %add3A_625 : vector<4x1xf32> to vector<4x64xf32>
    %div3A_638 = arith.divf %add3A_636, %div3A_637 : vector<4x64xf32>
    %slice3A_639 = vector.extract_strided_slice %mul3A_172 {offsets = [0, 576], sizes = [4, 64], strides = [1, 1]} : vector<4x768xf32> to vector<4x64xf32>
    %slice3A_640 = vector.extract_strided_slice %add3A_219 {offsets = [0, 576], sizes = [4, 64], strides = [1, 1]} : vector<4x768xf32> to vector<4x64xf32>
    %convert_element_type3A_641 = arith.truncf %slice3A_639 : vector<4x64xf32> to vector<4x64xbf16>
    %convert_element_type3A_642 = arith.truncf %slice3A_640 : vector<4x64xf32> to vector<4x64xbf16>
    %dot_general3A_643 = arith.constant dense<0.000000e+00> : vector<4x4xf32>
    %dot_general3A_644 = tpu.matmul %convert_element_type3A_641, %convert_element_type3A_642, %dot_general3A_643 {dimension_numbers = #tpu.dot_dimension_numbers<[1], [1], [0], [0], [0, 0, 1, 0], [], []>, transpose_lhs_hint = false} : vector<4x64xbf16>, vector<4x64xbf16>, vector<4x4xf32> -> vector<4x4xf32>
    %slice3A_645 = vector.extract_strided_slice %get3A_238 {offsets = [0, 576], sizes = [2048, 64], strides = [1, 1]} : vector<2048x768xf32> to vector<2048x64xf32>
    %convert_element_type3A_646 = arith.truncf %slice3A_639 : vector<4x64xf32> to vector<4x64xbf16>
    %convert_element_type3A_647 = arith.truncf %slice3A_645 : vector<2048x64xf32> to vector<2048x64xbf16>
    %dot_general3A_648 = arith.constant dense<0.000000e+00> : vector<4x2048xf32>
    %dot_general3A_649 = tpu.matmul %convert_element_type3A_646, %convert_element_type3A_647, %dot_general3A_648 {dimension_numbers = #tpu.dot_dimension_numbers<[1], [1], [0], [0], [0, 0, 1, 0], [], []>, transpose_lhs_hint = false} : vector<4x64xbf16>, vector<2048x64xbf16>, vector<4x2048xf32> -> vector<4x2048xf32>
    %reduce_max3A_650 = arith.constant dense<0xFF800000> : vector<4xf32>
    %reduce_max3A_651 = vector.multi_reduction <maximumf>, %dot_general3A_644, %reduce_max3A_650 [1] : vector<4x4xf32> to vector<4xf32>
    %broadcast_in_dim3A_652 = vector.shape_cast %reduce_max3A_651 : vector<4xf32> to vector<4x1xf32>
    %reduce_max3A_653 = arith.constant dense<0xFF800000> : vector<4xf32>
    %reduce_max3A_654 = vector.multi_reduction <maximumf>, %dot_general3A_649, %reduce_max3A_653 [1] : vector<4x2048xf32> to vector<4xf32>
    %broadcast_in_dim3A_655 = vector.shape_cast %reduce_max3A_654 : vector<4xf32> to vector<4x1xf32>
    %max3A_656 = arith.maximumf %broadcast_in_dim3A_652, %broadcast_in_dim3A_655 : vector<4x1xf32>
    %sub3A_657 = vector.broadcast %max3A_656 : vector<4x1xf32> to vector<4x4xf32>
    %sub3A_658 = arith.subf %dot_general3A_644, %sub3A_657 : vector<4x4xf32>
    %exp3A_659 = math.exp %sub3A_658 : vector<4x4xf32>
    %sub3A_660 = vector.broadcast %max3A_656 : vector<4x1xf32> to vector<4x2048xf32>
    %sub3A_661 = arith.subf %dot_general3A_649, %sub3A_660 : vector<4x2048xf32>
    %exp3A_662 = math.exp %sub3A_661 : vector<4x2048xf32>
    %reduce_sum3A_663 = arith.constant dense<0.000000e+00> : vector<4xf32>
    %reduce_sum3A_664 = vector.multi_reduction <add>, %exp3A_659, %reduce_sum3A_663 [1] : vector<4x4xf32> to vector<4xf32>
    %broadcast_in_dim3A_665 = vector.shape_cast %reduce_sum3A_664 : vector<4xf32> to vector<4x1xf32>
    %reduce_sum3A_666 = arith.constant dense<0.000000e+00> : vector<4xf32>
    %reduce_sum3A_667 = vector.multi_reduction <add>, %exp3A_662, %reduce_sum3A_666 [1] : vector<4x2048xf32> to vector<4xf32>
    %broadcast_in_dim3A_668 = vector.shape_cast %reduce_sum3A_667 : vector<4xf32> to vector<4x1xf32>
    %add3A_669 = arith.addf %broadcast_in_dim3A_665, %broadcast_in_dim3A_668 : vector<4x1xf32>
    %slice3A_670 = vector.extract_strided_slice %add3A_233 {offsets = [0, 576], sizes = [4, 64], strides = [1, 1]} : vector<4x768xf32> to vector<4x64xf32>
    %convert_element_type3A_671 = arith.truncf %exp3A_659 : vector<4x4xf32> to vector<4x4xbf16>
    %convert_element_type3A_672 = arith.truncf %slice3A_670 : vector<4x64xf32> to vector<4x64xbf16>
    %dot_general3A_673 = arith.constant dense<0.000000e+00> : vector<4x64xf32>
    %dot_general3A_674 = tpu.matmul %convert_element_type3A_671, %convert_element_type3A_672, %dot_general3A_673 {dimension_numbers = #tpu.dot_dimension_numbers<[1], [0], [0], [1], [0, 0, 1, 1], [], []>, transpose_lhs_hint = false} : vector<4x4xbf16>, vector<4x64xbf16>, vector<4x64xf32> -> vector<4x64xf32>
    %slice3A_675 = vector.extract_strided_slice %get3A_243 {offsets = [0, 576], sizes = [2048, 64], strides = [1, 1]} : vector<2048x768xf32> to vector<2048x64xf32>
    %convert_element_type3A_676 = arith.truncf %exp3A_662 : vector<4x2048xf32> to vector<4x2048xbf16>
    %convert_element_type3A_677 = arith.truncf %slice3A_675 : vector<2048x64xf32> to vector<2048x64xbf16>
    %dot_general3A_678 = arith.constant dense<0.000000e+00> : vector<4x64xf32>
    %dot_general3A_679 = tpu.matmul %convert_element_type3A_676, %convert_element_type3A_677, %dot_general3A_678 {dimension_numbers = #tpu.dot_dimension_numbers<[1], [0], [0], [1], [0, 0, 1, 1], [], []>, transpose_lhs_hint = false} : vector<4x2048xbf16>, vector<2048x64xbf16>, vector<4x64xf32> -> vector<4x64xf32>
    %add3A_680 = arith.addf %dot_general3A_674, %dot_general3A_679 : vector<4x64xf32>
    %div3A_681 = vector.broadcast %add3A_669 : vector<4x1xf32> to vector<4x64xf32>
    %div3A_682 = arith.divf %add3A_680, %div3A_681 : vector<4x64xf32>
    %slice3A_683 = vector.extract_strided_slice %mul3A_172 {offsets = [0, 640], sizes = [4, 64], strides = [1, 1]} : vector<4x768xf32> to vector<4x64xf32>
    %slice3A_684 = vector.extract_strided_slice %add3A_219 {offsets = [0, 640], sizes = [4, 64], strides = [1, 1]} : vector<4x768xf32> to vector<4x64xf32>
    %convert_element_type3A_685 = arith.truncf %slice3A_683 : vector<4x64xf32> to vector<4x64xbf16>
    %convert_element_type3A_686 = arith.truncf %slice3A_684 : vector<4x64xf32> to vector<4x64xbf16>
    %dot_general3A_687 = arith.constant dense<0.000000e+00> : vector<4x4xf32>
    %dot_general3A_688 = tpu.matmul %convert_element_type3A_685, %convert_element_type3A_686, %dot_general3A_687 {dimension_numbers = #tpu.dot_dimension_numbers<[1], [1], [0], [0], [0, 0, 1, 0], [], []>, transpose_lhs_hint = false} : vector<4x64xbf16>, vector<4x64xbf16>, vector<4x4xf32> -> vector<4x4xf32>
    %slice3A_689 = vector.extract_strided_slice %get3A_238 {offsets = [0, 640], sizes = [2048, 64], strides = [1, 1]} : vector<2048x768xf32> to vector<2048x64xf32>
    %convert_element_type3A_690 = arith.truncf %slice3A_683 : vector<4x64xf32> to vector<4x64xbf16>
    %convert_element_type3A_691 = arith.truncf %slice3A_689 : vector<2048x64xf32> to vector<2048x64xbf16>
    %dot_general3A_692 = arith.constant dense<0.000000e+00> : vector<4x2048xf32>
    %dot_general3A_693 = tpu.matmul %convert_element_type3A_690, %convert_element_type3A_691, %dot_general3A_692 {dimension_numbers = #tpu.dot_dimension_numbers<[1], [1], [0], [0], [0, 0, 1, 0], [], []>, transpose_lhs_hint = false} : vector<4x64xbf16>, vector<2048x64xbf16>, vector<4x2048xf32> -> vector<4x2048xf32>
    %reduce_max3A_694 = arith.constant dense<0xFF800000> : vector<4xf32>
    %reduce_max3A_695 = vector.multi_reduction <maximumf>, %dot_general3A_688, %reduce_max3A_694 [1] : vector<4x4xf32> to vector<4xf32>
    %broadcast_in_dim3A_696 = vector.shape_cast %reduce_max3A_695 : vector<4xf32> to vector<4x1xf32>
    %reduce_max3A_697 = arith.constant dense<0xFF800000> : vector<4xf32>
    %reduce_max3A_698 = vector.multi_reduction <maximumf>, %dot_general3A_693, %reduce_max3A_697 [1] : vector<4x2048xf32> to vector<4xf32>
    %broadcast_in_dim3A_699 = vector.shape_cast %reduce_max3A_698 : vector<4xf32> to vector<4x1xf32>
    %max3A_700 = arith.maximumf %broadcast_in_dim3A_696, %broadcast_in_dim3A_699 : vector<4x1xf32>
    %sub3A_701 = vector.broadcast %max3A_700 : vector<4x1xf32> to vector<4x4xf32>
    %sub3A_702 = arith.subf %dot_general3A_688, %sub3A_701 : vector<4x4xf32>
    %exp3A_703 = math.exp %sub3A_702 : vector<4x4xf32>
    %sub3A_704 = vector.broadcast %max3A_700 : vector<4x1xf32> to vector<4x2048xf32>
    %sub3A_705 = arith.subf %dot_general3A_693, %sub3A_704 : vector<4x2048xf32>
    %exp3A_706 = math.exp %sub3A_705 : vector<4x2048xf32>
    %reduce_sum3A_707 = arith.constant dense<0.000000e+00> : vector<4xf32>
    %reduce_sum3A_708 = vector.multi_reduction <add>, %exp3A_703, %reduce_sum3A_707 [1] : vector<4x4xf32> to vector<4xf32>
    %broadcast_in_dim3A_709 = vector.shape_cast %reduce_sum3A_708 : vector<4xf32> to vector<4x1xf32>
    %reduce_sum3A_710 = arith.constant dense<0.000000e+00> : vector<4xf32>
    %reduce_sum3A_711 = vector.multi_reduction <add>, %exp3A_706, %reduce_sum3A_710 [1] : vector<4x2048xf32> to vector<4xf32>
    %broadcast_in_dim3A_712 = vector.shape_cast %reduce_sum3A_711 : vector<4xf32> to vector<4x1xf32>
    %add3A_713 = arith.addf %broadcast_in_dim3A_709, %broadcast_in_dim3A_712 : vector<4x1xf32>
    %slice3A_714 = vector.extract_strided_slice %add3A_233 {offsets = [0, 640], sizes = [4, 64], strides = [1, 1]} : vector<4x768xf32> to vector<4x64xf32>
    %convert_element_type3A_715 = arith.truncf %exp3A_703 : vector<4x4xf32> to vector<4x4xbf16>
    %convert_element_type3A_716 = arith.truncf %slice3A_714 : vector<4x64xf32> to vector<4x64xbf16>
    %dot_general3A_717 = arith.constant dense<0.000000e+00> : vector<4x64xf32>
    %dot_general3A_718 = tpu.matmul %convert_element_type3A_715, %convert_element_type3A_716, %dot_general3A_717 {dimension_numbers = #tpu.dot_dimension_numbers<[1], [0], [0], [1], [0, 0, 1, 1], [], []>, transpose_lhs_hint = false} : vector<4x4xbf16>, vector<4x64xbf16>, vector<4x64xf32> -> vector<4x64xf32>
    %slice3A_719 = vector.extract_strided_slice %get3A_243 {offsets = [0, 640], sizes = [2048, 64], strides = [1, 1]} : vector<2048x768xf32> to vector<2048x64xf32>
    %convert_element_type3A_720 = arith.truncf %exp3A_706 : vector<4x2048xf32> to vector<4x2048xbf16>
    %convert_element_type3A_721 = arith.truncf %slice3A_719 : vector<2048x64xf32> to vector<2048x64xbf16>
    %dot_general3A_722 = arith.constant dense<0.000000e+00> : vector<4x64xf32>
    %dot_general3A_723 = tpu.matmul %convert_element_type3A_720, %convert_element_type3A_721, %dot_general3A_722 {dimension_numbers = #tpu.dot_dimension_numbers<[1], [0], [0], [1], [0, 0, 1, 1], [], []>, transpose_lhs_hint = false} : vector<4x2048xbf16>, vector<2048x64xbf16>, vector<4x64xf32> -> vector<4x64xf32>
    %add3A_724 = arith.addf %dot_general3A_718, %dot_general3A_723 : vector<4x64xf32>
    %div3A_725 = vector.broadcast %add3A_713 : vector<4x1xf32> to vector<4x64xf32>
    %div3A_726 = arith.divf %add3A_724, %div3A_725 : vector<4x64xf32>
    %slice3A_727 = vector.extract_strided_slice %mul3A_172 {offsets = [0, 704], sizes = [4, 64], strides = [1, 1]} : vector<4x768xf32> to vector<4x64xf32>
    %slice3A_728 = vector.extract_strided_slice %add3A_219 {offsets = [0, 704], sizes = [4, 64], strides = [1, 1]} : vector<4x768xf32> to vector<4x64xf32>
    %convert_element_type3A_729 = arith.truncf %slice3A_727 : vector<4x64xf32> to vector<4x64xbf16>
    %convert_element_type3A_730 = arith.truncf %slice3A_728 : vector<4x64xf32> to vector<4x64xbf16>
    %dot_general3A_731 = arith.constant dense<0.000000e+00> : vector<4x4xf32>
    %dot_general3A_732 = tpu.matmul %convert_element_type3A_729, %convert_element_type3A_730, %dot_general3A_731 {dimension_numbers = #tpu.dot_dimension_numbers<[1], [1], [0], [0], [0, 0, 1, 0], [], []>, transpose_lhs_hint = false} : vector<4x64xbf16>, vector<4x64xbf16>, vector<4x4xf32> -> vector<4x4xf32>
    %slice3A_733 = vector.extract_strided_slice %get3A_238 {offsets = [0, 704], sizes = [2048, 64], strides = [1, 1]} : vector<2048x768xf32> to vector<2048x64xf32>
    %convert_element_type3A_734 = arith.truncf %slice3A_727 : vector<4x64xf32> to vector<4x64xbf16>
    %convert_element_type3A_735 = arith.truncf %slice3A_733 : vector<2048x64xf32> to vector<2048x64xbf16>
    %dot_general3A_736 = arith.constant dense<0.000000e+00> : vector<4x2048xf32>
    %dot_general3A_737 = tpu.matmul %convert_element_type3A_734, %convert_element_type3A_735, %dot_general3A_736 {dimension_numbers = #tpu.dot_dimension_numbers<[1], [1], [0], [0], [0, 0, 1, 0], [], []>, transpose_lhs_hint = false} : vector<4x64xbf16>, vector<2048x64xbf16>, vector<4x2048xf32> -> vector<4x2048xf32>
    %reduce_max3A_738 = arith.constant dense<0xFF800000> : vector<4xf32>
    %reduce_max3A_739 = vector.multi_reduction <maximumf>, %dot_general3A_732, %reduce_max3A_738 [1] : vector<4x4xf32> to vector<4xf32>
    %broadcast_in_dim3A_740 = vector.shape_cast %reduce_max3A_739 : vector<4xf32> to vector<4x1xf32>
    %reduce_max3A_741 = arith.constant dense<0xFF800000> : vector<4xf32>
    %reduce_max3A_742 = vector.multi_reduction <maximumf>, %dot_general3A_737, %reduce_max3A_741 [1] : vector<4x2048xf32> to vector<4xf32>
    %broadcast_in_dim3A_743 = vector.shape_cast %reduce_max3A_742 : vector<4xf32> to vector<4x1xf32>
    %max3A_744 = arith.maximumf %broadcast_in_dim3A_740, %broadcast_in_dim3A_743 : vector<4x1xf32>
    %sub3A_745 = vector.broadcast %max3A_744 : vector<4x1xf32> to vector<4x4xf32>
    %sub3A_746 = arith.subf %dot_general3A_732, %sub3A_745 : vector<4x4xf32>
    %exp3A_747 = math.exp %sub3A_746 : vector<4x4xf32>
    %sub3A_748 = vector.broadcast %max3A_744 : vector<4x1xf32> to vector<4x2048xf32>
    %sub3A_749 = arith.subf %dot_general3A_737, %sub3A_748 : vector<4x2048xf32>
    %exp3A_750 = math.exp %sub3A_749 : vector<4x2048xf32>
    %reduce_sum3A_751 = arith.constant dense<0.000000e+00> : vector<4xf32>
    %reduce_sum3A_752 = vector.multi_reduction <add>, %exp3A_747, %reduce_sum3A_751 [1] : vector<4x4xf32> to vector<4xf32>
    %broadcast_in_dim3A_753 = vector.shape_cast %reduce_sum3A_752 : vector<4xf32> to vector<4x1xf32>
    %reduce_sum3A_754 = arith.constant dense<0.000000e+00> : vector<4xf32>
    %reduce_sum3A_755 = vector.multi_reduction <add>, %exp3A_750, %reduce_sum3A_754 [1] : vector<4x2048xf32> to vector<4xf32>
    %broadcast_in_dim3A_756 = vector.shape_cast %reduce_sum3A_755 : vector<4xf32> to vector<4x1xf32>
    %add3A_757 = arith.addf %broadcast_in_dim3A_753, %broadcast_in_dim3A_756 : vector<4x1xf32>
    %slice3A_758 = vector.extract_strided_slice %add3A_233 {offsets = [0, 704], sizes = [4, 64], strides = [1, 1]} : vector<4x768xf32> to vector<4x64xf32>
    %convert_element_type3A_759 = arith.truncf %exp3A_747 : vector<4x4xf32> to vector<4x4xbf16>
    %convert_element_type3A_760 = arith.truncf %slice3A_758 : vector<4x64xf32> to vector<4x64xbf16>
    %dot_general3A_761 = arith.constant dense<0.000000e+00> : vector<4x64xf32>
    %dot_general3A_762 = tpu.matmul %convert_element_type3A_759, %convert_element_type3A_760, %dot_general3A_761 {dimension_numbers = #tpu.dot_dimension_numbers<[1], [0], [0], [1], [0, 0, 1, 1], [], []>, transpose_lhs_hint = false} : vector<4x4xbf16>, vector<4x64xbf16>, vector<4x64xf32> -> vector<4x64xf32>
    %slice3A_763 = vector.extract_strided_slice %get3A_243 {offsets = [0, 704], sizes = [2048, 64], strides = [1, 1]} : vector<2048x768xf32> to vector<2048x64xf32>
    %convert_element_type3A_764 = arith.truncf %exp3A_750 : vector<4x2048xf32> to vector<4x2048xbf16>
    %convert_element_type3A_765 = arith.truncf %slice3A_763 : vector<2048x64xf32> to vector<2048x64xbf16>
    %dot_general3A_766 = arith.constant dense<0.000000e+00> : vector<4x64xf32>
    %dot_general3A_767 = tpu.matmul %convert_element_type3A_764, %convert_element_type3A_765, %dot_general3A_766 {dimension_numbers = #tpu.dot_dimension_numbers<[1], [0], [0], [1], [0, 0, 1, 1], [], []>, transpose_lhs_hint = false} : vector<4x2048xbf16>, vector<2048x64xbf16>, vector<4x64xf32> -> vector<4x64xf32>
    %add3A_768 = arith.addf %dot_general3A_762, %dot_general3A_767 : vector<4x64xf32>
    %div3A_769 = vector.broadcast %add3A_757 : vector<4x1xf32> to vector<4x64xf32>
    %div3A_770 = arith.divf %add3A_768, %div3A_769 : vector<4x64xf32>
    %concatenate3A_771 = tpu.concatenate %div3A_286, %div3A_330, %div3A_374, %div3A_418, %div3A_462, %div3A_506, %div3A_550, %div3A_594, %div3A_638, %div3A_682, %div3A_726, %div3A_770 in 1 : vector<4x64xf32>, vector<4x64xf32>, vector<4x64xf32>, vector<4x64xf32>, vector<4x64xf32>, vector<4x64xf32>, vector<4x64xf32>, vector<4x64xf32>, vector<4x64xf32>, vector<4x64xf32>, vector<4x64xf32>, vector<4x64xf32> -> vector<4x768xf32>
    %get3A_772 = arith.constant 0 : index
    %get3A_773 = arith.constant 0 : index
    %get3A_774 = vector.load %arg13[%get3A_772, %get3A_773] : memref<768x768xf32, #tpu.memory_space<vmem>>, vector<768x768xf32>
    %convert_element_type3A_775 = arith.truncf %concatenate3A_771 : vector<4x768xf32> to vector<4x768xbf16>
    %convert_element_type3A_776 = arith.truncf %get3A_774 : vector<768x768xf32> to vector<768x768xbf16>
    %dot_general3A_777 = arith.constant dense<0.000000e+00> : vector<4x768xf32>
    %dot_general3A_778 = tpu.matmul %convert_element_type3A_775, %convert_element_type3A_776, %dot_general3A_777 {dimension_numbers = #tpu.dot_dimension_numbers<[1], [1], [0], [0], [0, 0, 1, 0], [], []>, transpose_lhs_hint = false} : vector<4x768xbf16>, vector<768x768xbf16>, vector<4x768xf32> -> vector<4x768xf32>
    %add3A_779 = arith.addf %dot_general3A_124, %dot_general3A_778 : vector<4x768xf32>
    %get3A_780 = arith.constant 0 : index
    %get3A_781 = arith.constant 0 : index
    %get3A_782 = vector.load %arg14[%get3A_780, %get3A_781] : memref<1x768xf32, #tpu.memory_space<vmem>>, vector<1x768xf32>
    %add3A_783 = vector.broadcast %get3A_782 : vector<1x768xf32> to vector<4x768xf32>
    %add3A_784 = arith.addf %add3A_779, %add3A_783 : vector<4x768xf32>
    %swap3A = arith.constant 0 : index
    %swap3A_785 = arith.constant 0 : index
    %swap3A_786 = arith.constant 0 : index
    %swap3A_787 = vector.load %arg15[%swap3A, %swap3A_785, %swap3A_786] : memref<1x4x768xf32, #tpu.memory_space<vmem>>, vector<1x4x768xf32>
    %swap3A_788 = vector.shape_cast %swap3A_787 : vector<1x4x768xf32> to vector<4x768xf32>
    %swap3A_789 = vector.shape_cast %add3A_784 : vector<4x768xf32> to vector<1x4x768xf32>
    tpu.vector_store %arg15[%swap3A, %swap3A_785, %swap3A_786], %swap3A_789 {strides = array<i32>} : memref<1x4x768xf32, #tpu.memory_space<vmem>>, vector<1x4x768xf32>,
    return
  }
  func.func @transform_0(%arg0: i32) -> (i32, i32, i32) {
    %c0_i32 = arith.constant 0 : i32
    %c0_i32_0 = arith.constant 0 : i32
    %c0_i32_1 = arith.constant 0 : i32
    return %arg0, %c0_i32, %c0_i32_0 : i32, i32, i32
  }
  func.func @transform_1(%arg0: i32) -> (i32, i32, i32) {
    %c0_i32 = arith.constant 0 : i32
    %c0_i32_0 = arith.constant 0 : i32
    %c0_i32_1 = arith.constant 0 : i32
    return %arg0, %c0_i32, %c0_i32_0 : i32, i32, i32
  }
  func.func @transform_2(%arg0: i32) -> (i32, i32, i32) {
    %c0_i32 = arith.constant 0 : i32
    %c0_i32_0 = arith.constant 0 : i32
    %c0_i32_1 = arith.constant 0 : i32
    return %arg0, %c0_i32, %c0_i32_0 : i32, i32, i32
  }
  func.func @transform_3(%arg0: i32) -> (i32, i32) {
    %c0_i32 = arith.constant 0 : i32
    %c0_i32_0 = arith.constant 0 : i32
    %c0_i32_1 = arith.constant 0 : i32
    return %c0_i32, %c0_i32_0 : i32, i32
  }
  func.func @transform_4(%arg0: i32) -> (i32, i32) {
    %c0_i32 = arith.constant 0 : i32
    %c0_i32_0 = arith.constant 0 : i32
    %c0_i32_1 = arith.constant 0 : i32
    return %c0_i32, %c0_i32_0 : i32, i32
  }
  func.func @transform_5(%arg0: i32) -> (i32, i32) {
    %c0_i32 = arith.constant 0 : i32
    %c0_i32_0 = arith.constant 0 : i32
    %c0_i32_1 = arith.constant 0 : i32
    return %c0_i32, %c0_i32_0 : i32, i32
  }
  func.func @transform_6(%arg0: i32) -> (i32, i32) {
    %c0_i32 = arith.constant 0 : i32
    %c0_i32_0 = arith.constant 0 : i32
    %c0_i32_1 = arith.constant 0 : i32
    return %c0_i32, %c0_i32_0 : i32, i32
  }
  func.func @transform_7(%arg0: i32) -> (i32, i32) {
    %c0_i32 = arith.constant 0 : i32
    %c0_i32_0 = arith.constant 0 : i32
    %c0_i32_1 = arith.constant 0 : i32
    return %c0_i32, %c0_i32_0 : i32, i32
  }
  func.func @transform_8(%arg0: i32) -> (i32, i32, i32) {
    %c0_i32 = arith.constant 0 : i32
    %c0_i32_0 = arith.constant 0 : i32
    %c0_i32_1 = arith.constant 0 : i32
    %c0_i32_2 = arith.constant 0 : i32
    return %c0_i32, %c0_i32_0, %c0_i32_1 : i32, i32, i32
  }
  func.func @transform_9(%arg0: i32) -> (i32, i32) {
    %c0_i32 = arith.constant 0 : i32
    %c0_i32_0 = arith.constant 0 : i32
    %c0_i32_1 = arith.constant 0 : i32
    return %c0_i32, %c0_i32_0 : i32, i32
  }
  func.func @transform_10(%arg0: i32) -> (i32, i32) {
    %c0_i32 = arith.constant 0 : i32
    %c0_i32_0 = arith.constant 0 : i32
    %c0_i32_1 = arith.constant 0 : i32
    return %c0_i32, %c0_i32_0 : i32, i32
  }
  func.func @transform_11(%arg0: i32) -> (i32, i32) {
    %c0_i32 = arith.constant 0 : i32
    %c0_i32_0 = arith.constant 0 : i32
    %c0_i32_1 = arith.constant 0 : i32
    return %c0_i32, %c0_i32_0 : i32, i32
  }
  func.func @transform_12(%arg0: i32) -> (i32, i32) {
    %c0_i32 = arith.constant 0 : i32
    %c0_i32_0 = arith.constant 0 : i32
    %c0_i32_1 = arith.constant 0 : i32
    return %c0_i32, %c0_i32_0 : i32, i32
  }
  func.func @transform_13(%arg0: i32) -> (i32, i32) {
    %c0_i32 = arith.constant 0 : i32
    %c0_i32_0 = arith.constant 0 : i32
    %c0_i32_1 = arith.constant 0 : i32
    return %c0_i32, %c0_i32_0 : i32, i32
  }
  func.func @transform_14(%arg0: i32) -> (i32, i32, i32) {
    %c0_i32 = arith.constant 0 : i32
    %c0_i32_0 = arith.constant 0 : i32
    %c0_i32_1 = arith.constant 0 : i32
    return %arg0, %c0_i32, %c0_i32_0 : i32, i32, i32
  }
}

module attributes {stable_mosaic.version = 14 : i64} {
  func.func @_se_proj_body(%arg0: i32, %arg1: i32, %arg2: memref<1x512x768xf32, #tpu.memory_space<vmem>>, %arg3: memref<512x768xf32, #tpu.memory_space<vmem>>, %arg4: memref<768x768xf32, #tpu.memory_space<vmem>>, %arg5: memref<1x768xf32, #tpu.memory_space<vmem>>, %arg6: memref<1x768xf32, #tpu.memory_space<vmem>>, %arg7: memref<1x768xf32, #tpu.memory_space<vmem>>, %arg8: memref<1x768x768xf32, #tpu.memory_space<vmem>>, %arg9: memref<1x768x768xf32, #tpu.memory_space<vmem>>, %arg10: memref<1x768xf32, #tpu.memory_space<vmem>>, %arg11: memref<1x768xf32, #tpu.memory_space<vmem>>, %arg12: memref<1x512x768xf32, #tpu.memory_space<vmem>>, %arg13: memref<1x512x768xf32, #tpu.memory_space<vmem>>) attributes {dimension_semantics = [#tpu.dimension_semantics<arbitrary>, #tpu.dimension_semantics<arbitrary>], iteration_bounds = array<i64: 2, 4>, scalar_prefetch = 0 : i64, scratch_operands = 0 : i64, tpu.core_type = #tpu.core_type<tc>, window_params = [{transform_indices = @transform_0, window_bounds = array<i64: 1, 512, 768>}, {transform_indices = @transform_1, window_bounds = array<i64: 512, 768>}, {pipeline_mode = #tpu.pipeline_mode<synchronous>, transform_indices = @transform_2, window_bounds = array<i64: 768, 768>}, {pipeline_mode = #tpu.pipeline_mode<synchronous>, transform_indices = @transform_3, window_bounds = array<i64: 1, 768>}, {pipeline_mode = #tpu.pipeline_mode<synchronous>, transform_indices = @transform_4, window_bounds = array<i64: 1, 768>}, {pipeline_mode = #tpu.pipeline_mode<synchronous>, transform_indices = @transform_5, window_bounds = array<i64: 1, 768>}, {transform_indices = @transform_6, window_bounds = array<i64: 1, 768, 768>}, {transform_indices = @transform_7, window_bounds = array<i64: 1, 768, 768>}, {pipeline_mode = #tpu.pipeline_mode<synchronous>, transform_indices = @transform_8, window_bounds = array<i64: 1, 768>}, {pipeline_mode = #tpu.pipeline_mode<synchronous>, transform_indices = @transform_9, window_bounds = array<i64: 1, 768>}, {transform_indices = @transform_10, window_bounds = array<i64: 1, 512, 768>}, {transform_indices = @transform_11, window_bounds = array<i64: 1, 512, 768>}]} {
    %get3A = arith.constant 0 : index
    %get3A_0 = arith.constant 0 : index
    %get3A_1 = arith.constant 0 : index
    %get3A_2 = vector.load %arg2[%get3A, %get3A_0, %get3A_1] : memref<1x512x768xf32, #tpu.memory_space<vmem>>, vector<1x512x768xf32>
    %get3A_3 = vector.shape_cast %get3A_2 : vector<1x512x768xf32> to vector<512x768xf32>
    %get3A_4 = arith.constant 0 : index
    %get3A_5 = arith.constant 0 : index
    %get3A_6 = vector.load %arg4[%get3A_4, %get3A_5] : memref<768x768xf32, #tpu.memory_space<vmem>>, vector<768x768xf32>
    %convert_element_type3A = arith.truncf %get3A_3 : vector<512x768xf32> to vector<512x768xbf16>
    %convert_element_type3A_7 = arith.truncf %get3A_6 : vector<768x768xf32> to vector<768x768xbf16>
    %dot_general3A = arith.constant dense<0.000000e+00> : vector<512x768xf32>
    %dot_general3A_8 = tpu.matmul %convert_element_type3A, %convert_element_type3A_7, %dot_general3A {dimension_numbers = #tpu.dot_dimension_numbers<[1], [1], [0], [0], [0, 0, 1, 0], [], []>, transpose_lhs_hint = false} : vector<512x768xbf16>, vector<768x768xbf16>, vector<512x768xf32> -> vector<512x768xf32>
    %get3A_9 = arith.constant 0 : index
    %get3A_10 = arith.constant 0 : index
    %get3A_11 = vector.load %arg5[%get3A_9, %get3A_10] : memref<1x768xf32, #tpu.memory_space<vmem>>, vector<1x768xf32>
    %add3A = vector.broadcast %get3A_11 : vector<1x768xf32> to vector<512x768xf32>
    %add3A_12 = arith.addf %dot_general3A_8, %add3A : vector<512x768xf32>
    %get3A_13 = arith.constant 0 : index
    %get3A_14 = arith.constant 0 : index
    %get3A_15 = vector.load %arg3[%get3A_13, %get3A_14] : memref<512x768xf32, #tpu.memory_space<vmem>>, vector<512x768xf32>
    %add3A_16 = arith.addf %add3A_12, %get3A_15 : vector<512x768xf32>
    %get3A_17 = arith.constant 0 : index
    %get3A_18 = arith.constant 0 : index
    %get3A_19 = vector.load %arg6[%get3A_17, %get3A_18] : memref<1x768xf32, #tpu.memory_space<vmem>>, vector<1x768xf32>
    %get3A_20 = arith.constant 0 : index
    %get3A_21 = arith.constant 0 : index
    %get3A_22 = vector.load %arg7[%get3A_20, %get3A_21] : memref<1x768xf32, #tpu.memory_space<vmem>>, vector<1x768xf32>
    %reduce_sum3A = arith.constant dense<0.000000e+00> : vector<512xf32>
    %reduce_sum3A_23 = vector.multi_reduction <add>, %add3A_16, %reduce_sum3A [1] : vector<512x768xf32> to vector<512xf32>
    %broadcast_in_dim3A = vector.shape_cast %reduce_sum3A_23 : vector<512xf32> to vector<512x1xf32>
    %div3A = arith.constant 7.680000e+02 : f32
    %div3A_24 = vector.broadcast %div3A : f32 to vector<512x1xf32>
    %div3A_25 = arith.divf %broadcast_in_dim3A, %div3A_24 : vector<512x1xf32>
    %sub3A = vector.broadcast %div3A_25 : vector<512x1xf32> to vector<512x768xf32>
    %sub3A_26 = arith.subf %add3A_16, %sub3A : vector<512x768xf32>
    %integer_pow3A = arith.mulf %sub3A_26, %sub3A_26 : vector<512x768xf32>
    %reduce_sum3A_27 = arith.constant dense<0.000000e+00> : vector<512xf32>
    %reduce_sum3A_28 = vector.multi_reduction <add>, %integer_pow3A, %reduce_sum3A_27 [1] : vector<512x768xf32> to vector<512xf32>
    %broadcast_in_dim3A_29 = vector.shape_cast %reduce_sum3A_28 : vector<512xf32> to vector<512x1xf32>
    %div3A_30 = arith.constant 7.680000e+02 : f32
    %div3A_31 = vector.broadcast %div3A_30 : f32 to vector<512x1xf32>
    %div3A_32 = arith.divf %broadcast_in_dim3A_29, %div3A_31 : vector<512x1xf32>
    %sub3A_33 = vector.broadcast %div3A_25 : vector<512x1xf32> to vector<512x768xf32>
    %sub3A_34 = arith.subf %add3A_16, %sub3A_33 : vector<512x768xf32>
    %add3A_35 = arith.constant 9.99999974E-6 : f32
    %add3A_36 = vector.broadcast %add3A_35 : f32 to vector<512x1xf32>
    %add3A_37 = arith.addf %div3A_32, %add3A_36 : vector<512x1xf32>
    %rsqrt3A = math.rsqrt %add3A_37 : vector<512x1xf32>
    %mul3A = vector.broadcast %rsqrt3A : vector<512x1xf32> to vector<512x768xf32>
    %mul3A_38 = arith.mulf %sub3A_34, %mul3A : vector<512x768xf32>
    %mul3A_39 = vector.broadcast %get3A_19 : vector<1x768xf32> to vector<512x768xf32>
    %mul3A_40 = arith.mulf %mul3A_38, %mul3A_39 : vector<512x768xf32>
    %add3A_41 = vector.broadcast %get3A_22 : vector<1x768xf32> to vector<512x768xf32>
    %add3A_42 = arith.addf %mul3A_40, %add3A_41 : vector<512x768xf32>
    %get3A_43 = arith.constant 0 : index
    %get3A_44 = arith.constant 0 : index
    %get3A_45 = arith.constant 0 : index
    %get3A_46 = vector.load %arg8[%get3A_43, %get3A_44, %get3A_45] : memref<1x768x768xf32, #tpu.memory_space<vmem>>, vector<1x768x768xf32>
    %get3A_47 = vector.shape_cast %get3A_46 : vector<1x768x768xf32> to vector<768x768xf32>
    %convert_element_type3A_48 = arith.truncf %add3A_42 : vector<512x768xf32> to vector<512x768xbf16>
    %convert_element_type3A_49 = arith.truncf %get3A_47 : vector<768x768xf32> to vector<768x768xbf16>
    %dot_general3A_50 = arith.constant dense<0.000000e+00> : vector<512x768xf32>
    %dot_general3A_51 = tpu.matmul %convert_element_type3A_48, %convert_element_type3A_49, %dot_general3A_50 {dimension_numbers = #tpu.dot_dimension_numbers<[1], [1], [0], [0], [0, 0, 1, 0], [], []>, transpose_lhs_hint = false} : vector<512x768xbf16>, vector<768x768xbf16>, vector<512x768xf32> -> vector<512x768xf32>
    %get3A_52 = arith.constant 0 : index
    %get3A_53 = arith.constant 0 : index
    %get3A_54 = vector.load %arg10[%get3A_52, %get3A_53] : memref<1x768xf32, #tpu.memory_space<vmem>>, vector<1x768xf32>
    %add3A_55 = vector.broadcast %get3A_54 : vector<1x768xf32> to vector<512x768xf32>
    %add3A_56 = arith.addf %dot_general3A_51, %add3A_55 : vector<512x768xf32>
    %swap3A = arith.constant 0 : index
    %swap3A_57 = arith.constant 0 : index
    %swap3A_58 = arith.constant 0 : index
    %swap3A_59 = vector.load %arg12[%swap3A, %swap3A_57, %swap3A_58] : memref<1x512x768xf32, #tpu.memory_space<vmem>>, vector<1x512x768xf32>
    %swap3A_60 = vector.shape_cast %swap3A_59 : vector<1x512x768xf32> to vector<512x768xf32>
    %swap3A_61 = vector.shape_cast %add3A_56 : vector<512x768xf32> to vector<1x512x768xf32>
    tpu.vector_store %arg12[%swap3A, %swap3A_57, %swap3A_58], %swap3A_61 {strides = array<i32>} : memref<1x512x768xf32, #tpu.memory_space<vmem>>, vector<1x512x768xf32>,
    %get3A_62 = arith.constant 0 : index
    %get3A_63 = arith.constant 0 : index
    %get3A_64 = arith.constant 0 : index
    %get3A_65 = vector.load %arg9[%get3A_62, %get3A_63, %get3A_64] : memref<1x768x768xf32, #tpu.memory_space<vmem>>, vector<1x768x768xf32>
    %get3A_66 = vector.shape_cast %get3A_65 : vector<1x768x768xf32> to vector<768x768xf32>
    %convert_element_type3A_67 = arith.truncf %add3A_42 : vector<512x768xf32> to vector<512x768xbf16>
    %convert_element_type3A_68 = arith.truncf %get3A_66 : vector<768x768xf32> to vector<768x768xbf16>
    %dot_general3A_69 = arith.constant dense<0.000000e+00> : vector<512x768xf32>
    %dot_general3A_70 = tpu.matmul %convert_element_type3A_67, %convert_element_type3A_68, %dot_general3A_69 {dimension_numbers = #tpu.dot_dimension_numbers<[1], [1], [0], [0], [0, 0, 1, 0], [], []>, transpose_lhs_hint = false} : vector<512x768xbf16>, vector<768x768xbf16>, vector<512x768xf32> -> vector<512x768xf32>
    %get3A_71 = arith.constant 0 : index
    %get3A_72 = arith.constant 0 : index
    %get3A_73 = vector.load %arg11[%get3A_71, %get3A_72] : memref<1x768xf32, #tpu.memory_space<vmem>>, vector<1x768xf32>
    %add3A_74 = vector.broadcast %get3A_73 : vector<1x768xf32> to vector<512x768xf32>
    %add3A_75 = arith.addf %dot_general3A_70, %add3A_74 : vector<512x768xf32>
    %swap3A_76 = arith.constant 0 : index
    %swap3A_77 = arith.constant 0 : index
    %swap3A_78 = arith.constant 0 : index
    %swap3A_79 = vector.load %arg13[%swap3A_76, %swap3A_77, %swap3A_78] : memref<1x512x768xf32, #tpu.memory_space<vmem>>, vector<1x512x768xf32>
    %swap3A_80 = vector.shape_cast %swap3A_79 : vector<1x512x768xf32> to vector<512x768xf32>
    %swap3A_81 = vector.shape_cast %add3A_75 : vector<512x768xf32> to vector<1x512x768xf32>
    tpu.vector_store %arg13[%swap3A_76, %swap3A_77, %swap3A_78], %swap3A_81 {strides = array<i32>} : memref<1x512x768xf32, #tpu.memory_space<vmem>>, vector<1x512x768xf32>,
    return
  }
  func.func @transform_0(%arg0: i32, %arg1: i32) -> (i32, i32, i32) {
    %c0_i32 = arith.constant 0 : i32
    %c0_i32_0 = arith.constant 0 : i32
    return %arg0, %arg1, %c0_i32 : i32, i32, i32
  }
  func.func @transform_1(%arg0: i32, %arg1: i32) -> (i32, i32) {
    %c0_i32 = arith.constant 0 : i32
    %c0_i32_0 = arith.constant 0 : i32
    return %arg1, %c0_i32 : i32, i32
  }
  func.func @transform_2(%arg0: i32, %arg1: i32) -> (i32, i32) {
    %c0_i32 = arith.constant 0 : i32
    %c0_i32_0 = arith.constant 0 : i32
    %c0_i32_1 = arith.constant 0 : i32
    return %c0_i32, %c0_i32_0 : i32, i32
  }
  func.func @transform_3(%arg0: i32, %arg1: i32) -> (i32, i32) {
    %c0_i32 = arith.constant 0 : i32
    %c0_i32_0 = arith.constant 0 : i32
    %c0_i32_1 = arith.constant 0 : i32
    return %c0_i32, %c0_i32_0 : i32, i32
  }
  func.func @transform_4(%arg0: i32, %arg1: i32) -> (i32, i32) {
    %c0_i32 = arith.constant 0 : i32
    %c0_i32_0 = arith.constant 0 : i32
    %c0_i32_1 = arith.constant 0 : i32
    return %c0_i32, %c0_i32_0 : i32, i32
  }
  func.func @transform_5(%arg0: i32, %arg1: i32) -> (i32, i32) {
    %c0_i32 = arith.constant 0 : i32
    %c0_i32_0 = arith.constant 0 : i32
    %c0_i32_1 = arith.constant 0 : i32
    return %c0_i32, %c0_i32_0 : i32, i32
  }
  func.func @transform_6(%arg0: i32, %arg1: i32) -> (i32, i32, i32) {
    %c1_i32 = arith.constant 1 : i32
    %c0_i32 = arith.constant 0 : i32
    %c0_i32_0 = arith.constant 0 : i32
    %c0_i32_1 = arith.constant 0 : i32
    return %c1_i32, %c0_i32, %c0_i32_0 : i32, i32, i32
  }
  func.func @transform_7(%arg0: i32, %arg1: i32) -> (i32, i32, i32) {
    %c2_i32 = arith.constant 2 : i32
    %c0_i32 = arith.constant 0 : i32
    %c0_i32_0 = arith.constant 0 : i32
    %c0_i32_1 = arith.constant 0 : i32
    return %c2_i32, %c0_i32, %c0_i32_0 : i32, i32, i32
  }
  func.func @transform_8(%arg0: i32, %arg1: i32) -> (i32, i32) {
    %c0_i32 = arith.constant 0 : i32
    %c0_i32_0 = arith.constant 0 : i32
    %c0_i32_1 = arith.constant 0 : i32
    return %c0_i32, %c0_i32_0 : i32, i32
  }
  func.func @transform_9(%arg0: i32, %arg1: i32) -> (i32, i32) {
    %c0_i32 = arith.constant 0 : i32
    %c0_i32_0 = arith.constant 0 : i32
    %c0_i32_1 = arith.constant 0 : i32
    return %c0_i32, %c0_i32_0 : i32, i32
  }
  func.func @transform_10(%arg0: i32, %arg1: i32) -> (i32, i32, i32) {
    %c0_i32 = arith.constant 0 : i32
    %c0_i32_0 = arith.constant 0 : i32
    return %arg0, %arg1, %c0_i32 : i32, i32, i32
  }
  func.func @transform_11(%arg0: i32, %arg1: i32) -> (i32, i32, i32) {
    %c0_i32 = arith.constant 0 : i32
    %c0_i32_0 = arith.constant 0 : i32
    return %arg0, %arg1, %c0_i32 : i32, i32, i32
  }
}

module attributes {stable_mosaic.version = 14 : i64} {
  func.func @_gate_body(%arg0: i32, %arg1: memref<1x4x768xf32, #tpu.memory_space<vmem>>, %arg2: memref<1x8x768xf32, #tpu.memory_space<vmem>>, %arg3: memref<1x768xf32, #tpu.memory_space<vmem>>, %arg4: memref<1x768xf32, #tpu.memory_space<vmem>>, %arg5: memref<768x768xf32, #tpu.memory_space<vmem>>, %arg6: memref<1x768xf32, #tpu.memory_space<vmem>>, %arg7: memref<768x768xf32, #tpu.memory_space<vmem>>, %arg8: memref<1x768xf32, #tpu.memory_space<vmem>>, %arg9: memref<1x768xf32, #tpu.memory_space<vmem>>, %arg10: memref<1x768xf32, #tpu.memory_space<vmem>>, %arg11: memref<16x768xf32, #tpu.memory_space<vmem>>, %arg12: memref<1x768xf32, #tpu.memory_space<vmem>>, %arg13: memref<1x768xf32, #tpu.memory_space<vmem>>, %arg14: memref<1x768xf32, #tpu.memory_space<vmem>>, %arg15: memref<1x4x768xf32, #tpu.memory_space<vmem>>, %arg16: memref<1x1x2xi32, #tpu.memory_space<vmem>>, %arg17: memref<1x1x2xf32, #tpu.memory_space<vmem>>, %arg18: memref<1x2x16xf32, #tpu.memory_space<vmem>>, %arg19: memref<1x1x8xf32, #tpu.memory_space<vmem>>, %arg20: memref<1x1x8xf32, #tpu.memory_space<vmem>>) attributes {dimension_semantics = [#tpu.dimension_semantics<arbitrary>], iteration_bounds = array<i64: 2>, scalar_prefetch = 0 : i64, scratch_operands = 0 : i64, tpu.core_type = #tpu.core_type<tc>, window_params = [{transform_indices = @transform_0, window_bounds = array<i64: 1, 4, 768>}, {transform_indices = @transform_1, window_bounds = array<i64: 1, 8, 768>}, {pipeline_mode = #tpu.pipeline_mode<synchronous>, transform_indices = @transform_2, window_bounds = array<i64: 1, 768>}, {pipeline_mode = #tpu.pipeline_mode<synchronous>, transform_indices = @transform_3, window_bounds = array<i64: 1, 768>}, {pipeline_mode = #tpu.pipeline_mode<synchronous>, transform_indices = @transform_4, window_bounds = array<i64: 768, 768>}, {pipeline_mode = #tpu.pipeline_mode<synchronous>, transform_indices = @transform_5, window_bounds = array<i64: 1, 768>}, {pipeline_mode = #tpu.pipeline_mode<synchronous>, transform_indices = @transform_6, window_bounds = array<i64: 768, 768>}, {pipeline_mode = #tpu.pipeline_mode<synchronous>, transform_indices = @transform_7, window_bounds = array<i64: 1, 768>}, {pipeline_mode = #tpu.pipeline_mode<synchronous>, transform_indices = @transform_8, window_bounds = array<i64: 1, 768>}, {pipeline_mode = #tpu.pipeline_mode<synchronous>, transform_indices = @transform_9, window_bounds = array<i64: 1, 768>}, {pipeline_mode = #tpu.pipeline_mode<synchronous>, transform_indices = @transform_10, window_bounds = array<i64: 16, 768>}, {pipeline_mode = #tpu.pipeline_mode<synchronous>, transform_indices = @transform_11, window_bounds = array<i64: 1, 768>}, {pipeline_mode = #tpu.pipeline_mode<synchronous>, transform_indices = @transform_12, window_bounds = array<i64: 1, 768>}, {pipeline_mode = #tpu.pipeline_mode<synchronous>, transform_indices = @transform_13, window_bounds = array<i64: 1, 768>}, {transform_indices = @transform_14, window_bounds = array<i64: 1, 4, 768>}, {transform_indices = @transform_15, window_bounds = array<i64: 1, 1, 2>}, {transform_indices = @transform_16, window_bounds = array<i64: 1, 1, 2>}, {transform_indices = @transform_17, window_bounds = array<i64: 1, 2, 16>}, {transform_indices = @transform_18, window_bounds = array<i64: 1, 1, 8>}, {transform_indices = @transform_19, window_bounds = array<i64: 1, 1, 8>}]} {
    %get3A = arith.constant 0 : index
    %get3A_0 = arith.constant 0 : index
    %get3A_1 = arith.constant 0 : index
    %get3A_2 = vector.load %arg1[%get3A, %get3A_0, %get3A_1] : memref<1x4x768xf32, #tpu.memory_space<vmem>>, vector<1x4x768xf32>
    %get3A_3 = vector.shape_cast %get3A_2 : vector<1x4x768xf32> to vector<4x768xf32>
    %get3A_4 = arith.constant 0 : index
    %get3A_5 = arith.constant 0 : index
    %get3A_6 = vector.load %arg3[%get3A_4, %get3A_5] : memref<1x768xf32, #tpu.memory_space<vmem>>, vector<1x768xf32>
    %get3A_7 = arith.constant 0 : index
    %get3A_8 = arith.constant 0 : index
    %get3A_9 = vector.load %arg4[%get3A_7, %get3A_8] : memref<1x768xf32, #tpu.memory_space<vmem>>, vector<1x768xf32>
    %reduce_sum3A = arith.constant dense<0.000000e+00> : vector<4xf32>
    %reduce_sum3A_10 = vector.multi_reduction <add>, %get3A_3, %reduce_sum3A [1] : vector<4x768xf32> to vector<4xf32>
    %broadcast_in_dim3A = vector.shape_cast %reduce_sum3A_10 : vector<4xf32> to vector<4x1xf32>
    %div3A = arith.constant 7.680000e+02 : f32
    %div3A_11 = vector.broadcast %div3A : f32 to vector<4x1xf32>
    %div3A_12 = arith.divf %broadcast_in_dim3A, %div3A_11 : vector<4x1xf32>
    %sub3A = vector.broadcast %div3A_12 : vector<4x1xf32> to vector<4x768xf32>
    %sub3A_13 = arith.subf %get3A_3, %sub3A : vector<4x768xf32>
    %integer_pow3A = arith.mulf %sub3A_13, %sub3A_13 : vector<4x768xf32>
    %reduce_sum3A_14 = arith.constant dense<0.000000e+00> : vector<4xf32>
    %reduce_sum3A_15 = vector.multi_reduction <add>, %integer_pow3A, %reduce_sum3A_14 [1] : vector<4x768xf32> to vector<4xf32>
    %broadcast_in_dim3A_16 = vector.shape_cast %reduce_sum3A_15 : vector<4xf32> to vector<4x1xf32>
    %div3A_17 = arith.constant 7.680000e+02 : f32
    %div3A_18 = vector.broadcast %div3A_17 : f32 to vector<4x1xf32>
    %div3A_19 = arith.divf %broadcast_in_dim3A_16, %div3A_18 : vector<4x1xf32>
    %sub3A_20 = vector.broadcast %div3A_12 : vector<4x1xf32> to vector<4x768xf32>
    %sub3A_21 = arith.subf %get3A_3, %sub3A_20 : vector<4x768xf32>
    %add3A = arith.constant 9.99999974E-6 : f32
    %add3A_22 = vector.broadcast %add3A : f32 to vector<4x1xf32>
    %add3A_23 = arith.addf %div3A_19, %add3A_22 : vector<4x1xf32>
    %rsqrt3A = math.rsqrt %add3A_23 : vector<4x1xf32>
    %mul3A = vector.broadcast %rsqrt3A : vector<4x1xf32> to vector<4x768xf32>
    %mul3A_24 = arith.mulf %sub3A_21, %mul3A : vector<4x768xf32>
    %mul3A_25 = vector.broadcast %get3A_6 : vector<1x768xf32> to vector<4x768xf32>
    %mul3A_26 = arith.mulf %mul3A_24, %mul3A_25 : vector<4x768xf32>
    %add3A_27 = vector.broadcast %get3A_9 : vector<1x768xf32> to vector<4x768xf32>
    %add3A_28 = arith.addf %mul3A_26, %add3A_27 : vector<4x768xf32>
    %get3A_29 = arith.constant 0 : index
    %get3A_30 = arith.constant 0 : index
    %get3A_31 = vector.load %arg5[%get3A_29, %get3A_30] : memref<768x768xf32, #tpu.memory_space<vmem>>, vector<768x768xf32>
    %convert_element_type3A = arith.truncf %add3A_28 : vector<4x768xf32> to vector<4x768xbf16>
    %convert_element_type3A_32 = arith.truncf %get3A_31 : vector<768x768xf32> to vector<768x768xbf16>
    %dot_general3A = arith.constant dense<0.000000e+00> : vector<4x768xf32>
    %dot_general3A_33 = tpu.matmul %convert_element_type3A, %convert_element_type3A_32, %dot_general3A {dimension_numbers = #tpu.dot_dimension_numbers<[1], [1], [0], [0], [0, 0, 1, 0], [], []>, transpose_lhs_hint = false} : vector<4x768xbf16>, vector<768x768xbf16>, vector<4x768xf32> -> vector<4x768xf32>
    %get3A_34 = arith.constant 0 : index
    %get3A_35 = arith.constant 0 : index
    %get3A_36 = vector.load %arg6[%get3A_34, %get3A_35] : memref<1x768xf32, #tpu.memory_space<vmem>>, vector<1x768xf32>
    %add3A_37 = vector.broadcast %get3A_36 : vector<1x768xf32> to vector<4x768xf32>
    %add3A_38 = arith.addf %dot_general3A_33, %add3A_37 : vector<4x768xf32>
    %mul3A_39 = arith.constant 5.000000e-01 : f32
    %mul3A_40 = vector.broadcast %mul3A_39 : f32 to vector<4x768xf32>
    %mul3A_41 = arith.mulf %mul3A_40, %add3A_38 : vector<4x768xf32>
    %mul3A_42 = arith.constant 0.707106769 : f32
    %mul3A_43 = vector.broadcast %mul3A_42 : f32 to vector<4x768xf32>
    %mul3A_44 = arith.mulf %add3A_38, %mul3A_43 : vector<4x768xf32>
    %erf3A = math.erf %mul3A_44 : vector<4x768xf32>
    %add3A_45 = arith.constant 1.000000e+00 : f32
    %add3A_46 = vector.broadcast %add3A_45 : f32 to vector<4x768xf32>
    %add3A_47 = arith.addf %add3A_46, %erf3A : vector<4x768xf32>
    %mul3A_48 = arith.mulf %mul3A_41, %add3A_47 : vector<4x768xf32>
    %get3A_49 = arith.constant 0 : index
    %get3A_50 = arith.constant 0 : index
    %get3A_51 = vector.load %arg7[%get3A_49, %get3A_50] : memref<768x768xf32, #tpu.memory_space<vmem>>, vector<768x768xf32>
    %convert_element_type3A_52 = arith.truncf %mul3A_48 : vector<4x768xf32> to vector<4x768xbf16>
    %convert_element_type3A_53 = arith.truncf %get3A_51 : vector<768x768xf32> to vector<768x768xbf16>
    %dot_general3A_54 = arith.constant dense<0.000000e+00> : vector<4x768xf32>
    %dot_general3A_55 = tpu.matmul %convert_element_type3A_52, %convert_element_type3A_53, %dot_general3A_54 {dimension_numbers = #tpu.dot_dimension_numbers<[1], [1], [0], [0], [0, 0, 1, 0], [], []>, transpose_lhs_hint = false} : vector<4x768xbf16>, vector<768x768xbf16>, vector<4x768xf32> -> vector<4x768xf32>
    %add3A_56 = arith.addf %get3A_3, %dot_general3A_55 : vector<4x768xf32>
    %get3A_57 = arith.constant 0 : index
    %get3A_58 = arith.constant 0 : index
    %get3A_59 = vector.load %arg8[%get3A_57, %get3A_58] : memref<1x768xf32, #tpu.memory_space<vmem>>, vector<1x768xf32>
    %add3A_60 = vector.broadcast %get3A_59 : vector<1x768xf32> to vector<4x768xf32>
    %add3A_61 = arith.addf %add3A_56, %add3A_60 : vector<4x768xf32>
    %swap3A = arith.constant 0 : index
    %swap3A_62 = arith.constant 0 : index
    %swap3A_63 = arith.constant 0 : index
    %swap3A_64 = vector.load %arg15[%swap3A, %swap3A_62, %swap3A_63] : memref<1x4x768xf32, #tpu.memory_space<vmem>>, vector<1x4x768xf32>
    %swap3A_65 = vector.shape_cast %swap3A_64 : vector<1x4x768xf32> to vector<4x768xf32>
    %swap3A_66 = vector.shape_cast %add3A_61 : vector<4x768xf32> to vector<1x4x768xf32>
    tpu.vector_store %arg15[%swap3A, %swap3A_62, %swap3A_63], %swap3A_66 {strides = array<i32>} : memref<1x4x768xf32, #tpu.memory_space<vmem>>, vector<1x4x768xf32>,
    %reduce_sum3A_67 = arith.constant dense<0.000000e+00> : vector<768xf32>
    %reduce_sum3A_68 = vector.multi_reduction <add>, %add3A_61, %reduce_sum3A_67 [0] : vector<4x768xf32> to vector<768xf32>
    %broadcast_in_dim3A_69 = vector.shape_cast %reduce_sum3A_68 : vector<768xf32> to vector<1x768xf32>
    %div3A_70 = arith.constant 4.000000e+00 : f32
    %div3A_71 = vector.broadcast %div3A_70 : f32 to vector<1x768xf32>
    %div3A_72 = arith.divf %broadcast_in_dim3A_69, %div3A_71 : vector<1x768xf32>
    %get3A_73 = arith.constant 0 : index
    %get3A_74 = arith.constant 0 : index
    %get3A_75 = vector.load %arg9[%get3A_73, %get3A_74] : memref<1x768xf32, #tpu.memory_space<vmem>>, vector<1x768xf32>
    %get3A_76 = arith.constant 0 : index
    %get3A_77 = arith.constant 0 : index
    %get3A_78 = vector.load %arg10[%get3A_76, %get3A_77] : memref<1x768xf32, #tpu.memory_space<vmem>>, vector<1x768xf32>
    %reduce_sum3A_79 = arith.constant dense<0.000000e+00> : vector<1xf32>
    %reduce_sum3A_80 = vector.multi_reduction <add>, %div3A_72, %reduce_sum3A_79 [1] : vector<1x768xf32> to vector<1xf32>
    %broadcast_in_dim3A_81 = vector.shape_cast %reduce_sum3A_80 : vector<1xf32> to vector<1x1xf32>
    %div3A_82 = arith.constant 7.680000e+02 : f32
    %div3A_83 = vector.broadcast %div3A_82 : f32 to vector<1x1xf32>
    %div3A_84 = arith.divf %broadcast_in_dim3A_81, %div3A_83 : vector<1x1xf32>
    %sub3A_85 = vector.broadcast %div3A_84 : vector<1x1xf32> to vector<1x768xf32>
    %sub3A_86 = arith.subf %div3A_72, %sub3A_85 : vector<1x768xf32>
    %integer_pow3A_87 = arith.mulf %sub3A_86, %sub3A_86 : vector<1x768xf32>
    %reduce_sum3A_88 = arith.constant dense<0.000000e+00> : vector<1xf32>
    %reduce_sum3A_89 = vector.multi_reduction <add>, %integer_pow3A_87, %reduce_sum3A_88 [1] : vector<1x768xf32> to vector<1xf32>
    %broadcast_in_dim3A_90 = vector.shape_cast %reduce_sum3A_89 : vector<1xf32> to vector<1x1xf32>
    %div3A_91 = arith.constant 7.680000e+02 : f32
    %div3A_92 = vector.broadcast %div3A_91 : f32 to vector<1x1xf32>
    %div3A_93 = arith.divf %broadcast_in_dim3A_90, %div3A_92 : vector<1x1xf32>
    %sub3A_94 = vector.broadcast %div3A_84 : vector<1x1xf32> to vector<1x768xf32>
    %sub3A_95 = arith.subf %div3A_72, %sub3A_94 : vector<1x768xf32>
    %add3A_96 = arith.constant 9.99999974E-6 : f32
    %add3A_97 = vector.broadcast %add3A_96 : f32 to vector<1x1xf32>
    %add3A_98 = arith.addf %div3A_93, %add3A_97 : vector<1x1xf32>
    %rsqrt3A_99 = math.rsqrt %add3A_98 : vector<1x1xf32>
    %mul3A_100 = vector.broadcast %rsqrt3A_99 : vector<1x1xf32> to vector<1x768xf32>
    %mul3A_101 = arith.mulf %sub3A_95, %mul3A_100 : vector<1x768xf32>
    %mul3A_102 = arith.mulf %mul3A_101, %get3A_75 : vector<1x768xf32>
    %add3A_103 = arith.addf %mul3A_102, %get3A_78 : vector<1x768xf32>
    %get3A_104 = arith.constant 0 : index
    %get3A_105 = arith.constant 0 : index
    %get3A_106 = vector.load %arg11[%get3A_104, %get3A_105] : memref<16x768xf32, #tpu.memory_space<vmem>>, vector<16x768xf32>
    %convert_element_type3A_107 = arith.truncf %add3A_103 : vector<1x768xf32> to vector<1x768xbf16>
    %convert_element_type3A_108 = arith.truncf %get3A_106 : vector<16x768xf32> to vector<16x768xbf16>
    %dot_general3A_109 = arith.constant dense<0.000000e+00> : vector<1x16xf32>
    %dot_general3A_110 = tpu.matmul %convert_element_type3A_107, %convert_element_type3A_108, %dot_general3A_109 {dimension_numbers = #tpu.dot_dimension_numbers<[1], [1], [0], [0], [0, 0, 1, 0], [], []>, transpose_lhs_hint = false} : vector<1x768xbf16>, vector<16x768xbf16>, vector<1x16xf32> -> vector<1x16xf32>
    %iota3A = tpu.iota {dimensions = array<i32: 1>} : vector<1x16xi32>
    %convert_element_type3A_111 = arith.sitofp %iota3A : vector<1x16xi32> to vector<1x16xf32>
    %reduce_max3A = arith.constant dense<0xFF800000> : vector<1xf32>
    %reduce_max3A_112 = vector.multi_reduction <maximumf>, %dot_general3A_110, %reduce_max3A [1] : vector<1x16xf32> to vector<1xf32>
    %broadcast_in_dim3A_113 = vector.shape_cast %reduce_max3A_112 : vector<1xf32> to vector<1x1xf32>
    %ge3A = vector.broadcast %broadcast_in_dim3A_113 : vector<1x1xf32> to vector<1x16xf32>
    %ge3A_114 = arith.cmpf oge, %dot_general3A_110, %ge3A : vector<1x16xf32>
    %jit3A = arith.constant 1.600000e+01 : f32
    %broadcast_in_dim3A_115 = vector.broadcast %jit3A : f32 to vector<1x16xf32>
    %select_n3A = arith.select %ge3A_114, %convert_element_type3A_111, %broadcast_in_dim3A_115 : vector<1x16xi1>, vector<1x16xf32>
    %reduce_min3A = arith.constant dense<0x7F800000> : vector<1xf32>
    %reduce_min3A_116 = vector.multi_reduction <minimumf>, %select_n3A, %reduce_min3A [1] : vector<1x16xf32> to vector<1xf32>
    %broadcast_in_dim3A_117 = vector.shape_cast %reduce_min3A_116 : vector<1xf32> to vector<1x1xf32>
    %eq3A = vector.broadcast %broadcast_in_dim3A_117 : vector<1x1xf32> to vector<1x16xf32>
    %eq3A_118 = arith.cmpf oeq, %convert_element_type3A_111, %eq3A : vector<1x16xf32>
    %convert_element_type3A_119 = arith.extui %eq3A_118 : vector<1x16xi1> to vector<1x16xi32>
    %convert_element_type3A_120 = arith.sitofp %convert_element_type3A_119 : vector<1x16xi32> to vector<1x16xf32>
    %gt3A = arith.constant 0.000000e+00 : f32
    %gt3A_121 = vector.broadcast %gt3A : f32 to vector<1x16xf32>
    %gt3A_122 = arith.cmpf ogt, %convert_element_type3A_120, %gt3A_121 : vector<1x16xf32>
    %jit3A_123 = arith.constant -1.000000e+30 : f32
    %broadcast_in_dim3A_124 = vector.broadcast %jit3A_123 : f32 to vector<1x16xf32>
    %select_n3A_125 = arith.select %gt3A_122, %broadcast_in_dim3A_124, %dot_general3A_110 : vector<1x16xi1>, vector<1x16xf32>
    %reduce_max3A_126 = arith.constant dense<0xFF800000> : vector<1xf32>
    %reduce_max3A_127 = vector.multi_reduction <maximumf>, %select_n3A_125, %reduce_max3A_126 [1] : vector<1x16xf32> to vector<1xf32>
    %broadcast_in_dim3A_128 = vector.shape_cast %reduce_max3A_127 : vector<1xf32> to vector<1x1xf32>
    %ge3A_129 = vector.broadcast %broadcast_in_dim3A_128 : vector<1x1xf32> to vector<1x16xf32>
    %ge3A_130 = arith.cmpf oge, %select_n3A_125, %ge3A_129 : vector<1x16xf32>
    %jit3A_131 = arith.constant 1.600000e+01 : f32
    %broadcast_in_dim3A_132 = vector.broadcast %jit3A_131 : f32 to vector<1x16xf32>
    %select_n3A_133 = arith.select %ge3A_130, %convert_element_type3A_111, %broadcast_in_dim3A_132 : vector<1x16xi1>, vector<1x16xf32>
    %reduce_min3A_134 = arith.constant dense<0x7F800000> : vector<1xf32>
    %reduce_min3A_135 = vector.multi_reduction <minimumf>, %select_n3A_133, %reduce_min3A_134 [1] : vector<1x16xf32> to vector<1xf32>
    %broadcast_in_dim3A_136 = vector.shape_cast %reduce_min3A_135 : vector<1xf32> to vector<1x1xf32>
    %eq3A_137 = vector.broadcast %broadcast_in_dim3A_136 : vector<1x1xf32> to vector<1x16xf32>
    %eq3A_138 = arith.cmpf oeq, %convert_element_type3A_111, %eq3A_137 : vector<1x16xf32>
    %convert_element_type3A_139 = arith.extui %eq3A_138 : vector<1x16xi1> to vector<1x16xi32>
    %convert_element_type3A_140 = arith.sitofp %convert_element_type3A_139 : vector<1x16xi32> to vector<1x16xf32>
    %add3A_141 = arith.addf %convert_element_type3A_120, %convert_element_type3A_140 : vector<1x16xf32>
    %reduce_max3A_142 = arith.constant dense<0xFF800000> : vector<1xf32>
    %reduce_max3A_143 = vector.multi_reduction <maximumf>, %dot_general3A_110, %reduce_max3A_142 [1] : vector<1x16xf32> to vector<1xf32>
    %max3A = arith.constant 0xFF800000 : f32
    %max3A_144 = vector.broadcast %max3A : f32 to vector<1xf32>
    %max3A_145 = arith.maximumf %max3A_144, %reduce_max3A_143 : vector<1xf32>
    %broadcast_in_dim3A_146 = vector.shape_cast %max3A_145 : vector<1xf32> to vector<1x1xf32>
    %sub3A_147 = vector.broadcast %broadcast_in_dim3A_146 : vector<1x1xf32> to vector<1x16xf32>
    %sub3A_148 = arith.subf %dot_general3A_110, %sub3A_147 : vector<1x16xf32>
    %exp3A = math.exp %sub3A_148 : vector<1x16xf32>
    %reduce_sum3A_149 = arith.constant dense<0.000000e+00> : vector<1xf32>
    %reduce_sum3A_150 = vector.multi_reduction <add>, %exp3A, %reduce_sum3A_149 [1] : vector<1x16xf32> to vector<1xf32>
    %broadcast_in_dim3A_151 = vector.shape_cast %reduce_sum3A_150 : vector<1xf32> to vector<1x1xf32>
    %div3A_152 = vector.broadcast %broadcast_in_dim3A_151 : vector<1x1xf32> to vector<1x16xf32>
    %div3A_153 = arith.divf %exp3A, %div3A_152 : vector<1x16xf32>
    %mul3A_154 = arith.mulf %div3A_153, %add3A_141 : vector<1x16xf32>
    %reduce_sum3A_155 = arith.constant dense<0.000000e+00> : vector<1xf32>
    %reduce_sum3A_156 = vector.multi_reduction <add>, %mul3A_154, %reduce_sum3A_155 [1] : vector<1x16xf32> to vector<1xf32>
    %broadcast_in_dim3A_157 = vector.shape_cast %reduce_sum3A_156 : vector<1xf32> to vector<1x1xf32>
    %add3A_158 = arith.constant 9.99999971E-10 : f32
    %add3A_159 = vector.broadcast %add3A_158 : f32 to vector<1x1xf32>
    %add3A_160 = arith.addf %broadcast_in_dim3A_157, %add3A_159 : vector<1x1xf32>
    %div3A_161 = vector.broadcast %add3A_160 : vector<1x1xf32> to vector<1x16xf32>
    %div3A_162 = arith.divf %mul3A_154, %div3A_161 : vector<1x16xf32>
    %mul3A_163 = arith.mulf %convert_element_type3A_111, %convert_element_type3A_120 : vector<1x16xf32>
    %reduce_sum3A_164 = arith.constant dense<0.000000e+00> : vector<1xf32>
    %reduce_sum3A_165 = vector.multi_reduction <add>, %mul3A_163, %reduce_sum3A_164 [1] : vector<1x16xf32> to vector<1xf32>
    %broadcast_in_dim3A_166 = vector.shape_cast %reduce_sum3A_165 : vector<1xf32> to vector<1x1xf32>
    %mul3A_167 = arith.mulf %convert_element_type3A_111, %convert_element_type3A_140 : vector<1x16xf32>
    %reduce_sum3A_168 = arith.constant dense<0.000000e+00> : vector<1xf32>
    %reduce_sum3A_169 = vector.multi_reduction <add>, %mul3A_167, %reduce_sum3A_168 [1] : vector<1x16xf32> to vector<1xf32>
    %broadcast_in_dim3A_170 = vector.shape_cast %reduce_sum3A_169 : vector<1xf32> to vector<1x1xf32>
    %concatenate3A = tpu.concatenate %broadcast_in_dim3A_166, %broadcast_in_dim3A_170 in 1 : vector<1x1xf32>, vector<1x1xf32> -> vector<1x2xf32>
    %mul3A_171 = arith.mulf %div3A_162, %convert_element_type3A_120 : vector<1x16xf32>
    %reduce_sum3A_172 = arith.constant dense<0.000000e+00> : vector<1xf32>
    %reduce_sum3A_173 = vector.multi_reduction <add>, %mul3A_171, %reduce_sum3A_172 [1] : vector<1x16xf32> to vector<1xf32>
    %broadcast_in_dim3A_174 = vector.shape_cast %reduce_sum3A_173 : vector<1xf32> to vector<1x1xf32>
    %mul3A_175 = arith.mulf %div3A_162, %convert_element_type3A_140 : vector<1x16xf32>
    %reduce_sum3A_176 = arith.constant dense<0.000000e+00> : vector<1xf32>
    %reduce_sum3A_177 = vector.multi_reduction <add>, %mul3A_175, %reduce_sum3A_176 [1] : vector<1x16xf32> to vector<1xf32>
    %broadcast_in_dim3A_178 = vector.shape_cast %reduce_sum3A_177 : vector<1xf32> to vector<1x1xf32>
    %concatenate3A_179 = tpu.concatenate %broadcast_in_dim3A_174, %broadcast_in_dim3A_178 in 1 : vector<1x1xf32>, vector<1x1xf32> -> vector<1x2xf32>
    %convert_element_type3A_180 = arith.fptosi %concatenate3A : vector<1x2xf32> to vector<1x2xi32>
    %swap3A_181 = arith.constant 0 : index
    %swap3A_182 = arith.constant 0 : index
    %swap3A_183 = arith.constant 0 : index
    %swap3A_184 = vector.load %arg16[%swap3A_181, %swap3A_182, %swap3A_183] : memref<1x1x2xi32, #tpu.memory_space<vmem>>, vector<1x1x2xi32>
    %swap3A_185 = vector.shape_cast %swap3A_184 : vector<1x1x2xi32> to vector<1x2xi32>
    %swap3A_186 = vector.shape_cast %convert_element_type3A_180 : vector<1x2xi32> to vector<1x1x2xi32>
    tpu.vector_store %arg16[%swap3A_181, %swap3A_182, %swap3A_183], %swap3A_186 {strides = array<i32>} : memref<1x1x2xi32, #tpu.memory_space<vmem>>, vector<1x1x2xi32>,
    %swap3A_187 = arith.constant 0 : index
    %swap3A_188 = arith.constant 0 : index
    %swap3A_189 = arith.constant 0 : index
    %swap3A_190 = vector.load %arg17[%swap3A_187, %swap3A_188, %swap3A_189] : memref<1x1x2xf32, #tpu.memory_space<vmem>>, vector<1x1x2xf32>
    %swap3A_191 = vector.shape_cast %swap3A_190 : vector<1x1x2xf32> to vector<1x2xf32>
    %swap3A_192 = vector.shape_cast %concatenate3A_179 : vector<1x2xf32> to vector<1x1x2xf32>
    tpu.vector_store %arg17[%swap3A_187, %swap3A_188, %swap3A_189], %swap3A_192 {strides = array<i32>} : memref<1x1x2xf32, #tpu.memory_space<vmem>>, vector<1x1x2xf32>,
    %concatenate3A_193 = tpu.concatenate %convert_element_type3A_120, %convert_element_type3A_140 in 0 : vector<1x16xf32>, vector<1x16xf32> -> vector<2x16xf32>
    %swap3A_194 = arith.constant 0 : index
    %swap3A_195 = arith.constant 0 : index
    %swap3A_196 = arith.constant 0 : index
    %swap3A_197 = vector.load %arg18[%swap3A_194, %swap3A_195, %swap3A_196] : memref<1x2x16xf32, #tpu.memory_space<vmem>>, vector<1x2x16xf32>
    %swap3A_198 = vector.shape_cast %swap3A_197 : vector<1x2x16xf32> to vector<2x16xf32>
    %swap3A_199 = vector.shape_cast %concatenate3A_193 : vector<2x16xf32> to vector<1x2x16xf32>
    tpu.vector_store %arg18[%swap3A_194, %swap3A_195, %swap3A_196], %swap3A_199 {strides = array<i32>} : memref<1x2x16xf32, #tpu.memory_space<vmem>>, vector<1x2x16xf32>,
    %get3A_200 = arith.constant 0 : index
    %get3A_201 = arith.constant 0 : index
    %get3A_202 = arith.constant 0 : index
    %get3A_203 = vector.load %arg2[%get3A_200, %get3A_201, %get3A_202] : memref<1x8x768xf32, #tpu.memory_space<vmem>>, vector<1x8x768xf32>
    %get3A_204 = vector.shape_cast %get3A_203 : vector<1x8x768xf32> to vector<8x768xf32>
    %get3A_205 = arith.constant 0 : index
    %get3A_206 = arith.constant 0 : index
    %get3A_207 = vector.load %arg12[%get3A_205, %get3A_206] : memref<1x768xf32, #tpu.memory_space<vmem>>, vector<1x768xf32>
    %get3A_208 = arith.constant 0 : index
    %get3A_209 = arith.constant 0 : index
    %get3A_210 = vector.load %arg13[%get3A_208, %get3A_209] : memref<1x768xf32, #tpu.memory_space<vmem>>, vector<1x768xf32>
    %reduce_sum3A_211 = arith.constant dense<0.000000e+00> : vector<8xf32>
    %reduce_sum3A_212 = vector.multi_reduction <add>, %get3A_204, %reduce_sum3A_211 [1] : vector<8x768xf32> to vector<8xf32>
    %broadcast_in_dim3A_213 = vector.shape_cast %reduce_sum3A_212 : vector<8xf32> to vector<8x1xf32>
    %div3A_214 = arith.constant 7.680000e+02 : f32
    %div3A_215 = vector.broadcast %div3A_214 : f32 to vector<8x1xf32>
    %div3A_216 = arith.divf %broadcast_in_dim3A_213, %div3A_215 : vector<8x1xf32>
    %sub3A_217 = vector.broadcast %div3A_216 : vector<8x1xf32> to vector<8x768xf32>
    %sub3A_218 = arith.subf %get3A_204, %sub3A_217 : vector<8x768xf32>
    %integer_pow3A_219 = arith.mulf %sub3A_218, %sub3A_218 : vector<8x768xf32>
    %reduce_sum3A_220 = arith.constant dense<0.000000e+00> : vector<8xf32>
    %reduce_sum3A_221 = vector.multi_reduction <add>, %integer_pow3A_219, %reduce_sum3A_220 [1] : vector<8x768xf32> to vector<8xf32>
    %broadcast_in_dim3A_222 = vector.shape_cast %reduce_sum3A_221 : vector<8xf32> to vector<8x1xf32>
    %div3A_223 = arith.constant 7.680000e+02 : f32
    %div3A_224 = vector.broadcast %div3A_223 : f32 to vector<8x1xf32>
    %div3A_225 = arith.divf %broadcast_in_dim3A_222, %div3A_224 : vector<8x1xf32>
    %sub3A_226 = vector.broadcast %div3A_216 : vector<8x1xf32> to vector<8x768xf32>
    %sub3A_227 = arith.subf %get3A_204, %sub3A_226 : vector<8x768xf32>
    %add3A_228 = arith.constant 9.99999974E-6 : f32
    %add3A_229 = vector.broadcast %add3A_228 : f32 to vector<8x1xf32>
    %add3A_230 = arith.addf %div3A_225, %add3A_229 : vector<8x1xf32>
    %rsqrt3A_231 = math.rsqrt %add3A_230 : vector<8x1xf32>
    %mul3A_232 = vector.broadcast %rsqrt3A_231 : vector<8x1xf32> to vector<8x768xf32>
    %mul3A_233 = arith.mulf %sub3A_227, %mul3A_232 : vector<8x768xf32>
    %mul3A_234 = vector.broadcast %get3A_207 : vector<1x768xf32> to vector<8x768xf32>
    %mul3A_235 = arith.mulf %mul3A_233, %mul3A_234 : vector<8x768xf32>
    %add3A_236 = vector.broadcast %get3A_210 : vector<1x768xf32> to vector<8x768xf32>
    %add3A_237 = arith.addf %mul3A_235, %add3A_236 : vector<8x768xf32>
    %convert_element_type3A_238 = arith.truncf %add3A_237 : vector<8x768xf32> to vector<8x768xbf16>
    %convert_element_type3A_239 = arith.extf %convert_element_type3A_238 : vector<8x768xbf16> to vector<8x768xf32>
    %get3A_240 = arith.constant 0 : index
    %get3A_241 = arith.constant 0 : index
    %get3A_242 = vector.load %arg14[%get3A_240, %get3A_241] : memref<1x768xf32, #tpu.memory_space<vmem>>, vector<1x768xf32>
    %convert_element_type3A_243 = arith.truncf %get3A_242 : vector<1x768xf32> to vector<1x768xbf16>
    %convert_element_type3A_244 = arith.extf %convert_element_type3A_243 : vector<1x768xbf16> to vector<1x768xf32>
    %mul3A_245 = vector.broadcast %convert_element_type3A_244 : vector<1x768xf32> to vector<8x768xf32>
    %mul3A_246 = arith.mulf %convert_element_type3A_239, %mul3A_245 : vector<8x768xf32>
    %reduce_sum3A_247 = arith.constant dense<0.000000e+00> : vector<8xf32>
    %reduce_sum3A_248 = vector.multi_reduction <add>, %mul3A_246, %reduce_sum3A_247 [1] : vector<8x768xf32> to vector<8xf32>
    %broadcast_in_dim3A_249 = vector.shape_cast %reduce_sum3A_248 : vector<8xf32> to vector<8x1xf32>
    %reshape3A = vector.shape_cast %broadcast_in_dim3A_249 : vector<8x1xf32> to vector<1x8xf32>
    %iota3A_250 = tpu.iota {dimensions = array<i32: 1>} : vector<1x8xi32>
    %convert_element_type3A_251 = arith.sitofp %iota3A_250 : vector<1x8xi32> to vector<1x8xf32>
    %reduce_max3A_252 = arith.constant dense<0xFF800000> : vector<1xf32>
    %reduce_max3A_253 = vector.multi_reduction <maximumf>, %reshape3A, %reduce_max3A_252 [1] : vector<1x8xf32> to vector<1xf32>
    %broadcast_in_dim3A_254 = vector.shape_cast %reduce_max3A_253 : vector<1xf32> to vector<1x1xf32>
    %ge3A_255 = vector.broadcast %broadcast_in_dim3A_254 : vector<1x1xf32> to vector<1x8xf32>
    %ge3A_256 = arith.cmpf oge, %reshape3A, %ge3A_255 : vector<1x8xf32>
    %jit3A_257 = arith.constant 8.000000e+00 : f32
    %broadcast_in_dim3A_258 = vector.broadcast %jit3A_257 : f32 to vector<1x8xf32>
    %select_n3A_259 = arith.select %ge3A_256, %convert_element_type3A_251, %broadcast_in_dim3A_258 : vector<1x8xi1>, vector<1x8xf32>
    %reduce_min3A_260 = arith.constant dense<0x7F800000> : vector<1xf32>
    %reduce_min3A_261 = vector.multi_reduction <minimumf>, %select_n3A_259, %reduce_min3A_260 [1] : vector<1x8xf32> to vector<1xf32>
    %broadcast_in_dim3A_262 = vector.shape_cast %reduce_min3A_261 : vector<1xf32> to vector<1x1xf32>
    %eq3A_263 = vector.broadcast %broadcast_in_dim3A_262 : vector<1x1xf32> to vector<1x8xf32>
    %eq3A_264 = arith.cmpf oeq, %convert_element_type3A_251, %eq3A_263 : vector<1x8xf32>
    %convert_element_type3A_265 = arith.extui %eq3A_264 : vector<1x8xi1> to vector<1x8xi32>
    %convert_element_type3A_266 = arith.sitofp %convert_element_type3A_265 : vector<1x8xi32> to vector<1x8xf32>
    %gt3A_267 = arith.constant 0.000000e+00 : f32
    %gt3A_268 = vector.broadcast %gt3A_267 : f32 to vector<1x8xf32>
    %gt3A_269 = arith.cmpf ogt, %convert_element_type3A_266, %gt3A_268 : vector<1x8xf32>
    %jit3A_270 = arith.constant -1.000000e+30 : f32
    %broadcast_in_dim3A_271 = vector.broadcast %jit3A_270 : f32 to vector<1x8xf32>
    %select_n3A_272 = arith.select %gt3A_269, %broadcast_in_dim3A_271, %reshape3A : vector<1x8xi1>, vector<1x8xf32>
    %reduce_max3A_273 = arith.constant dense<0xFF800000> : vector<1xf32>
    %reduce_max3A_274 = vector.multi_reduction <maximumf>, %select_n3A_272, %reduce_max3A_273 [1] : vector<1x8xf32> to vector<1xf32>
    %broadcast_in_dim3A_275 = vector.shape_cast %reduce_max3A_274 : vector<1xf32> to vector<1x1xf32>
    %ge3A_276 = vector.broadcast %broadcast_in_dim3A_275 : vector<1x1xf32> to vector<1x8xf32>
    %ge3A_277 = arith.cmpf oge, %select_n3A_272, %ge3A_276 : vector<1x8xf32>
    %jit3A_278 = arith.constant 8.000000e+00 : f32
    %broadcast_in_dim3A_279 = vector.broadcast %jit3A_278 : f32 to vector<1x8xf32>
    %select_n3A_280 = arith.select %ge3A_277, %convert_element_type3A_251, %broadcast_in_dim3A_279 : vector<1x8xi1>, vector<1x8xf32>
    %reduce_min3A_281 = arith.constant dense<0x7F800000> : vector<1xf32>
    %reduce_min3A_282 = vector.multi_reduction <minimumf>, %select_n3A_280, %reduce_min3A_281 [1] : vector<1x8xf32> to vector<1xf32>
    %broadcast_in_dim3A_283 = vector.shape_cast %reduce_min3A_282 : vector<1xf32> to vector<1x1xf32>
    %eq3A_284 = vector.broadcast %broadcast_in_dim3A_283 : vector<1x1xf32> to vector<1x8xf32>
    %eq3A_285 = arith.cmpf oeq, %convert_element_type3A_251, %eq3A_284 : vector<1x8xf32>
    %convert_element_type3A_286 = arith.extui %eq3A_285 : vector<1x8xi1> to vector<1x8xi32>
    %convert_element_type3A_287 = arith.sitofp %convert_element_type3A_286 : vector<1x8xi32> to vector<1x8xf32>
    %gt3A_288 = arith.constant 0.000000e+00 : f32
    %gt3A_289 = vector.broadcast %gt3A_288 : f32 to vector<1x8xf32>
    %gt3A_290 = arith.cmpf ogt, %convert_element_type3A_287, %gt3A_289 : vector<1x8xf32>
    %jit3A_291 = arith.constant -1.000000e+30 : f32
    %broadcast_in_dim3A_292 = vector.broadcast %jit3A_291 : f32 to vector<1x8xf32>
    %select_n3A_293 = arith.select %gt3A_290, %broadcast_in_dim3A_292, %select_n3A_272 : vector<1x8xi1>, vector<1x8xf32>
    %reduce_max3A_294 = arith.constant dense<0xFF800000> : vector<1xf32>
    %reduce_max3A_295 = vector.multi_reduction <maximumf>, %select_n3A_293, %reduce_max3A_294 [1] : vector<1x8xf32> to vector<1xf32>
    %broadcast_in_dim3A_296 = vector.shape_cast %reduce_max3A_295 : vector<1xf32> to vector<1x1xf32>
    %ge3A_297 = vector.broadcast %broadcast_in_dim3A_296 : vector<1x1xf32> to vector<1x8xf32>
    %ge3A_298 = arith.cmpf oge, %select_n3A_293, %ge3A_297 : vector<1x8xf32>
    %jit3A_299 = arith.constant 8.000000e+00 : f32
    %broadcast_in_dim3A_300 = vector.broadcast %jit3A_299 : f32 to vector<1x8xf32>
    %select_n3A_301 = arith.select %ge3A_298, %convert_element_type3A_251, %broadcast_in_dim3A_300 : vector<1x8xi1>, vector<1x8xf32>
    %reduce_min3A_302 = arith.constant dense<0x7F800000> : vector<1xf32>
    %reduce_min3A_303 = vector.multi_reduction <minimumf>, %select_n3A_301, %reduce_min3A_302 [1] : vector<1x8xf32> to vector<1xf32>
    %broadcast_in_dim3A_304 = vector.shape_cast %reduce_min3A_303 : vector<1xf32> to vector<1x1xf32>
    %eq3A_305 = vector.broadcast %broadcast_in_dim3A_304 : vector<1x1xf32> to vector<1x8xf32>
    %eq3A_306 = arith.cmpf oeq, %convert_element_type3A_251, %eq3A_305 : vector<1x8xf32>
    %convert_element_type3A_307 = arith.extui %eq3A_306 : vector<1x8xi1> to vector<1x8xi32>
    %convert_element_type3A_308 = arith.sitofp %convert_element_type3A_307 : vector<1x8xi32> to vector<1x8xf32>
    %gt3A_309 = arith.constant 0.000000e+00 : f32
    %gt3A_310 = vector.broadcast %gt3A_309 : f32 to vector<1x8xf32>
    %gt3A_311 = arith.cmpf ogt, %convert_element_type3A_308, %gt3A_310 : vector<1x8xf32>
    %jit3A_312 = arith.constant -1.000000e+30 : f32
    %broadcast_in_dim3A_313 = vector.broadcast %jit3A_312 : f32 to vector<1x8xf32>
    %select_n3A_314 = arith.select %gt3A_311, %broadcast_in_dim3A_313, %select_n3A_293 : vector<1x8xi1>, vector<1x8xf32>
    %reduce_max3A_315 = arith.constant dense<0xFF800000> : vector<1xf32>
    %reduce_max3A_316 = vector.multi_reduction <maximumf>, %select_n3A_314, %reduce_max3A_315 [1] : vector<1x8xf32> to vector<1xf32>
    %broadcast_in_dim3A_317 = vector.shape_cast %reduce_max3A_316 : vector<1xf32> to vector<1x1xf32>
    %ge3A_318 = vector.broadcast %broadcast_in_dim3A_317 : vector<1x1xf32> to vector<1x8xf32>
    %ge3A_319 = arith.cmpf oge, %select_n3A_314, %ge3A_318 : vector<1x8xf32>
    %jit3A_320 = arith.constant 8.000000e+00 : f32
    %broadcast_in_dim3A_321 = vector.broadcast %jit3A_320 : f32 to vector<1x8xf32>
    %select_n3A_322 = arith.select %ge3A_319, %convert_element_type3A_251, %broadcast_in_dim3A_321 : vector<1x8xi1>, vector<1x8xf32>
    %reduce_min3A_323 = arith.constant dense<0x7F800000> : vector<1xf32>
    %reduce_min3A_324 = vector.multi_reduction <minimumf>, %select_n3A_322, %reduce_min3A_323 [1] : vector<1x8xf32> to vector<1xf32>
    %broadcast_in_dim3A_325 = vector.shape_cast %reduce_min3A_324 : vector<1xf32> to vector<1x1xf32>
    %eq3A_326 = vector.broadcast %broadcast_in_dim3A_325 : vector<1x1xf32> to vector<1x8xf32>
    %eq3A_327 = arith.cmpf oeq, %convert_element_type3A_251, %eq3A_326 : vector<1x8xf32>
    %convert_element_type3A_328 = arith.extui %eq3A_327 : vector<1x8xi1> to vector<1x8xi32>
    %convert_element_type3A_329 = arith.sitofp %convert_element_type3A_328 : vector<1x8xi32> to vector<1x8xf32>
    %add3A_330 = arith.addf %convert_element_type3A_266, %convert_element_type3A_287 : vector<1x8xf32>
    %add3A_331 = arith.addf %add3A_330, %convert_element_type3A_308 : vector<1x8xf32>
    %add3A_332 = arith.addf %add3A_331, %convert_element_type3A_329 : vector<1x8xf32>
    %reduce_max3A_333 = arith.constant dense<0xFF800000> : vector<1xf32>
    %reduce_max3A_334 = vector.multi_reduction <maximumf>, %reshape3A, %reduce_max3A_333 [1] : vector<1x8xf32> to vector<1xf32>
    %max3A_335 = arith.constant 0xFF800000 : f32
    %max3A_336 = vector.broadcast %max3A_335 : f32 to vector<1xf32>
    %max3A_337 = arith.maximumf %max3A_336, %reduce_max3A_334 : vector<1xf32>
    %broadcast_in_dim3A_338 = vector.shape_cast %max3A_337 : vector<1xf32> to vector<1x1xf32>
    %sub3A_339 = vector.broadcast %broadcast_in_dim3A_338 : vector<1x1xf32> to vector<1x8xf32>
    %sub3A_340 = arith.subf %reshape3A, %sub3A_339 : vector<1x8xf32>
    %exp3A_341 = math.exp %sub3A_340 : vector<1x8xf32>
    %reduce_sum3A_342 = arith.constant dense<0.000000e+00> : vector<1xf32>
    %reduce_sum3A_343 = vector.multi_reduction <add>, %exp3A_341, %reduce_sum3A_342 [1] : vector<1x8xf32> to vector<1xf32>
    %broadcast_in_dim3A_344 = vector.shape_cast %reduce_sum3A_343 : vector<1xf32> to vector<1x1xf32>
    %div3A_345 = vector.broadcast %broadcast_in_dim3A_344 : vector<1x1xf32> to vector<1x8xf32>
    %div3A_346 = arith.divf %exp3A_341, %div3A_345 : vector<1x8xf32>
    %mul3A_347 = arith.mulf %div3A_346, %add3A_332 : vector<1x8xf32>
    %reduce_sum3A_348 = arith.constant dense<0.000000e+00> : vector<1xf32>
    %reduce_sum3A_349 = vector.multi_reduction <add>, %mul3A_347, %reduce_sum3A_348 [1] : vector<1x8xf32> to vector<1xf32>
    %broadcast_in_dim3A_350 = vector.shape_cast %reduce_sum3A_349 : vector<1xf32> to vector<1x1xf32>
    %add3A_351 = arith.constant 9.99999971E-10 : f32
    %add3A_352 = vector.broadcast %add3A_351 : f32 to vector<1x1xf32>
    %add3A_353 = arith.addf %broadcast_in_dim3A_350, %add3A_352 : vector<1x1xf32>
    %div3A_354 = vector.broadcast %add3A_353 : vector<1x1xf32> to vector<1x8xf32>
    %div3A_355 = arith.divf %mul3A_347, %div3A_354 : vector<1x8xf32>
    %swap3A_356 = arith.constant 0 : index
    %swap3A_357 = arith.constant 0 : index
    %swap3A_358 = arith.constant 0 : index
    %swap3A_359 = vector.load %arg19[%swap3A_356, %swap3A_357, %swap3A_358] : memref<1x1x8xf32, #tpu.memory_space<vmem>>, vector<1x1x8xf32>
    %swap3A_360 = vector.shape_cast %swap3A_359 : vector<1x1x8xf32> to vector<1x8xf32>
    %swap3A_361 = vector.shape_cast %div3A_355 : vector<1x8xf32> to vector<1x1x8xf32>
    tpu.vector_store %arg19[%swap3A_356, %swap3A_357, %swap3A_358], %swap3A_361 {strides = array<i32>} : memref<1x1x8xf32, #tpu.memory_space<vmem>>, vector<1x1x8xf32>,
    %swap3A_362 = arith.constant 0 : index
    %swap3A_363 = arith.constant 0 : index
    %swap3A_364 = arith.constant 0 : index
    %swap3A_365 = vector.load %arg20[%swap3A_362, %swap3A_363, %swap3A_364] : memref<1x1x8xf32, #tpu.memory_space<vmem>>, vector<1x1x8xf32>
    %swap3A_366 = vector.shape_cast %swap3A_365 : vector<1x1x8xf32> to vector<1x8xf32>
    %swap3A_367 = vector.shape_cast %add3A_332 : vector<1x8xf32> to vector<1x1x8xf32>
    tpu.vector_store %arg20[%swap3A_362, %swap3A_363, %swap3A_364], %swap3A_367 {strides = array<i32>} : memref<1x1x8xf32, #tpu.memory_space<vmem>>, vector<1x1x8xf32>,
    return
  }
  func.func @transform_0(%arg0: i32) -> (i32, i32, i32) {
    %c0_i32 = arith.constant 0 : i32
    %c0_i32_0 = arith.constant 0 : i32
    %c0_i32_1 = arith.constant 0 : i32
    return %arg0, %c0_i32, %c0_i32_0 : i32, i32, i32
  }
  func.func @transform_1(%arg0: i32) -> (i32, i32, i32) {
    %c0_i32 = arith.constant 0 : i32
    %c0_i32_0 = arith.constant 0 : i32
    %c0_i32_1 = arith.constant 0 : i32
    return %arg0, %c0_i32, %c0_i32_0 : i32, i32, i32
  }
  func.func @transform_2(%arg0: i32) -> (i32, i32) {
    %c0_i32 = arith.constant 0 : i32
    %c0_i32_0 = arith.constant 0 : i32
    %c0_i32_1 = arith.constant 0 : i32
    return %c0_i32, %c0_i32_0 : i32, i32
  }
  func.func @transform_3(%arg0: i32) -> (i32, i32) {
    %c0_i32 = arith.constant 0 : i32
    %c0_i32_0 = arith.constant 0 : i32
    %c0_i32_1 = arith.constant 0 : i32
    return %c0_i32, %c0_i32_0 : i32, i32
  }
  func.func @transform_4(%arg0: i32) -> (i32, i32) {
    %c0_i32 = arith.constant 0 : i32
    %c0_i32_0 = arith.constant 0 : i32
    %c0_i32_1 = arith.constant 0 : i32
    return %c0_i32, %c0_i32_0 : i32, i32
  }
  func.func @transform_5(%arg0: i32) -> (i32, i32) {
    %c0_i32 = arith.constant 0 : i32
    %c0_i32_0 = arith.constant 0 : i32
    %c0_i32_1 = arith.constant 0 : i32
    return %c0_i32, %c0_i32_0 : i32, i32
  }
  func.func @transform_6(%arg0: i32) -> (i32, i32) {
    %c0_i32 = arith.constant 0 : i32
    %c0_i32_0 = arith.constant 0 : i32
    %c0_i32_1 = arith.constant 0 : i32
    return %c0_i32, %c0_i32_0 : i32, i32
  }
  func.func @transform_7(%arg0: i32) -> (i32, i32) {
    %c0_i32 = arith.constant 0 : i32
    %c0_i32_0 = arith.constant 0 : i32
    %c0_i32_1 = arith.constant 0 : i32
    return %c0_i32, %c0_i32_0 : i32, i32
  }
  func.func @transform_8(%arg0: i32) -> (i32, i32) {
    %c0_i32 = arith.constant 0 : i32
    %c0_i32_0 = arith.constant 0 : i32
    %c0_i32_1 = arith.constant 0 : i32
    return %c0_i32, %c0_i32_0 : i32, i32
  }
  func.func @transform_9(%arg0: i32) -> (i32, i32) {
    %c0_i32 = arith.constant 0 : i32
    %c0_i32_0 = arith.constant 0 : i32
    %c0_i32_1 = arith.constant 0 : i32
    return %c0_i32, %c0_i32_0 : i32, i32
  }
  func.func @transform_10(%arg0: i32) -> (i32, i32) {
    %c0_i32 = arith.constant 0 : i32
    %c0_i32_0 = arith.constant 0 : i32
    %c0_i32_1 = arith.constant 0 : i32
    return %c0_i32, %c0_i32_0 : i32, i32
  }
  func.func @transform_11(%arg0: i32) -> (i32, i32) {
    %c0_i32 = arith.constant 0 : i32
    %c0_i32_0 = arith.constant 0 : i32
    %c0_i32_1 = arith.constant 0 : i32
    return %c0_i32, %c0_i32_0 : i32, i32
  }
  func.func @transform_12(%arg0: i32) -> (i32, i32) {
    %c0_i32 = arith.constant 0 : i32
    %c0_i32_0 = arith.constant 0 : i32
    %c0_i32_1 = arith.constant 0 : i32
    return %c0_i32, %c0_i32_0 : i32, i32
  }
  func.func @transform_13(%arg0: i32) -> (i32, i32) {
    %c0_i32 = arith.constant 0 : i32
    %c0_i32_0 = arith.constant 0 : i32
    %c0_i32_1 = arith.constant 0 : i32
    return %c0_i32, %c0_i32_0 : i32, i32
  }
  func.func @transform_14(%arg0: i32) -> (i32, i32, i32) {
    %c0_i32 = arith.constant 0 : i32
    %c0_i32_0 = arith.constant 0 : i32
    %c0_i32_1 = arith.constant 0 : i32
    return %arg0, %c0_i32, %c0_i32_0 : i32, i32, i32
  }
  func.func @transform_15(%arg0: i32) -> (i32, i32, i32) {
    %c0_i32 = arith.constant 0 : i32
    %c0_i32_0 = arith.constant 0 : i32
    %c0_i32_1 = arith.constant 0 : i32
    return %arg0, %c0_i32, %c0_i32_0 : i32, i32, i32
  }
  func.func @transform_16(%arg0: i32) -> (i32, i32, i32) {
    %c0_i32 = arith.constant 0 : i32
    %c0_i32_0 = arith.constant 0 : i32
    %c0_i32_1 = arith.constant 0 : i32
    return %arg0, %c0_i32, %c0_i32_0 : i32, i32, i32
  }
  func.func @transform_17(%arg0: i32) -> (i32, i32, i32) {
    %c0_i32 = arith.constant 0 : i32
    %c0_i32_0 = arith.constant 0 : i32
    %c0_i32_1 = arith.constant 0 : i32
    return %arg0, %c0_i32, %c0_i32_0 : i32, i32, i32
  }
  func.func @transform_18(%arg0: i32) -> (i32, i32, i32) {
    %c0_i32 = arith.constant 0 : i32
    %c0_i32_0 = arith.constant 0 : i32
    %c0_i32_1 = arith.constant 0 : i32
    return %arg0, %c0_i32, %c0_i32_0 : i32, i32, i32
  }
  func.func @transform_19(%arg0: i32) -> (i32, i32, i32) {
    %c0_i32 = arith.constant 0 : i32
    %c0_i32_0 = arith.constant 0 : i32
    %c0_i32_1 = arith.constant 0 : i32
    return %arg0, %c0_i32, %c0_i32_0 : i32, i32, i32
  }
}

module attributes {stable_mosaic.version = 14 : i64} {
  func.func @_oe_proj_body(%arg0: i32, %arg1: i32, %arg2: memref<1x512x768xf32, #tpu.memory_space<vmem>>, %arg3: memref<512x768xf32, #tpu.memory_space<vmem>>, %arg4: memref<768x768xf32, #tpu.memory_space<vmem>>, %arg5: memref<1x768xf32, #tpu.memory_space<vmem>>, %arg6: memref<1x768xf32, #tpu.memory_space<vmem>>, %arg7: memref<1x768xf32, #tpu.memory_space<vmem>>, %arg8: memref<1x768xf32, #tpu.memory_space<vmem>>, %arg9: memref<1x768xf32, #tpu.memory_space<vmem>>, %arg10: memref<3x768x768xf32, #tpu.memory_space<vmem>>, %arg11: memref<1x768xf32, #tpu.memory_space<vmem>>, %arg12: memref<1x768xf32, #tpu.memory_space<vmem>>, %arg13: memref<1x768xf32, #tpu.memory_space<vmem>>, %arg14: memref<1x512x768xbf16, #tpu.memory_space<vmem>>, %arg15: memref<1x512x768xbf16, #tpu.memory_space<vmem>>, %arg16: memref<1x512x768xbf16, #tpu.memory_space<vmem>>, %arg17: memref<1x512x768xbf16, #tpu.memory_space<vmem>>) attributes {dimension_semantics = [#tpu.dimension_semantics<arbitrary>, #tpu.dimension_semantics<arbitrary>], iteration_bounds = array<i64: 2, 4>, scalar_prefetch = 0 : i64, scratch_operands = 0 : i64, tpu.core_type = #tpu.core_type<tc>, window_params = [{transform_indices = @transform_0, window_bounds = array<i64: 1, 512, 768>}, {transform_indices = @transform_1, window_bounds = array<i64: 512, 768>}, {pipeline_mode = #tpu.pipeline_mode<synchronous>, transform_indices = @transform_2, window_bounds = array<i64: 768, 768>}, {pipeline_mode = #tpu.pipeline_mode<synchronous>, transform_indices = @transform_3, window_bounds = array<i64: 1, 768>}, {pipeline_mode = #tpu.pipeline_mode<synchronous>, transform_indices = @transform_4, window_bounds = array<i64: 1, 768>}, {pipeline_mode = #tpu.pipeline_mode<synchronous>, transform_indices = @transform_5, window_bounds = array<i64: 1, 768>}, {pipeline_mode = #tpu.pipeline_mode<synchronous>, transform_indices = @transform_6, window_bounds = array<i64: 1, 768>}, {pipeline_mode = #tpu.pipeline_mode<synchronous>, transform_indices = @transform_7, window_bounds = array<i64: 1, 768>}, {pipeline_mode = #tpu.pipeline_mode<synchronous>, transform_indices = @transform_8, window_bounds = array<i64: 3, 768, 768>}, {pipeline_mode = #tpu.pipeline_mode<synchronous>, transform_indices = @transform_9, window_bounds = array<i64: 1, 768>}, {pipeline_mode = #tpu.pipeline_mode<synchronous>, transform_indices = @transform_10, window_bounds = array<i64: 1, 768>}, {pipeline_mode = #tpu.pipeline_mode<synchronous>, transform_indices = @transform_11, window_bounds = array<i64: 1, 768>}, {transform_indices = @transform_12, window_bounds = array<i64: 1, 512, 768>}, {transform_indices = @transform_13, window_bounds = array<i64: 1, 512, 768>}, {transform_indices = @transform_14, window_bounds = array<i64: 1, 512, 768>}, {transform_indices = @transform_15, window_bounds = array<i64: 1, 512, 768>}]} {
    %get3A = arith.constant 0 : index
    %get3A_0 = arith.constant 0 : index
    %get3A_1 = arith.constant 0 : index
    %get3A_2 = vector.load %arg2[%get3A, %get3A_0, %get3A_1] : memref<1x512x768xf32, #tpu.memory_space<vmem>>, vector<1x512x768xf32>
    %get3A_3 = vector.shape_cast %get3A_2 : vector<1x512x768xf32> to vector<512x768xf32>
    %get3A_4 = arith.constant 0 : index
    %get3A_5 = arith.constant 0 : index
    %get3A_6 = vector.load %arg4[%get3A_4, %get3A_5] : memref<768x768xf32, #tpu.memory_space<vmem>>, vector<768x768xf32>
    %convert_element_type3A = arith.truncf %get3A_3 : vector<512x768xf32> to vector<512x768xbf16>
    %convert_element_type3A_7 = arith.truncf %get3A_6 : vector<768x768xf32> to vector<768x768xbf16>
    %dot_general3A = arith.constant dense<0.000000e+00> : vector<512x768xf32>
    %dot_general3A_8 = tpu.matmul %convert_element_type3A, %convert_element_type3A_7, %dot_general3A {dimension_numbers = #tpu.dot_dimension_numbers<[1], [1], [0], [0], [0, 0, 1, 0], [], []>, transpose_lhs_hint = false} : vector<512x768xbf16>, vector<768x768xbf16>, vector<512x768xf32> -> vector<512x768xf32>
    %get3A_9 = arith.constant 0 : index
    %get3A_10 = arith.constant 0 : index
    %get3A_11 = vector.load %arg5[%get3A_9, %get3A_10] : memref<1x768xf32, #tpu.memory_space<vmem>>, vector<1x768xf32>
    %add3A = vector.broadcast %get3A_11 : vector<1x768xf32> to vector<512x768xf32>
    %add3A_12 = arith.addf %dot_general3A_8, %add3A : vector<512x768xf32>
    %get3A_13 = arith.constant 0 : index
    %get3A_14 = arith.constant 0 : index
    %get3A_15 = vector.load %arg3[%get3A_13, %get3A_14] : memref<512x768xf32, #tpu.memory_space<vmem>>, vector<512x768xf32>
    %add3A_16 = arith.addf %add3A_12, %get3A_15 : vector<512x768xf32>
    %convert_element_type3A_17 = arith.truncf %add3A_16 : vector<512x768xf32> to vector<512x768xbf16>
    %swap3A = arith.constant 0 : index
    %swap3A_18 = arith.constant 0 : index
    %swap3A_19 = arith.constant 0 : index
    %swap3A_20 = vector.load %arg14[%swap3A, %swap3A_18, %swap3A_19] : memref<1x512x768xbf16, #tpu.memory_space<vmem>>, vector<1x512x768xbf16>
    %swap3A_21 = vector.shape_cast %swap3A_20 : vector<1x512x768xbf16> to vector<512x768xbf16>
    %swap3A_22 = vector.shape_cast %convert_element_type3A_17 : vector<512x768xbf16> to vector<1x512x768xbf16>
    tpu.vector_store %arg14[%swap3A, %swap3A_18, %swap3A_19], %swap3A_22 {strides = array<i32>} : memref<1x512x768xbf16, #tpu.memory_space<vmem>>, vector<1x512x768xbf16>,
    %get3A_23 = arith.constant 0 : index
    %get3A_24 = arith.constant 0 : index
    %get3A_25 = vector.load %arg6[%get3A_23, %get3A_24] : memref<1x768xf32, #tpu.memory_space<vmem>>, vector<1x768xf32>
    %get3A_26 = arith.constant 0 : index
    %get3A_27 = arith.constant 0 : index
    %get3A_28 = vector.load %arg7[%get3A_26, %get3A_27] : memref<1x768xf32, #tpu.memory_space<vmem>>, vector<1x768xf32>
    %reduce_sum3A = arith.constant dense<0.000000e+00> : vector<512xf32>
    %reduce_sum3A_29 = vector.multi_reduction <add>, %add3A_16, %reduce_sum3A [1] : vector<512x768xf32> to vector<512xf32>
    %broadcast_in_dim3A = vector.shape_cast %reduce_sum3A_29 : vector<512xf32> to vector<512x1xf32>
    %div3A = arith.constant 7.680000e+02 : f32
    %div3A_30 = vector.broadcast %div3A : f32 to vector<512x1xf32>
    %div3A_31 = arith.divf %broadcast_in_dim3A, %div3A_30 : vector<512x1xf32>
    %sub3A = vector.broadcast %div3A_31 : vector<512x1xf32> to vector<512x768xf32>
    %sub3A_32 = arith.subf %add3A_16, %sub3A : vector<512x768xf32>
    %integer_pow3A = arith.mulf %sub3A_32, %sub3A_32 : vector<512x768xf32>
    %reduce_sum3A_33 = arith.constant dense<0.000000e+00> : vector<512xf32>
    %reduce_sum3A_34 = vector.multi_reduction <add>, %integer_pow3A, %reduce_sum3A_33 [1] : vector<512x768xf32> to vector<512xf32>
    %broadcast_in_dim3A_35 = vector.shape_cast %reduce_sum3A_34 : vector<512xf32> to vector<512x1xf32>
    %div3A_36 = arith.constant 7.680000e+02 : f32
    %div3A_37 = vector.broadcast %div3A_36 : f32 to vector<512x1xf32>
    %div3A_38 = arith.divf %broadcast_in_dim3A_35, %div3A_37 : vector<512x1xf32>
    %sub3A_39 = vector.broadcast %div3A_31 : vector<512x1xf32> to vector<512x768xf32>
    %sub3A_40 = arith.subf %add3A_16, %sub3A_39 : vector<512x768xf32>
    %add3A_41 = arith.constant 9.99999974E-6 : f32
    %add3A_42 = vector.broadcast %add3A_41 : f32 to vector<512x1xf32>
    %add3A_43 = arith.addf %div3A_38, %add3A_42 : vector<512x1xf32>
    %rsqrt3A = math.rsqrt %add3A_43 : vector<512x1xf32>
    %mul3A = vector.broadcast %rsqrt3A : vector<512x1xf32> to vector<512x768xf32>
    %mul3A_44 = arith.mulf %sub3A_40, %mul3A : vector<512x768xf32>
    %mul3A_45 = vector.broadcast %get3A_25 : vector<1x768xf32> to vector<512x768xf32>
    %mul3A_46 = arith.mulf %mul3A_44, %mul3A_45 : vector<512x768xf32>
    %add3A_47 = vector.broadcast %get3A_28 : vector<1x768xf32> to vector<512x768xf32>
    %add3A_48 = arith.addf %mul3A_46, %add3A_47 : vector<512x768xf32>
    %get3A_49 = arith.constant 0 : index
    %get3A_50 = arith.constant 0 : index
    %get3A_51 = arith.constant 0 : index
    %get3A_52 = vector.load %arg10[%get3A_49, %get3A_50, %get3A_51] : memref<3x768x768xf32, #tpu.memory_space<vmem>>, vector<1x768x768xf32>
    %get3A_53 = vector.shape_cast %get3A_52 : vector<1x768x768xf32> to vector<768x768xf32>
    %convert_element_type3A_54 = arith.truncf %add3A_48 : vector<512x768xf32> to vector<512x768xbf16>
    %convert_element_type3A_55 = arith.truncf %get3A_53 : vector<768x768xf32> to vector<768x768xbf16>
    %dot_general3A_56 = arith.constant dense<0.000000e+00> : vector<512x768xf32>
    %dot_general3A_57 = tpu.matmul %convert_element_type3A_54, %convert_element_type3A_55, %dot_general3A_56 {dimension_numbers = #tpu.dot_dimension_numbers<[1], [1], [0], [0], [0, 0, 1, 0], [], []>, transpose_lhs_hint = false} : vector<512x768xbf16>, vector<768x768xbf16>, vector<512x768xf32> -> vector<512x768xf32>
    %get3A_58 = arith.constant 0 : index
    %get3A_59 = arith.constant 0 : index
    %get3A_60 = vector.load %arg11[%get3A_58, %get3A_59] : memref<1x768xf32, #tpu.memory_space<vmem>>, vector<1x768xf32>
    %add3A_61 = vector.broadcast %get3A_60 : vector<1x768xf32> to vector<512x768xf32>
    %add3A_62 = arith.addf %dot_general3A_57, %add3A_61 : vector<512x768xf32>
    %mul3A_63 = arith.constant 1.250000e-01 : f32
    %mul3A_64 = vector.broadcast %mul3A_63 : f32 to vector<512x768xf32>
    %mul3A_65 = arith.mulf %add3A_62, %mul3A_64 : vector<512x768xf32>
    %convert_element_type3A_66 = arith.truncf %mul3A_65 : vector<512x768xf32> to vector<512x768xbf16>
    %swap3A_67 = arith.constant 0 : index
    %swap3A_68 = arith.constant 0 : index
    %swap3A_69 = arith.constant 0 : index
    %swap3A_70 = vector.load %arg15[%swap3A_67, %swap3A_68, %swap3A_69] : memref<1x512x768xbf16, #tpu.memory_space<vmem>>, vector<1x512x768xbf16>
    %swap3A_71 = vector.shape_cast %swap3A_70 : vector<1x512x768xbf16> to vector<512x768xbf16>
    %swap3A_72 = vector.shape_cast %convert_element_type3A_66 : vector<512x768xbf16> to vector<1x512x768xbf16>
    tpu.vector_store %arg15[%swap3A_67, %swap3A_68, %swap3A_69], %swap3A_72 {strides = array<i32>} : memref<1x512x768xbf16, #tpu.memory_space<vmem>>, vector<1x512x768xbf16>,
    %get3A_73 = arith.constant 0 : index
    %get3A_74 = arith.constant 0 : index
    %get3A_75 = vector.load %arg8[%get3A_73, %get3A_74] : memref<1x768xf32, #tpu.memory_space<vmem>>, vector<1x768xf32>
    %get3A_76 = arith.constant 0 : index
    %get3A_77 = arith.constant 0 : index
    %get3A_78 = vector.load %arg9[%get3A_76, %get3A_77] : memref<1x768xf32, #tpu.memory_space<vmem>>, vector<1x768xf32>
    %reduce_sum3A_79 = arith.constant dense<0.000000e+00> : vector<512xf32>
    %reduce_sum3A_80 = vector.multi_reduction <add>, %add3A_16, %reduce_sum3A_79 [1] : vector<512x768xf32> to vector<512xf32>
    %broadcast_in_dim3A_81 = vector.shape_cast %reduce_sum3A_80 : vector<512xf32> to vector<512x1xf32>
    %div3A_82 = arith.constant 7.680000e+02 : f32
    %div3A_83 = vector.broadcast %div3A_82 : f32 to vector<512x1xf32>
    %div3A_84 = arith.divf %broadcast_in_dim3A_81, %div3A_83 : vector<512x1xf32>
    %sub3A_85 = vector.broadcast %div3A_84 : vector<512x1xf32> to vector<512x768xf32>
    %sub3A_86 = arith.subf %add3A_16, %sub3A_85 : vector<512x768xf32>
    %integer_pow3A_87 = arith.mulf %sub3A_86, %sub3A_86 : vector<512x768xf32>
    %reduce_sum3A_88 = arith.constant dense<0.000000e+00> : vector<512xf32>
    %reduce_sum3A_89 = vector.multi_reduction <add>, %integer_pow3A_87, %reduce_sum3A_88 [1] : vector<512x768xf32> to vector<512xf32>
    %broadcast_in_dim3A_90 = vector.shape_cast %reduce_sum3A_89 : vector<512xf32> to vector<512x1xf32>
    %div3A_91 = arith.constant 7.680000e+02 : f32
    %div3A_92 = vector.broadcast %div3A_91 : f32 to vector<512x1xf32>
    %div3A_93 = arith.divf %broadcast_in_dim3A_90, %div3A_92 : vector<512x1xf32>
    %sub3A_94 = vector.broadcast %div3A_84 : vector<512x1xf32> to vector<512x768xf32>
    %sub3A_95 = arith.subf %add3A_16, %sub3A_94 : vector<512x768xf32>
    %add3A_96 = arith.constant 9.99999974E-6 : f32
    %add3A_97 = vector.broadcast %add3A_96 : f32 to vector<512x1xf32>
    %add3A_98 = arith.addf %div3A_93, %add3A_97 : vector<512x1xf32>
    %rsqrt3A_99 = math.rsqrt %add3A_98 : vector<512x1xf32>
    %mul3A_100 = vector.broadcast %rsqrt3A_99 : vector<512x1xf32> to vector<512x768xf32>
    %mul3A_101 = arith.mulf %sub3A_95, %mul3A_100 : vector<512x768xf32>
    %mul3A_102 = vector.broadcast %get3A_75 : vector<1x768xf32> to vector<512x768xf32>
    %mul3A_103 = arith.mulf %mul3A_101, %mul3A_102 : vector<512x768xf32>
    %add3A_104 = vector.broadcast %get3A_78 : vector<1x768xf32> to vector<512x768xf32>
    %add3A_105 = arith.addf %mul3A_103, %add3A_104 : vector<512x768xf32>
    %get3A_106 = arith.constant 1 : index
    %get3A_107 = arith.constant 0 : index
    %get3A_108 = arith.constant 0 : index
    %get3A_109 = vector.load %arg10[%get3A_106, %get3A_107, %get3A_108] : memref<3x768x768xf32, #tpu.memory_space<vmem>>, vector<1x768x768xf32>
    %get3A_110 = vector.shape_cast %get3A_109 : vector<1x768x768xf32> to vector<768x768xf32>
    %convert_element_type3A_111 = arith.truncf %add3A_105 : vector<512x768xf32> to vector<512x768xbf16>
    %convert_element_type3A_112 = arith.truncf %get3A_110 : vector<768x768xf32> to vector<768x768xbf16>
    %dot_general3A_113 = arith.constant dense<0.000000e+00> : vector<512x768xf32>
    %dot_general3A_114 = tpu.matmul %convert_element_type3A_111, %convert_element_type3A_112, %dot_general3A_113 {dimension_numbers = #tpu.dot_dimension_numbers<[1], [1], [0], [0], [0, 0, 1, 0], [], []>, transpose_lhs_hint = false} : vector<512x768xbf16>, vector<768x768xbf16>, vector<512x768xf32> -> vector<512x768xf32>
    %get3A_115 = arith.constant 0 : index
    %get3A_116 = arith.constant 0 : index
    %get3A_117 = vector.load %arg12[%get3A_115, %get3A_116] : memref<1x768xf32, #tpu.memory_space<vmem>>, vector<1x768xf32>
    %add3A_118 = vector.broadcast %get3A_117 : vector<1x768xf32> to vector<512x768xf32>
    %add3A_119 = arith.addf %dot_general3A_114, %add3A_118 : vector<512x768xf32>
    %convert_element_type3A_120 = arith.truncf %add3A_119 : vector<512x768xf32> to vector<512x768xbf16>
    %swap3A_121 = arith.constant 0 : index
    %swap3A_122 = arith.constant 0 : index
    %swap3A_123 = arith.constant 0 : index
    %swap3A_124 = vector.load %arg16[%swap3A_121, %swap3A_122, %swap3A_123] : memref<1x512x768xbf16, #tpu.memory_space<vmem>>, vector<1x512x768xbf16>
    %swap3A_125 = vector.shape_cast %swap3A_124 : vector<1x512x768xbf16> to vector<512x768xbf16>
    %swap3A_126 = vector.shape_cast %convert_element_type3A_120 : vector<512x768xbf16> to vector<1x512x768xbf16>
    tpu.vector_store %arg16[%swap3A_121, %swap3A_122, %swap3A_123], %swap3A_126 {strides = array<i32>} : memref<1x512x768xbf16, #tpu.memory_space<vmem>>, vector<1x512x768xbf16>,
    %get3A_127 = arith.constant 2 : index
    %get3A_128 = arith.constant 0 : index
    %get3A_129 = arith.constant 0 : index
    %get3A_130 = vector.load %arg10[%get3A_127, %get3A_128, %get3A_129] : memref<3x768x768xf32, #tpu.memory_space<vmem>>, vector<1x768x768xf32>
    %get3A_131 = vector.shape_cast %get3A_130 : vector<1x768x768xf32> to vector<768x768xf32>
    %convert_element_type3A_132 = arith.truncf %add3A_105 : vector<512x768xf32> to vector<512x768xbf16>
    %convert_element_type3A_133 = arith.truncf %get3A_131 : vector<768x768xf32> to vector<768x768xbf16>
    %dot_general3A_134 = arith.constant dense<0.000000e+00> : vector<512x768xf32>
    %dot_general3A_135 = tpu.matmul %convert_element_type3A_132, %convert_element_type3A_133, %dot_general3A_134 {dimension_numbers = #tpu.dot_dimension_numbers<[1], [1], [0], [0], [0, 0, 1, 0], [], []>, transpose_lhs_hint = false} : vector<512x768xbf16>, vector<768x768xbf16>, vector<512x768xf32> -> vector<512x768xf32>
    %get3A_136 = arith.constant 0 : index
    %get3A_137 = arith.constant 0 : index
    %get3A_138 = vector.load %arg13[%get3A_136, %get3A_137] : memref<1x768xf32, #tpu.memory_space<vmem>>, vector<1x768xf32>
    %add3A_139 = vector.broadcast %get3A_138 : vector<1x768xf32> to vector<512x768xf32>
    %add3A_140 = arith.addf %dot_general3A_135, %add3A_139 : vector<512x768xf32>
    %convert_element_type3A_141 = arith.truncf %add3A_140 : vector<512x768xf32> to vector<512x768xbf16>
    %swap3A_142 = arith.constant 0 : index
    %swap3A_143 = arith.constant 0 : index
    %swap3A_144 = arith.constant 0 : index
    %swap3A_145 = vector.load %arg17[%swap3A_142, %swap3A_143, %swap3A_144] : memref<1x512x768xbf16, #tpu.memory_space<vmem>>, vector<1x512x768xbf16>
    %swap3A_146 = vector.shape_cast %swap3A_145 : vector<1x512x768xbf16> to vector<512x768xbf16>
    %swap3A_147 = vector.shape_cast %convert_element_type3A_141 : vector<512x768xbf16> to vector<1x512x768xbf16>
    tpu.vector_store %arg17[%swap3A_142, %swap3A_143, %swap3A_144], %swap3A_147 {strides = array<i32>} : memref<1x512x768xbf16, #tpu.memory_space<vmem>>, vector<1x512x768xbf16>,
    return
  }
  func.func @transform_0(%arg0: i32, %arg1: i32) -> (i32, i32, i32) {
    %c0_i32 = arith.constant 0 : i32
    %c0_i32_0 = arith.constant 0 : i32
    return %arg0, %arg1, %c0_i32 : i32, i32, i32
  }
  func.func @transform_1(%arg0: i32, %arg1: i32) -> (i32, i32) {
    %c0_i32 = arith.constant 0 : i32
    %c0_i32_0 = arith.constant 0 : i32
    return %arg1, %c0_i32 : i32, i32
  }
  func.func @transform_2(%arg0: i32, %arg1: i32) -> (i32, i32) {
    %c0_i32 = arith.constant 0 : i32
    %c0_i32_0 = arith.constant 0 : i32
    %c0_i32_1 = arith.constant 0 : i32
    return %c0_i32, %c0_i32_0 : i32, i32
  }
  func.func @transform_3(%arg0: i32, %arg1: i32) -> (i32, i32) {
    %c0_i32 = arith.constant 0 : i32
    %c0_i32_0 = arith.constant 0 : i32
    %c0_i32_1 = arith.constant 0 : i32
    return %c0_i32, %c0_i32_0 : i32, i32
  }
  func.func @transform_4(%arg0: i32, %arg1: i32) -> (i32, i32) {
    %c0_i32 = arith.constant 0 : i32
    %c0_i32_0 = arith.constant 0 : i32
    %c0_i32_1 = arith.constant 0 : i32
    return %c0_i32, %c0_i32_0 : i32, i32
  }
  func.func @transform_5(%arg0: i32, %arg1: i32) -> (i32, i32) {
    %c0_i32 = arith.constant 0 : i32
    %c0_i32_0 = arith.constant 0 : i32
    %c0_i32_1 = arith.constant 0 : i32
    return %c0_i32, %c0_i32_0 : i32, i32
  }
  func.func @transform_6(%arg0: i32, %arg1: i32) -> (i32, i32) {
    %c0_i32 = arith.constant 0 : i32
    %c0_i32_0 = arith.constant 0 : i32
    %c0_i32_1 = arith.constant 0 : i32
    return %c0_i32, %c0_i32_0 : i32, i32
  }
  func.func @transform_7(%arg0: i32, %arg1: i32) -> (i32, i32) {
    %c0_i32 = arith.constant 0 : i32
    %c0_i32_0 = arith.constant 0 : i32
    %c0_i32_1 = arith.constant 0 : i32
    return %c0_i32, %c0_i32_0 : i32, i32
  }
  func.func @transform_8(%arg0: i32, %arg1: i32) -> (i32, i32, i32) {
    %c0_i32 = arith.constant 0 : i32
    %c0_i32_0 = arith.constant 0 : i32
    %c0_i32_1 = arith.constant 0 : i32
    %c0_i32_2 = arith.constant 0 : i32
    return %c0_i32, %c0_i32_0, %c0_i32_1 : i32, i32, i32
  }
  func.func @transform_9(%arg0: i32, %arg1: i32) -> (i32, i32) {
    %c0_i32 = arith.constant 0 : i32
    %c0_i32_0 = arith.constant 0 : i32
    %c0_i32_1 = arith.constant 0 : i32
    return %c0_i32, %c0_i32_0 : i32, i32
  }
  func.func @transform_10(%arg0: i32, %arg1: i32) -> (i32, i32) {
    %c0_i32 = arith.constant 0 : i32
    %c0_i32_0 = arith.constant 0 : i32
    %c0_i32_1 = arith.constant 0 : i32
    return %c0_i32, %c0_i32_0 : i32, i32
  }
  func.func @transform_11(%arg0: i32, %arg1: i32) -> (i32, i32) {
    %c0_i32 = arith.constant 0 : i32
    %c0_i32_0 = arith.constant 0 : i32
    %c0_i32_1 = arith.constant 0 : i32
    return %c0_i32, %c0_i32_0 : i32, i32
  }
  func.func @transform_12(%arg0: i32, %arg1: i32) -> (i32, i32, i32) {
    %c0_i32 = arith.constant 0 : i32
    %c0_i32_0 = arith.constant 0 : i32
    return %arg0, %arg1, %c0_i32 : i32, i32, i32
  }
  func.func @transform_13(%arg0: i32, %arg1: i32) -> (i32, i32, i32) {
    %c0_i32 = arith.constant 0 : i32
    %c0_i32_0 = arith.constant 0 : i32
    return %arg0, %arg1, %c0_i32 : i32, i32, i32
  }
  func.func @transform_14(%arg0: i32, %arg1: i32) -> (i32, i32, i32) {
    %c0_i32 = arith.constant 0 : i32
    %c0_i32_0 = arith.constant 0 : i32
    return %arg0, %arg1, %c0_i32 : i32, i32, i32
  }
  func.func @transform_15(%arg0: i32, %arg1: i32) -> (i32, i32, i32) {
    %c0_i32 = arith.constant 0 : i32
    %c0_i32_0 = arith.constant 0 : i32
    return %arg0, %arg1, %c0_i32 : i32, i32, i32
  }
}

module attributes {stable_mosaic.version = 14 : i64} {
  func.func @_moe_state_body(%arg0: i32, %arg1: memref<1x4x768xf32, #tpu.memory_space<vmem>>, %arg2: memref<2x768x768xf32, #tpu.memory_space<vmem>>, %arg3: memref<16x768xf32, #tpu.memory_space<vmem>>, %arg4: memref<1x2x16xf32, #tpu.memory_space<vmem>>, %arg5: memref<1x1x2xf32, #tpu.memory_space<vmem>>, %arg6: memref<1x8x768xf32, #tpu.memory_space<vmem>>, %arg7: memref<1x1x8xf32, #tpu.memory_space<vmem>>, %arg8: memref<1x1x8xf32, #tpu.memory_space<vmem>>, %arg9: memref<1x768xf32, #tpu.memory_space<vmem>>, %arg10: memref<1x768xf32, #tpu.memory_space<vmem>>, %arg11: memref<1x768xf32, #tpu.memory_space<vmem>>, %arg12: memref<1x768xf32, #tpu.memory_space<vmem>>, %arg13: memref<1x768x768xf32, #tpu.memory_space<vmem>>, %arg14: memref<1x768x768xf32, #tpu.memory_space<vmem>>, %arg15: memref<1x768xf32, #tpu.memory_space<vmem>>, %arg16: memref<1x768xf32, #tpu.memory_space<vmem>>, %arg17: memref<1x8x768xf32, #tpu.memory_space<vmem>>, %arg18: memref<1x8x768xbf16, #tpu.memory_space<vmem>>, %arg19: memref<1x8x768xbf16, #tpu.memory_space<vmem>>) attributes {dimension_semantics = [#tpu.dimension_semantics<arbitrary>], iteration_bounds = array<i64: 2>, scalar_prefetch = 0 : i64, scratch_operands = 0 : i64, tpu.core_type = #tpu.core_type<tc>, window_params = [{transform_indices = @transform_0, window_bounds = array<i64: 1, 4, 768>}, {transform_indices = @transform_1, window_bounds = array<i64: 2, 768, 768>}, {pipeline_mode = #tpu.pipeline_mode<synchronous>, transform_indices = @transform_2, window_bounds = array<i64: 16, 768>}, {transform_indices = @transform_3, window_bounds = array<i64: 1, 2, 16>}, {transform_indices = @transform_4, window_bounds = array<i64: 1, 1, 2>}, {transform_indices = @transform_5, window_bounds = array<i64: 1, 8, 768>}, {transform_indices = @transform_6, window_bounds = array<i64: 1, 1, 8>}, {transform_indices = @transform_7, window_bounds = array<i64: 1, 1, 8>}, {pipeline_mode = #tpu.pipeline_mode<synchronous>, transform_indices = @transform_8, window_bounds = array<i64: 1, 768>}, {pipeline_mode = #tpu.pipeline_mode<synchronous>, transform_indices = @transform_9, window_bounds = array<i64: 1, 768>}, {pipeline_mode = #tpu.pipeline_mode<synchronous>, transform_indices = @transform_10, window_bounds = array<i64: 1, 768>}, {pipeline_mode = #tpu.pipeline_mode<synchronous>, transform_indices = @transform_11, window_bounds = array<i64: 1, 768>}, {transform_indices = @transform_12, window_bounds = array<i64: 1, 768, 768>}, {transform_indices = @transform_13, window_bounds = array<i64: 1, 768, 768>}, {pipeline_mode = #tpu.pipeline_mode<synchronous>, transform_indices = @transform_14, window_bounds = array<i64: 1, 768>}, {pipeline_mode = #tpu.pipeline_mode<synchronous>, transform_indices = @transform_15, window_bounds = array<i64: 1, 768>}, {transform_indices = @transform_16, window_bounds = array<i64: 1, 8, 768>}, {transform_indices = @transform_17, window_bounds = array<i64: 1, 8, 768>}, {transform_indices = @transform_18, window_bounds = array<i64: 1, 8, 768>}]} {
    %get3A = arith.constant 0 : index
    %get3A_0 = arith.constant 0 : index
    %get3A_1 = arith.constant 0 : index
    %get3A_2 = vector.load %arg1[%get3A, %get3A_0, %get3A_1] : memref<1x4x768xf32, #tpu.memory_space<vmem>>, vector<1x4x768xf32>
    %get3A_3 = vector.shape_cast %get3A_2 : vector<1x4x768xf32> to vector<4x768xf32>
    %broadcast_in_dim3A = arith.constant 0.000000e+00 : f32
    %broadcast_in_dim3A_4 = vector.broadcast %broadcast_in_dim3A : f32 to vector<4x768xf32>
    %get3A_5 = arith.constant 0 : index
    %get3A_6 = arith.constant 0 : index
    %get3A_7 = arith.constant 0 : index
    %get3A_8 = vector.load %arg4[%get3A_5, %get3A_6, %get3A_7] : memref<1x2x16xf32, #tpu.memory_space<vmem>>, vector<1x2x16xf32>
    %get3A_9 = vector.shape_cast %get3A_8 : vector<1x2x16xf32> to vector<2x16xf32>
    %get3A_10 = arith.constant 0 : index
    %get3A_11 = arith.constant 0 : index
    %get3A_12 = vector.load %arg3[%get3A_10, %get3A_11] : memref<16x768xf32, #tpu.memory_space<vmem>>, vector<16x768xf32>
    %dot_general3A = arith.constant dense<0.000000e+00> : vector<2x768xf32>
    %dot_general3A_13 = tpu.matmul %get3A_9, %get3A_12, %dot_general3A {dimension_numbers = #tpu.dot_dimension_numbers<[1], [0], [0], [1], [0, 0, 1, 1], [], []>, transpose_lhs_hint = false} : vector<2x16xf32>, vector<16x768xf32>, vector<2x768xf32> -> vector<2x768xf32>
    %get3A_14 = arith.constant 0 : index
    %get3A_15 = arith.constant 0 : index
    %get3A_16 = arith.constant 0 : index
    %get3A_17 = vector.load %arg2[%get3A_14, %get3A_15, %get3A_16] : memref<2x768x768xf32, #tpu.memory_space<vmem>>, vector<1x768x768xf32>
    %get3A_18 = vector.shape_cast %get3A_17 : vector<1x768x768xf32> to vector<768x768xf32>
    %convert_element_type3A = arith.truncf %get3A_3 : vector<4x768xf32> to vector<4x768xbf16>
    %convert_element_type3A_19 = arith.truncf %get3A_18 : vector<768x768xf32> to vector<768x768xbf16>
    %dot_general3A_20 = arith.constant dense<0.000000e+00> : vector<4x768xf32>
    %dot_general3A_21 = tpu.matmul %convert_element_type3A, %convert_element_type3A_19, %dot_general3A_20 {dimension_numbers = #tpu.dot_dimension_numbers<[1], [0], [0], [1], [0, 0, 1, 1], [], []>, transpose_lhs_hint = false} : vector<4x768xbf16>, vector<768x768xbf16>, vector<4x768xf32> -> vector<4x768xf32>
    %slice3A = vector.extract_strided_slice %dot_general3A_13 {offsets = [0, 0], sizes = [1, 768], strides = [1, 1]} : vector<2x768xf32> to vector<1x768xf32>
    %add3A = vector.broadcast %slice3A : vector<1x768xf32> to vector<4x768xf32>
    %add3A_22 = arith.addf %dot_general3A_21, %add3A : vector<4x768xf32>
    %max3A = arith.constant 0.000000e+00 : f32
    %max3A_23 = vector.broadcast %max3A : f32 to vector<4x768xf32>
    %max3A_24 = arith.maximumf %add3A_22, %max3A_23 : vector<4x768xf32>
    %get3A_25 = arith.constant 0 : index
    %get3A_26 = arith.constant 0 : index
    %get3A_27 = arith.constant 0 : index
    %get3A_28 = vector.load %arg5[%get3A_25, %get3A_26, %get3A_27] : memref<1x1x2xf32, #tpu.memory_space<vmem>>, vector<1x1x1xf32>
    %get3A_29 = vector.shape_cast %get3A_28 : vector<1x1x1xf32> to vector<1x1xf32>
    %mul3A = vector.broadcast %get3A_29 : vector<1x1xf32> to vector<4x768xf32>
    %mul3A_30 = arith.mulf %mul3A, %max3A_24 : vector<4x768xf32>
    %add3A_31 = arith.addf %broadcast_in_dim3A_4, %mul3A_30 : vector<4x768xf32>
    %get3A_32 = arith.constant 1 : index
    %get3A_33 = arith.constant 0 : index
    %get3A_34 = arith.constant 0 : index
    %get3A_35 = vector.load %arg2[%get3A_32, %get3A_33, %get3A_34] : memref<2x768x768xf32, #tpu.memory_space<vmem>>, vector<1x768x768xf32>
    %get3A_36 = vector.shape_cast %get3A_35 : vector<1x768x768xf32> to vector<768x768xf32>
    %convert_element_type3A_37 = arith.truncf %get3A_3 : vector<4x768xf32> to vector<4x768xbf16>
    %convert_element_type3A_38 = arith.truncf %get3A_36 : vector<768x768xf32> to vector<768x768xbf16>
    %dot_general3A_39 = arith.constant dense<0.000000e+00> : vector<4x768xf32>
    %dot_general3A_40 = tpu.matmul %convert_element_type3A_37, %convert_element_type3A_38, %dot_general3A_39 {dimension_numbers = #tpu.dot_dimension_numbers<[1], [0], [0], [1], [0, 0, 1, 1], [], []>, transpose_lhs_hint = false} : vector<4x768xbf16>, vector<768x768xbf16>, vector<4x768xf32> -> vector<4x768xf32>
    %slice3A_41 = vector.extract_strided_slice %dot_general3A_13 {offsets = [1, 0], sizes = [1, 768], strides = [1, 1]} : vector<2x768xf32> to vector<1x768xf32>
    %add3A_42 = vector.broadcast %slice3A_41 : vector<1x768xf32> to vector<4x768xf32>
    %add3A_43 = arith.addf %dot_general3A_40, %add3A_42 : vector<4x768xf32>
    %max3A_44 = arith.constant 0.000000e+00 : f32
    %max3A_45 = vector.broadcast %max3A_44 : f32 to vector<4x768xf32>
    %max3A_46 = arith.maximumf %add3A_43, %max3A_45 : vector<4x768xf32>
    %get3A_47 = arith.constant 0 : index
    %get3A_48 = arith.constant 0 : index
    %get3A_49 = arith.constant 1 : index
    %get3A_50 = vector.load %arg5[%get3A_47, %get3A_48, %get3A_49] : memref<1x1x2xf32, #tpu.memory_space<vmem>>, vector<1x1x1xf32>
    %get3A_51 = vector.shape_cast %get3A_50 : vector<1x1x1xf32> to vector<1x1xf32>
    %mul3A_52 = vector.broadcast %get3A_51 : vector<1x1xf32> to vector<4x768xf32>
    %mul3A_53 = arith.mulf %mul3A_52, %max3A_46 : vector<4x768xf32>
    %add3A_54 = arith.addf %add3A_31, %mul3A_53 : vector<4x768xf32>
    %add3A_55 = arith.addf %get3A_3, %add3A_54 : vector<4x768xf32>
    %reduce_sum3A = arith.constant dense<0.000000e+00> : vector<768xf32>
    %reduce_sum3A_56 = vector.multi_reduction <add>, %add3A_55, %reduce_sum3A [0] : vector<4x768xf32> to vector<768xf32>
    %broadcast_in_dim3A_57 = vector.shape_cast %reduce_sum3A_56 : vector<768xf32> to vector<1x768xf32>
    %div3A = arith.constant 4.000000e+00 : f32
    %div3A_58 = vector.broadcast %div3A : f32 to vector<1x768xf32>
    %div3A_59 = arith.divf %broadcast_in_dim3A_57, %div3A_58 : vector<1x768xf32>
    %get3A_60 = arith.constant 0 : index
    %get3A_61 = arith.constant 0 : index
    %get3A_62 = arith.constant 0 : index
    %get3A_63 = vector.load %arg6[%get3A_60, %get3A_61, %get3A_62] : memref<1x8x768xf32, #tpu.memory_space<vmem>>, vector<1x8x768xf32>
    %get3A_64 = vector.shape_cast %get3A_63 : vector<1x8x768xf32> to vector<8x768xf32>
    %get3A_65 = arith.constant 0 : index
    %get3A_66 = arith.constant 0 : index
    %get3A_67 = arith.constant 0 : index
    %get3A_68 = vector.load %arg7[%get3A_65, %get3A_66, %get3A_67] : memref<1x1x8xf32, #tpu.memory_space<vmem>>, vector<1x1x8xf32>
    %get3A_69 = vector.shape_cast %get3A_68 : vector<1x1x8xf32> to vector<1x8xf32>
    %dot_general3A_70 = arith.constant dense<0.000000e+00> : vector<8x768xf32>
    %dot_general3A_71 = tpu.matmul %get3A_69, %div3A_59, %dot_general3A_70 {dimension_numbers = #tpu.dot_dimension_numbers<[0], [0], [1], [1], [0, 1, 1, 1], [], []>, transpose_lhs_hint = false} : vector<1x8xf32>, vector<1x768xf32>, vector<8x768xf32> -> vector<8x768xf32>
    %add3A_72 = arith.addf %get3A_64, %dot_general3A_71 : vector<8x768xf32>
    %get3A_73 = arith.constant 0 : index
    %get3A_74 = arith.constant 0 : index
    %get3A_75 = vector.load %arg9[%get3A_73, %get3A_74] : memref<1x768xf32, #tpu.memory_space<vmem>>, vector<1x768xf32>
    %get3A_76 = arith.constant 0 : index
    %get3A_77 = arith.constant 0 : index
    %get3A_78 = vector.load %arg10[%get3A_76, %get3A_77] : memref<1x768xf32, #tpu.memory_space<vmem>>, vector<1x768xf32>
    %reduce_sum3A_79 = arith.constant dense<0.000000e+00> : vector<8xf32>
    %reduce_sum3A_80 = vector.multi_reduction <add>, %add3A_72, %reduce_sum3A_79 [1] : vector<8x768xf32> to vector<8xf32>
    %broadcast_in_dim3A_81 = vector.shape_cast %reduce_sum3A_80 : vector<8xf32> to vector<8x1xf32>
    %div3A_82 = arith.constant 7.680000e+02 : f32
    %div3A_83 = vector.broadcast %div3A_82 : f32 to vector<8x1xf32>
    %div3A_84 = arith.divf %broadcast_in_dim3A_81, %div3A_83 : vector<8x1xf32>
    %sub3A = vector.broadcast %div3A_84 : vector<8x1xf32> to vector<8x768xf32>
    %sub3A_85 = arith.subf %add3A_72, %sub3A : vector<8x768xf32>
    %integer_pow3A = arith.mulf %sub3A_85, %sub3A_85 : vector<8x768xf32>
    %reduce_sum3A_86 = arith.constant dense<0.000000e+00> : vector<8xf32>
    %reduce_sum3A_87 = vector.multi_reduction <add>, %integer_pow3A, %reduce_sum3A_86 [1] : vector<8x768xf32> to vector<8xf32>
    %broadcast_in_dim3A_88 = vector.shape_cast %reduce_sum3A_87 : vector<8xf32> to vector<8x1xf32>
    %div3A_89 = arith.constant 7.680000e+02 : f32
    %div3A_90 = vector.broadcast %div3A_89 : f32 to vector<8x1xf32>
    %div3A_91 = arith.divf %broadcast_in_dim3A_88, %div3A_90 : vector<8x1xf32>
    %sub3A_92 = vector.broadcast %div3A_84 : vector<8x1xf32> to vector<8x768xf32>
    %sub3A_93 = arith.subf %add3A_72, %sub3A_92 : vector<8x768xf32>
    %add3A_94 = arith.constant 9.99999974E-6 : f32
    %add3A_95 = vector.broadcast %add3A_94 : f32 to vector<8x1xf32>
    %add3A_96 = arith.addf %div3A_91, %add3A_95 : vector<8x1xf32>
    %rsqrt3A = math.rsqrt %add3A_96 : vector<8x1xf32>
    %mul3A_97 = vector.broadcast %rsqrt3A : vector<8x1xf32> to vector<8x768xf32>
    %mul3A_98 = arith.mulf %sub3A_93, %mul3A_97 : vector<8x768xf32>
    %mul3A_99 = vector.broadcast %get3A_75 : vector<1x768xf32> to vector<8x768xf32>
    %mul3A_100 = arith.mulf %mul3A_98, %mul3A_99 : vector<8x768xf32>
    %add3A_101 = vector.broadcast %get3A_78 : vector<1x768xf32> to vector<8x768xf32>
    %add3A_102 = arith.addf %mul3A_100, %add3A_101 : vector<8x768xf32>
    %mul3A_103 = arith.constant 5.000000e-01 : f32
    %mul3A_104 = vector.broadcast %mul3A_103 : f32 to vector<8x768xf32>
    %mul3A_105 = arith.mulf %mul3A_104, %get3A_64 : vector<8x768xf32>
    %mul3A_106 = arith.constant 5.000000e-01 : f32
    %mul3A_107 = vector.broadcast %mul3A_106 : f32 to vector<8x768xf32>
    %mul3A_108 = arith.mulf %mul3A_107, %add3A_102 : vector<8x768xf32>
    %add3A_109 = arith.addf %mul3A_105, %mul3A_108 : vector<8x768xf32>
    %get3A_110 = arith.constant 0 : index
    %get3A_111 = arith.constant 0 : index
    %get3A_112 = arith.constant 0 : index
    %get3A_113 = vector.load %arg8[%get3A_110, %get3A_111, %get3A_112] : memref<1x1x8xf32, #tpu.memory_space<vmem>>, vector<1x1x8xf32>
    %get3A_114 = vector.shape_cast %get3A_113 : vector<1x1x8xf32> to vector<1x8xf32>
    %broadcast_in_dim3A_115 = arith.constant 1.000000e+00 : f32
    %broadcast_in_dim3A_116 = vector.broadcast %broadcast_in_dim3A_115 : f32 to vector<1x768xf32>
    %dot_general3A_117 = arith.constant dense<0.000000e+00> : vector<8x768xf32>
    %dot_general3A_118 = tpu.matmul %get3A_114, %broadcast_in_dim3A_116, %dot_general3A_117 {dimension_numbers = #tpu.dot_dimension_numbers<[0], [0], [1], [1], [0, 1, 1, 1], [], []>, transpose_lhs_hint = false} : vector<1x8xf32>, vector<1x768xf32>, vector<8x768xf32> -> vector<8x768xf32>
    %gt3A = arith.constant 5.000000e-01 : f32
    %gt3A_119 = vector.broadcast %gt3A : f32 to vector<8x768xf32>
    %gt3A_120 = arith.cmpf ogt, %dot_general3A_118, %gt3A_119 : vector<8x768xf32>
    %select_n3A = arith.select %gt3A_120, %add3A_109, %get3A_64 : vector<8x768xi1>, vector<8x768xf32>
    %swap3A = arith.constant 0 : index
    %swap3A_121 = arith.constant 0 : index
    %swap3A_122 = arith.constant 0 : index
    %swap3A_123 = vector.load %arg17[%swap3A, %swap3A_121, %swap3A_122] : memref<1x8x768xf32, #tpu.memory_space<vmem>>, vector<1x8x768xf32>
    %swap3A_124 = vector.shape_cast %swap3A_123 : vector<1x8x768xf32> to vector<8x768xf32>
    %swap3A_125 = vector.shape_cast %select_n3A : vector<8x768xf32> to vector<1x8x768xf32>
    tpu.vector_store %arg17[%swap3A, %swap3A_121, %swap3A_122], %swap3A_125 {strides = array<i32>} : memref<1x8x768xf32, #tpu.memory_space<vmem>>, vector<1x8x768xf32>,
    %get3A_126 = arith.constant 0 : index
    %get3A_127 = arith.constant 0 : index
    %get3A_128 = vector.load %arg11[%get3A_126, %get3A_127] : memref<1x768xf32, #tpu.memory_space<vmem>>, vector<1x768xf32>
    %get3A_129 = arith.constant 0 : index
    %get3A_130 = arith.constant 0 : index
    %get3A_131 = vector.load %arg12[%get3A_129, %get3A_130] : memref<1x768xf32, #tpu.memory_space<vmem>>, vector<1x768xf32>
    %reduce_sum3A_132 = arith.constant dense<0.000000e+00> : vector<8xf32>
    %reduce_sum3A_133 = vector.multi_reduction <add>, %select_n3A, %reduce_sum3A_132 [1] : vector<8x768xf32> to vector<8xf32>
    %broadcast_in_dim3A_134 = vector.shape_cast %reduce_sum3A_133 : vector<8xf32> to vector<8x1xf32>
    %div3A_135 = arith.constant 7.680000e+02 : f32
    %div3A_136 = vector.broadcast %div3A_135 : f32 to vector<8x1xf32>
    %div3A_137 = arith.divf %broadcast_in_dim3A_134, %div3A_136 : vector<8x1xf32>
    %sub3A_138 = vector.broadcast %div3A_137 : vector<8x1xf32> to vector<8x768xf32>
    %sub3A_139 = arith.subf %select_n3A, %sub3A_138 : vector<8x768xf32>
    %integer_pow3A_140 = arith.mulf %sub3A_139, %sub3A_139 : vector<8x768xf32>
    %reduce_sum3A_141 = arith.constant dense<0.000000e+00> : vector<8xf32>
    %reduce_sum3A_142 = vector.multi_reduction <add>, %integer_pow3A_140, %reduce_sum3A_141 [1] : vector<8x768xf32> to vector<8xf32>
    %broadcast_in_dim3A_143 = vector.shape_cast %reduce_sum3A_142 : vector<8xf32> to vector<8x1xf32>
    %div3A_144 = arith.constant 7.680000e+02 : f32
    %div3A_145 = vector.broadcast %div3A_144 : f32 to vector<8x1xf32>
    %div3A_146 = arith.divf %broadcast_in_dim3A_143, %div3A_145 : vector<8x1xf32>
    %sub3A_147 = vector.broadcast %div3A_137 : vector<8x1xf32> to vector<8x768xf32>
    %sub3A_148 = arith.subf %select_n3A, %sub3A_147 : vector<8x768xf32>
    %add3A_149 = arith.constant 9.99999974E-6 : f32
    %add3A_150 = vector.broadcast %add3A_149 : f32 to vector<8x1xf32>
    %add3A_151 = arith.addf %div3A_146, %add3A_150 : vector<8x1xf32>
    %rsqrt3A_152 = math.rsqrt %add3A_151 : vector<8x1xf32>
    %mul3A_153 = vector.broadcast %rsqrt3A_152 : vector<8x1xf32> to vector<8x768xf32>
    %mul3A_154 = arith.mulf %sub3A_148, %mul3A_153 : vector<8x768xf32>
    %mul3A_155 = vector.broadcast %get3A_128 : vector<1x768xf32> to vector<8x768xf32>
    %mul3A_156 = arith.mulf %mul3A_154, %mul3A_155 : vector<8x768xf32>
    %add3A_157 = vector.broadcast %get3A_131 : vector<1x768xf32> to vector<8x768xf32>
    %add3A_158 = arith.addf %mul3A_156, %add3A_157 : vector<8x768xf32>
    %get3A_159 = arith.constant 0 : index
    %get3A_160 = arith.constant 0 : index
    %get3A_161 = arith.constant 0 : index
    %get3A_162 = vector.load %arg13[%get3A_159, %get3A_160, %get3A_161] : memref<1x768x768xf32, #tpu.memory_space<vmem>>, vector<1x768x768xf32>
    %get3A_163 = vector.shape_cast %get3A_162 : vector<1x768x768xf32> to vector<768x768xf32>
    %convert_element_type3A_164 = arith.truncf %add3A_158 : vector<8x768xf32> to vector<8x768xbf16>
    %convert_element_type3A_165 = arith.truncf %get3A_163 : vector<768x768xf32> to vector<768x768xbf16>
    %dot_general3A_166 = arith.constant dense<0.000000e+00> : vector<8x768xf32>
    %dot_general3A_167 = tpu.matmul %convert_element_type3A_164, %convert_element_type3A_165, %dot_general3A_166 {dimension_numbers = #tpu.dot_dimension_numbers<[1], [1], [0], [0], [0, 0, 1, 0], [], []>, transpose_lhs_hint = false} : vector<8x768xbf16>, vector<768x768xbf16>, vector<8x768xf32> -> vector<8x768xf32>
    %get3A_168 = arith.constant 0 : index
    %get3A_169 = arith.constant 0 : index
    %get3A_170 = vector.load %arg15[%get3A_168, %get3A_169] : memref<1x768xf32, #tpu.memory_space<vmem>>, vector<1x768xf32>
    %add3A_171 = vector.broadcast %get3A_170 : vector<1x768xf32> to vector<8x768xf32>
    %add3A_172 = arith.addf %dot_general3A_167, %add3A_171 : vector<8x768xf32>
    %convert_element_type3A_173 = arith.truncf %add3A_172 : vector<8x768xf32> to vector<8x768xbf16>
    %swap3A_174 = arith.constant 0 : index
    %swap3A_175 = arith.constant 0 : index
    %swap3A_176 = arith.constant 0 : index
    %swap3A_177 = vector.load %arg18[%swap3A_174, %swap3A_175, %swap3A_176] : memref<1x8x768xbf16, #tpu.memory_space<vmem>>, vector<1x8x768xbf16>
    %swap3A_178 = vector.shape_cast %swap3A_177 : vector<1x8x768xbf16> to vector<8x768xbf16>
    %swap3A_179 = vector.shape_cast %convert_element_type3A_173 : vector<8x768xbf16> to vector<1x8x768xbf16>
    tpu.vector_store %arg18[%swap3A_174, %swap3A_175, %swap3A_176], %swap3A_179 {strides = array<i32>} : memref<1x8x768xbf16, #tpu.memory_space<vmem>>, vector<1x8x768xbf16>,
    %get3A_180 = arith.constant 0 : index
    %get3A_181 = arith.constant 0 : index
    %get3A_182 = arith.constant 0 : index
    %get3A_183 = vector.load %arg14[%get3A_180, %get3A_181, %get3A_182] : memref<1x768x768xf32, #tpu.memory_space<vmem>>, vector<1x768x768xf32>
    %get3A_184 = vector.shape_cast %get3A_183 : vector<1x768x768xf32> to vector<768x768xf32>
    %convert_element_type3A_185 = arith.truncf %add3A_158 : vector<8x768xf32> to vector<8x768xbf16>
    %convert_element_type3A_186 = arith.truncf %get3A_184 : vector<768x768xf32> to vector<768x768xbf16>
    %dot_general3A_187 = arith.constant dense<0.000000e+00> : vector<8x768xf32>
    %dot_general3A_188 = tpu.matmul %convert_element_type3A_185, %convert_element_type3A_186, %dot_general3A_187 {dimension_numbers = #tpu.dot_dimension_numbers<[1], [1], [0], [0], [0, 0, 1, 0], [], []>, transpose_lhs_hint = false} : vector<8x768xbf16>, vector<768x768xbf16>, vector<8x768xf32> -> vector<8x768xf32>
    %get3A_189 = arith.constant 0 : index
    %get3A_190 = arith.constant 0 : index
    %get3A_191 = vector.load %arg16[%get3A_189, %get3A_190] : memref<1x768xf32, #tpu.memory_space<vmem>>, vector<1x768xf32>
    %add3A_192 = vector.broadcast %get3A_191 : vector<1x768xf32> to vector<8x768xf32>
    %add3A_193 = arith.addf %dot_general3A_188, %add3A_192 : vector<8x768xf32>
    %convert_element_type3A_194 = arith.truncf %add3A_193 : vector<8x768xf32> to vector<8x768xbf16>
    %swap3A_195 = arith.constant 0 : index
    %swap3A_196 = arith.constant 0 : index
    %swap3A_197 = arith.constant 0 : index
    %swap3A_198 = vector.load %arg19[%swap3A_195, %swap3A_196, %swap3A_197] : memref<1x8x768xbf16, #tpu.memory_space<vmem>>, vector<1x8x768xbf16>
    %swap3A_199 = vector.shape_cast %swap3A_198 : vector<1x8x768xbf16> to vector<8x768xbf16>
    %swap3A_200 = vector.shape_cast %convert_element_type3A_194 : vector<8x768xbf16> to vector<1x8x768xbf16>
    tpu.vector_store %arg19[%swap3A_195, %swap3A_196, %swap3A_197], %swap3A_200 {strides = array<i32>} : memref<1x8x768xbf16, #tpu.memory_space<vmem>>, vector<1x8x768xbf16>,
    return
  }
  func.func @transform_0(%arg0: i32) -> (i32, i32, i32) {
    %c0_i32 = arith.constant 0 : i32
    %c0_i32_0 = arith.constant 0 : i32
    %c0_i32_1 = arith.constant 0 : i32
    return %arg0, %c0_i32, %c0_i32_0 : i32, i32, i32
  }
  func.func @transform_1(%arg0: i32) -> (i32, i32, i32) {
    %c0_i32 = arith.constant 0 : i32
    %c0_i32_0 = arith.constant 0 : i32
    %c0_i32_1 = arith.constant 0 : i32
    return %arg0, %c0_i32, %c0_i32_0 : i32, i32, i32
  }
  func.func @transform_2(%arg0: i32) -> (i32, i32) {
    %c0_i32 = arith.constant 0 : i32
    %c0_i32_0 = arith.constant 0 : i32
    %c0_i32_1 = arith.constant 0 : i32
    return %c0_i32, %c0_i32_0 : i32, i32
  }
  func.func @transform_3(%arg0: i32) -> (i32, i32, i32) {
    %c0_i32 = arith.constant 0 : i32
    %c0_i32_0 = arith.constant 0 : i32
    %c0_i32_1 = arith.constant 0 : i32
    return %arg0, %c0_i32, %c0_i32_0 : i32, i32, i32
  }
  func.func @transform_4(%arg0: i32) -> (i32, i32, i32) {
    %c0_i32 = arith.constant 0 : i32
    %c0_i32_0 = arith.constant 0 : i32
    %c0_i32_1 = arith.constant 0 : i32
    return %arg0, %c0_i32, %c0_i32_0 : i32, i32, i32
  }
  func.func @transform_5(%arg0: i32) -> (i32, i32, i32) {
    %c0_i32 = arith.constant 0 : i32
    %c0_i32_0 = arith.constant 0 : i32
    %c0_i32_1 = arith.constant 0 : i32
    return %arg0, %c0_i32, %c0_i32_0 : i32, i32, i32
  }
  func.func @transform_6(%arg0: i32) -> (i32, i32, i32) {
    %c0_i32 = arith.constant 0 : i32
    %c0_i32_0 = arith.constant 0 : i32
    %c0_i32_1 = arith.constant 0 : i32
    return %arg0, %c0_i32, %c0_i32_0 : i32, i32, i32
  }
  func.func @transform_7(%arg0: i32) -> (i32, i32, i32) {
    %c0_i32 = arith.constant 0 : i32
    %c0_i32_0 = arith.constant 0 : i32
    %c0_i32_1 = arith.constant 0 : i32
    return %arg0, %c0_i32, %c0_i32_0 : i32, i32, i32
  }
  func.func @transform_8(%arg0: i32) -> (i32, i32) {
    %c0_i32 = arith.constant 0 : i32
    %c0_i32_0 = arith.constant 0 : i32
    %c0_i32_1 = arith.constant 0 : i32
    return %c0_i32, %c0_i32_0 : i32, i32
  }
  func.func @transform_9(%arg0: i32) -> (i32, i32) {
    %c0_i32 = arith.constant 0 : i32
    %c0_i32_0 = arith.constant 0 : i32
    %c0_i32_1 = arith.constant 0 : i32
    return %c0_i32, %c0_i32_0 : i32, i32
  }
  func.func @transform_10(%arg0: i32) -> (i32, i32) {
    %c0_i32 = arith.constant 0 : i32
    %c0_i32_0 = arith.constant 0 : i32
    %c0_i32_1 = arith.constant 0 : i32
    return %c0_i32, %c0_i32_0 : i32, i32
  }
  func.func @transform_11(%arg0: i32) -> (i32, i32) {
    %c0_i32 = arith.constant 0 : i32
    %c0_i32_0 = arith.constant 0 : i32
    %c0_i32_1 = arith.constant 0 : i32
    return %c0_i32, %c0_i32_0 : i32, i32
  }
  func.func @transform_12(%arg0: i32) -> (i32, i32, i32) {
    %c1_i32 = arith.constant 1 : i32
    %c0_i32 = arith.constant 0 : i32
    %c0_i32_0 = arith.constant 0 : i32
    %c0_i32_1 = arith.constant 0 : i32
    return %c1_i32, %c0_i32, %c0_i32_0 : i32, i32, i32
  }
  func.func @transform_13(%arg0: i32) -> (i32, i32, i32) {
    %c2_i32 = arith.constant 2 : i32
    %c0_i32 = arith.constant 0 : i32
    %c0_i32_0 = arith.constant 0 : i32
    %c0_i32_1 = arith.constant 0 : i32
    return %c2_i32, %c0_i32, %c0_i32_0 : i32, i32, i32
  }
  func.func @transform_14(%arg0: i32) -> (i32, i32) {
    %c0_i32 = arith.constant 0 : i32
    %c0_i32_0 = arith.constant 0 : i32
    %c0_i32_1 = arith.constant 0 : i32
    return %c0_i32, %c0_i32_0 : i32, i32
  }
  func.func @transform_15(%arg0: i32) -> (i32, i32) {
    %c0_i32 = arith.constant 0 : i32
    %c0_i32_0 = arith.constant 0 : i32
    %c0_i32_1 = arith.constant 0 : i32
    return %c0_i32, %c0_i32_0 : i32, i32
  }
  func.func @transform_16(%arg0: i32) -> (i32, i32, i32) {
    %c0_i32 = arith.constant 0 : i32
    %c0_i32_0 = arith.constant 0 : i32
    %c0_i32_1 = arith.constant 0 : i32
    return %arg0, %c0_i32, %c0_i32_0 : i32, i32, i32
  }
  func.func @transform_17(%arg0: i32) -> (i32, i32, i32) {
    %c0_i32 = arith.constant 0 : i32
    %c0_i32_0 = arith.constant 0 : i32
    %c0_i32_1 = arith.constant 0 : i32
    return %arg0, %c0_i32, %c0_i32_0 : i32, i32, i32
  }
  func.func @transform_18(%arg0: i32) -> (i32, i32, i32) {
    %c0_i32 = arith.constant 0 : i32
    %c0_i32_0 = arith.constant 0 : i32
    %c0_i32_1 = arith.constant 0 : i32
    return %arg0, %c0_i32, %c0_i32_0 : i32, i32, i32
  }
}

module attributes {stable_mosaic.version = 14 : i64} {
  func.func @_out_attn_body(%arg0: i32, %arg1: i32, %arg2: memref<1x512x768xbf16, #tpu.memory_space<vmem>>, %arg3: memref<1x2048x768xbf16, #tpu.memory_space<vmem>>, %arg4: memref<1x2048x768xbf16, #tpu.memory_space<vmem>>, %arg5: memref<1x8x768xbf16, #tpu.memory_space<vmem>>, %arg6: memref<1x8x768xbf16, #tpu.memory_space<vmem>>, %arg7: memref<1x512x768xbf16, #tpu.memory_space<vmem>>) attributes {dimension_semantics = [#tpu.dimension_semantics<arbitrary>, #tpu.dimension_semantics<arbitrary>], iteration_bounds = array<i64: 2, 4>, scalar_prefetch = 0 : i64, scratch_operands = 0 : i64, tpu.core_type = #tpu.core_type<tc>, window_params = [{transform_indices = @transform_0, window_bounds = array<i64: 1, 512, 768>}, {transform_indices = @transform_1, window_bounds = array<i64: 1, 2048, 768>}, {transform_indices = @transform_2, window_bounds = array<i64: 1, 2048, 768>}, {transform_indices = @transform_3, window_bounds = array<i64: 1, 8, 768>}, {transform_indices = @transform_4, window_bounds = array<i64: 1, 8, 768>}, {transform_indices = @transform_5, window_bounds = array<i64: 1, 512, 768>}]} {
    %get3A = arith.constant 0 : index
    %get3A_0 = arith.constant 0 : index
    %get3A_1 = arith.constant 0 : index
    %get3A_2 = vector.load %arg2[%get3A, %get3A_0, %get3A_1] : memref<1x512x768xbf16, #tpu.memory_space<vmem>>, vector<1x512x768xbf16>
    %get3A_3 = vector.shape_cast %get3A_2 : vector<1x512x768xbf16> to vector<512x768xbf16>
    %get3A_4 = arith.constant 0 : index
    %get3A_5 = arith.constant 0 : index
    %get3A_6 = arith.constant 0 : index
    %get3A_7 = vector.load %arg3[%get3A_4, %get3A_5, %get3A_6] : memref<1x2048x768xbf16, #tpu.memory_space<vmem>>, vector<1x2048x768xbf16>
    %get3A_8 = vector.shape_cast %get3A_7 : vector<1x2048x768xbf16> to vector<2048x768xbf16>
    %get3A_9 = arith.constant 0 : index
    %get3A_10 = arith.constant 0 : index
    %get3A_11 = arith.constant 0 : index
    %get3A_12 = vector.load %arg4[%get3A_9, %get3A_10, %get3A_11] : memref<1x2048x768xbf16, #tpu.memory_space<vmem>>, vector<1x2048x768xbf16>
    %get3A_13 = vector.shape_cast %get3A_12 : vector<1x2048x768xbf16> to vector<2048x768xbf16>
    %get3A_14 = arith.constant 0 : index
    %get3A_15 = arith.constant 0 : index
    %get3A_16 = arith.constant 0 : index
    %get3A_17 = vector.load %arg5[%get3A_14, %get3A_15, %get3A_16] : memref<1x8x768xbf16, #tpu.memory_space<vmem>>, vector<1x8x768xbf16>
    %get3A_18 = vector.shape_cast %get3A_17 : vector<1x8x768xbf16> to vector<8x768xbf16>
    %get3A_19 = arith.constant 0 : index
    %get3A_20 = arith.constant 0 : index
    %get3A_21 = arith.constant 0 : index
    %get3A_22 = vector.load %arg6[%get3A_19, %get3A_20, %get3A_21] : memref<1x8x768xbf16, #tpu.memory_space<vmem>>, vector<1x8x768xbf16>
    %get3A_23 = vector.shape_cast %get3A_22 : vector<1x8x768xbf16> to vector<8x768xbf16>
    %slice3A = vector.extract_strided_slice %get3A_3 {offsets = [0, 0], sizes = [512, 64], strides = [1, 1]} : vector<512x768xbf16> to vector<512x64xbf16>
    %slice3A_24 = vector.extract_strided_slice %get3A_18 {offsets = [0, 0], sizes = [8, 64], strides = [1, 1]} : vector<8x768xbf16> to vector<8x64xbf16>
    %dot_general3A = arith.constant dense<0.000000e+00> : vector<512x8xf32>
    %dot_general3A_25 = tpu.matmul %slice3A, %slice3A_24, %dot_general3A {dimension_numbers = #tpu.dot_dimension_numbers<[1], [1], [0], [0], [0, 0, 1, 0], [], []>, transpose_lhs_hint = false} : vector<512x64xbf16>, vector<8x64xbf16>, vector<512x8xf32> -> vector<512x8xf32>
    %slice3A_26 = vector.extract_strided_slice %get3A_8 {offsets = [0, 0], sizes = [2048, 64], strides = [1, 1]} : vector<2048x768xbf16> to vector<2048x64xbf16>
    %dot_general3A_27 = arith.constant dense<0.000000e+00> : vector<512x2048xf32>
    %dot_general3A_28 = tpu.matmul %slice3A, %slice3A_26, %dot_general3A_27 {dimension_numbers = #tpu.dot_dimension_numbers<[1], [1], [0], [0], [0, 0, 1, 0], [], []>, transpose_lhs_hint = false} : vector<512x64xbf16>, vector<2048x64xbf16>, vector<512x2048xf32> -> vector<512x2048xf32>
    %reduce_max3A = arith.constant dense<0xFF800000> : vector<512xf32>
    %reduce_max3A_29 = vector.multi_reduction <maximumf>, %dot_general3A_25, %reduce_max3A [1] : vector<512x8xf32> to vector<512xf32>
    %broadcast_in_dim3A = vector.shape_cast %reduce_max3A_29 : vector<512xf32> to vector<512x1xf32>
    %reduce_max3A_30 = arith.constant dense<0xFF800000> : vector<512xf32>
    %reduce_max3A_31 = vector.multi_reduction <maximumf>, %dot_general3A_28, %reduce_max3A_30 [1] : vector<512x2048xf32> to vector<512xf32>
    %broadcast_in_dim3A_32 = vector.shape_cast %reduce_max3A_31 : vector<512xf32> to vector<512x1xf32>
    %max3A = arith.maximumf %broadcast_in_dim3A, %broadcast_in_dim3A_32 : vector<512x1xf32>
    %sub3A = vector.broadcast %max3A : vector<512x1xf32> to vector<512x8xf32>
    %sub3A_33 = arith.subf %dot_general3A_25, %sub3A : vector<512x8xf32>
    %exp3A = math.exp %sub3A_33 : vector<512x8xf32>
    %sub3A_34 = vector.broadcast %max3A : vector<512x1xf32> to vector<512x2048xf32>
    %sub3A_35 = arith.subf %dot_general3A_28, %sub3A_34 : vector<512x2048xf32>
    %exp3A_36 = math.exp %sub3A_35 : vector<512x2048xf32>
    %convert_element_type3A = arith.truncf %exp3A_36 : vector<512x2048xf32> to vector<512x2048xbf16>
    %reduce_sum3A = arith.constant dense<0.000000e+00> : vector<512xf32>
    %reduce_sum3A_37 = vector.multi_reduction <add>, %exp3A, %reduce_sum3A [1] : vector<512x8xf32> to vector<512xf32>
    %broadcast_in_dim3A_38 = vector.shape_cast %reduce_sum3A_37 : vector<512xf32> to vector<512x1xf32>
    %convert_element_type3A_39 = arith.extf %convert_element_type3A : vector<512x2048xbf16> to vector<512x2048xf32>
    %reduce_sum3A_40 = arith.constant dense<0.000000e+00> : vector<512xf32>
    %reduce_sum3A_41 = vector.multi_reduction <add>, %convert_element_type3A_39, %reduce_sum3A_40 [1] : vector<512x2048xf32> to vector<512xf32>
    %broadcast_in_dim3A_42 = vector.shape_cast %reduce_sum3A_41 : vector<512xf32> to vector<512x1xf32>
    %add3A = arith.addf %broadcast_in_dim3A_38, %broadcast_in_dim3A_42 : vector<512x1xf32>
    %slice3A_43 = vector.extract_strided_slice %get3A_23 {offsets = [0, 0], sizes = [8, 64], strides = [1, 1]} : vector<8x768xbf16> to vector<8x64xbf16>
    %convert_element_type3A_44 = arith.truncf %exp3A : vector<512x8xf32> to vector<512x8xbf16>
    %dot_general3A_45 = arith.constant dense<0.000000e+00> : vector<512x64xf32>
    %dot_general3A_46 = tpu.matmul %convert_element_type3A_44, %slice3A_43, %dot_general3A_45 {dimension_numbers = #tpu.dot_dimension_numbers<[1], [0], [0], [1], [0, 0, 1, 1], [], []>, transpose_lhs_hint = false} : vector<512x8xbf16>, vector<8x64xbf16>, vector<512x64xf32> -> vector<512x64xf32>
    %slice3A_47 = vector.extract_strided_slice %get3A_13 {offsets = [0, 0], sizes = [2048, 64], strides = [1, 1]} : vector<2048x768xbf16> to vector<2048x64xbf16>
    %dot_general3A_48 = arith.constant dense<0.000000e+00> : vector<512x64xf32>
    %dot_general3A_49 = tpu.matmul %convert_element_type3A, %slice3A_47, %dot_general3A_48 {dimension_numbers = #tpu.dot_dimension_numbers<[1], [0], [0], [1], [0, 0, 1, 1], [], []>, transpose_lhs_hint = false} : vector<512x2048xbf16>, vector<2048x64xbf16>, vector<512x64xf32> -> vector<512x64xf32>
    %add3A_50 = arith.addf %dot_general3A_46, %dot_general3A_49 : vector<512x64xf32>
    %div3A = vector.broadcast %add3A : vector<512x1xf32> to vector<512x64xf32>
    %div3A_51 = arith.divf %add3A_50, %div3A : vector<512x64xf32>
    %convert_element_type3A_52 = arith.truncf %div3A_51 : vector<512x64xf32> to vector<512x64xbf16>
    %swap3A = arith.constant 0 : index
    %swap3A_53 = arith.constant 0 : index
    %swap3A_54 = arith.constant 0 : index
    %swap3A_55 = vector.load %arg7[%swap3A, %swap3A_53, %swap3A_54] : memref<1x512x768xbf16, #tpu.memory_space<vmem>>, vector<1x512x64xbf16>
    %swap3A_56 = vector.shape_cast %swap3A_55 : vector<1x512x64xbf16> to vector<512x64xbf16>
    %swap3A_57 = vector.shape_cast %convert_element_type3A_52 : vector<512x64xbf16> to vector<1x512x64xbf16>
    tpu.vector_store %arg7[%swap3A, %swap3A_53, %swap3A_54], %swap3A_57 {strides = array<i32>} : memref<1x512x768xbf16, #tpu.memory_space<vmem>>, vector<1x512x64xbf16>,
    %slice3A_58 = vector.extract_strided_slice %get3A_3 {offsets = [0, 64], sizes = [512, 64], strides = [1, 1]} : vector<512x768xbf16> to vector<512x64xbf16>
    %slice3A_59 = vector.extract_strided_slice %get3A_18 {offsets = [0, 64], sizes = [8, 64], strides = [1, 1]} : vector<8x768xbf16> to vector<8x64xbf16>
    %dot_general3A_60 = arith.constant dense<0.000000e+00> : vector<512x8xf32>
    %dot_general3A_61 = tpu.matmul %slice3A_58, %slice3A_59, %dot_general3A_60 {dimension_numbers = #tpu.dot_dimension_numbers<[1], [1], [0], [0], [0, 0, 1, 0], [], []>, transpose_lhs_hint = false} : vector<512x64xbf16>, vector<8x64xbf16>, vector<512x8xf32> -> vector<512x8xf32>
    %slice3A_62 = vector.extract_strided_slice %get3A_8 {offsets = [0, 64], sizes = [2048, 64], strides = [1, 1]} : vector<2048x768xbf16> to vector<2048x64xbf16>
    %dot_general3A_63 = arith.constant dense<0.000000e+00> : vector<512x2048xf32>
    %dot_general3A_64 = tpu.matmul %slice3A_58, %slice3A_62, %dot_general3A_63 {dimension_numbers = #tpu.dot_dimension_numbers<[1], [1], [0], [0], [0, 0, 1, 0], [], []>, transpose_lhs_hint = false} : vector<512x64xbf16>, vector<2048x64xbf16>, vector<512x2048xf32> -> vector<512x2048xf32>
    %reduce_max3A_65 = arith.constant dense<0xFF800000> : vector<512xf32>
    %reduce_max3A_66 = vector.multi_reduction <maximumf>, %dot_general3A_61, %reduce_max3A_65 [1] : vector<512x8xf32> to vector<512xf32>
    %broadcast_in_dim3A_67 = vector.shape_cast %reduce_max3A_66 : vector<512xf32> to vector<512x1xf32>
    %reduce_max3A_68 = arith.constant dense<0xFF800000> : vector<512xf32>
    %reduce_max3A_69 = vector.multi_reduction <maximumf>, %dot_general3A_64, %reduce_max3A_68 [1] : vector<512x2048xf32> to vector<512xf32>
    %broadcast_in_dim3A_70 = vector.shape_cast %reduce_max3A_69 : vector<512xf32> to vector<512x1xf32>
    %max3A_71 = arith.maximumf %broadcast_in_dim3A_67, %broadcast_in_dim3A_70 : vector<512x1xf32>
    %sub3A_72 = vector.broadcast %max3A_71 : vector<512x1xf32> to vector<512x8xf32>
    %sub3A_73 = arith.subf %dot_general3A_61, %sub3A_72 : vector<512x8xf32>
    %exp3A_74 = math.exp %sub3A_73 : vector<512x8xf32>
    %sub3A_75 = vector.broadcast %max3A_71 : vector<512x1xf32> to vector<512x2048xf32>
    %sub3A_76 = arith.subf %dot_general3A_64, %sub3A_75 : vector<512x2048xf32>
    %exp3A_77 = math.exp %sub3A_76 : vector<512x2048xf32>
    %convert_element_type3A_78 = arith.truncf %exp3A_77 : vector<512x2048xf32> to vector<512x2048xbf16>
    %reduce_sum3A_79 = arith.constant dense<0.000000e+00> : vector<512xf32>
    %reduce_sum3A_80 = vector.multi_reduction <add>, %exp3A_74, %reduce_sum3A_79 [1] : vector<512x8xf32> to vector<512xf32>
    %broadcast_in_dim3A_81 = vector.shape_cast %reduce_sum3A_80 : vector<512xf32> to vector<512x1xf32>
    %convert_element_type3A_82 = arith.extf %convert_element_type3A_78 : vector<512x2048xbf16> to vector<512x2048xf32>
    %reduce_sum3A_83 = arith.constant dense<0.000000e+00> : vector<512xf32>
    %reduce_sum3A_84 = vector.multi_reduction <add>, %convert_element_type3A_82, %reduce_sum3A_83 [1] : vector<512x2048xf32> to vector<512xf32>
    %broadcast_in_dim3A_85 = vector.shape_cast %reduce_sum3A_84 : vector<512xf32> to vector<512x1xf32>
    %add3A_86 = arith.addf %broadcast_in_dim3A_81, %broadcast_in_dim3A_85 : vector<512x1xf32>
    %slice3A_87 = vector.extract_strided_slice %get3A_23 {offsets = [0, 64], sizes = [8, 64], strides = [1, 1]} : vector<8x768xbf16> to vector<8x64xbf16>
    %convert_element_type3A_88 = arith.truncf %exp3A_74 : vector<512x8xf32> to vector<512x8xbf16>
    %dot_general3A_89 = arith.constant dense<0.000000e+00> : vector<512x64xf32>
    %dot_general3A_90 = tpu.matmul %convert_element_type3A_88, %slice3A_87, %dot_general3A_89 {dimension_numbers = #tpu.dot_dimension_numbers<[1], [0], [0], [1], [0, 0, 1, 1], [], []>, transpose_lhs_hint = false} : vector<512x8xbf16>, vector<8x64xbf16>, vector<512x64xf32> -> vector<512x64xf32>
    %slice3A_91 = vector.extract_strided_slice %get3A_13 {offsets = [0, 64], sizes = [2048, 64], strides = [1, 1]} : vector<2048x768xbf16> to vector<2048x64xbf16>
    %dot_general3A_92 = arith.constant dense<0.000000e+00> : vector<512x64xf32>
    %dot_general3A_93 = tpu.matmul %convert_element_type3A_78, %slice3A_91, %dot_general3A_92 {dimension_numbers = #tpu.dot_dimension_numbers<[1], [0], [0], [1], [0, 0, 1, 1], [], []>, transpose_lhs_hint = false} : vector<512x2048xbf16>, vector<2048x64xbf16>, vector<512x64xf32> -> vector<512x64xf32>
    %add3A_94 = arith.addf %dot_general3A_90, %dot_general3A_93 : vector<512x64xf32>
    %div3A_95 = vector.broadcast %add3A_86 : vector<512x1xf32> to vector<512x64xf32>
    %div3A_96 = arith.divf %add3A_94, %div3A_95 : vector<512x64xf32>
    %convert_element_type3A_97 = arith.truncf %div3A_96 : vector<512x64xf32> to vector<512x64xbf16>
    %swap3A_98 = arith.constant 0 : index
    %swap3A_99 = arith.constant 0 : index
    %swap3A_100 = arith.constant 64 : index
    %swap3A_101 = vector.load %arg7[%swap3A_98, %swap3A_99, %swap3A_100] : memref<1x512x768xbf16, #tpu.memory_space<vmem>>, vector<1x512x64xbf16>
    %swap3A_102 = vector.shape_cast %swap3A_101 : vector<1x512x64xbf16> to vector<512x64xbf16>
    %swap3A_103 = vector.shape_cast %convert_element_type3A_97 : vector<512x64xbf16> to vector<1x512x64xbf16>
    tpu.vector_store %arg7[%swap3A_98, %swap3A_99, %swap3A_100], %swap3A_103 {strides = array<i32>} : memref<1x512x768xbf16, #tpu.memory_space<vmem>>, vector<1x512x64xbf16>,
    %slice3A_104 = vector.extract_strided_slice %get3A_3 {offsets = [0, 128], sizes = [512, 64], strides = [1, 1]} : vector<512x768xbf16> to vector<512x64xbf16>
    %slice3A_105 = vector.extract_strided_slice %get3A_18 {offsets = [0, 128], sizes = [8, 64], strides = [1, 1]} : vector<8x768xbf16> to vector<8x64xbf16>
    %dot_general3A_106 = arith.constant dense<0.000000e+00> : vector<512x8xf32>
    %dot_general3A_107 = tpu.matmul %slice3A_104, %slice3A_105, %dot_general3A_106 {dimension_numbers = #tpu.dot_dimension_numbers<[1], [1], [0], [0], [0, 0, 1, 0], [], []>, transpose_lhs_hint = false} : vector<512x64xbf16>, vector<8x64xbf16>, vector<512x8xf32> -> vector<512x8xf32>
    %slice3A_108 = vector.extract_strided_slice %get3A_8 {offsets = [0, 128], sizes = [2048, 64], strides = [1, 1]} : vector<2048x768xbf16> to vector<2048x64xbf16>
    %dot_general3A_109 = arith.constant dense<0.000000e+00> : vector<512x2048xf32>
    %dot_general3A_110 = tpu.matmul %slice3A_104, %slice3A_108, %dot_general3A_109 {dimension_numbers = #tpu.dot_dimension_numbers<[1], [1], [0], [0], [0, 0, 1, 0], [], []>, transpose_lhs_hint = false} : vector<512x64xbf16>, vector<2048x64xbf16>, vector<512x2048xf32> -> vector<512x2048xf32>
    %reduce_max3A_111 = arith.constant dense<0xFF800000> : vector<512xf32>
    %reduce_max3A_112 = vector.multi_reduction <maximumf>, %dot_general3A_107, %reduce_max3A_111 [1] : vector<512x8xf32> to vector<512xf32>
    %broadcast_in_dim3A_113 = vector.shape_cast %reduce_max3A_112 : vector<512xf32> to vector<512x1xf32>
    %reduce_max3A_114 = arith.constant dense<0xFF800000> : vector<512xf32>
    %reduce_max3A_115 = vector.multi_reduction <maximumf>, %dot_general3A_110, %reduce_max3A_114 [1] : vector<512x2048xf32> to vector<512xf32>
    %broadcast_in_dim3A_116 = vector.shape_cast %reduce_max3A_115 : vector<512xf32> to vector<512x1xf32>
    %max3A_117 = arith.maximumf %broadcast_in_dim3A_113, %broadcast_in_dim3A_116 : vector<512x1xf32>
    %sub3A_118 = vector.broadcast %max3A_117 : vector<512x1xf32> to vector<512x8xf32>
    %sub3A_119 = arith.subf %dot_general3A_107, %sub3A_118 : vector<512x8xf32>
    %exp3A_120 = math.exp %sub3A_119 : vector<512x8xf32>
    %sub3A_121 = vector.broadcast %max3A_117 : vector<512x1xf32> to vector<512x2048xf32>
    %sub3A_122 = arith.subf %dot_general3A_110, %sub3A_121 : vector<512x2048xf32>
    %exp3A_123 = math.exp %sub3A_122 : vector<512x2048xf32>
    %convert_element_type3A_124 = arith.truncf %exp3A_123 : vector<512x2048xf32> to vector<512x2048xbf16>
    %reduce_sum3A_125 = arith.constant dense<0.000000e+00> : vector<512xf32>
    %reduce_sum3A_126 = vector.multi_reduction <add>, %exp3A_120, %reduce_sum3A_125 [1] : vector<512x8xf32> to vector<512xf32>
    %broadcast_in_dim3A_127 = vector.shape_cast %reduce_sum3A_126 : vector<512xf32> to vector<512x1xf32>
    %convert_element_type3A_128 = arith.extf %convert_element_type3A_124 : vector<512x2048xbf16> to vector<512x2048xf32>
    %reduce_sum3A_129 = arith.constant dense<0.000000e+00> : vector<512xf32>
    %reduce_sum3A_130 = vector.multi_reduction <add>, %convert_element_type3A_128, %reduce_sum3A_129 [1] : vector<512x2048xf32> to vector<512xf32>
    %broadcast_in_dim3A_131 = vector.shape_cast %reduce_sum3A_130 : vector<512xf32> to vector<512x1xf32>
    %add3A_132 = arith.addf %broadcast_in_dim3A_127, %broadcast_in_dim3A_131 : vector<512x1xf32>
    %slice3A_133 = vector.extract_strided_slice %get3A_23 {offsets = [0, 128], sizes = [8, 64], strides = [1, 1]} : vector<8x768xbf16> to vector<8x64xbf16>
    %convert_element_type3A_134 = arith.truncf %exp3A_120 : vector<512x8xf32> to vector<512x8xbf16>
    %dot_general3A_135 = arith.constant dense<0.000000e+00> : vector<512x64xf32>
    %dot_general3A_136 = tpu.matmul %convert_element_type3A_134, %slice3A_133, %dot_general3A_135 {dimension_numbers = #tpu.dot_dimension_numbers<[1], [0], [0], [1], [0, 0, 1, 1], [], []>, transpose_lhs_hint = false} : vector<512x8xbf16>, vector<8x64xbf16>, vector<512x64xf32> -> vector<512x64xf32>
    %slice3A_137 = vector.extract_strided_slice %get3A_13 {offsets = [0, 128], sizes = [2048, 64], strides = [1, 1]} : vector<2048x768xbf16> to vector<2048x64xbf16>
    %dot_general3A_138 = arith.constant dense<0.000000e+00> : vector<512x64xf32>
    %dot_general3A_139 = tpu.matmul %convert_element_type3A_124, %slice3A_137, %dot_general3A_138 {dimension_numbers = #tpu.dot_dimension_numbers<[1], [0], [0], [1], [0, 0, 1, 1], [], []>, transpose_lhs_hint = false} : vector<512x2048xbf16>, vector<2048x64xbf16>, vector<512x64xf32> -> vector<512x64xf32>
    %add3A_140 = arith.addf %dot_general3A_136, %dot_general3A_139 : vector<512x64xf32>
    %div3A_141 = vector.broadcast %add3A_132 : vector<512x1xf32> to vector<512x64xf32>
    %div3A_142 = arith.divf %add3A_140, %div3A_141 : vector<512x64xf32>
    %convert_element_type3A_143 = arith.truncf %div3A_142 : vector<512x64xf32> to vector<512x64xbf16>
    %swap3A_144 = arith.constant 0 : index
    %swap3A_145 = arith.constant 0 : index
    %swap3A_146 = arith.constant 128 : index
    %swap3A_147 = vector.load %arg7[%swap3A_144, %swap3A_145, %swap3A_146] : memref<1x512x768xbf16, #tpu.memory_space<vmem>>, vector<1x512x64xbf16>
    %swap3A_148 = vector.shape_cast %swap3A_147 : vector<1x512x64xbf16> to vector<512x64xbf16>
    %swap3A_149 = vector.shape_cast %convert_element_type3A_143 : vector<512x64xbf16> to vector<1x512x64xbf16>
    tpu.vector_store %arg7[%swap3A_144, %swap3A_145, %swap3A_146], %swap3A_149 {strides = array<i32>} : memref<1x512x768xbf16, #tpu.memory_space<vmem>>, vector<1x512x64xbf16>,
    %slice3A_150 = vector.extract_strided_slice %get3A_3 {offsets = [0, 192], sizes = [512, 64], strides = [1, 1]} : vector<512x768xbf16> to vector<512x64xbf16>
    %slice3A_151 = vector.extract_strided_slice %get3A_18 {offsets = [0, 192], sizes = [8, 64], strides = [1, 1]} : vector<8x768xbf16> to vector<8x64xbf16>
    %dot_general3A_152 = arith.constant dense<0.000000e+00> : vector<512x8xf32>
    %dot_general3A_153 = tpu.matmul %slice3A_150, %slice3A_151, %dot_general3A_152 {dimension_numbers = #tpu.dot_dimension_numbers<[1], [1], [0], [0], [0, 0, 1, 0], [], []>, transpose_lhs_hint = false} : vector<512x64xbf16>, vector<8x64xbf16>, vector<512x8xf32> -> vector<512x8xf32>
    %slice3A_154 = vector.extract_strided_slice %get3A_8 {offsets = [0, 192], sizes = [2048, 64], strides = [1, 1]} : vector<2048x768xbf16> to vector<2048x64xbf16>
    %dot_general3A_155 = arith.constant dense<0.000000e+00> : vector<512x2048xf32>
    %dot_general3A_156 = tpu.matmul %slice3A_150, %slice3A_154, %dot_general3A_155 {dimension_numbers = #tpu.dot_dimension_numbers<[1], [1], [0], [0], [0, 0, 1, 0], [], []>, transpose_lhs_hint = false} : vector<512x64xbf16>, vector<2048x64xbf16>, vector<512x2048xf32> -> vector<512x2048xf32>
    %reduce_max3A_157 = arith.constant dense<0xFF800000> : vector<512xf32>
    %reduce_max3A_158 = vector.multi_reduction <maximumf>, %dot_general3A_153, %reduce_max3A_157 [1] : vector<512x8xf32> to vector<512xf32>
    %broadcast_in_dim3A_159 = vector.shape_cast %reduce_max3A_158 : vector<512xf32> to vector<512x1xf32>
    %reduce_max3A_160 = arith.constant dense<0xFF800000> : vector<512xf32>
    %reduce_max3A_161 = vector.multi_reduction <maximumf>, %dot_general3A_156, %reduce_max3A_160 [1] : vector<512x2048xf32> to vector<512xf32>
    %broadcast_in_dim3A_162 = vector.shape_cast %reduce_max3A_161 : vector<512xf32> to vector<512x1xf32>
    %max3A_163 = arith.maximumf %broadcast_in_dim3A_159, %broadcast_in_dim3A_162 : vector<512x1xf32>
    %sub3A_164 = vector.broadcast %max3A_163 : vector<512x1xf32> to vector<512x8xf32>
    %sub3A_165 = arith.subf %dot_general3A_153, %sub3A_164 : vector<512x8xf32>
    %exp3A_166 = math.exp %sub3A_165 : vector<512x8xf32>
    %sub3A_167 = vector.broadcast %max3A_163 : vector<512x1xf32> to vector<512x2048xf32>
    %sub3A_168 = arith.subf %dot_general3A_156, %sub3A_167 : vector<512x2048xf32>
    %exp3A_169 = math.exp %sub3A_168 : vector<512x2048xf32>
    %convert_element_type3A_170 = arith.truncf %exp3A_169 : vector<512x2048xf32> to vector<512x2048xbf16>
    %reduce_sum3A_171 = arith.constant dense<0.000000e+00> : vector<512xf32>
    %reduce_sum3A_172 = vector.multi_reduction <add>, %exp3A_166, %reduce_sum3A_171 [1] : vector<512x8xf32> to vector<512xf32>
    %broadcast_in_dim3A_173 = vector.shape_cast %reduce_sum3A_172 : vector<512xf32> to vector<512x1xf32>
    %convert_element_type3A_174 = arith.extf %convert_element_type3A_170 : vector<512x2048xbf16> to vector<512x2048xf32>
    %reduce_sum3A_175 = arith.constant dense<0.000000e+00> : vector<512xf32>
    %reduce_sum3A_176 = vector.multi_reduction <add>, %convert_element_type3A_174, %reduce_sum3A_175 [1] : vector<512x2048xf32> to vector<512xf32>
    %broadcast_in_dim3A_177 = vector.shape_cast %reduce_sum3A_176 : vector<512xf32> to vector<512x1xf32>
    %add3A_178 = arith.addf %broadcast_in_dim3A_173, %broadcast_in_dim3A_177 : vector<512x1xf32>
    %slice3A_179 = vector.extract_strided_slice %get3A_23 {offsets = [0, 192], sizes = [8, 64], strides = [1, 1]} : vector<8x768xbf16> to vector<8x64xbf16>
    %convert_element_type3A_180 = arith.truncf %exp3A_166 : vector<512x8xf32> to vector<512x8xbf16>
    %dot_general3A_181 = arith.constant dense<0.000000e+00> : vector<512x64xf32>
    %dot_general3A_182 = tpu.matmul %convert_element_type3A_180, %slice3A_179, %dot_general3A_181 {dimension_numbers = #tpu.dot_dimension_numbers<[1], [0], [0], [1], [0, 0, 1, 1], [], []>, transpose_lhs_hint = false} : vector<512x8xbf16>, vector<8x64xbf16>, vector<512x64xf32> -> vector<512x64xf32>
    %slice3A_183 = vector.extract_strided_slice %get3A_13 {offsets = [0, 192], sizes = [2048, 64], strides = [1, 1]} : vector<2048x768xbf16> to vector<2048x64xbf16>
    %dot_general3A_184 = arith.constant dense<0.000000e+00> : vector<512x64xf32>
    %dot_general3A_185 = tpu.matmul %convert_element_type3A_170, %slice3A_183, %dot_general3A_184 {dimension_numbers = #tpu.dot_dimension_numbers<[1], [0], [0], [1], [0, 0, 1, 1], [], []>, transpose_lhs_hint = false} : vector<512x2048xbf16>, vector<2048x64xbf16>, vector<512x64xf32> -> vector<512x64xf32>
    %add3A_186 = arith.addf %dot_general3A_182, %dot_general3A_185 : vector<512x64xf32>
    %div3A_187 = vector.broadcast %add3A_178 : vector<512x1xf32> to vector<512x64xf32>
    %div3A_188 = arith.divf %add3A_186, %div3A_187 : vector<512x64xf32>
    %convert_element_type3A_189 = arith.truncf %div3A_188 : vector<512x64xf32> to vector<512x64xbf16>
    %swap3A_190 = arith.constant 0 : index
    %swap3A_191 = arith.constant 0 : index
    %swap3A_192 = arith.constant 192 : index
    %swap3A_193 = vector.load %arg7[%swap3A_190, %swap3A_191, %swap3A_192] : memref<1x512x768xbf16, #tpu.memory_space<vmem>>, vector<1x512x64xbf16>
    %swap3A_194 = vector.shape_cast %swap3A_193 : vector<1x512x64xbf16> to vector<512x64xbf16>
    %swap3A_195 = vector.shape_cast %convert_element_type3A_189 : vector<512x64xbf16> to vector<1x512x64xbf16>
    tpu.vector_store %arg7[%swap3A_190, %swap3A_191, %swap3A_192], %swap3A_195 {strides = array<i32>} : memref<1x512x768xbf16, #tpu.memory_space<vmem>>, vector<1x512x64xbf16>,
    %slice3A_196 = vector.extract_strided_slice %get3A_3 {offsets = [0, 256], sizes = [512, 64], strides = [1, 1]} : vector<512x768xbf16> to vector<512x64xbf16>
    %slice3A_197 = vector.extract_strided_slice %get3A_18 {offsets = [0, 256], sizes = [8, 64], strides = [1, 1]} : vector<8x768xbf16> to vector<8x64xbf16>
    %dot_general3A_198 = arith.constant dense<0.000000e+00> : vector<512x8xf32>
    %dot_general3A_199 = tpu.matmul %slice3A_196, %slice3A_197, %dot_general3A_198 {dimension_numbers = #tpu.dot_dimension_numbers<[1], [1], [0], [0], [0, 0, 1, 0], [], []>, transpose_lhs_hint = false} : vector<512x64xbf16>, vector<8x64xbf16>, vector<512x8xf32> -> vector<512x8xf32>
    %slice3A_200 = vector.extract_strided_slice %get3A_8 {offsets = [0, 256], sizes = [2048, 64], strides = [1, 1]} : vector<2048x768xbf16> to vector<2048x64xbf16>
    %dot_general3A_201 = arith.constant dense<0.000000e+00> : vector<512x2048xf32>
    %dot_general3A_202 = tpu.matmul %slice3A_196, %slice3A_200, %dot_general3A_201 {dimension_numbers = #tpu.dot_dimension_numbers<[1], [1], [0], [0], [0, 0, 1, 0], [], []>, transpose_lhs_hint = false} : vector<512x64xbf16>, vector<2048x64xbf16>, vector<512x2048xf32> -> vector<512x2048xf32>
    %reduce_max3A_203 = arith.constant dense<0xFF800000> : vector<512xf32>
    %reduce_max3A_204 = vector.multi_reduction <maximumf>, %dot_general3A_199, %reduce_max3A_203 [1] : vector<512x8xf32> to vector<512xf32>
    %broadcast_in_dim3A_205 = vector.shape_cast %reduce_max3A_204 : vector<512xf32> to vector<512x1xf32>
    %reduce_max3A_206 = arith.constant dense<0xFF800000> : vector<512xf32>
    %reduce_max3A_207 = vector.multi_reduction <maximumf>, %dot_general3A_202, %reduce_max3A_206 [1] : vector<512x2048xf32> to vector<512xf32>
    %broadcast_in_dim3A_208 = vector.shape_cast %reduce_max3A_207 : vector<512xf32> to vector<512x1xf32>
    %max3A_209 = arith.maximumf %broadcast_in_dim3A_205, %broadcast_in_dim3A_208 : vector<512x1xf32>
    %sub3A_210 = vector.broadcast %max3A_209 : vector<512x1xf32> to vector<512x8xf32>
    %sub3A_211 = arith.subf %dot_general3A_199, %sub3A_210 : vector<512x8xf32>
    %exp3A_212 = math.exp %sub3A_211 : vector<512x8xf32>
    %sub3A_213 = vector.broadcast %max3A_209 : vector<512x1xf32> to vector<512x2048xf32>
    %sub3A_214 = arith.subf %dot_general3A_202, %sub3A_213 : vector<512x2048xf32>
    %exp3A_215 = math.exp %sub3A_214 : vector<512x2048xf32>
    %convert_element_type3A_216 = arith.truncf %exp3A_215 : vector<512x2048xf32> to vector<512x2048xbf16>
    %reduce_sum3A_217 = arith.constant dense<0.000000e+00> : vector<512xf32>
    %reduce_sum3A_218 = vector.multi_reduction <add>, %exp3A_212, %reduce_sum3A_217 [1] : vector<512x8xf32> to vector<512xf32>
    %broadcast_in_dim3A_219 = vector.shape_cast %reduce_sum3A_218 : vector<512xf32> to vector<512x1xf32>
    %convert_element_type3A_220 = arith.extf %convert_element_type3A_216 : vector<512x2048xbf16> to vector<512x2048xf32>
    %reduce_sum3A_221 = arith.constant dense<0.000000e+00> : vector<512xf32>
    %reduce_sum3A_222 = vector.multi_reduction <add>, %convert_element_type3A_220, %reduce_sum3A_221 [1] : vector<512x2048xf32> to vector<512xf32>
    %broadcast_in_dim3A_223 = vector.shape_cast %reduce_sum3A_222 : vector<512xf32> to vector<512x1xf32>
    %add3A_224 = arith.addf %broadcast_in_dim3A_219, %broadcast_in_dim3A_223 : vector<512x1xf32>
    %slice3A_225 = vector.extract_strided_slice %get3A_23 {offsets = [0, 256], sizes = [8, 64], strides = [1, 1]} : vector<8x768xbf16> to vector<8x64xbf16>
    %convert_element_type3A_226 = arith.truncf %exp3A_212 : vector<512x8xf32> to vector<512x8xbf16>
    %dot_general3A_227 = arith.constant dense<0.000000e+00> : vector<512x64xf32>
    %dot_general3A_228 = tpu.matmul %convert_element_type3A_226, %slice3A_225, %dot_general3A_227 {dimension_numbers = #tpu.dot_dimension_numbers<[1], [0], [0], [1], [0, 0, 1, 1], [], []>, transpose_lhs_hint = false} : vector<512x8xbf16>, vector<8x64xbf16>, vector<512x64xf32> -> vector<512x64xf32>
    %slice3A_229 = vector.extract_strided_slice %get3A_13 {offsets = [0, 256], sizes = [2048, 64], strides = [1, 1]} : vector<2048x768xbf16> to vector<2048x64xbf16>
    %dot_general3A_230 = arith.constant dense<0.000000e+00> : vector<512x64xf32>
    %dot_general3A_231 = tpu.matmul %convert_element_type3A_216, %slice3A_229, %dot_general3A_230 {dimension_numbers = #tpu.dot_dimension_numbers<[1], [0], [0], [1], [0, 0, 1, 1], [], []>, transpose_lhs_hint = false} : vector<512x2048xbf16>, vector<2048x64xbf16>, vector<512x64xf32> -> vector<512x64xf32>
    %add3A_232 = arith.addf %dot_general3A_228, %dot_general3A_231 : vector<512x64xf32>
    %div3A_233 = vector.broadcast %add3A_224 : vector<512x1xf32> to vector<512x64xf32>
    %div3A_234 = arith.divf %add3A_232, %div3A_233 : vector<512x64xf32>
    %convert_element_type3A_235 = arith.truncf %div3A_234 : vector<512x64xf32> to vector<512x64xbf16>
    %swap3A_236 = arith.constant 0 : index
    %swap3A_237 = arith.constant 0 : index
    %swap3A_238 = arith.constant 256 : index
    %swap3A_239 = vector.load %arg7[%swap3A_236, %swap3A_237, %swap3A_238] : memref<1x512x768xbf16, #tpu.memory_space<vmem>>, vector<1x512x64xbf16>
    %swap3A_240 = vector.shape_cast %swap3A_239 : vector<1x512x64xbf16> to vector<512x64xbf16>
    %swap3A_241 = vector.shape_cast %convert_element_type3A_235 : vector<512x64xbf16> to vector<1x512x64xbf16>
    tpu.vector_store %arg7[%swap3A_236, %swap3A_237, %swap3A_238], %swap3A_241 {strides = array<i32>} : memref<1x512x768xbf16, #tpu.memory_space<vmem>>, vector<1x512x64xbf16>,
    %slice3A_242 = vector.extract_strided_slice %get3A_3 {offsets = [0, 320], sizes = [512, 64], strides = [1, 1]} : vector<512x768xbf16> to vector<512x64xbf16>
    %slice3A_243 = vector.extract_strided_slice %get3A_18 {offsets = [0, 320], sizes = [8, 64], strides = [1, 1]} : vector<8x768xbf16> to vector<8x64xbf16>
    %dot_general3A_244 = arith.constant dense<0.000000e+00> : vector<512x8xf32>
    %dot_general3A_245 = tpu.matmul %slice3A_242, %slice3A_243, %dot_general3A_244 {dimension_numbers = #tpu.dot_dimension_numbers<[1], [1], [0], [0], [0, 0, 1, 0], [], []>, transpose_lhs_hint = false} : vector<512x64xbf16>, vector<8x64xbf16>, vector<512x8xf32> -> vector<512x8xf32>
    %slice3A_246 = vector.extract_strided_slice %get3A_8 {offsets = [0, 320], sizes = [2048, 64], strides = [1, 1]} : vector<2048x768xbf16> to vector<2048x64xbf16>
    %dot_general3A_247 = arith.constant dense<0.000000e+00> : vector<512x2048xf32>
    %dot_general3A_248 = tpu.matmul %slice3A_242, %slice3A_246, %dot_general3A_247 {dimension_numbers = #tpu.dot_dimension_numbers<[1], [1], [0], [0], [0, 0, 1, 0], [], []>, transpose_lhs_hint = false} : vector<512x64xbf16>, vector<2048x64xbf16>, vector<512x2048xf32> -> vector<512x2048xf32>
    %reduce_max3A_249 = arith.constant dense<0xFF800000> : vector<512xf32>
    %reduce_max3A_250 = vector.multi_reduction <maximumf>, %dot_general3A_245, %reduce_max3A_249 [1] : vector<512x8xf32> to vector<512xf32>
    %broadcast_in_dim3A_251 = vector.shape_cast %reduce_max3A_250 : vector<512xf32> to vector<512x1xf32>
    %reduce_max3A_252 = arith.constant dense<0xFF800000> : vector<512xf32>
    %reduce_max3A_253 = vector.multi_reduction <maximumf>, %dot_general3A_248, %reduce_max3A_252 [1] : vector<512x2048xf32> to vector<512xf32>
    %broadcast_in_dim3A_254 = vector.shape_cast %reduce_max3A_253 : vector<512xf32> to vector<512x1xf32>
    %max3A_255 = arith.maximumf %broadcast_in_dim3A_251, %broadcast_in_dim3A_254 : vector<512x1xf32>
    %sub3A_256 = vector.broadcast %max3A_255 : vector<512x1xf32> to vector<512x8xf32>
    %sub3A_257 = arith.subf %dot_general3A_245, %sub3A_256 : vector<512x8xf32>
    %exp3A_258 = math.exp %sub3A_257 : vector<512x8xf32>
    %sub3A_259 = vector.broadcast %max3A_255 : vector<512x1xf32> to vector<512x2048xf32>
    %sub3A_260 = arith.subf %dot_general3A_248, %sub3A_259 : vector<512x2048xf32>
    %exp3A_261 = math.exp %sub3A_260 : vector<512x2048xf32>
    %convert_element_type3A_262 = arith.truncf %exp3A_261 : vector<512x2048xf32> to vector<512x2048xbf16>
    %reduce_sum3A_263 = arith.constant dense<0.000000e+00> : vector<512xf32>
    %reduce_sum3A_264 = vector.multi_reduction <add>, %exp3A_258, %reduce_sum3A_263 [1] : vector<512x8xf32> to vector<512xf32>
    %broadcast_in_dim3A_265 = vector.shape_cast %reduce_sum3A_264 : vector<512xf32> to vector<512x1xf32>
    %convert_element_type3A_266 = arith.extf %convert_element_type3A_262 : vector<512x2048xbf16> to vector<512x2048xf32>
    %reduce_sum3A_267 = arith.constant dense<0.000000e+00> : vector<512xf32>
    %reduce_sum3A_268 = vector.multi_reduction <add>, %convert_element_type3A_266, %reduce_sum3A_267 [1] : vector<512x2048xf32> to vector<512xf32>
    %broadcast_in_dim3A_269 = vector.shape_cast %reduce_sum3A_268 : vector<512xf32> to vector<512x1xf32>
    %add3A_270 = arith.addf %broadcast_in_dim3A_265, %broadcast_in_dim3A_269 : vector<512x1xf32>
    %slice3A_271 = vector.extract_strided_slice %get3A_23 {offsets = [0, 320], sizes = [8, 64], strides = [1, 1]} : vector<8x768xbf16> to vector<8x64xbf16>
    %convert_element_type3A_272 = arith.truncf %exp3A_258 : vector<512x8xf32> to vector<512x8xbf16>
    %dot_general3A_273 = arith.constant dense<0.000000e+00> : vector<512x64xf32>
    %dot_general3A_274 = tpu.matmul %convert_element_type3A_272, %slice3A_271, %dot_general3A_273 {dimension_numbers = #tpu.dot_dimension_numbers<[1], [0], [0], [1], [0, 0, 1, 1], [], []>, transpose_lhs_hint = false} : vector<512x8xbf16>, vector<8x64xbf16>, vector<512x64xf32> -> vector<512x64xf32>
    %slice3A_275 = vector.extract_strided_slice %get3A_13 {offsets = [0, 320], sizes = [2048, 64], strides = [1, 1]} : vector<2048x768xbf16> to vector<2048x64xbf16>
    %dot_general3A_276 = arith.constant dense<0.000000e+00> : vector<512x64xf32>
    %dot_general3A_277 = tpu.matmul %convert_element_type3A_262, %slice3A_275, %dot_general3A_276 {dimension_numbers = #tpu.dot_dimension_numbers<[1], [0], [0], [1], [0, 0, 1, 1], [], []>, transpose_lhs_hint = false} : vector<512x2048xbf16>, vector<2048x64xbf16>, vector<512x64xf32> -> vector<512x64xf32>
    %add3A_278 = arith.addf %dot_general3A_274, %dot_general3A_277 : vector<512x64xf32>
    %div3A_279 = vector.broadcast %add3A_270 : vector<512x1xf32> to vector<512x64xf32>
    %div3A_280 = arith.divf %add3A_278, %div3A_279 : vector<512x64xf32>
    %convert_element_type3A_281 = arith.truncf %div3A_280 : vector<512x64xf32> to vector<512x64xbf16>
    %swap3A_282 = arith.constant 0 : index
    %swap3A_283 = arith.constant 0 : index
    %swap3A_284 = arith.constant 320 : index
    %swap3A_285 = vector.load %arg7[%swap3A_282, %swap3A_283, %swap3A_284] : memref<1x512x768xbf16, #tpu.memory_space<vmem>>, vector<1x512x64xbf16>
    %swap3A_286 = vector.shape_cast %swap3A_285 : vector<1x512x64xbf16> to vector<512x64xbf16>
    %swap3A_287 = vector.shape_cast %convert_element_type3A_281 : vector<512x64xbf16> to vector<1x512x64xbf16>
    tpu.vector_store %arg7[%swap3A_282, %swap3A_283, %swap3A_284], %swap3A_287 {strides = array<i32>} : memref<1x512x768xbf16, #tpu.memory_space<vmem>>, vector<1x512x64xbf16>,
    %slice3A_288 = vector.extract_strided_slice %get3A_3 {offsets = [0, 384], sizes = [512, 64], strides = [1, 1]} : vector<512x768xbf16> to vector<512x64xbf16>
    %slice3A_289 = vector.extract_strided_slice %get3A_18 {offsets = [0, 384], sizes = [8, 64], strides = [1, 1]} : vector<8x768xbf16> to vector<8x64xbf16>
    %dot_general3A_290 = arith.constant dense<0.000000e+00> : vector<512x8xf32>
    %dot_general3A_291 = tpu.matmul %slice3A_288, %slice3A_289, %dot_general3A_290 {dimension_numbers = #tpu.dot_dimension_numbers<[1], [1], [0], [0], [0, 0, 1, 0], [], []>, transpose_lhs_hint = false} : vector<512x64xbf16>, vector<8x64xbf16>, vector<512x8xf32> -> vector<512x8xf32>
    %slice3A_292 = vector.extract_strided_slice %get3A_8 {offsets = [0, 384], sizes = [2048, 64], strides = [1, 1]} : vector<2048x768xbf16> to vector<2048x64xbf16>
    %dot_general3A_293 = arith.constant dense<0.000000e+00> : vector<512x2048xf32>
    %dot_general3A_294 = tpu.matmul %slice3A_288, %slice3A_292, %dot_general3A_293 {dimension_numbers = #tpu.dot_dimension_numbers<[1], [1], [0], [0], [0, 0, 1, 0], [], []>, transpose_lhs_hint = false} : vector<512x64xbf16>, vector<2048x64xbf16>, vector<512x2048xf32> -> vector<512x2048xf32>
    %reduce_max3A_295 = arith.constant dense<0xFF800000> : vector<512xf32>
    %reduce_max3A_296 = vector.multi_reduction <maximumf>, %dot_general3A_291, %reduce_max3A_295 [1] : vector<512x8xf32> to vector<512xf32>
    %broadcast_in_dim3A_297 = vector.shape_cast %reduce_max3A_296 : vector<512xf32> to vector<512x1xf32>
    %reduce_max3A_298 = arith.constant dense<0xFF800000> : vector<512xf32>
    %reduce_max3A_299 = vector.multi_reduction <maximumf>, %dot_general3A_294, %reduce_max3A_298 [1] : vector<512x2048xf32> to vector<512xf32>
    %broadcast_in_dim3A_300 = vector.shape_cast %reduce_max3A_299 : vector<512xf32> to vector<512x1xf32>
    %max3A_301 = arith.maximumf %broadcast_in_dim3A_297, %broadcast_in_dim3A_300 : vector<512x1xf32>
    %sub3A_302 = vector.broadcast %max3A_301 : vector<512x1xf32> to vector<512x8xf32>
    %sub3A_303 = arith.subf %dot_general3A_291, %sub3A_302 : vector<512x8xf32>
    %exp3A_304 = math.exp %sub3A_303 : vector<512x8xf32>
    %sub3A_305 = vector.broadcast %max3A_301 : vector<512x1xf32> to vector<512x2048xf32>
    %sub3A_306 = arith.subf %dot_general3A_294, %sub3A_305 : vector<512x2048xf32>
    %exp3A_307 = math.exp %sub3A_306 : vector<512x2048xf32>
    %convert_element_type3A_308 = arith.truncf %exp3A_307 : vector<512x2048xf32> to vector<512x2048xbf16>
    %reduce_sum3A_309 = arith.constant dense<0.000000e+00> : vector<512xf32>
    %reduce_sum3A_310 = vector.multi_reduction <add>, %exp3A_304, %reduce_sum3A_309 [1] : vector<512x8xf32> to vector<512xf32>
    %broadcast_in_dim3A_311 = vector.shape_cast %reduce_sum3A_310 : vector<512xf32> to vector<512x1xf32>
    %convert_element_type3A_312 = arith.extf %convert_element_type3A_308 : vector<512x2048xbf16> to vector<512x2048xf32>
    %reduce_sum3A_313 = arith.constant dense<0.000000e+00> : vector<512xf32>
    %reduce_sum3A_314 = vector.multi_reduction <add>, %convert_element_type3A_312, %reduce_sum3A_313 [1] : vector<512x2048xf32> to vector<512xf32>
    %broadcast_in_dim3A_315 = vector.shape_cast %reduce_sum3A_314 : vector<512xf32> to vector<512x1xf32>
    %add3A_316 = arith.addf %broadcast_in_dim3A_311, %broadcast_in_dim3A_315 : vector<512x1xf32>
    %slice3A_317 = vector.extract_strided_slice %get3A_23 {offsets = [0, 384], sizes = [8, 64], strides = [1, 1]} : vector<8x768xbf16> to vector<8x64xbf16>
    %convert_element_type3A_318 = arith.truncf %exp3A_304 : vector<512x8xf32> to vector<512x8xbf16>
    %dot_general3A_319 = arith.constant dense<0.000000e+00> : vector<512x64xf32>
    %dot_general3A_320 = tpu.matmul %convert_element_type3A_318, %slice3A_317, %dot_general3A_319 {dimension_numbers = #tpu.dot_dimension_numbers<[1], [0], [0], [1], [0, 0, 1, 1], [], []>, transpose_lhs_hint = false} : vector<512x8xbf16>, vector<8x64xbf16>, vector<512x64xf32> -> vector<512x64xf32>
    %slice3A_321 = vector.extract_strided_slice %get3A_13 {offsets = [0, 384], sizes = [2048, 64], strides = [1, 1]} : vector<2048x768xbf16> to vector<2048x64xbf16>
    %dot_general3A_322 = arith.constant dense<0.000000e+00> : vector<512x64xf32>
    %dot_general3A_323 = tpu.matmul %convert_element_type3A_308, %slice3A_321, %dot_general3A_322 {dimension_numbers = #tpu.dot_dimension_numbers<[1], [0], [0], [1], [0, 0, 1, 1], [], []>, transpose_lhs_hint = false} : vector<512x2048xbf16>, vector<2048x64xbf16>, vector<512x64xf32> -> vector<512x64xf32>
    %add3A_324 = arith.addf %dot_general3A_320, %dot_general3A_323 : vector<512x64xf32>
    %div3A_325 = vector.broadcast %add3A_316 : vector<512x1xf32> to vector<512x64xf32>
    %div3A_326 = arith.divf %add3A_324, %div3A_325 : vector<512x64xf32>
    %convert_element_type3A_327 = arith.truncf %div3A_326 : vector<512x64xf32> to vector<512x64xbf16>
    %swap3A_328 = arith.constant 0 : index
    %swap3A_329 = arith.constant 0 : index
    %swap3A_330 = arith.constant 384 : index
    %swap3A_331 = vector.load %arg7[%swap3A_328, %swap3A_329, %swap3A_330] : memref<1x512x768xbf16, #tpu.memory_space<vmem>>, vector<1x512x64xbf16>
    %swap3A_332 = vector.shape_cast %swap3A_331 : vector<1x512x64xbf16> to vector<512x64xbf16>
    %swap3A_333 = vector.shape_cast %convert_element_type3A_327 : vector<512x64xbf16> to vector<1x512x64xbf16>
    tpu.vector_store %arg7[%swap3A_328, %swap3A_329, %swap3A_330], %swap3A_333 {strides = array<i32>} : memref<1x512x768xbf16, #tpu.memory_space<vmem>>, vector<1x512x64xbf16>,
    %slice3A_334 = vector.extract_strided_slice %get3A_3 {offsets = [0, 448], sizes = [512, 64], strides = [1, 1]} : vector<512x768xbf16> to vector<512x64xbf16>
    %slice3A_335 = vector.extract_strided_slice %get3A_18 {offsets = [0, 448], sizes = [8, 64], strides = [1, 1]} : vector<8x768xbf16> to vector<8x64xbf16>
    %dot_general3A_336 = arith.constant dense<0.000000e+00> : vector<512x8xf32>
    %dot_general3A_337 = tpu.matmul %slice3A_334, %slice3A_335, %dot_general3A_336 {dimension_numbers = #tpu.dot_dimension_numbers<[1], [1], [0], [0], [0, 0, 1, 0], [], []>, transpose_lhs_hint = false} : vector<512x64xbf16>, vector<8x64xbf16>, vector<512x8xf32> -> vector<512x8xf32>
    %slice3A_338 = vector.extract_strided_slice %get3A_8 {offsets = [0, 448], sizes = [2048, 64], strides = [1, 1]} : vector<2048x768xbf16> to vector<2048x64xbf16>
    %dot_general3A_339 = arith.constant dense<0.000000e+00> : vector<512x2048xf32>
    %dot_general3A_340 = tpu.matmul %slice3A_334, %slice3A_338, %dot_general3A_339 {dimension_numbers = #tpu.dot_dimension_numbers<[1], [1], [0], [0], [0, 0, 1, 0], [], []>, transpose_lhs_hint = false} : vector<512x64xbf16>, vector<2048x64xbf16>, vector<512x2048xf32> -> vector<512x2048xf32>
    %reduce_max3A_341 = arith.constant dense<0xFF800000> : vector<512xf32>
    %reduce_max3A_342 = vector.multi_reduction <maximumf>, %dot_general3A_337, %reduce_max3A_341 [1] : vector<512x8xf32> to vector<512xf32>
    %broadcast_in_dim3A_343 = vector.shape_cast %reduce_max3A_342 : vector<512xf32> to vector<512x1xf32>
    %reduce_max3A_344 = arith.constant dense<0xFF800000> : vector<512xf32>
    %reduce_max3A_345 = vector.multi_reduction <maximumf>, %dot_general3A_340, %reduce_max3A_344 [1] : vector<512x2048xf32> to vector<512xf32>
    %broadcast_in_dim3A_346 = vector.shape_cast %reduce_max3A_345 : vector<512xf32> to vector<512x1xf32>
    %max3A_347 = arith.maximumf %broadcast_in_dim3A_343, %broadcast_in_dim3A_346 : vector<512x1xf32>
    %sub3A_348 = vector.broadcast %max3A_347 : vector<512x1xf32> to vector<512x8xf32>
    %sub3A_349 = arith.subf %dot_general3A_337, %sub3A_348 : vector<512x8xf32>
    %exp3A_350 = math.exp %sub3A_349 : vector<512x8xf32>
    %sub3A_351 = vector.broadcast %max3A_347 : vector<512x1xf32> to vector<512x2048xf32>
    %sub3A_352 = arith.subf %dot_general3A_340, %sub3A_351 : vector<512x2048xf32>
    %exp3A_353 = math.exp %sub3A_352 : vector<512x2048xf32>
    %convert_element_type3A_354 = arith.truncf %exp3A_353 : vector<512x2048xf32> to vector<512x2048xbf16>
    %reduce_sum3A_355 = arith.constant dense<0.000000e+00> : vector<512xf32>
    %reduce_sum3A_356 = vector.multi_reduction <add>, %exp3A_350, %reduce_sum3A_355 [1] : vector<512x8xf32> to vector<512xf32>
    %broadcast_in_dim3A_357 = vector.shape_cast %reduce_sum3A_356 : vector<512xf32> to vector<512x1xf32>
    %convert_element_type3A_358 = arith.extf %convert_element_type3A_354 : vector<512x2048xbf16> to vector<512x2048xf32>
    %reduce_sum3A_359 = arith.constant dense<0.000000e+00> : vector<512xf32>
    %reduce_sum3A_360 = vector.multi_reduction <add>, %convert_element_type3A_358, %reduce_sum3A_359 [1] : vector<512x2048xf32> to vector<512xf32>
    %broadcast_in_dim3A_361 = vector.shape_cast %reduce_sum3A_360 : vector<512xf32> to vector<512x1xf32>
    %add3A_362 = arith.addf %broadcast_in_dim3A_357, %broadcast_in_dim3A_361 : vector<512x1xf32>
    %slice3A_363 = vector.extract_strided_slice %get3A_23 {offsets = [0, 448], sizes = [8, 64], strides = [1, 1]} : vector<8x768xbf16> to vector<8x64xbf16>
    %convert_element_type3A_364 = arith.truncf %exp3A_350 : vector<512x8xf32> to vector<512x8xbf16>
    %dot_general3A_365 = arith.constant dense<0.000000e+00> : vector<512x64xf32>
    %dot_general3A_366 = tpu.matmul %convert_element_type3A_364, %slice3A_363, %dot_general3A_365 {dimension_numbers = #tpu.dot_dimension_numbers<[1], [0], [0], [1], [0, 0, 1, 1], [], []>, transpose_lhs_hint = false} : vector<512x8xbf16>, vector<8x64xbf16>, vector<512x64xf32> -> vector<512x64xf32>
    %slice3A_367 = vector.extract_strided_slice %get3A_13 {offsets = [0, 448], sizes = [2048, 64], strides = [1, 1]} : vector<2048x768xbf16> to vector<2048x64xbf16>
    %dot_general3A_368 = arith.constant dense<0.000000e+00> : vector<512x64xf32>
    %dot_general3A_369 = tpu.matmul %convert_element_type3A_354, %slice3A_367, %dot_general3A_368 {dimension_numbers = #tpu.dot_dimension_numbers<[1], [0], [0], [1], [0, 0, 1, 1], [], []>, transpose_lhs_hint = false} : vector<512x2048xbf16>, vector<2048x64xbf16>, vector<512x64xf32> -> vector<512x64xf32>
    %add3A_370 = arith.addf %dot_general3A_366, %dot_general3A_369 : vector<512x64xf32>
    %div3A_371 = vector.broadcast %add3A_362 : vector<512x1xf32> to vector<512x64xf32>
    %div3A_372 = arith.divf %add3A_370, %div3A_371 : vector<512x64xf32>
    %convert_element_type3A_373 = arith.truncf %div3A_372 : vector<512x64xf32> to vector<512x64xbf16>
    %swap3A_374 = arith.constant 0 : index
    %swap3A_375 = arith.constant 0 : index
    %swap3A_376 = arith.constant 448 : index
    %swap3A_377 = vector.load %arg7[%swap3A_374, %swap3A_375, %swap3A_376] : memref<1x512x768xbf16, #tpu.memory_space<vmem>>, vector<1x512x64xbf16>
    %swap3A_378 = vector.shape_cast %swap3A_377 : vector<1x512x64xbf16> to vector<512x64xbf16>
    %swap3A_379 = vector.shape_cast %convert_element_type3A_373 : vector<512x64xbf16> to vector<1x512x64xbf16>
    tpu.vector_store %arg7[%swap3A_374, %swap3A_375, %swap3A_376], %swap3A_379 {strides = array<i32>} : memref<1x512x768xbf16, #tpu.memory_space<vmem>>, vector<1x512x64xbf16>,
    %slice3A_380 = vector.extract_strided_slice %get3A_3 {offsets = [0, 512], sizes = [512, 64], strides = [1, 1]} : vector<512x768xbf16> to vector<512x64xbf16>
    %slice3A_381 = vector.extract_strided_slice %get3A_18 {offsets = [0, 512], sizes = [8, 64], strides = [1, 1]} : vector<8x768xbf16> to vector<8x64xbf16>
    %dot_general3A_382 = arith.constant dense<0.000000e+00> : vector<512x8xf32>
    %dot_general3A_383 = tpu.matmul %slice3A_380, %slice3A_381, %dot_general3A_382 {dimension_numbers = #tpu.dot_dimension_numbers<[1], [1], [0], [0], [0, 0, 1, 0], [], []>, transpose_lhs_hint = false} : vector<512x64xbf16>, vector<8x64xbf16>, vector<512x8xf32> -> vector<512x8xf32>
    %slice3A_384 = vector.extract_strided_slice %get3A_8 {offsets = [0, 512], sizes = [2048, 64], strides = [1, 1]} : vector<2048x768xbf16> to vector<2048x64xbf16>
    %dot_general3A_385 = arith.constant dense<0.000000e+00> : vector<512x2048xf32>
    %dot_general3A_386 = tpu.matmul %slice3A_380, %slice3A_384, %dot_general3A_385 {dimension_numbers = #tpu.dot_dimension_numbers<[1], [1], [0], [0], [0, 0, 1, 0], [], []>, transpose_lhs_hint = false} : vector<512x64xbf16>, vector<2048x64xbf16>, vector<512x2048xf32> -> vector<512x2048xf32>
    %reduce_max3A_387 = arith.constant dense<0xFF800000> : vector<512xf32>
    %reduce_max3A_388 = vector.multi_reduction <maximumf>, %dot_general3A_383, %reduce_max3A_387 [1] : vector<512x8xf32> to vector<512xf32>
    %broadcast_in_dim3A_389 = vector.shape_cast %reduce_max3A_388 : vector<512xf32> to vector<512x1xf32>
    %reduce_max3A_390 = arith.constant dense<0xFF800000> : vector<512xf32>
    %reduce_max3A_391 = vector.multi_reduction <maximumf>, %dot_general3A_386, %reduce_max3A_390 [1] : vector<512x2048xf32> to vector<512xf32>
    %broadcast_in_dim3A_392 = vector.shape_cast %reduce_max3A_391 : vector<512xf32> to vector<512x1xf32>
    %max3A_393 = arith.maximumf %broadcast_in_dim3A_389, %broadcast_in_dim3A_392 : vector<512x1xf32>
    %sub3A_394 = vector.broadcast %max3A_393 : vector<512x1xf32> to vector<512x8xf32>
    %sub3A_395 = arith.subf %dot_general3A_383, %sub3A_394 : vector<512x8xf32>
    %exp3A_396 = math.exp %sub3A_395 : vector<512x8xf32>
    %sub3A_397 = vector.broadcast %max3A_393 : vector<512x1xf32> to vector<512x2048xf32>
    %sub3A_398 = arith.subf %dot_general3A_386, %sub3A_397 : vector<512x2048xf32>
    %exp3A_399 = math.exp %sub3A_398 : vector<512x2048xf32>
    %convert_element_type3A_400 = arith.truncf %exp3A_399 : vector<512x2048xf32> to vector<512x2048xbf16>
    %reduce_sum3A_401 = arith.constant dense<0.000000e+00> : vector<512xf32>
    %reduce_sum3A_402 = vector.multi_reduction <add>, %exp3A_396, %reduce_sum3A_401 [1] : vector<512x8xf32> to vector<512xf32>
    %broadcast_in_dim3A_403 = vector.shape_cast %reduce_sum3A_402 : vector<512xf32> to vector<512x1xf32>
    %convert_element_type3A_404 = arith.extf %convert_element_type3A_400 : vector<512x2048xbf16> to vector<512x2048xf32>
    %reduce_sum3A_405 = arith.constant dense<0.000000e+00> : vector<512xf32>
    %reduce_sum3A_406 = vector.multi_reduction <add>, %convert_element_type3A_404, %reduce_sum3A_405 [1] : vector<512x2048xf32> to vector<512xf32>
    %broadcast_in_dim3A_407 = vector.shape_cast %reduce_sum3A_406 : vector<512xf32> to vector<512x1xf32>
    %add3A_408 = arith.addf %broadcast_in_dim3A_403, %broadcast_in_dim3A_407 : vector<512x1xf32>
    %slice3A_409 = vector.extract_strided_slice %get3A_23 {offsets = [0, 512], sizes = [8, 64], strides = [1, 1]} : vector<8x768xbf16> to vector<8x64xbf16>
    %convert_element_type3A_410 = arith.truncf %exp3A_396 : vector<512x8xf32> to vector<512x8xbf16>
    %dot_general3A_411 = arith.constant dense<0.000000e+00> : vector<512x64xf32>
    %dot_general3A_412 = tpu.matmul %convert_element_type3A_410, %slice3A_409, %dot_general3A_411 {dimension_numbers = #tpu.dot_dimension_numbers<[1], [0], [0], [1], [0, 0, 1, 1], [], []>, transpose_lhs_hint = false} : vector<512x8xbf16>, vector<8x64xbf16>, vector<512x64xf32> -> vector<512x64xf32>
    %slice3A_413 = vector.extract_strided_slice %get3A_13 {offsets = [0, 512], sizes = [2048, 64], strides = [1, 1]} : vector<2048x768xbf16> to vector<2048x64xbf16>
    %dot_general3A_414 = arith.constant dense<0.000000e+00> : vector<512x64xf32>
    %dot_general3A_415 = tpu.matmul %convert_element_type3A_400, %slice3A_413, %dot_general3A_414 {dimension_numbers = #tpu.dot_dimension_numbers<[1], [0], [0], [1], [0, 0, 1, 1], [], []>, transpose_lhs_hint = false} : vector<512x2048xbf16>, vector<2048x64xbf16>, vector<512x64xf32> -> vector<512x64xf32>
    %add3A_416 = arith.addf %dot_general3A_412, %dot_general3A_415 : vector<512x64xf32>
    %div3A_417 = vector.broadcast %add3A_408 : vector<512x1xf32> to vector<512x64xf32>
    %div3A_418 = arith.divf %add3A_416, %div3A_417 : vector<512x64xf32>
    %convert_element_type3A_419 = arith.truncf %div3A_418 : vector<512x64xf32> to vector<512x64xbf16>
    %swap3A_420 = arith.constant 0 : index
    %swap3A_421 = arith.constant 0 : index
    %swap3A_422 = arith.constant 512 : index
    %swap3A_423 = vector.load %arg7[%swap3A_420, %swap3A_421, %swap3A_422] : memref<1x512x768xbf16, #tpu.memory_space<vmem>>, vector<1x512x64xbf16>
    %swap3A_424 = vector.shape_cast %swap3A_423 : vector<1x512x64xbf16> to vector<512x64xbf16>
    %swap3A_425 = vector.shape_cast %convert_element_type3A_419 : vector<512x64xbf16> to vector<1x512x64xbf16>
    tpu.vector_store %arg7[%swap3A_420, %swap3A_421, %swap3A_422], %swap3A_425 {strides = array<i32>} : memref<1x512x768xbf16, #tpu.memory_space<vmem>>, vector<1x512x64xbf16>,
    %slice3A_426 = vector.extract_strided_slice %get3A_3 {offsets = [0, 576], sizes = [512, 64], strides = [1, 1]} : vector<512x768xbf16> to vector<512x64xbf16>
    %slice3A_427 = vector.extract_strided_slice %get3A_18 {offsets = [0, 576], sizes = [8, 64], strides = [1, 1]} : vector<8x768xbf16> to vector<8x64xbf16>
    %dot_general3A_428 = arith.constant dense<0.000000e+00> : vector<512x8xf32>
    %dot_general3A_429 = tpu.matmul %slice3A_426, %slice3A_427, %dot_general3A_428 {dimension_numbers = #tpu.dot_dimension_numbers<[1], [1], [0], [0], [0, 0, 1, 0], [], []>, transpose_lhs_hint = false} : vector<512x64xbf16>, vector<8x64xbf16>, vector<512x8xf32> -> vector<512x8xf32>
    %slice3A_430 = vector.extract_strided_slice %get3A_8 {offsets = [0, 576], sizes = [2048, 64], strides = [1, 1]} : vector<2048x768xbf16> to vector<2048x64xbf16>
    %dot_general3A_431 = arith.constant dense<0.000000e+00> : vector<512x2048xf32>
    %dot_general3A_432 = tpu.matmul %slice3A_426, %slice3A_430, %dot_general3A_431 {dimension_numbers = #tpu.dot_dimension_numbers<[1], [1], [0], [0], [0, 0, 1, 0], [], []>, transpose_lhs_hint = false} : vector<512x64xbf16>, vector<2048x64xbf16>, vector<512x2048xf32> -> vector<512x2048xf32>
    %reduce_max3A_433 = arith.constant dense<0xFF800000> : vector<512xf32>
    %reduce_max3A_434 = vector.multi_reduction <maximumf>, %dot_general3A_429, %reduce_max3A_433 [1] : vector<512x8xf32> to vector<512xf32>
    %broadcast_in_dim3A_435 = vector.shape_cast %reduce_max3A_434 : vector<512xf32> to vector<512x1xf32>
    %reduce_max3A_436 = arith.constant dense<0xFF800000> : vector<512xf32>
    %reduce_max3A_437 = vector.multi_reduction <maximumf>, %dot_general3A_432, %reduce_max3A_436 [1] : vector<512x2048xf32> to vector<512xf32>
    %broadcast_in_dim3A_438 = vector.shape_cast %reduce_max3A_437 : vector<512xf32> to vector<512x1xf32>
    %max3A_439 = arith.maximumf %broadcast_in_dim3A_435, %broadcast_in_dim3A_438 : vector<512x1xf32>
    %sub3A_440 = vector.broadcast %max3A_439 : vector<512x1xf32> to vector<512x8xf32>
    %sub3A_441 = arith.subf %dot_general3A_429, %sub3A_440 : vector<512x8xf32>
    %exp3A_442 = math.exp %sub3A_441 : vector<512x8xf32>
    %sub3A_443 = vector.broadcast %max3A_439 : vector<512x1xf32> to vector<512x2048xf32>
    %sub3A_444 = arith.subf %dot_general3A_432, %sub3A_443 : vector<512x2048xf32>
    %exp3A_445 = math.exp %sub3A_444 : vector<512x2048xf32>
    %convert_element_type3A_446 = arith.truncf %exp3A_445 : vector<512x2048xf32> to vector<512x2048xbf16>
    %reduce_sum3A_447 = arith.constant dense<0.000000e+00> : vector<512xf32>
    %reduce_sum3A_448 = vector.multi_reduction <add>, %exp3A_442, %reduce_sum3A_447 [1] : vector<512x8xf32> to vector<512xf32>
    %broadcast_in_dim3A_449 = vector.shape_cast %reduce_sum3A_448 : vector<512xf32> to vector<512x1xf32>
    %convert_element_type3A_450 = arith.extf %convert_element_type3A_446 : vector<512x2048xbf16> to vector<512x2048xf32>
    %reduce_sum3A_451 = arith.constant dense<0.000000e+00> : vector<512xf32>
    %reduce_sum3A_452 = vector.multi_reduction <add>, %convert_element_type3A_450, %reduce_sum3A_451 [1] : vector<512x2048xf32> to vector<512xf32>
    %broadcast_in_dim3A_453 = vector.shape_cast %reduce_sum3A_452 : vector<512xf32> to vector<512x1xf32>
    %add3A_454 = arith.addf %broadcast_in_dim3A_449, %broadcast_in_dim3A_453 : vector<512x1xf32>
    %slice3A_455 = vector.extract_strided_slice %get3A_23 {offsets = [0, 576], sizes = [8, 64], strides = [1, 1]} : vector<8x768xbf16> to vector<8x64xbf16>
    %convert_element_type3A_456 = arith.truncf %exp3A_442 : vector<512x8xf32> to vector<512x8xbf16>
    %dot_general3A_457 = arith.constant dense<0.000000e+00> : vector<512x64xf32>
    %dot_general3A_458 = tpu.matmul %convert_element_type3A_456, %slice3A_455, %dot_general3A_457 {dimension_numbers = #tpu.dot_dimension_numbers<[1], [0], [0], [1], [0, 0, 1, 1], [], []>, transpose_lhs_hint = false} : vector<512x8xbf16>, vector<8x64xbf16>, vector<512x64xf32> -> vector<512x64xf32>
    %slice3A_459 = vector.extract_strided_slice %get3A_13 {offsets = [0, 576], sizes = [2048, 64], strides = [1, 1]} : vector<2048x768xbf16> to vector<2048x64xbf16>
    %dot_general3A_460 = arith.constant dense<0.000000e+00> : vector<512x64xf32>
    %dot_general3A_461 = tpu.matmul %convert_element_type3A_446, %slice3A_459, %dot_general3A_460 {dimension_numbers = #tpu.dot_dimension_numbers<[1], [0], [0], [1], [0, 0, 1, 1], [], []>, transpose_lhs_hint = false} : vector<512x2048xbf16>, vector<2048x64xbf16>, vector<512x64xf32> -> vector<512x64xf32>
    %add3A_462 = arith.addf %dot_general3A_458, %dot_general3A_461 : vector<512x64xf32>
    %div3A_463 = vector.broadcast %add3A_454 : vector<512x1xf32> to vector<512x64xf32>
    %div3A_464 = arith.divf %add3A_462, %div3A_463 : vector<512x64xf32>
    %convert_element_type3A_465 = arith.truncf %div3A_464 : vector<512x64xf32> to vector<512x64xbf16>
    %swap3A_466 = arith.constant 0 : index
    %swap3A_467 = arith.constant 0 : index
    %swap3A_468 = arith.constant 576 : index
    %swap3A_469 = vector.load %arg7[%swap3A_466, %swap3A_467, %swap3A_468] : memref<1x512x768xbf16, #tpu.memory_space<vmem>>, vector<1x512x64xbf16>
    %swap3A_470 = vector.shape_cast %swap3A_469 : vector<1x512x64xbf16> to vector<512x64xbf16>
    %swap3A_471 = vector.shape_cast %convert_element_type3A_465 : vector<512x64xbf16> to vector<1x512x64xbf16>
    tpu.vector_store %arg7[%swap3A_466, %swap3A_467, %swap3A_468], %swap3A_471 {strides = array<i32>} : memref<1x512x768xbf16, #tpu.memory_space<vmem>>, vector<1x512x64xbf16>,
    %slice3A_472 = vector.extract_strided_slice %get3A_3 {offsets = [0, 640], sizes = [512, 64], strides = [1, 1]} : vector<512x768xbf16> to vector<512x64xbf16>
    %slice3A_473 = vector.extract_strided_slice %get3A_18 {offsets = [0, 640], sizes = [8, 64], strides = [1, 1]} : vector<8x768xbf16> to vector<8x64xbf16>
    %dot_general3A_474 = arith.constant dense<0.000000e+00> : vector<512x8xf32>
    %dot_general3A_475 = tpu.matmul %slice3A_472, %slice3A_473, %dot_general3A_474 {dimension_numbers = #tpu.dot_dimension_numbers<[1], [1], [0], [0], [0, 0, 1, 0], [], []>, transpose_lhs_hint = false} : vector<512x64xbf16>, vector<8x64xbf16>, vector<512x8xf32> -> vector<512x8xf32>
    %slice3A_476 = vector.extract_strided_slice %get3A_8 {offsets = [0, 640], sizes = [2048, 64], strides = [1, 1]} : vector<2048x768xbf16> to vector<2048x64xbf16>
    %dot_general3A_477 = arith.constant dense<0.000000e+00> : vector<512x2048xf32>
    %dot_general3A_478 = tpu.matmul %slice3A_472, %slice3A_476, %dot_general3A_477 {dimension_numbers = #tpu.dot_dimension_numbers<[1], [1], [0], [0], [0, 0, 1, 0], [], []>, transpose_lhs_hint = false} : vector<512x64xbf16>, vector<2048x64xbf16>, vector<512x2048xf32> -> vector<512x2048xf32>
    %reduce_max3A_479 = arith.constant dense<0xFF800000> : vector<512xf32>
    %reduce_max3A_480 = vector.multi_reduction <maximumf>, %dot_general3A_475, %reduce_max3A_479 [1] : vector<512x8xf32> to vector<512xf32>
    %broadcast_in_dim3A_481 = vector.shape_cast %reduce_max3A_480 : vector<512xf32> to vector<512x1xf32>
    %reduce_max3A_482 = arith.constant dense<0xFF800000> : vector<512xf32>
    %reduce_max3A_483 = vector.multi_reduction <maximumf>, %dot_general3A_478, %reduce_max3A_482 [1] : vector<512x2048xf32> to vector<512xf32>
    %broadcast_in_dim3A_484 = vector.shape_cast %reduce_max3A_483 : vector<512xf32> to vector<512x1xf32>
    %max3A_485 = arith.maximumf %broadcast_in_dim3A_481, %broadcast_in_dim3A_484 : vector<512x1xf32>
    %sub3A_486 = vector.broadcast %max3A_485 : vector<512x1xf32> to vector<512x8xf32>
    %sub3A_487 = arith.subf %dot_general3A_475, %sub3A_486 : vector<512x8xf32>
    %exp3A_488 = math.exp %sub3A_487 : vector<512x8xf32>
    %sub3A_489 = vector.broadcast %max3A_485 : vector<512x1xf32> to vector<512x2048xf32>
    %sub3A_490 = arith.subf %dot_general3A_478, %sub3A_489 : vector<512x2048xf32>
    %exp3A_491 = math.exp %sub3A_490 : vector<512x2048xf32>
    %convert_element_type3A_492 = arith.truncf %exp3A_491 : vector<512x2048xf32> to vector<512x2048xbf16>
    %reduce_sum3A_493 = arith.constant dense<0.000000e+00> : vector<512xf32>
    %reduce_sum3A_494 = vector.multi_reduction <add>, %exp3A_488, %reduce_sum3A_493 [1] : vector<512x8xf32> to vector<512xf32>
    %broadcast_in_dim3A_495 = vector.shape_cast %reduce_sum3A_494 : vector<512xf32> to vector<512x1xf32>
    %convert_element_type3A_496 = arith.extf %convert_element_type3A_492 : vector<512x2048xbf16> to vector<512x2048xf32>
    %reduce_sum3A_497 = arith.constant dense<0.000000e+00> : vector<512xf32>
    %reduce_sum3A_498 = vector.multi_reduction <add>, %convert_element_type3A_496, %reduce_sum3A_497 [1] : vector<512x2048xf32> to vector<512xf32>
    %broadcast_in_dim3A_499 = vector.shape_cast %reduce_sum3A_498 : vector<512xf32> to vector<512x1xf32>
    %add3A_500 = arith.addf %broadcast_in_dim3A_495, %broadcast_in_dim3A_499 : vector<512x1xf32>
    %slice3A_501 = vector.extract_strided_slice %get3A_23 {offsets = [0, 640], sizes = [8, 64], strides = [1, 1]} : vector<8x768xbf16> to vector<8x64xbf16>
    %convert_element_type3A_502 = arith.truncf %exp3A_488 : vector<512x8xf32> to vector<512x8xbf16>
    %dot_general3A_503 = arith.constant dense<0.000000e+00> : vector<512x64xf32>
    %dot_general3A_504 = tpu.matmul %convert_element_type3A_502, %slice3A_501, %dot_general3A_503 {dimension_numbers = #tpu.dot_dimension_numbers<[1], [0], [0], [1], [0, 0, 1, 1], [], []>, transpose_lhs_hint = false} : vector<512x8xbf16>, vector<8x64xbf16>, vector<512x64xf32> -> vector<512x64xf32>
    %slice3A_505 = vector.extract_strided_slice %get3A_13 {offsets = [0, 640], sizes = [2048, 64], strides = [1, 1]} : vector<2048x768xbf16> to vector<2048x64xbf16>
    %dot_general3A_506 = arith.constant dense<0.000000e+00> : vector<512x64xf32>
    %dot_general3A_507 = tpu.matmul %convert_element_type3A_492, %slice3A_505, %dot_general3A_506 {dimension_numbers = #tpu.dot_dimension_numbers<[1], [0], [0], [1], [0, 0, 1, 1], [], []>, transpose_lhs_hint = false} : vector<512x2048xbf16>, vector<2048x64xbf16>, vector<512x64xf32> -> vector<512x64xf32>
    %add3A_508 = arith.addf %dot_general3A_504, %dot_general3A_507 : vector<512x64xf32>
    %div3A_509 = vector.broadcast %add3A_500 : vector<512x1xf32> to vector<512x64xf32>
    %div3A_510 = arith.divf %add3A_508, %div3A_509 : vector<512x64xf32>
    %convert_element_type3A_511 = arith.truncf %div3A_510 : vector<512x64xf32> to vector<512x64xbf16>
    %swap3A_512 = arith.constant 0 : index
    %swap3A_513 = arith.constant 0 : index
    %swap3A_514 = arith.constant 640 : index
    %swap3A_515 = vector.load %arg7[%swap3A_512, %swap3A_513, %swap3A_514] : memref<1x512x768xbf16, #tpu.memory_space<vmem>>, vector<1x512x64xbf16>
    %swap3A_516 = vector.shape_cast %swap3A_515 : vector<1x512x64xbf16> to vector<512x64xbf16>
    %swap3A_517 = vector.shape_cast %convert_element_type3A_511 : vector<512x64xbf16> to vector<1x512x64xbf16>
    tpu.vector_store %arg7[%swap3A_512, %swap3A_513, %swap3A_514], %swap3A_517 {strides = array<i32>} : memref<1x512x768xbf16, #tpu.memory_space<vmem>>, vector<1x512x64xbf16>,
    %slice3A_518 = vector.extract_strided_slice %get3A_3 {offsets = [0, 704], sizes = [512, 64], strides = [1, 1]} : vector<512x768xbf16> to vector<512x64xbf16>
    %slice3A_519 = vector.extract_strided_slice %get3A_18 {offsets = [0, 704], sizes = [8, 64], strides = [1, 1]} : vector<8x768xbf16> to vector<8x64xbf16>
    %dot_general3A_520 = arith.constant dense<0.000000e+00> : vector<512x8xf32>
    %dot_general3A_521 = tpu.matmul %slice3A_518, %slice3A_519, %dot_general3A_520 {dimension_numbers = #tpu.dot_dimension_numbers<[1], [1], [0], [0], [0, 0, 1, 0], [], []>, transpose_lhs_hint = false} : vector<512x64xbf16>, vector<8x64xbf16>, vector<512x8xf32> -> vector<512x8xf32>
    %slice3A_522 = vector.extract_strided_slice %get3A_8 {offsets = [0, 704], sizes = [2048, 64], strides = [1, 1]} : vector<2048x768xbf16> to vector<2048x64xbf16>
    %dot_general3A_523 = arith.constant dense<0.000000e+00> : vector<512x2048xf32>
    %dot_general3A_524 = tpu.matmul %slice3A_518, %slice3A_522, %dot_general3A_523 {dimension_numbers = #tpu.dot_dimension_numbers<[1], [1], [0], [0], [0, 0, 1, 0], [], []>, transpose_lhs_hint = false} : vector<512x64xbf16>, vector<2048x64xbf16>, vector<512x2048xf32> -> vector<512x2048xf32>
    %reduce_max3A_525 = arith.constant dense<0xFF800000> : vector<512xf32>
    %reduce_max3A_526 = vector.multi_reduction <maximumf>, %dot_general3A_521, %reduce_max3A_525 [1] : vector<512x8xf32> to vector<512xf32>
    %broadcast_in_dim3A_527 = vector.shape_cast %reduce_max3A_526 : vector<512xf32> to vector<512x1xf32>
    %reduce_max3A_528 = arith.constant dense<0xFF800000> : vector<512xf32>
    %reduce_max3A_529 = vector.multi_reduction <maximumf>, %dot_general3A_524, %reduce_max3A_528 [1] : vector<512x2048xf32> to vector<512xf32>
    %broadcast_in_dim3A_530 = vector.shape_cast %reduce_max3A_529 : vector<512xf32> to vector<512x1xf32>
    %max3A_531 = arith.maximumf %broadcast_in_dim3A_527, %broadcast_in_dim3A_530 : vector<512x1xf32>
    %sub3A_532 = vector.broadcast %max3A_531 : vector<512x1xf32> to vector<512x8xf32>
    %sub3A_533 = arith.subf %dot_general3A_521, %sub3A_532 : vector<512x8xf32>
    %exp3A_534 = math.exp %sub3A_533 : vector<512x8xf32>
    %sub3A_535 = vector.broadcast %max3A_531 : vector<512x1xf32> to vector<512x2048xf32>
    %sub3A_536 = arith.subf %dot_general3A_524, %sub3A_535 : vector<512x2048xf32>
    %exp3A_537 = math.exp %sub3A_536 : vector<512x2048xf32>
    %convert_element_type3A_538 = arith.truncf %exp3A_537 : vector<512x2048xf32> to vector<512x2048xbf16>
    %reduce_sum3A_539 = arith.constant dense<0.000000e+00> : vector<512xf32>
    %reduce_sum3A_540 = vector.multi_reduction <add>, %exp3A_534, %reduce_sum3A_539 [1] : vector<512x8xf32> to vector<512xf32>
    %broadcast_in_dim3A_541 = vector.shape_cast %reduce_sum3A_540 : vector<512xf32> to vector<512x1xf32>
    %convert_element_type3A_542 = arith.extf %convert_element_type3A_538 : vector<512x2048xbf16> to vector<512x2048xf32>
    %reduce_sum3A_543 = arith.constant dense<0.000000e+00> : vector<512xf32>
    %reduce_sum3A_544 = vector.multi_reduction <add>, %convert_element_type3A_542, %reduce_sum3A_543 [1] : vector<512x2048xf32> to vector<512xf32>
    %broadcast_in_dim3A_545 = vector.shape_cast %reduce_sum3A_544 : vector<512xf32> to vector<512x1xf32>
    %add3A_546 = arith.addf %broadcast_in_dim3A_541, %broadcast_in_dim3A_545 : vector<512x1xf32>
    %slice3A_547 = vector.extract_strided_slice %get3A_23 {offsets = [0, 704], sizes = [8, 64], strides = [1, 1]} : vector<8x768xbf16> to vector<8x64xbf16>
    %convert_element_type3A_548 = arith.truncf %exp3A_534 : vector<512x8xf32> to vector<512x8xbf16>
    %dot_general3A_549 = arith.constant dense<0.000000e+00> : vector<512x64xf32>
    %dot_general3A_550 = tpu.matmul %convert_element_type3A_548, %slice3A_547, %dot_general3A_549 {dimension_numbers = #tpu.dot_dimension_numbers<[1], [0], [0], [1], [0, 0, 1, 1], [], []>, transpose_lhs_hint = false} : vector<512x8xbf16>, vector<8x64xbf16>, vector<512x64xf32> -> vector<512x64xf32>
    %slice3A_551 = vector.extract_strided_slice %get3A_13 {offsets = [0, 704], sizes = [2048, 64], strides = [1, 1]} : vector<2048x768xbf16> to vector<2048x64xbf16>
    %dot_general3A_552 = arith.constant dense<0.000000e+00> : vector<512x64xf32>
    %dot_general3A_553 = tpu.matmul %convert_element_type3A_538, %slice3A_551, %dot_general3A_552 {dimension_numbers = #tpu.dot_dimension_numbers<[1], [0], [0], [1], [0, 0, 1, 1], [], []>, transpose_lhs_hint = false} : vector<512x2048xbf16>, vector<2048x64xbf16>, vector<512x64xf32> -> vector<512x64xf32>
    %add3A_554 = arith.addf %dot_general3A_550, %dot_general3A_553 : vector<512x64xf32>
    %div3A_555 = vector.broadcast %add3A_546 : vector<512x1xf32> to vector<512x64xf32>
    %div3A_556 = arith.divf %add3A_554, %div3A_555 : vector<512x64xf32>
    %convert_element_type3A_557 = arith.truncf %div3A_556 : vector<512x64xf32> to vector<512x64xbf16>
    %swap3A_558 = arith.constant 0 : index
    %swap3A_559 = arith.constant 0 : index
    %swap3A_560 = arith.constant 704 : index
    %swap3A_561 = vector.load %arg7[%swap3A_558, %swap3A_559, %swap3A_560] : memref<1x512x768xbf16, #tpu.memory_space<vmem>>, vector<1x512x64xbf16>
    %swap3A_562 = vector.shape_cast %swap3A_561 : vector<1x512x64xbf16> to vector<512x64xbf16>
    %swap3A_563 = vector.shape_cast %convert_element_type3A_557 : vector<512x64xbf16> to vector<1x512x64xbf16>
    tpu.vector_store %arg7[%swap3A_558, %swap3A_559, %swap3A_560], %swap3A_563 {strides = array<i32>} : memref<1x512x768xbf16, #tpu.memory_space<vmem>>, vector<1x512x64xbf16>,
    return
  }
  func.func @transform_0(%arg0: i32, %arg1: i32) -> (i32, i32, i32) {
    %c0_i32 = arith.constant 0 : i32
    %c0_i32_0 = arith.constant 0 : i32
    return %arg0, %arg1, %c0_i32 : i32, i32, i32
  }
  func.func @transform_1(%arg0: i32, %arg1: i32) -> (i32, i32, i32) {
    %c0_i32 = arith.constant 0 : i32
    %c0_i32_0 = arith.constant 0 : i32
    %c0_i32_1 = arith.constant 0 : i32
    return %arg0, %c0_i32, %c0_i32_0 : i32, i32, i32
  }
  func.func @transform_2(%arg0: i32, %arg1: i32) -> (i32, i32, i32) {
    %c0_i32 = arith.constant 0 : i32
    %c0_i32_0 = arith.constant 0 : i32
    %c0_i32_1 = arith.constant 0 : i32
    return %arg0, %c0_i32, %c0_i32_0 : i32, i32, i32
  }
  func.func @transform_3(%arg0: i32, %arg1: i32) -> (i32, i32, i32) {
    %c0_i32 = arith.constant 0 : i32
    %c0_i32_0 = arith.constant 0 : i32
    %c0_i32_1 = arith.constant 0 : i32
    return %arg0, %c0_i32, %c0_i32_0 : i32, i32, i32
  }
  func.func @transform_4(%arg0: i32, %arg1: i32) -> (i32, i32, i32) {
    %c0_i32 = arith.constant 0 : i32
    %c0_i32_0 = arith.constant 0 : i32
    %c0_i32_1 = arith.constant 0 : i32
    return %arg0, %c0_i32, %c0_i32_0 : i32, i32, i32
  }
  func.func @transform_5(%arg0: i32, %arg1: i32) -> (i32, i32, i32) {
    %c0_i32 = arith.constant 0 : i32
    %c0_i32_0 = arith.constant 0 : i32
    return %arg0, %arg1, %c0_i32 : i32, i32, i32
  }
}

module attributes {stable_mosaic.version = 14 : i64} {
  func.func @_final_body(%arg0: i32, %arg1: i32, %arg2: memref<1x512x768xbf16, #tpu.memory_space<vmem>>, %arg3: memref<1x512x768xbf16, #tpu.memory_space<vmem>>, %arg4: memref<768x768xf32, #tpu.memory_space<vmem>>, %arg5: memref<1x768xf32, #tpu.memory_space<vmem>>, %arg6: memref<1x768xf32, #tpu.memory_space<vmem>>, %arg7: memref<1x768xf32, #tpu.memory_space<vmem>>, %arg8: memref<768x768xf32, #tpu.memory_space<vmem>>, %arg9: memref<1x768xf32, #tpu.memory_space<vmem>>, %arg10: memref<768x768xf32, #tpu.memory_space<vmem>>, %arg11: memref<1x768xf32, #tpu.memory_space<vmem>>, %arg12: memref<768x768xf32, #tpu.memory_space<vmem>>, %arg13: memref<1x768xf32, #tpu.memory_space<vmem>>, %arg14: memref<1x512x768xf32, #tpu.memory_space<vmem>>) attributes {dimension_semantics = [#tpu.dimension_semantics<arbitrary>, #tpu.dimension_semantics<arbitrary>], iteration_bounds = array<i64: 2, 4>, scalar_prefetch = 0 : i64, scratch_operands = 0 : i64, tpu.core_type = #tpu.core_type<tc>, window_params = [{transform_indices = @transform_0, window_bounds = array<i64: 1, 512, 768>}, {transform_indices = @transform_1, window_bounds = array<i64: 1, 512, 768>}, {pipeline_mode = #tpu.pipeline_mode<synchronous>, transform_indices = @transform_2, window_bounds = array<i64: 768, 768>}, {pipeline_mode = #tpu.pipeline_mode<synchronous>, transform_indices = @transform_3, window_bounds = array<i64: 1, 768>}, {pipeline_mode = #tpu.pipeline_mode<synchronous>, transform_indices = @transform_4, window_bounds = array<i64: 1, 768>}, {pipeline_mode = #tpu.pipeline_mode<synchronous>, transform_indices = @transform_5, window_bounds = array<i64: 1, 768>}, {pipeline_mode = #tpu.pipeline_mode<synchronous>, transform_indices = @transform_6, window_bounds = array<i64: 768, 768>}, {pipeline_mode = #tpu.pipeline_mode<synchronous>, transform_indices = @transform_7, window_bounds = array<i64: 1, 768>}, {pipeline_mode = #tpu.pipeline_mode<synchronous>, transform_indices = @transform_8, window_bounds = array<i64: 768, 768>}, {pipeline_mode = #tpu.pipeline_mode<synchronous>, transform_indices = @transform_9, window_bounds = array<i64: 1, 768>}, {pipeline_mode = #tpu.pipeline_mode<synchronous>, transform_indices = @transform_10, window_bounds = array<i64: 768, 768>}, {pipeline_mode = #tpu.pipeline_mode<synchronous>, transform_indices = @transform_11, window_bounds = array<i64: 1, 768>}, {transform_indices = @transform_12, window_bounds = array<i64: 1, 512, 768>}]} {
    %get3A = arith.constant 0 : index
    %get3A_0 = arith.constant 0 : index
    %get3A_1 = arith.constant 0 : index
    %get3A_2 = vector.load %arg3[%get3A, %get3A_0, %get3A_1] : memref<1x512x768xbf16, #tpu.memory_space<vmem>>, vector<1x512x768xbf16>
    %get3A_3 = vector.shape_cast %get3A_2 : vector<1x512x768xbf16> to vector<512x768xbf16>
    %convert_element_type3A = arith.extf %get3A_3 : vector<512x768xbf16> to vector<512x768xf32>
    %get3A_4 = arith.constant 0 : index
    %get3A_5 = arith.constant 0 : index
    %get3A_6 = arith.constant 0 : index
    %get3A_7 = vector.load %arg2[%get3A_4, %get3A_5, %get3A_6] : memref<1x512x768xbf16, #tpu.memory_space<vmem>>, vector<1x512x768xbf16>
    %get3A_8 = vector.shape_cast %get3A_7 : vector<1x512x768xbf16> to vector<512x768xbf16>
    %get3A_9 = arith.constant 0 : index
    %get3A_10 = arith.constant 0 : index
    %get3A_11 = vector.load %arg4[%get3A_9, %get3A_10] : memref<768x768xf32, #tpu.memory_space<vmem>>, vector<768x768xf32>
    %convert_element_type3A_12 = arith.truncf %get3A_11 : vector<768x768xf32> to vector<768x768xbf16>
    %dot_general3A = arith.constant dense<0.000000e+00> : vector<512x768xf32>
    %dot_general3A_13 = tpu.matmul %get3A_8, %convert_element_type3A_12, %dot_general3A {dimension_numbers = #tpu.dot_dimension_numbers<[1], [1], [0], [0], [0, 0, 1, 0], [], []>, transpose_lhs_hint = false} : vector<512x768xbf16>, vector<768x768xbf16>, vector<512x768xf32> -> vector<512x768xf32>
    %add3A = arith.addf %convert_element_type3A, %dot_general3A_13 : vector<512x768xf32>
    %get3A_14 = arith.constant 0 : index
    %get3A_15 = arith.constant 0 : index
    %get3A_16 = vector.load %arg5[%get3A_14, %get3A_15] : memref<1x768xf32, #tpu.memory_space<vmem>>, vector<1x768xf32>
    %add3A_17 = vector.broadcast %get3A_16 : vector<1x768xf32> to vector<512x768xf32>
    %add3A_18 = arith.addf %add3A, %add3A_17 : vector<512x768xf32>
    %get3A_19 = arith.constant 0 : index
    %get3A_20 = arith.constant 0 : index
    %get3A_21 = vector.load %arg6[%get3A_19, %get3A_20] : memref<1x768xf32, #tpu.memory_space<vmem>>, vector<1x768xf32>
    %get3A_22 = arith.constant 0 : index
    %get3A_23 = arith.constant 0 : index
    %get3A_24 = vector.load %arg7[%get3A_22, %get3A_23] : memref<1x768xf32, #tpu.memory_space<vmem>>, vector<1x768xf32>
    %reduce_sum3A = arith.constant dense<0.000000e+00> : vector<512xf32>
    %reduce_sum3A_25 = vector.multi_reduction <add>, %add3A_18, %reduce_sum3A [1] : vector<512x768xf32> to vector<512xf32>
    %broadcast_in_dim3A = vector.shape_cast %reduce_sum3A_25 : vector<512xf32> to vector<512x1xf32>
    %div3A = arith.constant 7.680000e+02 : f32
    %div3A_26 = vector.broadcast %div3A : f32 to vector<512x1xf32>
    %div3A_27 = arith.divf %broadcast_in_dim3A, %div3A_26 : vector<512x1xf32>
    %sub3A = vector.broadcast %div3A_27 : vector<512x1xf32> to vector<512x768xf32>
    %sub3A_28 = arith.subf %add3A_18, %sub3A : vector<512x768xf32>
    %integer_pow3A = arith.mulf %sub3A_28, %sub3A_28 : vector<512x768xf32>
    %reduce_sum3A_29 = arith.constant dense<0.000000e+00> : vector<512xf32>
    %reduce_sum3A_30 = vector.multi_reduction <add>, %integer_pow3A, %reduce_sum3A_29 [1] : vector<512x768xf32> to vector<512xf32>
    %broadcast_in_dim3A_31 = vector.shape_cast %reduce_sum3A_30 : vector<512xf32> to vector<512x1xf32>
    %div3A_32 = arith.constant 7.680000e+02 : f32
    %div3A_33 = vector.broadcast %div3A_32 : f32 to vector<512x1xf32>
    %div3A_34 = arith.divf %broadcast_in_dim3A_31, %div3A_33 : vector<512x1xf32>
    %sub3A_35 = vector.broadcast %div3A_27 : vector<512x1xf32> to vector<512x768xf32>
    %sub3A_36 = arith.subf %add3A_18, %sub3A_35 : vector<512x768xf32>
    %add3A_37 = arith.constant 9.99999974E-6 : f32
    %add3A_38 = vector.broadcast %add3A_37 : f32 to vector<512x1xf32>
    %add3A_39 = arith.addf %div3A_34, %add3A_38 : vector<512x1xf32>
    %rsqrt3A = math.rsqrt %add3A_39 : vector<512x1xf32>
    %mul3A = vector.broadcast %rsqrt3A : vector<512x1xf32> to vector<512x768xf32>
    %mul3A_40 = arith.mulf %sub3A_36, %mul3A : vector<512x768xf32>
    %mul3A_41 = vector.broadcast %get3A_21 : vector<1x768xf32> to vector<512x768xf32>
    %mul3A_42 = arith.mulf %mul3A_40, %mul3A_41 : vector<512x768xf32>
    %add3A_43 = vector.broadcast %get3A_24 : vector<1x768xf32> to vector<512x768xf32>
    %add3A_44 = arith.addf %mul3A_42, %add3A_43 : vector<512x768xf32>
    %get3A_45 = arith.constant 0 : index
    %get3A_46 = arith.constant 0 : index
    %get3A_47 = vector.load %arg8[%get3A_45, %get3A_46] : memref<768x768xf32, #tpu.memory_space<vmem>>, vector<768x768xf32>
    %convert_element_type3A_48 = arith.truncf %add3A_44 : vector<512x768xf32> to vector<512x768xbf16>
    %convert_element_type3A_49 = arith.truncf %get3A_47 : vector<768x768xf32> to vector<768x768xbf16>
    %dot_general3A_50 = arith.constant dense<0.000000e+00> : vector<512x768xf32>
    %dot_general3A_51 = tpu.matmul %convert_element_type3A_48, %convert_element_type3A_49, %dot_general3A_50 {dimension_numbers = #tpu.dot_dimension_numbers<[1], [1], [0], [0], [0, 0, 1, 0], [], []>, transpose_lhs_hint = false} : vector<512x768xbf16>, vector<768x768xbf16>, vector<512x768xf32> -> vector<512x768xf32>
    %get3A_52 = arith.constant 0 : index
    %get3A_53 = arith.constant 0 : index
    %get3A_54 = vector.load %arg9[%get3A_52, %get3A_53] : memref<1x768xf32, #tpu.memory_space<vmem>>, vector<1x768xf32>
    %add3A_55 = vector.broadcast %get3A_54 : vector<1x768xf32> to vector<512x768xf32>
    %add3A_56 = arith.addf %dot_general3A_51, %add3A_55 : vector<512x768xf32>
    %mul3A_57 = arith.constant 5.000000e-01 : f32
    %mul3A_58 = vector.broadcast %mul3A_57 : f32 to vector<512x768xf32>
    %mul3A_59 = arith.mulf %mul3A_58, %add3A_56 : vector<512x768xf32>
    %mul3A_60 = arith.constant 0.707106769 : f32
    %mul3A_61 = vector.broadcast %mul3A_60 : f32 to vector<512x768xf32>
    %mul3A_62 = arith.mulf %add3A_56, %mul3A_61 : vector<512x768xf32>
    %erf3A = math.erf %mul3A_62 : vector<512x768xf32>
    %add3A_63 = arith.constant 1.000000e+00 : f32
    %add3A_64 = vector.broadcast %add3A_63 : f32 to vector<512x768xf32>
    %add3A_65 = arith.addf %add3A_64, %erf3A : vector<512x768xf32>
    %mul3A_66 = arith.mulf %mul3A_59, %add3A_65 : vector<512x768xf32>
    %get3A_67 = arith.constant 0 : index
    %get3A_68 = arith.constant 0 : index
    %get3A_69 = vector.load %arg10[%get3A_67, %get3A_68] : memref<768x768xf32, #tpu.memory_space<vmem>>, vector<768x768xf32>
    %convert_element_type3A_70 = arith.truncf %mul3A_66 : vector<512x768xf32> to vector<512x768xbf16>
    %convert_element_type3A_71 = arith.truncf %get3A_69 : vector<768x768xf32> to vector<768x768xbf16>
    %dot_general3A_72 = arith.constant dense<0.000000e+00> : vector<512x768xf32>
    %dot_general3A_73 = tpu.matmul %convert_element_type3A_70, %convert_element_type3A_71, %dot_general3A_72 {dimension_numbers = #tpu.dot_dimension_numbers<[1], [1], [0], [0], [0, 0, 1, 0], [], []>, transpose_lhs_hint = false} : vector<512x768xbf16>, vector<768x768xbf16>, vector<512x768xf32> -> vector<512x768xf32>
    %add3A_74 = arith.addf %add3A_18, %dot_general3A_73 : vector<512x768xf32>
    %get3A_75 = arith.constant 0 : index
    %get3A_76 = arith.constant 0 : index
    %get3A_77 = vector.load %arg11[%get3A_75, %get3A_76] : memref<1x768xf32, #tpu.memory_space<vmem>>, vector<1x768xf32>
    %add3A_78 = vector.broadcast %get3A_77 : vector<1x768xf32> to vector<512x768xf32>
    %add3A_79 = arith.addf %add3A_74, %add3A_78 : vector<512x768xf32>
    %get3A_80 = arith.constant 0 : index
    %get3A_81 = arith.constant 0 : index
    %get3A_82 = vector.load %arg12[%get3A_80, %get3A_81] : memref<768x768xf32, #tpu.memory_space<vmem>>, vector<768x768xf32>
    %convert_element_type3A_83 = arith.truncf %add3A_79 : vector<512x768xf32> to vector<512x768xbf16>
    %convert_element_type3A_84 = arith.truncf %get3A_82 : vector<768x768xf32> to vector<768x768xbf16>
    %dot_general3A_85 = arith.constant dense<0.000000e+00> : vector<512x768xf32>
    %dot_general3A_86 = tpu.matmul %convert_element_type3A_83, %convert_element_type3A_84, %dot_general3A_85 {dimension_numbers = #tpu.dot_dimension_numbers<[1], [1], [0], [0], [0, 0, 1, 0], [], []>, transpose_lhs_hint = false} : vector<512x768xbf16>, vector<768x768xbf16>, vector<512x768xf32> -> vector<512x768xf32>
    %get3A_87 = arith.constant 0 : index
    %get3A_88 = arith.constant 0 : index
    %get3A_89 = vector.load %arg13[%get3A_87, %get3A_88] : memref<1x768xf32, #tpu.memory_space<vmem>>, vector<1x768xf32>
    %add3A_90 = vector.broadcast %get3A_89 : vector<1x768xf32> to vector<512x768xf32>
    %add3A_91 = arith.addf %dot_general3A_86, %add3A_90 : vector<512x768xf32>
    %swap3A = arith.constant 0 : index
    %swap3A_92 = arith.constant 0 : index
    %swap3A_93 = arith.constant 0 : index
    %swap3A_94 = vector.load %arg14[%swap3A, %swap3A_92, %swap3A_93] : memref<1x512x768xf32, #tpu.memory_space<vmem>>, vector<1x512x768xf32>
    %swap3A_95 = vector.shape_cast %swap3A_94 : vector<1x512x768xf32> to vector<512x768xf32>
    %swap3A_96 = vector.shape_cast %add3A_91 : vector<512x768xf32> to vector<1x512x768xf32>
    tpu.vector_store %arg14[%swap3A, %swap3A_92, %swap3A_93], %swap3A_96 {strides = array<i32>} : memref<1x512x768xf32, #tpu.memory_space<vmem>>, vector<1x512x768xf32>,
    return
  }
  func.func @transform_0(%arg0: i32, %arg1: i32) -> (i32, i32, i32) {
    %c0_i32 = arith.constant 0 : i32
    %c0_i32_0 = arith.constant 0 : i32
    return %arg0, %arg1, %c0_i32 : i32, i32, i32
  }
  func.func @transform_1(%arg0: i32, %arg1: i32) -> (i32, i32, i32) {
    %c0_i32 = arith.constant 0 : i32
    %c0_i32_0 = arith.constant 0 : i32
    return %arg0, %arg1, %c0_i32 : i32, i32, i32
  }
  func.func @transform_2(%arg0: i32, %arg1: i32) -> (i32, i32) {
    %c0_i32 = arith.constant 0 : i32
    %c0_i32_0 = arith.constant 0 : i32
    %c0_i32_1 = arith.constant 0 : i32
    return %c0_i32, %c0_i32_0 : i32, i32
  }
  func.func @transform_3(%arg0: i32, %arg1: i32) -> (i32, i32) {
    %c0_i32 = arith.constant 0 : i32
    %c0_i32_0 = arith.constant 0 : i32
    %c0_i32_1 = arith.constant 0 : i32
    return %c0_i32, %c0_i32_0 : i32, i32
  }
  func.func @transform_4(%arg0: i32, %arg1: i32) -> (i32, i32) {
    %c0_i32 = arith.constant 0 : i32
    %c0_i32_0 = arith.constant 0 : i32
    %c0_i32_1 = arith.constant 0 : i32
    return %c0_i32, %c0_i32_0 : i32, i32
  }
  func.func @transform_5(%arg0: i32, %arg1: i32) -> (i32, i32) {
    %c0_i32 = arith.constant 0 : i32
    %c0_i32_0 = arith.constant 0 : i32
    %c0_i32_1 = arith.constant 0 : i32
    return %c0_i32, %c0_i32_0 : i32, i32
  }
  func.func @transform_6(%arg0: i32, %arg1: i32) -> (i32, i32) {
    %c0_i32 = arith.constant 0 : i32
    %c0_i32_0 = arith.constant 0 : i32
    %c0_i32_1 = arith.constant 0 : i32
    return %c0_i32, %c0_i32_0 : i32, i32
  }
  func.func @transform_7(%arg0: i32, %arg1: i32) -> (i32, i32) {
    %c0_i32 = arith.constant 0 : i32
    %c0_i32_0 = arith.constant 0 : i32
    %c0_i32_1 = arith.constant 0 : i32
    return %c0_i32, %c0_i32_0 : i32, i32
  }
  func.func @transform_8(%arg0: i32, %arg1: i32) -> (i32, i32) {
    %c0_i32 = arith.constant 0 : i32
    %c0_i32_0 = arith.constant 0 : i32
    %c0_i32_1 = arith.constant 0 : i32
    return %c0_i32, %c0_i32_0 : i32, i32
  }
  func.func @transform_9(%arg0: i32, %arg1: i32) -> (i32, i32) {
    %c0_i32 = arith.constant 0 : i32
    %c0_i32_0 = arith.constant 0 : i32
    %c0_i32_1 = arith.constant 0 : i32
    return %c0_i32, %c0_i32_0 : i32, i32
  }
  func.func @transform_10(%arg0: i32, %arg1: i32) -> (i32, i32) {
    %c0_i32 = arith.constant 0 : i32
    %c0_i32_0 = arith.constant 0 : i32
    %c0_i32_1 = arith.constant 0 : i32
    return %c0_i32, %c0_i32_0 : i32, i32
  }
  func.func @transform_11(%arg0: i32, %arg1: i32) -> (i32, i32) {
    %c0_i32 = arith.constant 0 : i32
    %c0_i32_0 = arith.constant 0 : i32
    %c0_i32_1 = arith.constant 0 : i32
    return %c0_i32, %c0_i32_0 : i32, i32
  }
  func.func @transform_12(%arg0: i32, %arg1: i32) -> (i32, i32, i32) {
    %c0_i32 = arith.constant 0 : i32
    %c0_i32_0 = arith.constant 0 : i32
    return %arg0, %arg1, %c0_i32 : i32, i32, i32
  }
}

</mosaic_0001>

<sc_bundles>
// kernel: kernel.10.cloned.1.call-start
scs
__scs_entry_jumppad:
0x0: {  	(pc) =	sbr.rel $0x88, $3  }
0x1: {  	(tag) =	ssettag $0x0;
	lr =	simm.s32 $0x1  }
0x2: {  	[smem:$0x3F72] =	sst lr;
	_ =	strace $0xD0000000  }
0x3: {  	_ = 	snop  }
0x4: {  	_ = 	snop  }
0x5: {  	_ = 	snop  }
0x6: {  	_ = 	snop  }
0x7: {  	_ = 	snop  }
__scs_overlays_trampoline_lowered:
0x8: {  	[smem:$0x3F81] =	sst s0  }
0x9: {  	[smem:$0x3F82] =	sst s1  }
0xa: {  	[smem:$0x3F83] =	sst s2  }
0xb: {  	[smem:$0x3F84] =	sst s3  }
0xc: {  	[smem:$0x3F85] =	sst s4  }
0xd: {  	[smem:$0x3F86] =	sst s5  }
0xe: {  	[smem:$0x3F87] =	sst s6  }
0xf: {  	[smem:$0x3F88] =	sst s7  }
0x10: {  	[smem:$0x3F89] =	sst s8  }
0x11: {  	[smem:$0x3F8A] =	sst s9;
	s0 =	simm.s32 @!p0 $0x0  }
0x12: {  	s1 =	sld [smem:$0x3F70];
	s0 =	simm.s32 @p0 $0x1  }
0x13: {  	[smem:$0x3F8B] =	sst s0;
	s0 =	simm.s32 @!p1 $0x0  }
0x14: {  	s2 =	sld [smem:$0x3F6F];
	s0 =	simm.s32 @p1 $0x1  }
0x15: {  	[smem:$0x3F8C] =	sst s0;
	s0 =	simm.s32 @!p2 $0x0  }
0x16: {  	s3 =	sld [smem:$0x3FDB];
	s0 =	simm.s32 @p2 $0x1  }
0x17: {  	s4 =	simm.s32 $0x1BF5;
	[smem:$0x3F8E] =	sst s0  }
0x18: {  	s0 =	sld [smem:$0x3F71];
	_ =	swait.ge [sflag:s4], $0x0  }
0x19: {  	s7 =	sld [smem:$0x3F72]  }
0x1a: {  	s8 =	sadd.s32 $0xFFFFE003, lr  }
0x1b: {  	s9 =	sadd.s32 $0xFFFFFEF7, lr;
	s5 =	simm.s32 $0xFFFFFFFF;
	p2 =	slt.u32 s8, $0xFFFFF086  }
0x1c: {  	p1 =	slt.u32 s9, $0xF7A;
	s5 =	simm.s32 @!p2 $0x0  }
0x1d: {  	s5 =	simm.s32 @p1 $0x1;
	p0 =	seq.s32 s7, s2  }
0x1e: {  	s7 =	smul.u32 @!p0 $0xF7A, s2;
	p2 =	seq.s32 @!p0 s5, $0x0  }
0x1f: {  	s9 =	smul.u32 $0xF7A, s1;
	s8 =	simm.s32 @!p0 $0x1BF5;
	p2 =	por !p2, p0  }
0x20: {  	[sflag:s8] =	ssyncset.s32 @!p0 $0xFFFFF086;
	s6 =	sadd.s32 @!p0 s3, s7;
	s7 =	simm.s32 @!p0 $0x108  }
0x21: {  	s3 =	sadd.s32 s3, s9;
	s6 =	sadd.s32 @!p0 $0x88, s6;
	s7 =	simm.s32 @p2 $0x1082  }
0x22: {  	[simem:s7], [sflag:s8] =	dma.local @!p0 [hbm:s6], $0xF7A  }
0x23: {  	s9 =	sor.u32 $0xD0000000, s2;
	s6 =	simm.s32 $0x108;
	_ =	swait.ge @!p0 [sflag:s8], $0x0  }
0x24: {  	s3 =	sadd.s32 $0x88, s3;
	s6 =	simm.s32 @!p1 $0x1082;
	[sflag:s4] =	ssyncset.s32 $0xFFFFF086  }
0x25: {  	[simem:s6], [sflag:s4] =	dma.local [hbm:s3], $0xF7A  }
0x26: {  	[smem:$0x3F72] =	sst s1;
	(tag) =	ssettag s2;
	_ =	strace s9  }
0x27: {  	s1 =	sld [smem:$0x3F82]  }
0x28: {  	s2 =	sld [smem:$0x3F83]  }
0x29: {  	s4 =	sld [smem:$0x3F85]  }
0x2a: {  	p0 =	seq.s32 s5, $0x0;
	s5 =	sld [smem:$0x3F86]  }
0x2b: {  	s6 =	sld [smem:$0x3F87]  }
0x2c: {  	s7 =	sld [smem:$0x3F88]  }
0x2d: {  	s3 =	simm.s32 $0x108;
	s8 =	sld [smem:$0x3F89]  }
0x2e: {  	s3 =	simm.s32 @!p0 $0x1082;
	s9 =	sld [smem:$0x3F8A]  }
0x2f: {  	lr =	sadd.s32 s0, s3;
	s0 =	sld [smem:$0x3F81]  }
0x30: {  	s3 =	sld [smem:$0x3F84]  }
0x31: {  	[smem:$0x3F8D] =	sst s10  }
0x32: {  	s10 =	sld [smem:$0x3F8B];
	_ =	sdelay $0x3  }
0x33: {  	p0 =	seq.s32 s10, $0x1;
	s10 =	sld [smem:$0x3F8D];
	_ =	sdelay $0x3  }
0x34: {  	[smem:$0x3F8D] =	sst s10  }
0x35: {  	s10 =	sld [smem:$0x3F8C];
	_ =	sdelay $0x3  }
0x36: {  	p1 =	seq.s32 s10, $0x1;
	s10 =	sld [smem:$0x3F8D];
	_ =	sdelay $0x3  }
0x37: {  	[smem:$0x3F8D] =	sst s10  }
0x38: {  	s10 =	sld [smem:$0x3F8E]  }
0x39: {  	_ = 	snop;
	(pc) =	sbr.ind lr, $3  }
0x3a: {  	_ = 	snop  }
0x3b: {  	_ = 	snop  }
0x3c: {  	p2 =	seq.s32 s10, $0x1;
	s10 =	sld [smem:$0x3F8D]  }
0x3d: {  	_ =	shalt  }
0x3e: {  	_ =	shalt  }
0x3f: {  	_ =	shalt  }
0x40: {  	_ =	shalt  }
0x41: {  	_ =	shalt  }
0x42: {  	_ =	shalt  }
0x43: {  	_ =	shalt  }
0x44: {  	_ =	shalt  }
0x45: {  	_ =	shalt  }
0x46: {  	_ =	shalt  }
0x47: {  	_ =	shalt  }
0x48: {  	_ =	shalt  }
0x49: {  	_ =	shalt  }
0x4a: {  	_ =	shalt  }
0x4b: {  	_ =	shalt  }
0x4c: {  	_ =	shalt  }
0x4d: {  	_ =	shalt  }
0x4e: {  	_ =	shalt  }
0x4f: {  	_ =	shalt  }
0x50: {  	_ =	shalt  }
0x51: {  	_ =	shalt  }
0x52: {  	_ =	shalt  }
0x53: {  	_ =	shalt  }
0x54: {  	_ =	shalt  }
0x55: {  	_ =	shalt  }
0x56: {  	_ =	shalt  }
0x57: {  	_ =	shalt  }
0x58: {  	_ =	shalt  }
0x59: {  	_ =	shalt  }
0x5a: {  	_ =	shalt  }
0x5b: {  	_ =	shalt  }
0x5c: {  	_ =	shalt  }
0x5d: {  	_ =	shalt  }
0x5e: {  	_ =	shalt  }
0x5f: {  	_ =	shalt  }
0x60: {  	_ =	shalt  }
0x61: {  	_ =	shalt  }
0x62: {  	_ =	shalt  }
0x63: {  	_ =	shalt  }
0x64: {  	_ =	shalt  }
0x65: {  	_ =	shalt  }
0x66: {  	_ =	shalt  }
0x67: {  	_ =	shalt  }
0x68: {  	_ =	shalt  }
0x69: {  	_ =	shalt  }
0x6a: {  	_ =	shalt  }
0x6b: {  	_ =	shalt  }
0x6c: {  	_ =	shalt  }
0x6d: {  	_ =	shalt  }
0x6e: {  	_ =	shalt  }
0x6f: {  	_ =	shalt  }
0x70: {  	_ =	shalt  }
0x71: {  	_ =	shalt  }
0x72: {  	_ =	shalt  }
0x73: {  	_ =	shalt  }
0x74: {  	_ =	shalt  }
0x75: {  	_ =	shalt  }
0x76: {  	_ =	shalt  }
0x77: {  	_ =	shalt  }
0x78: {  	_ =	shalt  }
0x79: {  	_ =	shalt  }
0x7a: {  	_ =	shalt  }
0x7b: {  	_ =	shalt  }
0x7c: {  	_ =	shalt  }
0x7d: {  	_ =	shalt  }
0x7e: {  	_ =	shalt  }
0x7f: {  	_ =	shalt  }
0x80: {  	_ =	shalt  }
0x81: {  	_ =	shalt  }
0x82: {  	_ =	shalt  }
0x83: {  	_ =	shalt  }
0x84: {  	_ =	shalt  }
0x85: {  	_ =	shalt  }
0x86: {  	_ =	shalt  }
0x87: {  	_ =	shalt  }
.Lfunc_end0:
.L_simem_size_0:
called_computation_lowered:
.L_overlay_start_0:
0x88: {  	s2 =	sld [smem:$0x3FD9]  }
0x89: {  	s3 =	sld [smem:$0x3FFE];
	_ =	sdelay $0x1  }
0x8a: {  	s1 =	srdreg.scid  }
0x8b: {  	s0 =	sand.u32 $0x1, s1  }
0x8c: {  	s14 =	sshll.u32 s0, $0xA;
	s2 =	sadd.s32 s3, s2  }
0x8d: {  	s2 =	sadd.s32 s2, s14  }
0x8e: {  	[smem:$0x3F99] =	sst s2  }
0x8f: {  	_ = 	snop  }
0x90: {  	s2 =	sld [smem:$0x3FD0];
	_ =	sdelay $0x2  }
0x91: {  	s15 =	simm.s32 $0xA;
	s4 =	simm.s32 $0x10  }
0x92: {  	[smem:s4], [sflag:s15] =	dma.local [hbm:s2], $0x1  }
0x93: {  	_ =	swait.eq [sflag:s15], $0x1  }
0x94: {  	[sflag:s15] =	ssyncset.done $0x0  }
0x95: {  	[sflag:s15] =	ssyncadd.s32 $0xFFFFFFFF  }
0x96: {  	s16 =	sld [smem:$0x10];
	(tm) =	ssettm $0x1  }
0x97: {  	s17 =	sld [smem:$0x3FFB];
	_ =	sdelay $0x3  }
0x98: {  	_ =	strace s17  }
0x99: {  	s3 =	sld [smem:$0x3FFC];
	_ =	sdelay $0x3  }
0x9a: {  	_ =	strace s3  }
0x9b: {  	s3 =	sld [smem:$0x3FFD];
	_ =	sdelay $0x3  }
0x9c: {  	_ =	strace s3  }
0x9d: {  	_ =	strace $0x8FFFFFFF  }
0x9e: {  	s18 =	sld [smem:$0x3FDB];
	_ =	sdelay $0x1  }
0x9f: {  	s19 =	simm.s32 $_scs_section_size  }
0xa0: {  	s5 =	simm.s32 $_size__tile_overlayer_lowered;
	s6 =	simm.s32 $_tile_overlayer_lowered  }
0xa1: {  	s22 =	simm.s32 $0x1BFF;
	s21 =	sshll.u32 s6, $0x1;
	s3 =	sadd.s32 s19, s18  }
0xa2: {  	s7 =	simm.s32 $0x0;
	s20 =	sshll.u32 s5, $0x1;
	s5 =	sadd.s32 s21, s3  }
0xa3: {  	[timem:s7], [sflag:s22] =	dma.local [hbm:s5], s20  }
0xa4: {  	_ =	swait.ge [sflag:s22], s20  }
0xa5: {  	s4 =	ssub.s32 $0x0, s20;
	[sflag:s22] =	ssyncset.done $0x0  }
0xa6: {  	[sflag:s22] =	ssyncadd.s32 s4;
	_ =	sdelay $0x1  }
0xa7: {  	s23 =	simm.s32 $0x1B8B  }
0xa8: {  	_ =	swait.ge [sflag:s23], $0x1  }
0xa9: {  	[sflag:s23] =	ssyncset.done $0x0  }
0xaa: {  	s25 =	simm.s32 $0x1B8E;
	s24 =	sld [smem:$0x3FFE];
	[sflag:s23] =	ssyncadd.s32 $0xFFFFFFFF  }
0xab: {  	s26 =	simm.s32 $execute0_lowered;
	[smem:$0x3FD2] =	sst s25  }
0xac: {  	s5 =	sshll.u32 s26, $0x1;
	_ =	strace $0x80000046;
	[dreg:$0x1] =	wrdreg $0xFFFFFFFF  }
0xad: {  	s28 =	simm.s32 $_size_execute0_lowered;
	s3 =	sadd.s32 s3, s5;
	[dreg:$0x0] =	wrdreg $0x0  }
0xae: {  	s5 =	sshll.u32 s28, $0x1;
	[dreg:$0x2] =	wrdreg s3  }
0xaf: {  	[dreg:$0x3] =	wrdreg s5  }
0xb0: {  	[dreg:$0x4] =	wrdreg $0xC0  }
0xb1: {  	_ =	task [dreg:s7], $0x5FFFF  }
0xb2: {  	[dreg:$0x1] =	wrdreg $0xFFFFFFFF  }
0xb3: {  	[dreg:$0x0] =	wrdreg $0x60  }
0xb4: {  	[dreg:$0x2] =	wrdreg s24  }
0xb5: {  	[dreg:$0x3] =	wrdreg s16  }
0xb6: {  	[dreg:$0x4] =	wrdreg $0x9  }
0xb7: {  	_ =	task.clear_ibuf [dreg:s7], $0x5FFFF;
	_ =	strace $0x90000046  }
0xb8: {  	s29 =	simm.s32 $0x9;
	_ =	strace $0x8000004F  }
0xb9: {  	_ =	swait.ge [sflag:s29], $0x1  }
0xba: {  	[sflag:s29] =	ssyncadd.s32 $0xFFFFFFFF  }
0xbb: {  	_ =	strace $0x9000004F  }
0xbc: {  	_ =	sfence  }
0xbd: {  	s30 =	sld [smem:$0x0];
	_ =	sdelay $0x2  }
0xbe: {  	s31 =	sshll.u32 s1, $0xD;
	s1 =	sshrl.u32 s1, $0x2  }
0xbf: {  	s3 =	sand.u32 $0x4000, s31;
	s1 =	sadd.s32 s1, s30  }
0xc0: {  	s0 =	sor.u32 s3, s0;
	s1 =	sshll.u32 s1, $0x11  }
0xc1: {  	s0 =	sor.u32 s1, s0  }
0xc2: {  	s0 =	sadd.s32 $0x8F2B, s0  }
0xc3: {  	[sflag:s0] =	ssyncadd.remote.s32 $0x1  }
0xc4: {  	_ =	sfence.sel $0xFFFF  }
0xc5: {  	[dreg:$0x0] =	wrdreg $0xFFFFFFFF;
	(pc) =	sbr.abs _section_cstart, $3  }
0xc6: {  	[dreg:$0x1] =	wrdreg $0xFFFFFFFF  }
0xc7: {  	_ =	task.clear_ibuf [dreg:s7], $0x2FFFF;
	_ =	strace $0x9FFFFFFF  }
0xc8: {  	(tm) =	ssettm $0x7FFFFFFF  }
0xc9: {  	_ =	shalt  }
tec
execute0_lowered:
.L_overlay_start_1:
0x0: {  	(tag) =	ssettag $0x1  }
0x1: {  	s4 =	rddreg [dreg:$0x0]  }
0x2: {  	s0 =	srdreg.scid;
	s1 =	rddreg [dreg:$0x1];
	s2 =	simm.s32 $0x0  }
0x3: {  	s9 =	simm.s32 $0x1;
	s10 =	simm.s32 $0x80;
	[dreg:$0x5] =	wrdreg s1  }
0x4: {  	s11 =	simm.s32 $0x0;
	s7 =	sand.u32 $0x1, s0;
	s0 =	rddreg [dreg:$0x2]  }
0x5: {  	s1 =	stileid.u32;
	[smem:$0x7FF] =	sst s2;
	s3 =	sshll.u32 s7, $0x4  }
0x6: {  	s6 =	sadd.s32 $0x38E00, s4;
	s4 =	sadd.s32 $0x38400, s4;
	s3 =	sor.u32 s1, s3  }
0x7: {  	_ =	strace $0x80000047;
	s5 =	smul.u32 $0x5, s3;
	s3 =	sshll.u32 s3, $0x2  }
0x8: {  	p0 =	seq.s32 s7, $0x0;
	s8 =	ssub.s32 $0x2, s7;
	s3 =	sadd.s32 $0x10, s3  }
0x9: {  	[dreg:$0x3] =	wrdreg s6;
	s30 =	sshrl.u32 s8, $0x1;
	s3 =	smov.u32 @p0 s5  }
0xa: {  	[dreg:$0x4] =	wrdreg s10;
	s8 =	ssub.s32 s8, s30;
	s31 =	sshll.u32 s3, $0x4  }
0xb: {  	s10 =	simm.s32 $0x5;
	s8 =	smax.u32 s8, $0x1;
	s6 =	sand.u32 $0x1FFFFFF0, s31  }
0xc: {  	s5 =	sxor.u32 $0x5, s7;
	s7 =	ssub.s32 $0x4, s7;
	s6 =	sadd.s32 s4, s6  }
.LBB2_1:
0xd: {  	_ =	strace $0x80000048;
	p2 =	sne.s32 s5, $0x1  }
.Ltmp0:
0xe: {  	p0 =	seq.s32 s5, $0x1;
	s13 =	simm.s32 $0x1;
	(pc) =	sbr.rel @!p2 .LBB2_2-.Ltmp0, $4  }
0xf: {  	[tilespmem:s2], [sflag:$0x1] =	stream.linear.gather [hbm4b:s6+s2], $0x80, $0x200038;
	[tilespmem:$0x8100] =	vst v63  }
0x10: {  	s12 =	simm.s32 $0x1;
	p1 =	por $0x1, $0x1;
	s13 =	simm.s32 @p0 $0x0  }
0x11: {  	p6 =	sgt.u32 s7, $0x0;
	p4 =	por p1, p1;
	p3 =	sne.s32 s13, $0x0  }
0x12: {  	_ =	strace $0x90000048;
	p5 =	por !p6, !p3;
	p6 =	por $0x0, $0x0  }
0x13: {  	p2 =	por !p5, !p5  }
0x14: {  	s21 =	sand.u32 $0x1, s2;
	s19 =	simm.s32 $0x2;
	s14 =	sadd.s32 @p2 s3, s13  }
0x15: {  	p1 =	por p3, p3;
	s15 =	sand.u32 @p2 $0x1, s9;
	s14 =	sshll.u32 @p2 s14, $0x4  }
0x16: {  	_ =	strace @p2 $0x80000049;
	s17 =	simm.s32 @p2 $0x0;
	s14 =	sand.u32 @p2 $0x1FFFFFF0, s14  }
0x17: {  	s16 =	sshll.u32 @p2 s15, $0x7;
	s15 =	sadd.s32 @p2 $0x1, s15;
	s14 =	sadd.s32 @p2 s4, s14  }
0x18: {  	[tilespmem:s16], [sflag:s15] =	stream.linear.gather @p2 [hbm4b:s14+s17], $0x80, $0x200038;
	[tilespmem:$0x8100] =	vst v63  }
0x19: {  	s30 =	simm.s32 $0x0;
	p6 =	por $0x0, $0x0;
	_ =	strace @p2 $0x90000049  }
0x1a: {  	p0 =	sne.s32 s5, $0x2;
	s29 =	sadd.s32 $0x1, s21;
	_ =	strace $0x8000004A  }
0x1b: {  	s24 =	sadd.s32 $0x0, s3;
	p5 =	sgt.u32 s7, $0x1;
	_ =	swait.ge [sflag:s29], $0x80  }
0x1c: {  	s23 =	simm.s32 $0x1;
	s22 =	sshll.u32 s21, $0xE;
	[sflag:s29] =	ssyncset.done $0x0  }
0x1d: {  	s22 =	sor.u32 $0x100, s22;
	s16 =	sand.u32 @!p4 $0x1, s2;
	[sflag:s29] =	ssyncadd.s32 $0xFFFFFF80  }
0x1e: {  	s15 =	simm.s32 $0x1;
	s17 =	sadd.s32 $0x1, s13;
	_ =	strace $0x9000004A  }
0x1f: {  	s14 =	sand.u32 $0x80, s30;
	s15 =	simm.s32 @!p2 $0x0;
	_ =	strace $0x8000004B  }
0x20: {  	p2 =	por p4, p4;
	p4 =	por p6, p6;
	s20 =	rddreg [dreg:$0x4]  }
0x21: {  	p3 =	seq.s32 s17, s5;
	p6 =	seq.s32 s7, $0x0;
	s31 =	rddreg [dreg:$0x3]  }
0x22: {  	[tilespmem:s22], [sflag:$0x5] =	stream.indirect.gather [hbm4b:s31+s20], $0x80, s14, s20, $0x2000b8;
	[tilespmem:$0x8100] =	vst v63  }
.Ltmp1:
0x23: {  	s18 =	sadd.s32 $0x1, s15;
	s17 =	simm.s32 @p3 $0x0;
	(pc) =	sbr.rel @!p0 .LBB2_4-.Ltmp1, $4  }
0x24: {  	p1 =	por p6, p1;
	p6 =	por $0x0, $0x0;
	_ =	swait.ge [sflag:s10], $0x4000  }
0x25: {  	s15 =	simm.s32 $0x0;
	p3 =	sne.s32 s13, s17;
	[sflag:s10] =	ssyncset.done $0x0  }
0x26: {  	s23 =	simm.s32 @!p6 $0x0;
	p5 =	por !p5, !p3;
	[sflag:s10] =	ssyncadd.s32 $0xFFFFC000  }
0x27: {  	s14 =	simm.s32 $0x0;
	s20 =	simm.s32 $0x0;
	_ =	strace $0x9000004B  }
.LBB2_5:
0x28: {  	_ =	strace @p1 $0x8000004C;
	s14 =	sadd.s32 s23, s14;
	s23 =	smov.u32 s12  }
0x29: {  	s12 =	smov.u32 s19;
	s19 =	sadd.s32 $0x1, s19;
	p0 =	por p3, p3  }
0x2a: {  	s29 =	sshll.u32 @p1 s24, $0xB;
	s21 =	sadd.s32 @p1 $0x3, s21;
	s25 =	simm.s32 @!p0 $0x0  }
0x2b: {  	s26 =	rddreg [dreg:$0x5];
	s29 =	sand.u32 @p1 $0x1FFFF800, s29;
	s25 =	simm.s32 @p0 $0x1  }
0x2c: {  	s26 =	sadd.s32 @p1 s26, s29;
	s29 =	simm.s32 @p1 $0x0;
	p0 =	sne.s32 s5, s19  }
0x2d: {  	[hbm4b:s26+s29] =	stream.linear.scatter @p1 [tilespmem:s22], [sflag:s21], $0x4000, $0x200038;
	[tilespmem:$0x8100] =	vst v63  }
0x2e: {  	s21 =	sadd.s32 @!p2 $0x3, s16;
	s16 =	simm.s32 @!p0 $0x0  }
0x2f: {  	s28 =	simm.s32 $0x1;
	[smem:$0x7FC] =	sst s25;
	s16 =	simm.s32 @p0 $0x1  }
0x30: {  	s28 =	simm.s32 @!p1 $0x0;
	_ =	strace @p1 $0x9000004C;
	[smem:$0x7FD] =	sst s16  }
0x31: {  	s20 =	sadd.s32 s28, s20;
	s25 =	sand.u32 @!p4 $0x1, s14;
	_ =	strace @!p2 $0x8000004D  }
0x32: {  	p1 =	por !p5, !p5;
	s16 =	smov.u32 s25;
	_ =	swait.ge @!p2 [sflag:s21], $0x4000  }
0x33: {  	s22 =	sand.u32 @p1 $0x1, s18;
	s25 =	sadd.s32 @p1 s3, s17;
	[sflag:s21] =	ssyncset.done @!p2 $0x0  }
0x34: {  	s26 =	sshll.u32 @p1 s22, $0x7;
	s25 =	sshll.u32 @p1 s25, $0x4;
	[sflag:s21] =	ssyncadd.s32 @!p2 $0xFFFFC000  }
0x35: {  	s21 =	sadd.s32 @p1 $0x1, s22;
	s22 =	sand.u32 @p1 $0x1FFFFFF0, s25;
	_ =	strace @!p2 $0x9000004D  }
0x36: {  	s25 =	simm.s32 @p1 $0x0;
	s22 =	sadd.s32 @p1 s4, s22;
	_ =	strace @p1 $0x80000049  }
0x37: {  	[tilespmem:s26], [sflag:s21] =	stream.linear.gather @p1 [hbm4b:s22+s25], $0x80, $0x200038;
	[tilespmem:$0x8100] =	vst v63  }
0x38: {  	s15 =	sadd.s32 s28, s15;
	s28 =	sand.u32 $0x1, s20;
	_ =	strace @p1 $0x90000049  }
0x39: {  	s28 =	sadd.s32 $0x1, s28;
	_ =	strace $0x8000004A  }
0x3a: {  	_ =	swait.ge [sflag:s28], $0x80  }
0x3b: {  	[sflag:s28] =	ssyncset.done $0x0  }
0x3c: {  	s21 =	simm.s32 $0x1;
	[sflag:s28] =	ssyncadd.s32 $0xFFFFFF80  }
0x3d: {  	s21 =	simm.s32 @!p1 $0x0;
	_ =	strace $0x9000004A  }
0x3e: {  	s18 =	sadd.s32 s21, s18;
	s21 =	sand.u32 $0x1, s15;
	_ =	strace $0x8000004B  }
0x3f: {  	s31 =	sshll.u32 s20, $0x7;
	s29 =	sshll.u32 s21, $0xE;
	s25 =	rddreg [dreg:$0x4]  }
0x40: {  	s31 =	sand.u32 $0x80, s31;
	s22 =	sor.u32 $0x100, s29;
	s26 =	rddreg [dreg:$0x3]  }
0x41: {  	[tilespmem:s22], [sflag:$0x5] =	stream.indirect.gather [hbm4b:s26+s25], $0x80, s31, s25, $0x2000b8;
	[tilespmem:$0x8100] =	vst v63  }
0x42: {  	_ =	swait.ge [sflag:s10], $0x4000  }
0x43: {  	[sflag:s10] =	ssyncset.done $0x0  }
0x44: {  	[sflag:s10] =	ssyncadd.s32 $0xFFFFC000  }
0x45: {  	s30 =	sadd.s32 $0x1, s17;
	_ =	strace $0x9000004B  }
0x46: {  	s24 =	sadd.s32 s3, s13;
	s13 =	smov.u32 s17;
	s31 =	sld [smem:$0x7FD]  }
0x47: {  	p0 =	sne.s32 s23, $0x0;
	s17 =	smov.u32 s30;
	p1 =	seq.s32 s30, s5  }
0x48: {  	s17 =	simm.s32 @p1 $0x0;
	p1 =	seq.s32 s7, s23;
	s23 =	simm.s32 $0x1  }
0x49: {  	s23 =	simm.s32 @!p0 $0x0;
	p0 =	seq.s32 s31, $0x1  }
.Ltmp2:
0x4a: {  	s30 =	sld [smem:$0x7FC];
	(pc) =	sbr.rel @p0 .LBB2_5-.Ltmp2, $4  }
0x4b: {  	p3 =	seq.s32 s12, $0x0  }
0x4c: {  	p6 =	por p3, p3;
	p5 =	slt.u32 s12, s7  }
0x4d: {  	p2 =	por p4, p4;
	p3 =	sne.s32 s13, s17;
	p4 =	seq.s32 s30, $0x1  }
0x4e: {  	p5 =	por !p5, !p3;
	p1 =	por p1, p4;
	p4 =	por p6, p6  }
0x4f: {  	p6 =	por $0x1, $0x1  }
.LBB2_7:
0x50: {  	p0 =	por !p1, !p6  }
0x51: {  	s25 =	simm.s32 $0x1;
	_ =	strace @!p0 $0x8000004C;
	s24 =	sshll.u32 @!p0 s24, $0xB  }
0x52: {  	p2 =	por p2, !p6;
	s19 =	rddreg [dreg:$0x5];
	s24 =	sand.u32 @!p0 $0x1FFFF800, s24  }
0x53: {  	s21 =	sadd.s32 @!p0 $0x3, s21;
	s19 =	sadd.s32 @!p0 s19, s24;
	s24 =	simm.s32 @!p0 $0x0  }
0x54: {  	[hbm4b:s19+s24] =	stream.linear.scatter @!p0 [tilespmem:s22], [sflag:s21], $0x4000, $0x200038;
	[tilespmem:$0x8100] =	vst v63  }
0x55: {  	p1 =	por !p5, !p5;
	s25 =	simm.s32 @p0 $0x0;
	_ =	strace @!p0 $0x9000004C  }
0x56: {  	s16 =	sadd.s32 @!p2 $0x3, s16;
	s17 =	sadd.s32 @p1 s3, s17;
	_ =	strace @!p2 $0x8000004D  }
0x57: {  	s18 =	sand.u32 @p1 $0x1, s18;
	s17 =	sshll.u32 @p1 s17, $0x4;
	_ =	swait.ge @!p2 [sflag:s16], $0x4000  }
0x58: {  	s17 =	sand.u32 @p1 $0x1FFFFFF0, s17;
	s19 =	sadd.s32 @p6 s25, s20;
	[sflag:s16] =	ssyncset.done @!p2 $0x0  }
0x59: {  	s20 =	simm.s32 $0x0;
	s17 =	sadd.s32 @p1 s4, s17;
	[sflag:s16] =	ssyncadd.s32 @!p2 $0xFFFFC000  }
0x5a: {  	s20 =	smov.u32 @p6 s19;
	s19 =	sshll.u32 @p1 s18, $0x7;
	_ =	strace @!p2 $0x9000004D  }
0x5b: {  	s16 =	sadd.s32 @p1 $0x1, s18;
	s18 =	simm.s32 @p1 $0x0;
	_ =	strace @p1 $0x80000049  }
0x5c: {  	[tilespmem:s19], [sflag:s16] =	stream.linear.gather @p1 [hbm4b:s17+s18], $0x80, $0x200038;
	[tilespmem:$0x8100] =	vst v63  }
0x5d: {  	s26 =	sand.u32 $0x1, s20;
	_ =	strace @p1 $0x90000049  }
0x5e: {  	s16 =	sadd.s32 $0x1, s26;
	_ =	strace $0x8000004A  }
0x5f: {  	_ =	swait.ge [sflag:s16], $0x80  }
0x60: {  	[sflag:s16] =	ssyncset.done $0x0  }
0x61: {  	s15 =	sadd.s32 @p6 s25, s15;
	[sflag:s16] =	ssyncadd.s32 $0xFFFFFF80;
	s16 =	simm.s32 $0x0  }
0x62: {  	_ =	strace $0x9000004A;
	s16 =	smov.u32 @p6 s15  }
0x63: {  	_ =	strace $0x8000004B;
	s16 =	sand.u32 $0x1, s16  }
0x64: {  	s30 =	sshll.u32 s20, $0x7;
	s28 =	rddreg [dreg:$0x4];
	s31 =	sshll.u32 s16, $0xE  }
0x65: {  	s18 =	sand.u32 $0x80, s30;
	s29 =	rddreg [dreg:$0x3];
	s19 =	sor.u32 $0x100, s31  }
0x66: {  	[tilespmem:s19], [sflag:$0x5] =	stream.indirect.gather [hbm4b:s29+s28], $0x80, s18, s28, $0x2000b8;
	[tilespmem:$0x8100] =	vst v63  }
0x67: {  	_ =	swait.ge [sflag:s10], $0x4000  }
0x68: {  	p3 =	por p3, p3;
	[sflag:s10] =	ssyncset.done $0x0  }
0x69: {  	p5 =	seq.s32 s7, s12;
	s13 =	sadd.s32 s3, s13;
	[sflag:s10] =	ssyncadd.s32 $0xFFFFC000  }
0x6a: {  	s14 =	sadd.s32 @p6 s23, s14;
	p1 =	por p5, p3;
	_ =	strace $0x9000004B  }
0x6b: {  	s17 =	simm.s32 $0x0;
	s13 =	sshll.u32 @p1 s13, $0xB;
	_ =	strace @p1 $0x8000004C  }
0x6c: {  	s17 =	smov.u32 @p6 s14;
	s13 =	sand.u32 @p1 $0x1FFFF800, s13;
	s15 =	rddreg [dreg:$0x5]  }
0x6d: {  	s14 =	sadd.s32 @p1 $0x3, s16;
	s13 =	sadd.s32 @p1 s15, s13;
	s15 =	simm.s32 @p1 $0x0  }
0x6e: {  	[hbm4b:s13+s15] =	stream.linear.scatter @p1 [tilespmem:s19], [sflag:s14], $0x4000, $0x200038;
	[tilespmem:$0x8100] =	vst v63  }
0x6f: {  	p0 =	por p4, p4;
	s13 =	sand.u32 @!p4 $0x1, s17;
	_ =	strace @p1 $0x9000004C  }
0x70: {  	s13 =	sadd.s32 @!p0 $0x3, s13;
	_ =	strace @!p0 $0x8000004D  }
0x71: {  	p1 =	sne.s32 s12, $0x0;
	s12 =	simm.s32 $0x1;
	_ =	swait.ge @!p0 [sflag:s13], $0x4000  }
0x72: {  	s12 =	simm.s32 @!p1 $0x0;
	[sflag:s13] =	ssyncset.done @!p0 $0x0  }
0x73: {  	s11 =	sadd.s32 $0x1, s11;
	s12 =	sadd.s32 s12, s17;
	[sflag:s13] =	ssyncadd.s32 @!p0 $0xFFFFC000  }
0x74: {  	s12 =	sand.u32 $0x1, s12;
	_ =	strace @!p0 $0x9000004D;
	p0 =	sne.s32 s11, s8  }
.Ltmp3:
0x75: {  	s12 =	sadd.s32 $0x3, s12;
	_ =	strace $0x8000004E;
	(pc) =	sbr.rel @p0 .LBB2_1-.Ltmp3, $4  }
.Ltmp4:
0x76: {  	_ =	swait.ge [sflag:s12], $0x4000;
	(pc) =	sbr.rel @!p0 .LBB2_8-.Ltmp4, $4  }
0x77: {  	[sflag:s12] =	ssyncset.done $0x0  }
0x78: {  	[sflag:s12] =	ssyncadd.s32 $0xFFFFC000  }
0x79: {  	_ =	strace $0x9000004E  }
0x7a: {  	_ = 	snop  }
.LBB2_2:
.Ltmp5:
0x7b: {  	(pc) =	sbr.rel .LBB2_7-.Ltmp5, $4  }
0x7c: {  	_ = 	snop  }
0x7d: {  	s14 =	simm.s32 $0x0  }
0x7e: {  	s12 =	simm.s32 $0x0;
	s15 =	simm.s32 $0x0;
	s17 =	smov.u32 s13  }
0x7f: {  	s20 =	simm.s32 $0x0;
	s18 =	simm.s32 $0x1;
	s13 =	simm.s32 $0x0  }
.LBB2_4:
.Ltmp6:
0x80: {  	(pc) =	sbr.rel .LBB2_7-.Ltmp6, $3  }
0x81: {  	_ =	sdelay $0x1  }
0x82: {  	s14 =	simm.s32 $0x0  }
0x83: {  	s15 =	simm.s32 $0x0;
	s20 =	simm.s32 $0x0;
	p6 =	por $0x1, $0x1  }
.LBB2_8:
0x84: {  	_ =	sfence.sel $0x180000  }
0x85: {  	[bflag:$0x0] =	sbarrier.arrive $0xFFFF  }
0x86: {  	p0 =	sne.s32 s1, $0x0;
	_ =	strace $0x90000047  }
0x87: {  	s0 =	sadd.s32 @!p0 $0x100000, s0;
	[bflag:$0x2] =	sbarrier.arrive $0xFFFF  }
0x88: {  	[sflag:s0] =	ssyncadd.tile.s32 @!p0 $0x1;
	_ =	shalt  }
.Lfunc_end2:
_tile_overlayer_lowered:
.L_overlay_start_2:
0x89: {  	(tag) =	ssettag $0x2  }
0x8a: {  	s0 =	rddreg [dreg:$0x0];
	s2 =	stileid.u32  }
0x8b: {  	s1 =	rddreg [dreg:$0x1];
	p0 =	sne.s32 s2, $0x0  }
0x8c: {  	s3 =	rddreg [dreg:$0x2];
	[bflag:$0x3] =	sbarrier.arrive $0xFFFF;
	s2 =	simm.s32 @!p0 $0x1C01  }
0x8d: {  	[timem:s3], [sflag:s2] =	dma.local @!p0 [hbm:s0], s1  }
0x8e: {  	s0 =	simm.s32 @!p0 $0x1  }
0x8f: {  	_ =	swait.ge @!p0 [sflag:s0], s1  }
0x90: {  	s1 =	ssub.s32 @!p0 $0x0, s1;
	[sflag:s0] =	ssyncset.done @!p0 $0x0  }
0x91: {  	[sflag:s0] =	ssyncadd.s32 @!p0 s1  }
0x92: {  	[bflag:$0x3] =	sbarrier.arrive $0xFFFF  }
0x93: {  	_ =	shalt  }

</sc_bundles>
